<compile_context>
chip_gen: v7x
topology: tpu7x:2x2x1
jax: 0.10.2.dev20260603
libtpu: 0.0.44.dev20260713+nightly
codegen_flags: <defaults>
</compile_context>

<pallas_src>
import functools

import jax
import jax.numpy as jnp
from jax import lax
from jax.experimental import pallas as pl
from jax.experimental.pallas import tpu as pltpu
from jax.experimental.pallas import tpu_sc as plsc

N = 10000
E = 320000
NP = 10240
EP = 327680
NC = 2
NS = 16
NW = NC * NS
ET = EP // NW
IROWS = ET // 128
CB = 1024
CROWS = CB // 128
NCHUNK = ET // CB
NZ = NP // NS
GROWS = EP * 16 // 128
CGR = CB * 16 // 128

_mesh = plsc.VectorSubcoreMesh(core_axis_name="c", subcore_axis_name="s")



@functools.partial(
    pl.kernel,
    out_type=jax.ShapeDtypeStruct((NC, NP), jnp.float32),
    mesh=_mesh,
    compiler_params=pltpu.CompilerParams(use_tc_tiling_on_sc=False),
    scratch_types=[
        pltpu.VMEM((IROWS, 128), jnp.int32),
        pltpu.VMEM((128,), jnp.float32),
        pltpu.VMEM_SHARED((NP,), jnp.float32),
        pltpu.SemaphoreType.DMA,
    ],
)
def _deg_kernel(dst_hbm, zeros_hbm, out_hbm, idx_v, ones_v, acc, sem):
    c = lax.axis_index("c")
    s = lax.axis_index("s")
    w = c * NS + s
    pltpu.sync_copy(dst_hbm.at[w], idx_v)
    for j in range(8):
        ones_v[pl.ds(j * 16, 16)] = jnp.ones((16,), jnp.float32)
    pltpu.sync_copy(zeros_hbm.at[pl.ds(s * NZ, NZ)], acc.at[pl.ds(s * NZ, NZ)])
    plsc.subcore_barrier()

    def chunk(g, carry):
        hs = []
        for j in range(CROWS):
            hs.append(pltpu.async_copy(
                ones_v, acc.at[idx_v.at[g * CROWS + j]], sem, add=True))
        for h in hs:
            h.wait()
        return carry

    lax.fori_loop(0, NCHUNK, chunk, 0)
    plsc.subcore_barrier()
    pltpu.sync_copy(acc.at[pl.ds(s * NZ, NZ)], out_hbm.at[c, pl.ds(s * NZ, NZ)])


def _make_agg(D, CBA, NB):
    NCH = ET // CBA
    CRW = CBA // 128

    @functools.partial(
        pl.kernel,
        out_type=jax.ShapeDtypeStruct((NC, NP, D), jnp.float32),
        mesh=_mesh,
        compiler_params=pltpu.CompilerParams(use_tc_tiling_on_sc=False),
        scratch_types=[
            pltpu.VMEM((IROWS, 128), jnp.int32),
            pltpu.VMEM((IROWS, 128), jnp.int32),
            pltpu.VMEM((NB, CBA, D), jnp.float32),
            pltpu.VMEM_SHARED((NP, D), jnp.float32),
            pltpu.SemaphoreType.DMA,
            pltpu.SemaphoreType.DMA,
        ],
    )
    def _agg(hs_hbm, src_hbm, dst_hbm, zeros_hbm, out_hbm,
             isv, idv, rows, acc, gsem, ssem):
        c = lax.axis_index("c")
        s = lax.axis_index("s")
        w = c * NS + s
        pltpu.sync_copy(src_hbm.at[w], isv)
        pltpu.sync_copy(dst_hbm.at[w], idv)
        pltpu.sync_copy(zeros_hbm.at[pl.ds(s * NZ, NZ)],
                        acc.at[pl.ds(s * NZ, NZ)])
        plsc.subcore_barrier()

        def fire_g(g, b):
            for j in range(CRW):
                pltpu.async_copy(
                    hs_hbm.at[isv.at[g * CRW + j]],
                    rows.at[b, pl.ds(j * 128, 128)], gsem)

        def drain_g(g, b):
            for j in range(CRW):
                pltpu.make_async_copy(
                    hs_hbm.at[isv.at[g * CRW + j]],
                    rows.at[b, pl.ds(j * 128, 128)], gsem).wait()

        def fire_s(g, b):
            for j in range(CRW):
                pltpu.async_copy(
                    rows.at[b, pl.ds(j * 128, 128)],
                    acc.at[idv.at[g * CRW + j]], ssem, add=True)

        def drain_s(g, b):
            for j in range(CRW):
                pltpu.make_async_copy(
                    rows.at[b, pl.ds(j * 128, 128)],
                    acc.at[idv.at[g * CRW + j]], ssem).wait()

        for p in range(NB - 1):
            fire_g(p, p)

        def chunk(g, carry):
            b = lax.rem(g, NB)

            @pl.when(g + NB - 1 < NCH)
            def _fire_next():
                fire_g(g + NB - 1, lax.rem(g + NB - 1, NB))

            drain_g(g, b)
            fire_s(g, b)
            drain_s(g, b)
            return carry

        lax.fori_loop(0, NCH, chunk, 0)
        plsc.subcore_barrier()
        pltpu.sync_copy(acc.at[pl.ds(s * NZ, NZ)],
                        out_hbm.at[c, pl.ds(s * NZ, NZ)])

    return _agg


_agg32 = _make_agg(32, 512, 4)
_agg16 = _make_agg(16, 1024, 3)


@functools.partial(
    pl.kernel,
    out_type=(jax.ShapeDtypeStruct((GROWS, 128), jnp.float32),
              jax.ShapeDtypeStruct((GROWS, 128), jnp.float32)),
    mesh=_mesh,
    compiler_params=pltpu.CompilerParams(use_tc_tiling_on_sc=False),
    scratch_types=[
        pltpu.VMEM((IROWS, 128), jnp.int32),
        pltpu.VMEM((IROWS, 128), jnp.int32),
        pltpu.VMEM((2, CB, 16), jnp.float32),
        pltpu.VMEM((2, CGR, 128), jnp.float32),
        pltpu.SemaphoreType.DMA,
        pltpu.SemaphoreType.DMA,
        pltpu.SemaphoreType.DMA,
        pltpu.SemaphoreType.DMA,
    ],
)
def _edge_gather(h_hbm, src_hbm, dst_hbm, gs_hbm, gd_hbm,
                 isv, idv, rows, packed, sem0, sem1, ws0, ws1):
    c = lax.axis_index("c")
    s = lax.axis_index("s")
    w = c * NS + s
    pltpu.sync_copy(src_hbm.at[w], isv)
    pltpu.sync_copy(dst_hbm.at[w], idv)
    base = w * (ET * 16 // 128)

    def fire(idx, g, b, sem):
        for j in range(CROWS):
            pltpu.async_copy(
                h_hbm.at[idx.at[g * CROWS + j]],
                rows.at[b, pl.ds(j * 128, 128)], sem)

    def drain(idx, g, b, sem):
        for j in range(CROWS):
            pltpu.make_async_copy(
                h_hbm.at[idx.at[g * CROWS + j]],
                rows.at[b, pl.ds(j * 128, 128)], sem).wait()

    def repack(b):
        def body(r, carry):
            for c0 in range(8):
                packed[b, r, pl.ds(c0 * 16, 16)] = rows[b, r * 8 + c0, :]
            return carry
        lax.fori_loop(0, CGR, body, 0)

    def fire_w(out_hbm, g, b, sem):
        pltpu.async_copy(packed.at[b], out_hbm.at[pl.ds(base + g * CGR, CGR)],
                         sem)

    def drain_w(out_hbm, g, b, sem):
        pltpu.make_async_copy(packed.at[b],
                              out_hbm.at[pl.ds(base + g * CGR, CGR)],
                              sem).wait()

    fire(isv, 0, 0, sem0)

    def chunk(g, carry):
        fire(idv, g, 1, sem1)
        drain(isv, g, 0, sem0)

        @pl.when(g > 0)
        def _w0():
            drain_w(gs_hbm, g - 1, 0, ws0)

        repack(0)
        fire_w(gs_hbm, g, 0, ws0)

        @pl.when(g + 1 < NCHUNK)
        def _g0():
            fire(isv, g + 1, 0, sem0)

        drain(idv, g, 1, sem1)

        @pl.when(g > 0)
        def _w1():
            drain_w(gd_hbm, g - 1, 1, ws1)

        repack(1)
        fire_w(gd_hbm, g, 1, ws1)
        return carry

    lax.fori_loop(0, NCHUNK, chunk, 0)
    drain_w(gs_hbm, NCHUNK - 1, 0, ws0)
    drain_w(gd_hbm, NCHUNK - 1, 1, ws1)



def _tc1_body(deg_ref, x_ref, w_ref, o_ref):
    dinv = lax.rsqrt(deg_ref[0, :] + deg_ref[1, :] + 1.0)
    h = jnp.dot(x_ref[...], w_ref[...], preferred_element_type=jnp.float32)
    o_ref[...] = h * dinv[:, None]


def _tc2_body(deg_ref, s1_ref, h1s_ref, w2_ref, b1_ref, o_ref):
    dinv = lax.rsqrt(deg_ref[0, :] + deg_ref[1, :] + 1.0)[:, None]
    pre = dinv * (s1_ref[0] + s1_ref[1] + h1s_ref[...]) + b1_ref[...]
    h1r = jnp.maximum(pre, 0.0)
    h2 = jnp.dot(h1r, w2_ref[...], preferred_element_type=jnp.float32)
    o_ref[...] = h2 * dinv


def _tc3_body(deg_ref, s2_ref, h2s_ref, b2_ref, o_ref):
    dinv = lax.rsqrt(deg_ref[0, :] + deg_ref[1, :] + 1.0)[:, None]
    o_ref[...] = dinv * (s2_ref[0] + s2_ref[1] + h2s_ref[...]) + b2_ref[...]


BR = 2048


def _mlp_body(mb2_ref, gs_ref, gd_ref, ms_ref, md_ref, mb1_ref, m2_ref, k_ref,
              o_ref):
    hid = jnp.dot(gs_ref[...], ms_ref[...], preferred_element_type=jnp.float32)
    hid = hid + jnp.dot(gd_ref[...], md_ref[...],
                        preferred_element_type=jnp.float32)
    hid = jnp.maximum(hid + mb1_ref[...], 0.0)
    t = hid * m2_ref[...]
    l8 = jnp.dot(t, k_ref[...], preferred_element_type=jnp.float32)
    o_ref[...] = l8 + mb2_ref[0]


def kernel(x, edge_index, W1, b1, W2, b2, M1, mb1, M2, mb2):
    src = edge_index[0].astype(jnp.int32)
    dst = edge_index[1].astype(jnp.int32)
    pad = jnp.full((EP - E,), N, jnp.int32)
    srcR = jnp.concatenate([src, pad]).reshape(NW, IROWS, 128)
    dstR = jnp.concatenate([dst, pad]).reshape(NW, IROWS, 128)
    xp = jnp.pad(x, ((0, NP - N), (0, 0)))
    W1p = jnp.pad(W1, ((0, 0), (0, 12)))
    b1p = jnp.pad(b1, (0, 12)).reshape(1, 32)
    W2p = jnp.pad(W2, ((0, 12), (0, 0)))
    b2r = b2.reshape(1, 16)
    z1 = jnp.zeros((NP,), jnp.float32)
    z32 = jnp.zeros((NP, 32), jnp.float32)
    z16 = jnp.zeros((NP, 16), jnp.float32)

    deg2 = _deg_kernel(dstR, z1)

    h1s = pl.pallas_call(
        _tc1_body,
        out_shape=jax.ShapeDtypeStruct((NP, 32), jnp.float32),
    )(deg2, xp, W1p)

    S1 = _agg32(h1s, srcR, dstR, z32)

    h2s = pl.pallas_call(
        _tc2_body,
        out_shape=jax.ShapeDtypeStruct((NP, 16), jnp.float32),
    )(deg2, S1, h1s, W2p, b1p)

    S2 = _agg16(h2s, srcR, dstR, z16)

    h = pl.pallas_call(
        _tc3_body,
        out_shape=jax.ShapeDtypeStruct((NP, 16), jnp.float32),
    )(deg2, S2, h2s, b2r)

    gs, gd = _edge_gather(h, srcR, dstR)

    eye8 = jnp.eye(8, dtype=jnp.float32)
    ms = jnp.kron(eye8, M1[:16])
    md = jnp.kron(eye8, M1[16:])
    mb1t = jnp.tile(mb1, 8).reshape(1, 512)
    m2t = jnp.tile(M2[:, 0], 8).reshape(1, 512)
    ksum = jnp.kron(eye8, jnp.ones((64, 1), jnp.float32))

    logits = pl.pallas_call(
        _mlp_body,
        grid=(GROWS // BR,),
        in_specs=[
            pl.BlockSpec(memory_space=pltpu.SMEM),
            pl.BlockSpec((BR, 128), lambda i: (i, 0)),
            pl.BlockSpec((BR, 128), lambda i: (i, 0)),
            pl.BlockSpec((128, 512), lambda i: (0, 0)),
            pl.BlockSpec((128, 512), lambda i: (0, 0)),
            pl.BlockSpec((1, 512), lambda i: (0, 0)),
            pl.BlockSpec((1, 512), lambda i: (0, 0)),
            pl.BlockSpec((512, 8), lambda i: (0, 0)),
        ],
        out_specs=pl.BlockSpec((BR, 8), lambda i: (i, 0)),
        out_shape=jax.ShapeDtypeStruct((GROWS, 8), jnp.float32),
    )(mb2, gs, gd, ms, md, mb1t, m2t, ksum)

    return logits.reshape(EP)[:E].reshape(E, 1)

# --- scband reference (transcript-rebuilt; emitter-appended) ---
"""Pipeline reference for scband-edge-prediction-gnn-12180527251696 (READ-ONLY COPY).

The authoritative reference and input builder live on the scoring server;
editing this copy changes nothing except your own understanding.
"""

import jax, jax.numpy as jnp
import numpy as np

N_NODES = 10000
N_EDGES = 320000
D_FEAT = 128

def setup_inputs(seed: int = 0) -> dict:
    key = jax.random.key(seed)
    ks = jax.random.split(key, 12)
    x = jax.random.normal(ks[0], (N_NODES, D_FEAT), dtype=jnp.float32)
    edge_index = jax.random.randint(ks[1], (2, N_EDGES), 0, N_NODES, dtype=jnp.int64 if jax.config.jax_enable_x64 else jnp.int32)
    # GCNConv layers: lin (no bias) + separate bias, glorot-ish init
    W1 = jax.random.normal(ks[2], (D_FEAT, 20), dtype=jnp.float32) * (1.0 / np.sqrt(D_FEAT))
    b1 = jnp.zeros((20,), dtype=jnp.float32)
    W2 = jax.random.normal(ks[3], (20, 16), dtype=jnp.float32) * (1.0 / np.sqrt(20))
    b2 = jnp.zeros((16,), dtype=jnp.float32)
    # MLP: Linear(32,64), ReLU, Linear(64,1)
    M1 = jax.random.normal(ks[4], (32, 64), dtype=jnp.float32) * (1.0 / np.sqrt(32))
    mb1 = jnp.zeros((64,), dtype=jnp.float32)
    M2 = jax.random.normal(ks[5], (64, 1), dtype=jnp.float32) * (1.0 / np.sqrt(64))
    mb2 = jnp.zeros((1,), dtype=jnp.float32)
    return {"x": x, "edge_index": edge_index, "W1": W1, "b1": b1, "W2": W2, "b2": b2, "M1": M1, "mb1": mb1, "M2": M2, "mb2": mb2}

def gcn_conv(x, edge_index, W, b, num_nodes):
    # Faithful PyG GCNConv: add self-loops, symmetric normalization, linear, scatter-add, bias
    loop = jnp.arange(num_nodes, dtype=edge_index.dtype)
    src = jnp.concatenate([edge_index[0], loop])
    dst = jnp.concatenate([edge_index[1], loop])
    ew = jnp.ones(src.shape[0], dtype=x.dtype)
    deg = jnp.zeros((num_nodes,), dtype=x.dtype).at[dst].add(ew)
    deg_inv_sqrt = jnp.where(deg > 0, deg ** -0.5, 0.0)
    norm = deg_inv_sqrt[src] * deg_inv_sqrt[dst]
    h = x @ W
    msg = h[src] * norm[:, None]
    out = jnp.zeros((num_nodes, h.shape[1]), dtype=x.dtype).at[dst].add(msg)
    return out + b

def reference(x, edge_index, W1, b1, W2, b2, M1, mb1, M2, mb2):
    num_nodes = x.shape[0]
    h = jax.nn.relu(gcn_conv(x, edge_index, W1, b1, num_nodes))
    h = gcn_conv(h, edge_index, W2, b2, num_nodes)
    src_nodes = h[edge_index[0]]
    dest_nodes = h[edge_index[1]]
    edge_features = jnp.concatenate([src_nodes, dest_nodes], axis=-1)
    hidden = jax.nn.relu(edge_features @ M1 + mb1)
    edge_logits = hidden @ M2 + mb2
    return edge_logits

if __name__ == "__main__":
    import jax
    _d = setup_inputs()
    print(jax.jit(kernel)(*tuple(_d.values())))

</pallas_src>

<mosaic_0001>
#map = affine_map<(d0, d1) -> (0, 0, 0)>
#map1 = affine_map<(d0, d1) -> (0)>
#map2 = affine_map<(d0, d1) -> (0, 0)>
module attributes {stable_mosaic.version = 14 : i64} {
  func.func @_deg_kernel(%arg0: i32, %arg1: i32, %arg2: memref<32x80x128xi32, #tpu.memory_space<hbm>>, %arg3: memref<10240xf32, #tpu.memory_space<hbm>>, %arg4: memref<2x10240xf32, #tpu.memory_space<hbm>>, %arg5: memref<80x128xi32, #tpu.memory_space<vmem>>, %arg6: memref<128xf32, #tpu.memory_space<vmem>>, %arg7: memref<10240xf32, #tpu.memory_space<vmem_shared>>, %arg8: memref<!tpu.dma_semaphore, #tpu.memory_space<semaphore_mem>>) attributes {dimension_semantics = [#tpu.dimension_semantics<core_parallel>, #tpu.dimension_semantics<subcore_parallel>], iteration_bounds = array<i64: 2, 16>, scalar_prefetch = 0 : i64, scratch_operands = 4 : i64, tpu.core_type = #tpu.core_type<sc_vector_subcore>, window_params = [{transform_indices = #map}, {transform_indices = #map1}, {transform_indices = #map2}]} {
    %mul3A = arith.constant 16 : i32
    %mul3A_0 = arith.muli %arg0, %mul3A : i32
    %add3A = arith.addi %mul3A_0, %arg1 : i32
    "tpu.region"() ({
      %run_scoped3A = tpu.sem_alloc : memref<!tpu.dma_semaphore, #tpu.memory_space<semaphore_mem>>
      %dma_start3A = arith.constant 0 : i32
      %dma_start3A_61 = arith.constant 0 : i32
      %dma_start3A_62 = tpu.memref_slice %arg2[%add3A, %dma_start3A, %dma_start3A_61] : memref<32x80x128xi32, #tpu.memory_space<hbm>> -> memref<1x80x128xi32, #tpu.memory_space<hbm>>
      %dma_start3A_63 = tpu.memref_squeeze %dma_start3A_62 : memref<1x80x128xi32, #tpu.memory_space<hbm>> -> memref<80x128xi32, #tpu.memory_space<hbm>>
      %dma_start3A_64 = arith.constant 0 : i32
      %dma_start3A_65 = arith.constant 0 : i32
      %dma_start3A_66 = tpu.memref_slice %arg2[%add3A, %dma_start3A_64, %dma_start3A_65] : memref<32x80x128xi32, #tpu.memory_space<hbm>> -> memref<1x80x128xi32, #tpu.memory_space<hbm>>
      %dma_start3A_67 = tpu.memref_squeeze %dma_start3A_66 : memref<1x80x128xi32, #tpu.memory_space<hbm>> -> memref<80x128xi32, #tpu.memory_space<hbm>>
      tpu.enqueue_dma source(%dma_start3A_67 : memref<80x128xi32, #tpu.memory_space<hbm>>) target(%arg5 : memref<80x128xi32, #tpu.memory_space<vmem>>) target_semaphore(%run_scoped3A : memref<!tpu.dma_semaphore, #tpu.memory_space<semaphore_mem>>)
      %dma_wait3A = arith.constant 0 : i32
      %dma_wait3A_68 = arith.constant 0 : i32
      %dma_wait3A_69 = tpu.memref_slice %arg2[%add3A, %dma_wait3A, %dma_wait3A_68] : memref<32x80x128xi32, #tpu.memory_space<hbm>> -> memref<1x80x128xi32, #tpu.memory_space<hbm>>
      %dma_wait3A_70 = tpu.memref_squeeze %dma_wait3A_69 : memref<1x80x128xi32, #tpu.memory_space<hbm>> -> memref<80x128xi32, #tpu.memory_space<hbm>>
      %dma_wait3A_71 = arith.constant 0 : i32
      %dma_wait3A_72 = arith.constant 0 : i32
      %dma_wait3A_73 = tpu.memref_slice %arg2[%add3A, %dma_wait3A_71, %dma_wait3A_72] : memref<32x80x128xi32, #tpu.memory_space<hbm>> -> memref<1x80x128xi32, #tpu.memory_space<hbm>>
      %dma_wait3A_74 = tpu.memref_squeeze %dma_wait3A_73 : memref<1x80x128xi32, #tpu.memory_space<hbm>> -> memref<80x128xi32, #tpu.memory_space<hbm>>
      tpu.wait_dma2 semaphore(%run_scoped3A : memref<!tpu.dma_semaphore, #tpu.memory_space<semaphore_mem>>) src(%dma_wait3A_74 : memref<80x128xi32, #tpu.memory_space<hbm>>) dst(%arg5 : memref<80x128xi32, #tpu.memory_space<vmem>>)
      tpu.yield
    }) : () -> ()
    %broadcast_in_dim3A = arith.constant 1.000000e+00 : f32
    %broadcast_in_dim3A_1 = vector.broadcast %broadcast_in_dim3A : f32 to vector<16xf32>
    %swap3A = arith.constant 0 : index
    %swap3A_2 = tpu.vector_load %arg6[%swap3A] {strides = array<i32>} : memref<128xf32, #tpu.memory_space<vmem>>, vector<16xf32>,
    %swap3A_3 = vector.shape_cast %swap3A_2 : vector<16xf32> to vector<16xf32>
    %swap3A_4 = vector.shape_cast %broadcast_in_dim3A_1 : vector<16xf32> to vector<16xf32>
    tpu.vector_store %arg6[%swap3A], %swap3A_4 {strides = array<i32>} : memref<128xf32, #tpu.memory_space<vmem>>, vector<16xf32>,
    %broadcast_in_dim3A_5 = arith.constant 1.000000e+00 : f32
    %broadcast_in_dim3A_6 = vector.broadcast %broadcast_in_dim3A_5 : f32 to vector<16xf32>
    %swap3A_7 = arith.constant 16 : index
    %swap3A_8 = tpu.vector_load %arg6[%swap3A_7] {strides = array<i32>} : memref<128xf32, #tpu.memory_space<vmem>>, vector<16xf32>,
    %swap3A_9 = vector.shape_cast %swap3A_8 : vector<16xf32> to vector<16xf32>
    %swap3A_10 = vector.shape_cast %broadcast_in_dim3A_6 : vector<16xf32> to vector<16xf32>
    tpu.vector_store %arg6[%swap3A_7], %swap3A_10 {strides = array<i32>} : memref<128xf32, #tpu.memory_space<vmem>>, vector<16xf32>,
    %broadcast_in_dim3A_11 = arith.constant 1.000000e+00 : f32
    %broadcast_in_dim3A_12 = vector.broadcast %broadcast_in_dim3A_11 : f32 to vector<16xf32>
    %swap3A_13 = arith.constant 32 : index
    %swap3A_14 = tpu.vector_load %arg6[%swap3A_13] {strides = array<i32>} : memref<128xf32, #tpu.memory_space<vmem>>, vector<16xf32>,
    %swap3A_15 = vector.shape_cast %swap3A_14 : vector<16xf32> to vector<16xf32>
    %swap3A_16 = vector.shape_cast %broadcast_in_dim3A_12 : vector<16xf32> to vector<16xf32>
    tpu.vector_store %arg6[%swap3A_13], %swap3A_16 {strides = array<i32>} : memref<128xf32, #tpu.memory_space<vmem>>, vector<16xf32>,
    %broadcast_in_dim3A_17 = arith.constant 1.000000e+00 : f32
    %broadcast_in_dim3A_18 = vector.broadcast %broadcast_in_dim3A_17 : f32 to vector<16xf32>
    %swap3A_19 = arith.constant 48 : index
    %swap3A_20 = tpu.vector_load %arg6[%swap3A_19] {strides = array<i32>} : memref<128xf32, #tpu.memory_space<vmem>>, vector<16xf32>,
    %swap3A_21 = vector.shape_cast %swap3A_20 : vector<16xf32> to vector<16xf32>
    %swap3A_22 = vector.shape_cast %broadcast_in_dim3A_18 : vector<16xf32> to vector<16xf32>
    tpu.vector_store %arg6[%swap3A_19], %swap3A_22 {strides = array<i32>} : memref<128xf32, #tpu.memory_space<vmem>>, vector<16xf32>,
    %broadcast_in_dim3A_23 = arith.constant 1.000000e+00 : f32
    %broadcast_in_dim3A_24 = vector.broadcast %broadcast_in_dim3A_23 : f32 to vector<16xf32>
    %swap3A_25 = arith.constant 64 : index
    %swap3A_26 = tpu.vector_load %arg6[%swap3A_25] {strides = array<i32>} : memref<128xf32, #tpu.memory_space<vmem>>, vector<16xf32>,
    %swap3A_27 = vector.shape_cast %swap3A_26 : vector<16xf32> to vector<16xf32>
    %swap3A_28 = vector.shape_cast %broadcast_in_dim3A_24 : vector<16xf32> to vector<16xf32>
    tpu.vector_store %arg6[%swap3A_25], %swap3A_28 {strides = array<i32>} : memref<128xf32, #tpu.memory_space<vmem>>, vector<16xf32>,
    %broadcast_in_dim3A_29 = arith.constant 1.000000e+00 : f32
    %broadcast_in_dim3A_30 = vector.broadcast %broadcast_in_dim3A_29 : f32 to vector<16xf32>
    %swap3A_31 = arith.constant 80 : index
    %swap3A_32 = tpu.vector_load %arg6[%swap3A_31] {strides = array<i32>} : memref<128xf32, #tpu.memory_space<vmem>>, vector<16xf32>,
    %swap3A_33 = vector.shape_cast %swap3A_32 : vector<16xf32> to vector<16xf32>
    %swap3A_34 = vector.shape_cast %broadcast_in_dim3A_30 : vector<16xf32> to vector<16xf32>
    tpu.vector_store %arg6[%swap3A_31], %swap3A_34 {strides = array<i32>} : memref<128xf32, #tpu.memory_space<vmem>>, vector<16xf32>,
    %broadcast_in_dim3A_35 = arith.constant 1.000000e+00 : f32
    %broadcast_in_dim3A_36 = vector.broadcast %broadcast_in_dim3A_35 : f32 to vector<16xf32>
    %swap3A_37 = arith.constant 96 : index
    %swap3A_38 = tpu.vector_load %arg6[%swap3A_37] {strides = array<i32>} : memref<128xf32, #tpu.memory_space<vmem>>, vector<16xf32>,
    %swap3A_39 = vector.shape_cast %swap3A_38 : vector<16xf32> to vector<16xf32>
    %swap3A_40 = vector.shape_cast %broadcast_in_dim3A_36 : vector<16xf32> to vector<16xf32>
    tpu.vector_store %arg6[%swap3A_37], %swap3A_40 {strides = array<i32>} : memref<128xf32, #tpu.memory_space<vmem>>, vector<16xf32>,
    %broadcast_in_dim3A_41 = arith.constant 1.000000e+00 : f32
    %broadcast_in_dim3A_42 = vector.broadcast %broadcast_in_dim3A_41 : f32 to vector<16xf32>
    %swap3A_43 = arith.constant 112 : index
    %swap3A_44 = tpu.vector_load %arg6[%swap3A_43] {strides = array<i32>} : memref<128xf32, #tpu.memory_space<vmem>>, vector<16xf32>,
    %swap3A_45 = vector.shape_cast %swap3A_44 : vector<16xf32> to vector<16xf32>
    %swap3A_46 = vector.shape_cast %broadcast_in_dim3A_42 : vector<16xf32> to vector<16xf32>
    tpu.vector_store %arg6[%swap3A_43], %swap3A_46 {strides = array<i32>} : memref<128xf32, #tpu.memory_space<vmem>>, vector<16xf32>,
    %mul3A_47 = arith.constant 640 : i32
    %mul3A_48 = arith.muli %arg1, %mul3A_47 : i32
    %mul3A_49 = arith.constant 640 : i32
    %mul3A_50 = arith.muli %arg1, %mul3A_49 : i32
    "tpu.region"() ({
      %run_scoped3A = tpu.sem_alloc : memref<!tpu.dma_semaphore, #tpu.memory_space<semaphore_mem>>
      %dma_start3A = tpu.memref_slice %arg7[%mul3A_50] : memref<10240xf32, #tpu.memory_space<vmem_shared>> -> memref<640xf32, #tpu.memory_space<vmem_shared>>
      %dma_start3A_61 = tpu.memref_slice %arg3[%mul3A_48] : memref<10240xf32, #tpu.memory_space<hbm>> -> memref<640xf32, #tpu.memory_space<hbm>>
      tpu.enqueue_dma source(%dma_start3A_61 : memref<640xf32, #tpu.memory_space<hbm>>) target(%dma_start3A : memref<640xf32, #tpu.memory_space<vmem_shared>>) target_semaphore(%run_scoped3A : memref<!tpu.dma_semaphore, #tpu.memory_space<semaphore_mem>>)
      %dma_wait3A = tpu.memref_slice %arg7[%mul3A_50] : memref<10240xf32, #tpu.memory_space<vmem_shared>> -> memref<640xf32, #tpu.memory_space<vmem_shared>>
      %dma_wait3A_62 = tpu.memref_slice %arg3[%mul3A_48] : memref<10240xf32, #tpu.memory_space<hbm>> -> memref<640xf32, #tpu.memory_space<hbm>>
      tpu.wait_dma2 semaphore(%run_scoped3A : memref<!tpu.dma_semaphore, #tpu.memory_space<semaphore_mem>>) src(%dma_wait3A_62 : memref<640xf32, #tpu.memory_space<hbm>>) dst(%dma_wait3A : memref<640xf32, #tpu.memory_space<vmem_shared>>)
      tpu.yield
    }) : () -> ()
    %barrier3A = arith.constant 0 : index
    tpu.barrier barrier_id(%barrier3A)
    %scan3A = arith.constant 0 : i32
    %scan3A_51 = arith.constant 0 : i32
    %scan3A_52 = arith.constant 10 : i32
    %scan3A_53 = arith.addi %scan3A_51, %scan3A_52 : i32
    %scan3A_54 = arith.constant 1 : i32
    scf.for %scan3A_61 = %scan3A_51 to %scan3A_53 step %scan3A_54  : i32 {
      %mul3A_62 = arith.constant 8 : i32
      %mul3A_63 = arith.muli %scan3A_61, %mul3A_62 : i32
      %add3A_64 = arith.constant 0 : i32
      %add3A_65 = arith.addi %mul3A_63, %add3A_64 : i32
      %dma_start3A = arith.constant 0 : i32
      %dma_start3A_66 = tpu.memref_slice %arg5[%add3A_65, %dma_start3A] : memref<80x128xi32, #tpu.memory_space<vmem>> -> memref<1x128xi32, #tpu.memory_space<vmem>>
      %dma_start3A_67 = tpu.memref_squeeze %dma_start3A_66 : memref<1x128xi32, #tpu.memory_space<vmem>> -> memref<128xi32, #tpu.memory_space<vmem>>
      %dma_start3A_68 = arith.constant 0 : i32
      %dma_start3A_69 = tpu.memref_slice %arg7[%dma_start3A_68] : memref<10240xf32, #tpu.memory_space<vmem_shared>> -> memref<10240xf32, #tpu.memory_space<vmem_shared>>
      tpu.enqueue_indirect_dma source(%arg6 : memref<128xf32, #tpu.memory_space<vmem>>) target(%dma_start3A_69 : memref<10240xf32, #tpu.memory_space<vmem_shared>>) offsets(%dma_start3A_67 : memref<128xi32, #tpu.memory_space<vmem>>) semaphore(%arg8 : memref<!tpu.dma_semaphore, #tpu.memory_space<semaphore_mem>>) {add = true}
      %mul3A_70 = arith.constant 8 : i32
      %mul3A_71 = arith.muli %scan3A_61, %mul3A_70 : i32
      %add3A_72 = arith.constant 1 : i32
      %add3A_73 = arith.addi %mul3A_71, %add3A_72 : i32
      %dma_start3A_74 = arith.constant 0 : i32
      %dma_start3A_75 = tpu.memref_slice %arg5[%add3A_73, %dma_start3A_74] : memref<80x128xi32, #tpu.memory_space<vmem>> -> memref<1x128xi32, #tpu.memory_space<vmem>>
      %dma_start3A_76 = tpu.memref_squeeze %dma_start3A_75 : memref<1x128xi32, #tpu.memory_space<vmem>> -> memref<128xi32, #tpu.memory_space<vmem>>
      %dma_start3A_77 = arith.constant 0 : i32
      %dma_start3A_78 = tpu.memref_slice %arg7[%dma_start3A_77] : memref<10240xf32, #tpu.memory_space<vmem_shared>> -> memref<10240xf32, #tpu.memory_space<vmem_shared>>
      tpu.enqueue_indirect_dma source(%arg6 : memref<128xf32, #tpu.memory_space<vmem>>) target(%dma_start3A_78 : memref<10240xf32, #tpu.memory_space<vmem_shared>>) offsets(%dma_start3A_76 : memref<128xi32, #tpu.memory_space<vmem>>) semaphore(%arg8 : memref<!tpu.dma_semaphore, #tpu.memory_space<semaphore_mem>>) {add = true}
      %mul3A_79 = arith.constant 8 : i32
      %mul3A_80 = arith.muli %scan3A_61, %mul3A_79 : i32
      %add3A_81 = arith.constant 2 : i32
      %add3A_82 = arith.addi %mul3A_80, %add3A_81 : i32
      %dma_start3A_83 = arith.constant 0 : i32
      %dma_start3A_84 = tpu.memref_slice %arg5[%add3A_82, %dma_start3A_83] : memref<80x128xi32, #tpu.memory_space<vmem>> -> memref<1x128xi32, #tpu.memory_space<vmem>>
      %dma_start3A_85 = tpu.memref_squeeze %dma_start3A_84 : memref<1x128xi32, #tpu.memory_space<vmem>> -> memref<128xi32, #tpu.memory_space<vmem>>
      %dma_start3A_86 = arith.constant 0 : i32
      %dma_start3A_87 = tpu.memref_slice %arg7[%dma_start3A_86] : memref<10240xf32, #tpu.memory_space<vmem_shared>> -> memref<10240xf32, #tpu.memory_space<vmem_shared>>
      tpu.enqueue_indirect_dma source(%arg6 : memref<128xf32, #tpu.memory_space<vmem>>) target(%dma_start3A_87 : memref<10240xf32, #tpu.memory_space<vmem_shared>>) offsets(%dma_start3A_85 : memref<128xi32, #tpu.memory_space<vmem>>) semaphore(%arg8 : memref<!tpu.dma_semaphore, #tpu.memory_space<semaphore_mem>>) {add = true}
      %mul3A_88 = arith.constant 8 : i32
      %mul3A_89 = arith.muli %scan3A_61, %mul3A_88 : i32
      %add3A_90 = arith.constant 3 : i32
      %add3A_91 = arith.addi %mul3A_89, %add3A_90 : i32
      %dma_start3A_92 = arith.constant 0 : i32
      %dma_start3A_93 = tpu.memref_slice %arg5[%add3A_91, %dma_start3A_92] : memref<80x128xi32, #tpu.memory_space<vmem>> -> memref<1x128xi32, #tpu.memory_space<vmem>>
      %dma_start3A_94 = tpu.memref_squeeze %dma_start3A_93 : memref<1x128xi32, #tpu.memory_space<vmem>> -> memref<128xi32, #tpu.memory_space<vmem>>
      %dma_start3A_95 = arith.constant 0 : i32
      %dma_start3A_96 = tpu.memref_slice %arg7[%dma_start3A_95] : memref<10240xf32, #tpu.memory_space<vmem_shared>> -> memref<10240xf32, #tpu.memory_space<vmem_shared>>
      tpu.enqueue_indirect_dma source(%arg6 : memref<128xf32, #tpu.memory_space<vmem>>) target(%dma_start3A_96 : memref<10240xf32, #tpu.memory_space<vmem_shared>>) offsets(%dma_start3A_94 : memref<128xi32, #tpu.memory_space<vmem>>) semaphore(%arg8 : memref<!tpu.dma_semaphore, #tpu.memory_space<semaphore_mem>>) {add = true}
      %mul3A_97 = arith.constant 8 : i32
      %mul3A_98 = arith.muli %scan3A_61, %mul3A_97 : i32
      %add3A_99 = arith.constant 4 : i32
      %add3A_100 = arith.addi %mul3A_98, %add3A_99 : i32
      %dma_start3A_101 = arith.constant 0 : i32
      %dma_start3A_102 = tpu.memref_slice %arg5[%add3A_100, %dma_start3A_101] : memref<80x128xi32, #tpu.memory_space<vmem>> -> memref<1x128xi32, #tpu.memory_space<vmem>>
      %dma_start3A_103 = tpu.memref_squeeze %dma_start3A_102 : memref<1x128xi32, #tpu.memory_space<vmem>> -> memref<128xi32, #tpu.memory_space<vmem>>
      %dma_start3A_104 = arith.constant 0 : i32
      %dma_start3A_105 = tpu.memref_slice %arg7[%dma_start3A_104] : memref<10240xf32, #tpu.memory_space<vmem_shared>> -> memref<10240xf32, #tpu.memory_space<vmem_shared>>
      tpu.enqueue_indirect_dma source(%arg6 : memref<128xf32, #tpu.memory_space<vmem>>) target(%dma_start3A_105 : memref<10240xf32, #tpu.memory_space<vmem_shared>>) offsets(%dma_start3A_103 : memref<128xi32, #tpu.memory_space<vmem>>) semaphore(%arg8 : memref<!tpu.dma_semaphore, #tpu.memory_space<semaphore_mem>>) {add = true}
      %mul3A_106 = arith.constant 8 : i32
      %mul3A_107 = arith.muli %scan3A_61, %mul3A_106 : i32
      %add3A_108 = arith.constant 5 : i32
      %add3A_109 = arith.addi %mul3A_107, %add3A_108 : i32
      %dma_start3A_110 = arith.constant 0 : i32
      %dma_start3A_111 = tpu.memref_slice %arg5[%add3A_109, %dma_start3A_110] : memref<80x128xi32, #tpu.memory_space<vmem>> -> memref<1x128xi32, #tpu.memory_space<vmem>>
      %dma_start3A_112 = tpu.memref_squeeze %dma_start3A_111 : memref<1x128xi32, #tpu.memory_space<vmem>> -> memref<128xi32, #tpu.memory_space<vmem>>
      %dma_start3A_113 = arith.constant 0 : i32
      %dma_start3A_114 = tpu.memref_slice %arg7[%dma_start3A_113] : memref<10240xf32, #tpu.memory_space<vmem_shared>> -> memref<10240xf32, #tpu.memory_space<vmem_shared>>
      tpu.enqueue_indirect_dma source(%arg6 : memref<128xf32, #tpu.memory_space<vmem>>) target(%dma_start3A_114 : memref<10240xf32, #tpu.memory_space<vmem_shared>>) offsets(%dma_start3A_112 : memref<128xi32, #tpu.memory_space<vmem>>) semaphore(%arg8 : memref<!tpu.dma_semaphore, #tpu.memory_space<semaphore_mem>>) {add = true}
      %mul3A_115 = arith.constant 8 : i32
      %mul3A_116 = arith.muli %scan3A_61, %mul3A_115 : i32
      %add3A_117 = arith.constant 6 : i32
      %add3A_118 = arith.addi %mul3A_116, %add3A_117 : i32
      %dma_start3A_119 = arith.constant 0 : i32
      %dma_start3A_120 = tpu.memref_slice %arg5[%add3A_118, %dma_start3A_119] : memref<80x128xi32, #tpu.memory_space<vmem>> -> memref<1x128xi32, #tpu.memory_space<vmem>>
      %dma_start3A_121 = tpu.memref_squeeze %dma_start3A_120 : memref<1x128xi32, #tpu.memory_space<vmem>> -> memref<128xi32, #tpu.memory_space<vmem>>
      %dma_start3A_122 = arith.constant 0 : i32
      %dma_start3A_123 = tpu.memref_slice %arg7[%dma_start3A_122] : memref<10240xf32, #tpu.memory_space<vmem_shared>> -> memref<10240xf32, #tpu.memory_space<vmem_shared>>
      tpu.enqueue_indirect_dma source(%arg6 : memref<128xf32, #tpu.memory_space<vmem>>) target(%dma_start3A_123 : memref<10240xf32, #tpu.memory_space<vmem_shared>>) offsets(%dma_start3A_121 : memref<128xi32, #tpu.memory_space<vmem>>) semaphore(%arg8 : memref<!tpu.dma_semaphore, #tpu.memory_space<semaphore_mem>>) {add = true}
      %mul3A_124 = arith.constant 8 : i32
      %mul3A_125 = arith.muli %scan3A_61, %mul3A_124 : i32
      %add3A_126 = arith.constant 7 : i32
      %add3A_127 = arith.addi %mul3A_125, %add3A_126 : i32
      %dma_start3A_128 = arith.constant 0 : i32
      %dma_start3A_129 = tpu.memref_slice %arg5[%add3A_127, %dma_start3A_128] : memref<80x128xi32, #tpu.memory_space<vmem>> -> memref<1x128xi32, #tpu.memory_space<vmem>>
      %dma_start3A_130 = tpu.memref_squeeze %dma_start3A_129 : memref<1x128xi32, #tpu.memory_space<vmem>> -> memref<128xi32, #tpu.memory_space<vmem>>
      %dma_start3A_131 = arith.constant 0 : i32
      %dma_start3A_132 = tpu.memref_slice %arg7[%dma_start3A_131] : memref<10240xf32, #tpu.memory_space<vmem_shared>> -> memref<10240xf32, #tpu.memory_space<vmem_shared>>
      tpu.enqueue_indirect_dma source(%arg6 : memref<128xf32, #tpu.memory_space<vmem>>) target(%dma_start3A_132 : memref<10240xf32, #tpu.memory_space<vmem_shared>>) offsets(%dma_start3A_130 : memref<128xi32, #tpu.memory_space<vmem>>) semaphore(%arg8 : memref<!tpu.dma_semaphore, #tpu.memory_space<semaphore_mem>>) {add = true}
      %dma_wait3A = arith.constant 0 : i32
      %dma_wait3A_133 = tpu.memref_slice %arg5[%add3A_65, %dma_wait3A] : memref<80x128xi32, #tpu.memory_space<vmem>> -> memref<1x128xi32, #tpu.memory_space<vmem>>
      %dma_wait3A_134 = tpu.memref_squeeze %dma_wait3A_133 : memref<1x128xi32, #tpu.memory_space<vmem>> -> memref<128xi32, #tpu.memory_space<vmem>>
      %dma_wait3A_135 = arith.constant 0 : i32
      %dma_wait3A_136 = tpu.memref_slice %arg7[%dma_wait3A_135] : memref<10240xf32, #tpu.memory_space<vmem_shared>> -> memref<10240xf32, #tpu.memory_space<vmem_shared>>
      tpu.wait_indirect_dma semaphore(%arg8 : memref<!tpu.dma_semaphore, #tpu.memory_space<semaphore_mem>>) src(%arg6 : memref<128xf32, #tpu.memory_space<vmem>>) dst(%dma_wait3A_136 : memref<10240xf32, #tpu.memory_space<vmem_shared>>)
      %dma_wait3A_137 = arith.constant 0 : i32
      %dma_wait3A_138 = tpu.memref_slice %arg5[%add3A_73, %dma_wait3A_137] : memref<80x128xi32, #tpu.memory_space<vmem>> -> memref<1x128xi32, #tpu.memory_space<vmem>>
      %dma_wait3A_139 = tpu.memref_squeeze %dma_wait3A_138 : memref<1x128xi32, #tpu.memory_space<vmem>> -> memref<128xi32, #tpu.memory_space<vmem>>
      %dma_wait3A_140 = arith.constant 0 : i32
      %dma_wait3A_141 = tpu.memref_slice %arg7[%dma_wait3A_140] : memref<10240xf32, #tpu.memory_space<vmem_shared>> -> memref<10240xf32, #tpu.memory_space<vmem_shared>>
      tpu.wait_indirect_dma semaphore(%arg8 : memref<!tpu.dma_semaphore, #tpu.memory_space<semaphore_mem>>) src(%arg6 : memref<128xf32, #tpu.memory_space<vmem>>) dst(%dma_wait3A_141 : memref<10240xf32, #tpu.memory_space<vmem_shared>>)
      %dma_wait3A_142 = arith.constant 0 : i32
      %dma_wait3A_143 = tpu.memref_slice %arg5[%add3A_82, %dma_wait3A_142] : memref<80x128xi32, #tpu.memory_space<vmem>> -> memref<1x128xi32, #tpu.memory_space<vmem>>
      %dma_wait3A_144 = tpu.memref_squeeze %dma_wait3A_143 : memref<1x128xi32, #tpu.memory_space<vmem>> -> memref<128xi32, #tpu.memory_space<vmem>>
      %dma_wait3A_145 = arith.constant 0 : i32
      %dma_wait3A_146 = tpu.memref_slice %arg7[%dma_wait3A_145] : memref<10240xf32, #tpu.memory_space<vmem_shared>> -> memref<10240xf32, #tpu.memory_space<vmem_shared>>
      tpu.wait_indirect_dma semaphore(%arg8 : memref<!tpu.dma_semaphore, #tpu.memory_space<semaphore_mem>>) src(%arg6 : memref<128xf32, #tpu.memory_space<vmem>>) dst(%dma_wait3A_146 : memref<10240xf32, #tpu.memory_space<vmem_shared>>)
      %dma_wait3A_147 = arith.constant 0 : i32
      %dma_wait3A_148 = tpu.memref_slice %arg5[%add3A_91, %dma_wait3A_147] : memref<80x128xi32, #tpu.memory_space<vmem>> -> memref<1x128xi32, #tpu.memory_space<vmem>>
      %dma_wait3A_149 = tpu.memref_squeeze %dma_wait3A_148 : memref<1x128xi32, #tpu.memory_space<vmem>> -> memref<128xi32, #tpu.memory_space<vmem>>
      %dma_wait3A_150 = arith.constant 0 : i32
      %dma_wait3A_151 = tpu.memref_slice %arg7[%dma_wait3A_150] : memref<10240xf32, #tpu.memory_space<vmem_shared>> -> memref<10240xf32, #tpu.memory_space<vmem_shared>>
      tpu.wait_indirect_dma semaphore(%arg8 : memref<!tpu.dma_semaphore, #tpu.memory_space<semaphore_mem>>) src(%arg6 : memref<128xf32, #tpu.memory_space<vmem>>) dst(%dma_wait3A_151 : memref<10240xf32, #tpu.memory_space<vmem_shared>>)
      %dma_wait3A_152 = arith.constant 0 : i32
      %dma_wait3A_153 = tpu.memref_slice %arg5[%add3A_100, %dma_wait3A_152] : memref<80x128xi32, #tpu.memory_space<vmem>> -> memref<1x128xi32, #tpu.memory_space<vmem>>
      %dma_wait3A_154 = tpu.memref_squeeze %dma_wait3A_153 : memref<1x128xi32, #tpu.memory_space<vmem>> -> memref<128xi32, #tpu.memory_space<vmem>>
      %dma_wait3A_155 = arith.constant 0 : i32
      %dma_wait3A_156 = tpu.memref_slice %arg7[%dma_wait3A_155] : memref<10240xf32, #tpu.memory_space<vmem_shared>> -> memref<10240xf32, #tpu.memory_space<vmem_shared>>
      tpu.wait_indirect_dma semaphore(%arg8 : memref<!tpu.dma_semaphore, #tpu.memory_space<semaphore_mem>>) src(%arg6 : memref<128xf32, #tpu.memory_space<vmem>>) dst(%dma_wait3A_156 : memref<10240xf32, #tpu.memory_space<vmem_shared>>)
      %dma_wait3A_157 = arith.constant 0 : i32
      %dma_wait3A_158 = tpu.memref_slice %arg5[%add3A_109, %dma_wait3A_157] : memref<80x128xi32, #tpu.memory_space<vmem>> -> memref<1x128xi32, #tpu.memory_space<vmem>>
      %dma_wait3A_159 = tpu.memref_squeeze %dma_wait3A_158 : memref<1x128xi32, #tpu.memory_space<vmem>> -> memref<128xi32, #tpu.memory_space<vmem>>
      %dma_wait3A_160 = arith.constant 0 : i32
      %dma_wait3A_161 = tpu.memref_slice %arg7[%dma_wait3A_160] : memref<10240xf32, #tpu.memory_space<vmem_shared>> -> memref<10240xf32, #tpu.memory_space<vmem_shared>>
      tpu.wait_indirect_dma semaphore(%arg8 : memref<!tpu.dma_semaphore, #tpu.memory_space<semaphore_mem>>) src(%arg6 : memref<128xf32, #tpu.memory_space<vmem>>) dst(%dma_wait3A_161 : memref<10240xf32, #tpu.memory_space<vmem_shared>>)
      %dma_wait3A_162 = arith.constant 0 : i32
      %dma_wait3A_163 = tpu.memref_slice %arg5[%add3A_118, %dma_wait3A_162] : memref<80x128xi32, #tpu.memory_space<vmem>> -> memref<1x128xi32, #tpu.memory_space<vmem>>
      %dma_wait3A_164 = tpu.memref_squeeze %dma_wait3A_163 : memref<1x128xi32, #tpu.memory_space<vmem>> -> memref<128xi32, #tpu.memory_space<vmem>>
      %dma_wait3A_165 = arith.constant 0 : i32
      %dma_wait3A_166 = tpu.memref_slice %arg7[%dma_wait3A_165] : memref<10240xf32, #tpu.memory_space<vmem_shared>> -> memref<10240xf32, #tpu.memory_space<vmem_shared>>
      tpu.wait_indirect_dma semaphore(%arg8 : memref<!tpu.dma_semaphore, #tpu.memory_space<semaphore_mem>>) src(%arg6 : memref<128xf32, #tpu.memory_space<vmem>>) dst(%dma_wait3A_166 : memref<10240xf32, #tpu.memory_space<vmem_shared>>)
      %dma_wait3A_167 = arith.constant 0 : i32
      %dma_wait3A_168 = tpu.memref_slice %arg5[%add3A_127, %dma_wait3A_167] : memref<80x128xi32, #tpu.memory_space<vmem>> -> memref<1x128xi32, #tpu.memory_space<vmem>>
      %dma_wait3A_169 = tpu.memref_squeeze %dma_wait3A_168 : memref<1x128xi32, #tpu.memory_space<vmem>> -> memref<128xi32, #tpu.memory_space<vmem>>
      %dma_wait3A_170 = arith.constant 0 : i32
      %dma_wait3A_171 = tpu.memref_slice %arg7[%dma_wait3A_170] : memref<10240xf32, #tpu.memory_space<vmem_shared>> -> memref<10240xf32, #tpu.memory_space<vmem_shared>>
      tpu.wait_indirect_dma semaphore(%arg8 : memref<!tpu.dma_semaphore, #tpu.memory_space<semaphore_mem>>) src(%arg6 : memref<128xf32, #tpu.memory_space<vmem>>) dst(%dma_wait3A_171 : memref<10240xf32, #tpu.memory_space<vmem_shared>>)
    }
    %scan3A_55 = arith.constant 10 : i32
    %barrier3A_56 = arith.constant 0 : index
    tpu.barrier barrier_id(%barrier3A_56)
    %mul3A_57 = arith.constant 640 : i32
    %mul3A_58 = arith.muli %arg1, %mul3A_57 : i32
    %mul3A_59 = arith.constant 640 : i32
    %mul3A_60 = arith.muli %arg1, %mul3A_59 : i32
    "tpu.region"() ({
      %run_scoped3A = tpu.sem_alloc : memref<!tpu.dma_semaphore, #tpu.memory_space<semaphore_mem>>
      %dma_start3A = tpu.memref_slice %arg4[%arg0, %mul3A_60] : memref<2x10240xf32, #tpu.memory_space<hbm>> -> memref<1x640xf32, #tpu.memory_space<hbm>>
      %dma_start3A_61 = tpu.memref_squeeze %dma_start3A : memref<1x640xf32, #tpu.memory_space<hbm>> -> memref<640xf32, #tpu.memory_space<hbm>>
      %dma_start3A_62 = tpu.memref_slice %arg7[%mul3A_58] : memref<10240xf32, #tpu.memory_space<vmem_shared>> -> memref<640xf32, #tpu.memory_space<vmem_shared>>
      tpu.enqueue_dma source(%dma_start3A_62 : memref<640xf32, #tpu.memory_space<vmem_shared>>) target(%dma_start3A_61 : memref<640xf32, #tpu.memory_space<hbm>>) target_semaphore(%run_scoped3A : memref<!tpu.dma_semaphore, #tpu.memory_space<semaphore_mem>>)
      %dma_wait3A = tpu.memref_slice %arg4[%arg0, %mul3A_60] : memref<2x10240xf32, #tpu.memory_space<hbm>> -> memref<1x640xf32, #tpu.memory_space<hbm>>
      %dma_wait3A_63 = tpu.memref_squeeze %dma_wait3A : memref<1x640xf32, #tpu.memory_space<hbm>> -> memref<640xf32, #tpu.memory_space<hbm>>
      %dma_wait3A_64 = tpu.memref_slice %arg7[%mul3A_58] : memref<10240xf32, #tpu.memory_space<vmem_shared>> -> memref<640xf32, #tpu.memory_space<vmem_shared>>
      tpu.wait_dma2 semaphore(%run_scoped3A : memref<!tpu.dma_semaphore, #tpu.memory_space<semaphore_mem>>) src(%dma_wait3A_64 : memref<640xf32, #tpu.memory_space<vmem_shared>>) dst(%dma_wait3A_63 : memref<640xf32, #tpu.memory_space<hbm>>)
      tpu.yield
    }) : () -> ()
    return
  }
}

#map = affine_map<(d0, d1) -> (0, 0)>
#map1 = affine_map<(d0, d1) -> (0, 0, 0)>
module attributes {stable_mosaic.version = 14 : i64} {
  func.func @_agg(%arg0: i32, %arg1: i32, %arg2: memref<10240x32xf32, #tpu.memory_space<hbm>>, %arg3: memref<32x80x128xi32, #tpu.memory_space<hbm>>, %arg4: memref<32x80x128xi32, #tpu.memory_space<hbm>>, %arg5: memref<10240x32xf32, #tpu.memory_space<hbm>>, %arg6: memref<2x10240x32xf32, #tpu.memory_space<hbm>>, %arg7: memref<80x128xi32, #tpu.memory_space<vmem>>, %arg8: memref<80x128xi32, #tpu.memory_space<vmem>>, %arg9: memref<4x512x32xf32, #tpu.memory_space<vmem>>, %arg10: memref<10240x32xf32, #tpu.memory_space<vmem_shared>>, %arg11: memref<!tpu.dma_semaphore, #tpu.memory_space<semaphore_mem>>, %arg12: memref<!tpu.dma_semaphore, #tpu.memory_space<semaphore_mem>>) attributes {dimension_semantics = [#tpu.dimension_semantics<core_parallel>, #tpu.dimension_semantics<subcore_parallel>], iteration_bounds = array<i64: 2, 16>, scalar_prefetch = 0 : i64, scratch_operands = 6 : i64, tpu.core_type = #tpu.core_type<sc_vector_subcore>, window_params = [{transform_indices = #map}, {transform_indices = #map1}, {transform_indices = #map1}, {transform_indices = #map}, {transform_indices = #map1}]} {
    %mul3A = arith.constant 16 : i32
    %mul3A_0 = arith.muli %arg0, %mul3A : i32
    %add3A = arith.addi %mul3A_0, %arg1 : i32
    "tpu.region"() ({
      %run_scoped3A = tpu.sem_alloc : memref<!tpu.dma_semaphore, #tpu.memory_space<semaphore_mem>>
      %dma_start3A_158 = arith.constant 0 : i32
      %dma_start3A_159 = arith.constant 0 : i32
      %dma_start3A_160 = tpu.memref_slice %arg3[%add3A, %dma_start3A_158, %dma_start3A_159] : memref<32x80x128xi32, #tpu.memory_space<hbm>> -> memref<1x80x128xi32, #tpu.memory_space<hbm>>
      %dma_start3A_161 = tpu.memref_squeeze %dma_start3A_160 : memref<1x80x128xi32, #tpu.memory_space<hbm>> -> memref<80x128xi32, #tpu.memory_space<hbm>>
      %dma_start3A_162 = arith.constant 0 : i32
      %dma_start3A_163 = arith.constant 0 : i32
      %dma_start3A_164 = tpu.memref_slice %arg3[%add3A, %dma_start3A_162, %dma_start3A_163] : memref<32x80x128xi32, #tpu.memory_space<hbm>> -> memref<1x80x128xi32, #tpu.memory_space<hbm>>
      %dma_start3A_165 = tpu.memref_squeeze %dma_start3A_164 : memref<1x80x128xi32, #tpu.memory_space<hbm>> -> memref<80x128xi32, #tpu.memory_space<hbm>>
      tpu.enqueue_dma source(%dma_start3A_165 : memref<80x128xi32, #tpu.memory_space<hbm>>) target(%arg7 : memref<80x128xi32, #tpu.memory_space<vmem>>) target_semaphore(%run_scoped3A : memref<!tpu.dma_semaphore, #tpu.memory_space<semaphore_mem>>)
      %dma_wait3A = arith.constant 0 : i32
      %dma_wait3A_166 = arith.constant 0 : i32
      %dma_wait3A_167 = tpu.memref_slice %arg3[%add3A, %dma_wait3A, %dma_wait3A_166] : memref<32x80x128xi32, #tpu.memory_space<hbm>> -> memref<1x80x128xi32, #tpu.memory_space<hbm>>
      %dma_wait3A_168 = tpu.memref_squeeze %dma_wait3A_167 : memref<1x80x128xi32, #tpu.memory_space<hbm>> -> memref<80x128xi32, #tpu.memory_space<hbm>>
      %dma_wait3A_169 = arith.constant 0 : i32
      %dma_wait3A_170 = arith.constant 0 : i32
      %dma_wait3A_171 = tpu.memref_slice %arg3[%add3A, %dma_wait3A_169, %dma_wait3A_170] : memref<32x80x128xi32, #tpu.memory_space<hbm>> -> memref<1x80x128xi32, #tpu.memory_space<hbm>>
      %dma_wait3A_172 = tpu.memref_squeeze %dma_wait3A_171 : memref<1x80x128xi32, #tpu.memory_space<hbm>> -> memref<80x128xi32, #tpu.memory_space<hbm>>
      tpu.wait_dma2 semaphore(%run_scoped3A : memref<!tpu.dma_semaphore, #tpu.memory_space<semaphore_mem>>) src(%dma_wait3A_172 : memref<80x128xi32, #tpu.memory_space<hbm>>) dst(%arg7 : memref<80x128xi32, #tpu.memory_space<vmem>>)
      tpu.yield
    }) : () -> ()
    "tpu.region"() ({
      %run_scoped3A = tpu.sem_alloc : memref<!tpu.dma_semaphore, #tpu.memory_space<semaphore_mem>>
      %dma_start3A_158 = arith.constant 0 : i32
      %dma_start3A_159 = arith.constant 0 : i32
      %dma_start3A_160 = tpu.memref_slice %arg4[%add3A, %dma_start3A_158, %dma_start3A_159] : memref<32x80x128xi32, #tpu.memory_space<hbm>> -> memref<1x80x128xi32, #tpu.memory_space<hbm>>
      %dma_start3A_161 = tpu.memref_squeeze %dma_start3A_160 : memref<1x80x128xi32, #tpu.memory_space<hbm>> -> memref<80x128xi32, #tpu.memory_space<hbm>>
      %dma_start3A_162 = arith.constant 0 : i32
      %dma_start3A_163 = arith.constant 0 : i32
      %dma_start3A_164 = tpu.memref_slice %arg4[%add3A, %dma_start3A_162, %dma_start3A_163] : memref<32x80x128xi32, #tpu.memory_space<hbm>> -> memref<1x80x128xi32, #tpu.memory_space<hbm>>
      %dma_start3A_165 = tpu.memref_squeeze %dma_start3A_164 : memref<1x80x128xi32, #tpu.memory_space<hbm>> -> memref<80x128xi32, #tpu.memory_space<hbm>>
      tpu.enqueue_dma source(%dma_start3A_165 : memref<80x128xi32, #tpu.memory_space<hbm>>) target(%arg8 : memref<80x128xi32, #tpu.memory_space<vmem>>) target_semaphore(%run_scoped3A : memref<!tpu.dma_semaphore, #tpu.memory_space<semaphore_mem>>)
      %dma_wait3A = arith.constant 0 : i32
      %dma_wait3A_166 = arith.constant 0 : i32
      %dma_wait3A_167 = tpu.memref_slice %arg4[%add3A, %dma_wait3A, %dma_wait3A_166] : memref<32x80x128xi32, #tpu.memory_space<hbm>> -> memref<1x80x128xi32, #tpu.memory_space<hbm>>
      %dma_wait3A_168 = tpu.memref_squeeze %dma_wait3A_167 : memref<1x80x128xi32, #tpu.memory_space<hbm>> -> memref<80x128xi32, #tpu.memory_space<hbm>>
      %dma_wait3A_169 = arith.constant 0 : i32
      %dma_wait3A_170 = arith.constant 0 : i32
      %dma_wait3A_171 = tpu.memref_slice %arg4[%add3A, %dma_wait3A_169, %dma_wait3A_170] : memref<32x80x128xi32, #tpu.memory_space<hbm>> -> memref<1x80x128xi32, #tpu.memory_space<hbm>>
      %dma_wait3A_172 = tpu.memref_squeeze %dma_wait3A_171 : memref<1x80x128xi32, #tpu.memory_space<hbm>> -> memref<80x128xi32, #tpu.memory_space<hbm>>
      tpu.wait_dma2 semaphore(%run_scoped3A : memref<!tpu.dma_semaphore, #tpu.memory_space<semaphore_mem>>) src(%dma_wait3A_172 : memref<80x128xi32, #tpu.memory_space<hbm>>) dst(%arg8 : memref<80x128xi32, #tpu.memory_space<vmem>>)
      tpu.yield
    }) : () -> ()
    %mul3A_1 = arith.constant 640 : i32
    %mul3A_2 = arith.muli %arg1, %mul3A_1 : i32
    %mul3A_3 = arith.constant 640 : i32
    %mul3A_4 = arith.muli %arg1, %mul3A_3 : i32
    "tpu.region"() ({
      %run_scoped3A = tpu.sem_alloc : memref<!tpu.dma_semaphore, #tpu.memory_space<semaphore_mem>>
      %dma_start3A_158 = arith.constant 0 : i32
      %dma_start3A_159 = tpu.memref_slice %arg10[%mul3A_4, %dma_start3A_158] : memref<10240x32xf32, #tpu.memory_space<vmem_shared>> -> memref<640x32xf32, #tpu.memory_space<vmem_shared>>
      %dma_start3A_160 = arith.constant 0 : i32
      %dma_start3A_161 = tpu.memref_slice %arg5[%mul3A_2, %dma_start3A_160] : memref<10240x32xf32, #tpu.memory_space<hbm>> -> memref<640x32xf32, #tpu.memory_space<hbm>>
      tpu.enqueue_dma source(%dma_start3A_161 : memref<640x32xf32, #tpu.memory_space<hbm>>) target(%dma_start3A_159 : memref<640x32xf32, #tpu.memory_space<vmem_shared>>) target_semaphore(%run_scoped3A : memref<!tpu.dma_semaphore, #tpu.memory_space<semaphore_mem>>)
      %dma_wait3A = arith.constant 0 : i32
      %dma_wait3A_162 = tpu.memref_slice %arg10[%mul3A_4, %dma_wait3A] : memref<10240x32xf32, #tpu.memory_space<vmem_shared>> -> memref<640x32xf32, #tpu.memory_space<vmem_shared>>
      %dma_wait3A_163 = arith.constant 0 : i32
      %dma_wait3A_164 = tpu.memref_slice %arg5[%mul3A_2, %dma_wait3A_163] : memref<10240x32xf32, #tpu.memory_space<hbm>> -> memref<640x32xf32, #tpu.memory_space<hbm>>
      tpu.wait_dma2 semaphore(%run_scoped3A : memref<!tpu.dma_semaphore, #tpu.memory_space<semaphore_mem>>) src(%dma_wait3A_164 : memref<640x32xf32, #tpu.memory_space<hbm>>) dst(%dma_wait3A_162 : memref<640x32xf32, #tpu.memory_space<vmem_shared>>)
      tpu.yield
    }) : () -> ()
    %barrier3A = arith.constant 0 : index
    tpu.barrier barrier_id(%barrier3A)
    %dma_start3A = arith.constant 0 : i32
    %dma_start3A_5 = arith.constant 0 : i32
    %dma_start3A_6 = arith.constant 0 : i32
    %dma_start3A_7 = arith.constant 0 : i32
    %dma_start3A_8 = tpu.memref_slice %arg9[%dma_start3A_5, %dma_start3A_6, %dma_start3A_7] : memref<4x512x32xf32, #tpu.memory_space<vmem>> -> memref<1x128x32xf32, #tpu.memory_space<vmem>>
    %dma_start3A_9 = tpu.memref_squeeze %dma_start3A_8 : memref<1x128x32xf32, #tpu.memory_space<vmem>> -> memref<128x32xf32, #tpu.memory_space<vmem>>
    %dma_start3A_10 = arith.constant 0 : i32
    %dma_start3A_11 = tpu.memref_slice %arg7[%dma_start3A, %dma_start3A_10] : memref<80x128xi32, #tpu.memory_space<vmem>> -> memref<1x128xi32, #tpu.memory_space<vmem>>
    %dma_start3A_12 = tpu.memref_squeeze %dma_start3A_11 : memref<1x128xi32, #tpu.memory_space<vmem>> -> memref<128xi32, #tpu.memory_space<vmem>>
    %dma_start3A_13 = arith.constant 0 : i32
    %dma_start3A_14 = arith.constant 0 : i32
    %dma_start3A_15 = tpu.memref_slice %arg2[%dma_start3A_13, %dma_start3A_14] : memref<10240x32xf32, #tpu.memory_space<hbm>> -> memref<10240x32xf32, #tpu.memory_space<hbm>>
    tpu.enqueue_indirect_dma source(%dma_start3A_15 : memref<10240x32xf32, #tpu.memory_space<hbm>>) target(%dma_start3A_9 : memref<128x32xf32, #tpu.memory_space<vmem>>) offsets(%dma_start3A_12 : memref<128xi32, #tpu.memory_space<vmem>>) semaphore(%arg11 : memref<!tpu.dma_semaphore, #tpu.memory_space<semaphore_mem>>)
    %dma_start3A_16 = arith.constant 1 : i32
    %dma_start3A_17 = arith.constant 0 : i32
    %dma_start3A_18 = arith.constant 128 : i32
    %dma_start3A_19 = arith.constant 0 : i32
    %dma_start3A_20 = tpu.memref_slice %arg9[%dma_start3A_17, %dma_start3A_18, %dma_start3A_19] : memref<4x512x32xf32, #tpu.memory_space<vmem>> -> memref<1x128x32xf32, #tpu.memory_space<vmem>>
    %dma_start3A_21 = tpu.memref_squeeze %dma_start3A_20 : memref<1x128x32xf32, #tpu.memory_space<vmem>> -> memref<128x32xf32, #tpu.memory_space<vmem>>
    %dma_start3A_22 = arith.constant 0 : i32
    %dma_start3A_23 = tpu.memref_slice %arg7[%dma_start3A_16, %dma_start3A_22] : memref<80x128xi32, #tpu.memory_space<vmem>> -> memref<1x128xi32, #tpu.memory_space<vmem>>
    %dma_start3A_24 = tpu.memref_squeeze %dma_start3A_23 : memref<1x128xi32, #tpu.memory_space<vmem>> -> memref<128xi32, #tpu.memory_space<vmem>>
    %dma_start3A_25 = arith.constant 0 : i32
    %dma_start3A_26 = arith.constant 0 : i32
    %dma_start3A_27 = tpu.memref_slice %arg2[%dma_start3A_25, %dma_start3A_26] : memref<10240x32xf32, #tpu.memory_space<hbm>> -> memref<10240x32xf32, #tpu.memory_space<hbm>>
    tpu.enqueue_indirect_dma source(%dma_start3A_27 : memref<10240x32xf32, #tpu.memory_space<hbm>>) target(%dma_start3A_21 : memref<128x32xf32, #tpu.memory_space<vmem>>) offsets(%dma_start3A_24 : memref<128xi32, #tpu.memory_space<vmem>>) semaphore(%arg11 : memref<!tpu.dma_semaphore, #tpu.memory_space<semaphore_mem>>)
    %dma_start3A_28 = arith.constant 2 : i32
    %dma_start3A_29 = arith.constant 0 : i32
    %dma_start3A_30 = arith.constant 256 : i32
    %dma_start3A_31 = arith.constant 0 : i32
    %dma_start3A_32 = tpu.memref_slice %arg9[%dma_start3A_29, %dma_start3A_30, %dma_start3A_31] : memref<4x512x32xf32, #tpu.memory_space<vmem>> -> memref<1x128x32xf32, #tpu.memory_space<vmem>>
    %dma_start3A_33 = tpu.memref_squeeze %dma_start3A_32 : memref<1x128x32xf32, #tpu.memory_space<vmem>> -> memref<128x32xf32, #tpu.memory_space<vmem>>
    %dma_start3A_34 = arith.constant 0 : i32
    %dma_start3A_35 = tpu.memref_slice %arg7[%dma_start3A_28, %dma_start3A_34] : memref<80x128xi32, #tpu.memory_space<vmem>> -> memref<1x128xi32, #tpu.memory_space<vmem>>
    %dma_start3A_36 = tpu.memref_squeeze %dma_start3A_35 : memref<1x128xi32, #tpu.memory_space<vmem>> -> memref<128xi32, #tpu.memory_space<vmem>>
    %dma_start3A_37 = arith.constant 0 : i32
    %dma_start3A_38 = arith.constant 0 : i32
    %dma_start3A_39 = tpu.memref_slice %arg2[%dma_start3A_37, %dma_start3A_38] : memref<10240x32xf32, #tpu.memory_space<hbm>> -> memref<10240x32xf32, #tpu.memory_space<hbm>>
    tpu.enqueue_indirect_dma source(%dma_start3A_39 : memref<10240x32xf32, #tpu.memory_space<hbm>>) target(%dma_start3A_33 : memref<128x32xf32, #tpu.memory_space<vmem>>) offsets(%dma_start3A_36 : memref<128xi32, #tpu.memory_space<vmem>>) semaphore(%arg11 : memref<!tpu.dma_semaphore, #tpu.memory_space<semaphore_mem>>)
    %dma_start3A_40 = arith.constant 3 : i32
    %dma_start3A_41 = arith.constant 0 : i32
    %dma_start3A_42 = arith.constant 384 : i32
    %dma_start3A_43 = arith.constant 0 : i32
    %dma_start3A_44 = tpu.memref_slice %arg9[%dma_start3A_41, %dma_start3A_42, %dma_start3A_43] : memref<4x512x32xf32, #tpu.memory_space<vmem>> -> memref<1x128x32xf32, #tpu.memory_space<vmem>>
    %dma_start3A_45 = tpu.memref_squeeze %dma_start3A_44 : memref<1x128x32xf32, #tpu.memory_space<vmem>> -> memref<128x32xf32, #tpu.memory_space<vmem>>
    %dma_start3A_46 = arith.constant 0 : i32
    %dma_start3A_47 = tpu.memref_slice %arg7[%dma_start3A_40, %dma_start3A_46] : memref<80x128xi32, #tpu.memory_space<vmem>> -> memref<1x128xi32, #tpu.memory_space<vmem>>
    %dma_start3A_48 = tpu.memref_squeeze %dma_start3A_47 : memref<1x128xi32, #tpu.memory_space<vmem>> -> memref<128xi32, #tpu.memory_space<vmem>>
    %dma_start3A_49 = arith.constant 0 : i32
    %dma_start3A_50 = arith.constant 0 : i32
    %dma_start3A_51 = tpu.memref_slice %arg2[%dma_start3A_49, %dma_start3A_50] : memref<10240x32xf32, #tpu.memory_space<hbm>> -> memref<10240x32xf32, #tpu.memory_space<hbm>>
    tpu.enqueue_indirect_dma source(%dma_start3A_51 : memref<10240x32xf32, #tpu.memory_space<hbm>>) target(%dma_start3A_45 : memref<128x32xf32, #tpu.memory_space<vmem>>) offsets(%dma_start3A_48 : memref<128xi32, #tpu.memory_space<vmem>>) semaphore(%arg11 : memref<!tpu.dma_semaphore, #tpu.memory_space<semaphore_mem>>)
    %dma_start3A_52 = arith.constant 4 : i32
    %dma_start3A_53 = arith.constant 1 : i32
    %dma_start3A_54 = arith.constant 0 : i32
    %dma_start3A_55 = arith.constant 0 : i32
    %dma_start3A_56 = tpu.memref_slice %arg9[%dma_start3A_53, %dma_start3A_54, %dma_start3A_55] : memref<4x512x32xf32, #tpu.memory_space<vmem>> -> memref<1x128x32xf32, #tpu.memory_space<vmem>>
    %dma_start3A_57 = tpu.memref_squeeze %dma_start3A_56 : memref<1x128x32xf32, #tpu.memory_space<vmem>> -> memref<128x32xf32, #tpu.memory_space<vmem>>
    %dma_start3A_58 = arith.constant 0 : i32
    %dma_start3A_59 = tpu.memref_slice %arg7[%dma_start3A_52, %dma_start3A_58] : memref<80x128xi32, #tpu.memory_space<vmem>> -> memref<1x128xi32, #tpu.memory_space<vmem>>
    %dma_start3A_60 = tpu.memref_squeeze %dma_start3A_59 : memref<1x128xi32, #tpu.memory_space<vmem>> -> memref<128xi32, #tpu.memory_space<vmem>>
    %dma_start3A_61 = arith.constant 0 : i32
    %dma_start3A_62 = arith.constant 0 : i32
    %dma_start3A_63 = tpu.memref_slice %arg2[%dma_start3A_61, %dma_start3A_62] : memref<10240x32xf32, #tpu.memory_space<hbm>> -> memref<10240x32xf32, #tpu.memory_space<hbm>>
    tpu.enqueue_indirect_dma source(%dma_start3A_63 : memref<10240x32xf32, #tpu.memory_space<hbm>>) target(%dma_start3A_57 : memref<128x32xf32, #tpu.memory_space<vmem>>) offsets(%dma_start3A_60 : memref<128xi32, #tpu.memory_space<vmem>>) semaphore(%arg11 : memref<!tpu.dma_semaphore, #tpu.memory_space<semaphore_mem>>)
    %dma_start3A_64 = arith.constant 5 : i32
    %dma_start3A_65 = arith.constant 1 : i32
    %dma_start3A_66 = arith.constant 128 : i32
    %dma_start3A_67 = arith.constant 0 : i32
    %dma_start3A_68 = tpu.memref_slice %arg9[%dma_start3A_65, %dma_start3A_66, %dma_start3A_67] : memref<4x512x32xf32, #tpu.memory_space<vmem>> -> memref<1x128x32xf32, #tpu.memory_space<vmem>>
    %dma_start3A_69 = tpu.memref_squeeze %dma_start3A_68 : memref<1x128x32xf32, #tpu.memory_space<vmem>> -> memref<128x32xf32, #tpu.memory_space<vmem>>
    %dma_start3A_70 = arith.constant 0 : i32
    %dma_start3A_71 = tpu.memref_slice %arg7[%dma_start3A_64, %dma_start3A_70] : memref<80x128xi32, #tpu.memory_space<vmem>> -> memref<1x128xi32, #tpu.memory_space<vmem>>
    %dma_start3A_72 = tpu.memref_squeeze %dma_start3A_71 : memref<1x128xi32, #tpu.memory_space<vmem>> -> memref<128xi32, #tpu.memory_space<vmem>>
    %dma_start3A_73 = arith.constant 0 : i32
    %dma_start3A_74 = arith.constant 0 : i32
    %dma_start3A_75 = tpu.memref_slice %arg2[%dma_start3A_73, %dma_start3A_74] : memref<10240x32xf32, #tpu.memory_space<hbm>> -> memref<10240x32xf32, #tpu.memory_space<hbm>>
    tpu.enqueue_indirect_dma source(%dma_start3A_75 : memref<10240x32xf32, #tpu.memory_space<hbm>>) target(%dma_start3A_69 : memref<128x32xf32, #tpu.memory_space<vmem>>) offsets(%dma_start3A_72 : memref<128xi32, #tpu.memory_space<vmem>>) semaphore(%arg11 : memref<!tpu.dma_semaphore, #tpu.memory_space<semaphore_mem>>)
    %dma_start3A_76 = arith.constant 6 : i32
    %dma_start3A_77 = arith.constant 1 : i32
    %dma_start3A_78 = arith.constant 256 : i32
    %dma_start3A_79 = arith.constant 0 : i32
    %dma_start3A_80 = tpu.memref_slice %arg9[%dma_start3A_77, %dma_start3A_78, %dma_start3A_79] : memref<4x512x32xf32, #tpu.memory_space<vmem>> -> memref<1x128x32xf32, #tpu.memory_space<vmem>>
    %dma_start3A_81 = tpu.memref_squeeze %dma_start3A_80 : memref<1x128x32xf32, #tpu.memory_space<vmem>> -> memref<128x32xf32, #tpu.memory_space<vmem>>
    %dma_start3A_82 = arith.constant 0 : i32
    %dma_start3A_83 = tpu.memref_slice %arg7[%dma_start3A_76, %dma_start3A_82] : memref<80x128xi32, #tpu.memory_space<vmem>> -> memref<1x128xi32, #tpu.memory_space<vmem>>
    %dma_start3A_84 = tpu.memref_squeeze %dma_start3A_83 : memref<1x128xi32, #tpu.memory_space<vmem>> -> memref<128xi32, #tpu.memory_space<vmem>>
    %dma_start3A_85 = arith.constant 0 : i32
    %dma_start3A_86 = arith.constant 0 : i32
    %dma_start3A_87 = tpu.memref_slice %arg2[%dma_start3A_85, %dma_start3A_86] : memref<10240x32xf32, #tpu.memory_space<hbm>> -> memref<10240x32xf32, #tpu.memory_space<hbm>>
    tpu.enqueue_indirect_dma source(%dma_start3A_87 : memref<10240x32xf32, #tpu.memory_space<hbm>>) target(%dma_start3A_81 : memref<128x32xf32, #tpu.memory_space<vmem>>) offsets(%dma_start3A_84 : memref<128xi32, #tpu.memory_space<vmem>>) semaphore(%arg11 : memref<!tpu.dma_semaphore, #tpu.memory_space<semaphore_mem>>)
    %dma_start3A_88 = arith.constant 7 : i32
    %dma_start3A_89 = arith.constant 1 : i32
    %dma_start3A_90 = arith.constant 384 : i32
    %dma_start3A_91 = arith.constant 0 : i32
    %dma_start3A_92 = tpu.memref_slice %arg9[%dma_start3A_89, %dma_start3A_90, %dma_start3A_91] : memref<4x512x32xf32, #tpu.memory_space<vmem>> -> memref<1x128x32xf32, #tpu.memory_space<vmem>>
    %dma_start3A_93 = tpu.memref_squeeze %dma_start3A_92 : memref<1x128x32xf32, #tpu.memory_space<vmem>> -> memref<128x32xf32, #tpu.memory_space<vmem>>
    %dma_start3A_94 = arith.constant 0 : i32
    %dma_start3A_95 = tpu.memref_slice %arg7[%dma_start3A_88, %dma_start3A_94] : memref<80x128xi32, #tpu.memory_space<vmem>> -> memref<1x128xi32, #tpu.memory_space<vmem>>
    %dma_start3A_96 = tpu.memref_squeeze %dma_start3A_95 : memref<1x128xi32, #tpu.memory_space<vmem>> -> memref<128xi32, #tpu.memory_space<vmem>>
    %dma_start3A_97 = arith.constant 0 : i32
    %dma_start3A_98 = arith.constant 0 : i32
    %dma_start3A_99 = tpu.memref_slice %arg2[%dma_start3A_97, %dma_start3A_98] : memref<10240x32xf32, #tpu.memory_space<hbm>> -> memref<10240x32xf32, #tpu.memory_space<hbm>>
    tpu.enqueue_indirect_dma source(%dma_start3A_99 : memref<10240x32xf32, #tpu.memory_space<hbm>>) target(%dma_start3A_93 : memref<128x32xf32, #tpu.memory_space<vmem>>) offsets(%dma_start3A_96 : memref<128xi32, #tpu.memory_space<vmem>>) semaphore(%arg11 : memref<!tpu.dma_semaphore, #tpu.memory_space<semaphore_mem>>)
    %dma_start3A_100 = arith.constant 8 : i32
    %dma_start3A_101 = arith.constant 2 : i32
    %dma_start3A_102 = arith.constant 0 : i32
    %dma_start3A_103 = arith.constant 0 : i32
    %dma_start3A_104 = tpu.memref_slice %arg9[%dma_start3A_101, %dma_start3A_102, %dma_start3A_103] : memref<4x512x32xf32, #tpu.memory_space<vmem>> -> memref<1x128x32xf32, #tpu.memory_space<vmem>>
    %dma_start3A_105 = tpu.memref_squeeze %dma_start3A_104 : memref<1x128x32xf32, #tpu.memory_space<vmem>> -> memref<128x32xf32, #tpu.memory_space<vmem>>
    %dma_start3A_106 = arith.constant 0 : i32
    %dma_start3A_107 = tpu.memref_slice %arg7[%dma_start3A_100, %dma_start3A_106] : memref<80x128xi32, #tpu.memory_space<vmem>> -> memref<1x128xi32, #tpu.memory_space<vmem>>
    %dma_start3A_108 = tpu.memref_squeeze %dma_start3A_107 : memref<1x128xi32, #tpu.memory_space<vmem>> -> memref<128xi32, #tpu.memory_space<vmem>>
    %dma_start3A_109 = arith.constant 0 : i32
    %dma_start3A_110 = arith.constant 0 : i32
    %dma_start3A_111 = tpu.memref_slice %arg2[%dma_start3A_109, %dma_start3A_110] : memref<10240x32xf32, #tpu.memory_space<hbm>> -> memref<10240x32xf32, #tpu.memory_space<hbm>>
    tpu.enqueue_indirect_dma source(%dma_start3A_111 : memref<10240x32xf32, #tpu.memory_space<hbm>>) target(%dma_start3A_105 : memref<128x32xf32, #tpu.memory_space<vmem>>) offsets(%dma_start3A_108 : memref<128xi32, #tpu.memory_space<vmem>>) semaphore(%arg11 : memref<!tpu.dma_semaphore, #tpu.memory_space<semaphore_mem>>)
    %dma_start3A_112 = arith.constant 9 : i32
    %dma_start3A_113 = arith.constant 2 : i32
    %dma_start3A_114 = arith.constant 128 : i32
    %dma_start3A_115 = arith.constant 0 : i32
    %dma_start3A_116 = tpu.memref_slice %arg9[%dma_start3A_113, %dma_start3A_114, %dma_start3A_115] : memref<4x512x32xf32, #tpu.memory_space<vmem>> -> memref<1x128x32xf32, #tpu.memory_space<vmem>>
    %dma_start3A_117 = tpu.memref_squeeze %dma_start3A_116 : memref<1x128x32xf32, #tpu.memory_space<vmem>> -> memref<128x32xf32, #tpu.memory_space<vmem>>
    %dma_start3A_118 = arith.constant 0 : i32
    %dma_start3A_119 = tpu.memref_slice %arg7[%dma_start3A_112, %dma_start3A_118] : memref<80x128xi32, #tpu.memory_space<vmem>> -> memref<1x128xi32, #tpu.memory_space<vmem>>
    %dma_start3A_120 = tpu.memref_squeeze %dma_start3A_119 : memref<1x128xi32, #tpu.memory_space<vmem>> -> memref<128xi32, #tpu.memory_space<vmem>>
    %dma_start3A_121 = arith.constant 0 : i32
    %dma_start3A_122 = arith.constant 0 : i32
    %dma_start3A_123 = tpu.memref_slice %arg2[%dma_start3A_121, %dma_start3A_122] : memref<10240x32xf32, #tpu.memory_space<hbm>> -> memref<10240x32xf32, #tpu.memory_space<hbm>>
    tpu.enqueue_indirect_dma source(%dma_start3A_123 : memref<10240x32xf32, #tpu.memory_space<hbm>>) target(%dma_start3A_117 : memref<128x32xf32, #tpu.memory_space<vmem>>) offsets(%dma_start3A_120 : memref<128xi32, #tpu.memory_space<vmem>>) semaphore(%arg11 : memref<!tpu.dma_semaphore, #tpu.memory_space<semaphore_mem>>)
    %dma_start3A_124 = arith.constant 10 : i32
    %dma_start3A_125 = arith.constant 2 : i32
    %dma_start3A_126 = arith.constant 256 : i32
    %dma_start3A_127 = arith.constant 0 : i32
    %dma_start3A_128 = tpu.memref_slice %arg9[%dma_start3A_125, %dma_start3A_126, %dma_start3A_127] : memref<4x512x32xf32, #tpu.memory_space<vmem>> -> memref<1x128x32xf32, #tpu.memory_space<vmem>>
    %dma_start3A_129 = tpu.memref_squeeze %dma_start3A_128 : memref<1x128x32xf32, #tpu.memory_space<vmem>> -> memref<128x32xf32, #tpu.memory_space<vmem>>
    %dma_start3A_130 = arith.constant 0 : i32
    %dma_start3A_131 = tpu.memref_slice %arg7[%dma_start3A_124, %dma_start3A_130] : memref<80x128xi32, #tpu.memory_space<vmem>> -> memref<1x128xi32, #tpu.memory_space<vmem>>
    %dma_start3A_132 = tpu.memref_squeeze %dma_start3A_131 : memref<1x128xi32, #tpu.memory_space<vmem>> -> memref<128xi32, #tpu.memory_space<vmem>>
    %dma_start3A_133 = arith.constant 0 : i32
    %dma_start3A_134 = arith.constant 0 : i32
    %dma_start3A_135 = tpu.memref_slice %arg2[%dma_start3A_133, %dma_start3A_134] : memref<10240x32xf32, #tpu.memory_space<hbm>> -> memref<10240x32xf32, #tpu.memory_space<hbm>>
    tpu.enqueue_indirect_dma source(%dma_start3A_135 : memref<10240x32xf32, #tpu.memory_space<hbm>>) target(%dma_start3A_129 : memref<128x32xf32, #tpu.memory_space<vmem>>) offsets(%dma_start3A_132 : memref<128xi32, #tpu.memory_space<vmem>>) semaphore(%arg11 : memref<!tpu.dma_semaphore, #tpu.memory_space<semaphore_mem>>)
    %dma_start3A_136 = arith.constant 11 : i32
    %dma_start3A_137 = arith.constant 2 : i32
    %dma_start3A_138 = arith.constant 384 : i32
    %dma_start3A_139 = arith.constant 0 : i32
    %dma_start3A_140 = tpu.memref_slice %arg9[%dma_start3A_137, %dma_start3A_138, %dma_start3A_139] : memref<4x512x32xf32, #tpu.memory_space<vmem>> -> memref<1x128x32xf32, #tpu.memory_space<vmem>>
    %dma_start3A_141 = tpu.memref_squeeze %dma_start3A_140 : memref<1x128x32xf32, #tpu.memory_space<vmem>> -> memref<128x32xf32, #tpu.memory_space<vmem>>
    %dma_start3A_142 = arith.constant 0 : i32
    %dma_start3A_143 = tpu.memref_slice %arg7[%dma_start3A_136, %dma_start3A_142] : memref<80x128xi32, #tpu.memory_space<vmem>> -> memref<1x128xi32, #tpu.memory_space<vmem>>
    %dma_start3A_144 = tpu.memref_squeeze %dma_start3A_143 : memref<1x128xi32, #tpu.memory_space<vmem>> -> memref<128xi32, #tpu.memory_space<vmem>>
    %dma_start3A_145 = arith.constant 0 : i32
    %dma_start3A_146 = arith.constant 0 : i32
    %dma_start3A_147 = tpu.memref_slice %arg2[%dma_start3A_145, %dma_start3A_146] : memref<10240x32xf32, #tpu.memory_space<hbm>> -> memref<10240x32xf32, #tpu.memory_space<hbm>>
    tpu.enqueue_indirect_dma source(%dma_start3A_147 : memref<10240x32xf32, #tpu.memory_space<hbm>>) target(%dma_start3A_141 : memref<128x32xf32, #tpu.memory_space<vmem>>) offsets(%dma_start3A_144 : memref<128xi32, #tpu.memory_space<vmem>>) semaphore(%arg11 : memref<!tpu.dma_semaphore, #tpu.memory_space<semaphore_mem>>)
    %scan3A = arith.constant 0 : i32
    %scan3A_148 = arith.constant 0 : i32
    %scan3A_149 = arith.constant 20 : i32
    %scan3A_150 = arith.addi %scan3A_148, %scan3A_149 : i32
    %scan3A_151 = arith.constant 1 : i32
    scf.for %scan3A_158 = %scan3A_148 to %scan3A_150 step %scan3A_151  : i32 {
      %rem3A = arith.constant 4 : i32
      %rem3A_159 = arith.remsi %scan3A_158, %rem3A : i32
      %add3A_160 = arith.constant 4 : i32
      %add3A_161 = arith.addi %scan3A_158, %add3A_160 : i32
      %sub3A = arith.constant 1 : i32
      %sub3A_162 = arith.subi %add3A_161, %sub3A : i32
      %lt3A = arith.constant 20 : i32
      %lt3A_163 = arith.cmpi slt, %sub3A_162, %lt3A : i32
      %convert_element_type3A = arith.extui %lt3A_163 : i1 to i32
      %cond3A = arith.constant 0 : i32
      %cond3A_164 = arith.cmpi ne, %convert_element_type3A, %cond3A : i32
      scf.if %cond3A_164 {
        %add3A_332 = arith.constant 4 : i32
        %add3A_333 = arith.addi %scan3A_158, %add3A_332 : i32
        %sub3A_334 = arith.constant 1 : i32
        %sub3A_335 = arith.subi %add3A_333, %sub3A_334 : i32
        %add3A_336 = arith.constant 4 : i32
        %add3A_337 = arith.addi %scan3A_158, %add3A_336 : i32
        %sub3A_338 = arith.constant 1 : i32
        %sub3A_339 = arith.subi %add3A_337, %sub3A_338 : i32
        %rem3A_340 = arith.constant 4 : i32
        %rem3A_341 = arith.remsi %sub3A_339, %rem3A_340 : i32
        %mul3A_342 = arith.constant 4 : i32
        %mul3A_343 = arith.muli %sub3A_335, %mul3A_342 : i32
        %add3A_344 = arith.constant 0 : i32
        %add3A_345 = arith.addi %mul3A_343, %add3A_344 : i32
        %dma_start3A_346 = arith.constant 0 : i32
        %dma_start3A_347 = arith.constant 0 : i32
        %dma_start3A_348 = tpu.memref_slice %arg9[%rem3A_341, %dma_start3A_346, %dma_start3A_347] : memref<4x512x32xf32, #tpu.memory_space<vmem>> -> memref<1x128x32xf32, #tpu.memory_space<vmem>>
        %dma_start3A_349 = tpu.memref_squeeze %dma_start3A_348 : memref<1x128x32xf32, #tpu.memory_space<vmem>> -> memref<128x32xf32, #tpu.memory_space<vmem>>
        %dma_start3A_350 = arith.constant 0 : i32
        %dma_start3A_351 = tpu.memref_slice %arg7[%add3A_345, %dma_start3A_350] : memref<80x128xi32, #tpu.memory_space<vmem>> -> memref<1x128xi32, #tpu.memory_space<vmem>>
        %dma_start3A_352 = tpu.memref_squeeze %dma_start3A_351 : memref<1x128xi32, #tpu.memory_space<vmem>> -> memref<128xi32, #tpu.memory_space<vmem>>
        %dma_start3A_353 = arith.constant 0 : i32
        %dma_start3A_354 = arith.constant 0 : i32
        %dma_start3A_355 = tpu.memref_slice %arg2[%dma_start3A_353, %dma_start3A_354] : memref<10240x32xf32, #tpu.memory_space<hbm>> -> memref<10240x32xf32, #tpu.memory_space<hbm>>
        tpu.enqueue_indirect_dma source(%dma_start3A_355 : memref<10240x32xf32, #tpu.memory_space<hbm>>) target(%dma_start3A_349 : memref<128x32xf32, #tpu.memory_space<vmem>>) offsets(%dma_start3A_352 : memref<128xi32, #tpu.memory_space<vmem>>) semaphore(%arg11 : memref<!tpu.dma_semaphore, #tpu.memory_space<semaphore_mem>>)
        %mul3A_356 = arith.constant 4 : i32
        %mul3A_357 = arith.muli %sub3A_335, %mul3A_356 : i32
        %add3A_358 = arith.constant 1 : i32
        %add3A_359 = arith.addi %mul3A_357, %add3A_358 : i32
        %dma_start3A_360 = arith.constant 128 : i32
        %dma_start3A_361 = arith.constant 0 : i32
        %dma_start3A_362 = tpu.memref_slice %arg9[%rem3A_341, %dma_start3A_360, %dma_start3A_361] : memref<4x512x32xf32, #tpu.memory_space<vmem>> -> memref<1x128x32xf32, #tpu.memory_space<vmem>>
        %dma_start3A_363 = tpu.memref_squeeze %dma_start3A_362 : memref<1x128x32xf32, #tpu.memory_space<vmem>> -> memref<128x32xf32, #tpu.memory_space<vmem>>
        %dma_start3A_364 = arith.constant 0 : i32
        %dma_start3A_365 = tpu.memref_slice %arg7[%add3A_359, %dma_start3A_364] : memref<80x128xi32, #tpu.memory_space<vmem>> -> memref<1x128xi32, #tpu.memory_space<vmem>>
        %dma_start3A_366 = tpu.memref_squeeze %dma_start3A_365 : memref<1x128xi32, #tpu.memory_space<vmem>> -> memref<128xi32, #tpu.memory_space<vmem>>
        %dma_start3A_367 = arith.constant 0 : i32
        %dma_start3A_368 = arith.constant 0 : i32
        %dma_start3A_369 = tpu.memref_slice %arg2[%dma_start3A_367, %dma_start3A_368] : memref<10240x32xf32, #tpu.memory_space<hbm>> -> memref<10240x32xf32, #tpu.memory_space<hbm>>
        tpu.enqueue_indirect_dma source(%dma_start3A_369 : memref<10240x32xf32, #tpu.memory_space<hbm>>) target(%dma_start3A_363 : memref<128x32xf32, #tpu.memory_space<vmem>>) offsets(%dma_start3A_366 : memref<128xi32, #tpu.memory_space<vmem>>) semaphore(%arg11 : memref<!tpu.dma_semaphore, #tpu.memory_space<semaphore_mem>>)
        %mul3A_370 = arith.constant 4 : i32
        %mul3A_371 = arith.muli %sub3A_335, %mul3A_370 : i32
        %add3A_372 = arith.constant 2 : i32
        %add3A_373 = arith.addi %mul3A_371, %add3A_372 : i32
        %dma_start3A_374 = arith.constant 256 : i32
        %dma_start3A_375 = arith.constant 0 : i32
        %dma_start3A_376 = tpu.memref_slice %arg9[%rem3A_341, %dma_start3A_374, %dma_start3A_375] : memref<4x512x32xf32, #tpu.memory_space<vmem>> -> memref<1x128x32xf32, #tpu.memory_space<vmem>>
        %dma_start3A_377 = tpu.memref_squeeze %dma_start3A_376 : memref<1x128x32xf32, #tpu.memory_space<vmem>> -> memref<128x32xf32, #tpu.memory_space<vmem>>
        %dma_start3A_378 = arith.constant 0 : i32
        %dma_start3A_379 = tpu.memref_slice %arg7[%add3A_373, %dma_start3A_378] : memref<80x128xi32, #tpu.memory_space<vmem>> -> memref<1x128xi32, #tpu.memory_space<vmem>>
        %dma_start3A_380 = tpu.memref_squeeze %dma_start3A_379 : memref<1x128xi32, #tpu.memory_space<vmem>> -> memref<128xi32, #tpu.memory_space<vmem>>
        %dma_start3A_381 = arith.constant 0 : i32
        %dma_start3A_382 = arith.constant 0 : i32
        %dma_start3A_383 = tpu.memref_slice %arg2[%dma_start3A_381, %dma_start3A_382] : memref<10240x32xf32, #tpu.memory_space<hbm>> -> memref<10240x32xf32, #tpu.memory_space<hbm>>
        tpu.enqueue_indirect_dma source(%dma_start3A_383 : memref<10240x32xf32, #tpu.memory_space<hbm>>) target(%dma_start3A_377 : memref<128x32xf32, #tpu.memory_space<vmem>>) offsets(%dma_start3A_380 : memref<128xi32, #tpu.memory_space<vmem>>) semaphore(%arg11 : memref<!tpu.dma_semaphore, #tpu.memory_space<semaphore_mem>>)
        %mul3A_384 = arith.constant 4 : i32
        %mul3A_385 = arith.muli %sub3A_335, %mul3A_384 : i32
        %add3A_386 = arith.constant 3 : i32
        %add3A_387 = arith.addi %mul3A_385, %add3A_386 : i32
        %dma_start3A_388 = arith.constant 384 : i32
        %dma_start3A_389 = arith.constant 0 : i32
        %dma_start3A_390 = tpu.memref_slice %arg9[%rem3A_341, %dma_start3A_388, %dma_start3A_389] : memref<4x512x32xf32, #tpu.memory_space<vmem>> -> memref<1x128x32xf32, #tpu.memory_space<vmem>>
        %dma_start3A_391 = tpu.memref_squeeze %dma_start3A_390 : memref<1x128x32xf32, #tpu.memory_space<vmem>> -> memref<128x32xf32, #tpu.memory_space<vmem>>
        %dma_start3A_392 = arith.constant 0 : i32
        %dma_start3A_393 = tpu.memref_slice %arg7[%add3A_387, %dma_start3A_392] : memref<80x128xi32, #tpu.memory_space<vmem>> -> memref<1x128xi32, #tpu.memory_space<vmem>>
        %dma_start3A_394 = tpu.memref_squeeze %dma_start3A_393 : memref<1x128xi32, #tpu.memory_space<vmem>> -> memref<128xi32, #tpu.memory_space<vmem>>
        %dma_start3A_395 = arith.constant 0 : i32
        %dma_start3A_396 = arith.constant 0 : i32
        %dma_start3A_397 = tpu.memref_slice %arg2[%dma_start3A_395, %dma_start3A_396] : memref<10240x32xf32, #tpu.memory_space<hbm>> -> memref<10240x32xf32, #tpu.memory_space<hbm>>
        tpu.enqueue_indirect_dma source(%dma_start3A_397 : memref<10240x32xf32, #tpu.memory_space<hbm>>) target(%dma_start3A_391 : memref<128x32xf32, #tpu.memory_space<vmem>>) offsets(%dma_start3A_394 : memref<128xi32, #tpu.memory_space<vmem>>) semaphore(%arg11 : memref<!tpu.dma_semaphore, #tpu.memory_space<semaphore_mem>>)
      } else {
      }
      %mul3A_165 = arith.constant 4 : i32
      %mul3A_166 = arith.muli %scan3A_158, %mul3A_165 : i32
      %add3A_167 = arith.constant 0 : i32
      %add3A_168 = arith.addi %mul3A_166, %add3A_167 : i32
      %dma_wait3A = arith.constant 0 : i32
      %dma_wait3A_169 = arith.constant 0 : i32
      %dma_wait3A_170 = tpu.memref_slice %arg9[%rem3A_159, %dma_wait3A, %dma_wait3A_169] : memref<4x512x32xf32, #tpu.memory_space<vmem>> -> memref<1x128x32xf32, #tpu.memory_space<vmem>>
      %dma_wait3A_171 = tpu.memref_squeeze %dma_wait3A_170 : memref<1x128x32xf32, #tpu.memory_space<vmem>> -> memref<128x32xf32, #tpu.memory_space<vmem>>
      %dma_wait3A_172 = arith.constant 0 : i32
      %dma_wait3A_173 = tpu.memref_slice %arg7[%add3A_168, %dma_wait3A_172] : memref<80x128xi32, #tpu.memory_space<vmem>> -> memref<1x128xi32, #tpu.memory_space<vmem>>
      %dma_wait3A_174 = tpu.memref_squeeze %dma_wait3A_173 : memref<1x128xi32, #tpu.memory_space<vmem>> -> memref<128xi32, #tpu.memory_space<vmem>>
      %dma_wait3A_175 = arith.constant 0 : i32
      %dma_wait3A_176 = arith.constant 0 : i32
      %dma_wait3A_177 = tpu.memref_slice %arg2[%dma_wait3A_175, %dma_wait3A_176] : memref<10240x32xf32, #tpu.memory_space<hbm>> -> memref<10240x32xf32, #tpu.memory_space<hbm>>
      tpu.wait_indirect_dma semaphore(%arg11 : memref<!tpu.dma_semaphore, #tpu.memory_space<semaphore_mem>>) src(%dma_wait3A_177 : memref<10240x32xf32, #tpu.memory_space<hbm>>) dst(%dma_wait3A_171 : memref<128x32xf32, #tpu.memory_space<vmem>>)
      %mul3A_178 = arith.constant 4 : i32
      %mul3A_179 = arith.muli %scan3A_158, %mul3A_178 : i32
      %add3A_180 = arith.constant 1 : i32
      %add3A_181 = arith.addi %mul3A_179, %add3A_180 : i32
      %dma_wait3A_182 = arith.constant 128 : i32
      %dma_wait3A_183 = arith.constant 0 : i32
      %dma_wait3A_184 = tpu.memref_slice %arg9[%rem3A_159, %dma_wait3A_182, %dma_wait3A_183] : memref<4x512x32xf32, #tpu.memory_space<vmem>> -> memref<1x128x32xf32, #tpu.memory_space<vmem>>
      %dma_wait3A_185 = tpu.memref_squeeze %dma_wait3A_184 : memref<1x128x32xf32, #tpu.memory_space<vmem>> -> memref<128x32xf32, #tpu.memory_space<vmem>>
      %dma_wait3A_186 = arith.constant 0 : i32
      %dma_wait3A_187 = tpu.memref_slice %arg7[%add3A_181, %dma_wait3A_186] : memref<80x128xi32, #tpu.memory_space<vmem>> -> memref<1x128xi32, #tpu.memory_space<vmem>>
      %dma_wait3A_188 = tpu.memref_squeeze %dma_wait3A_187 : memref<1x128xi32, #tpu.memory_space<vmem>> -> memref<128xi32, #tpu.memory_space<vmem>>
      %dma_wait3A_189 = arith.constant 0 : i32
      %dma_wait3A_190 = arith.constant 0 : i32
      %dma_wait3A_191 = tpu.memref_slice %arg2[%dma_wait3A_189, %dma_wait3A_190] : memref<10240x32xf32, #tpu.memory_space<hbm>> -> memref<10240x32xf32, #tpu.memory_space<hbm>>
      tpu.wait_indirect_dma semaphore(%arg11 : memref<!tpu.dma_semaphore, #tpu.memory_space<semaphore_mem>>) src(%dma_wait3A_191 : memref<10240x32xf32, #tpu.memory_space<hbm>>) dst(%dma_wait3A_185 : memref<128x32xf32, #tpu.memory_space<vmem>>)
      %mul3A_192 = arith.constant 4 : i32
      %mul3A_193 = arith.muli %scan3A_158, %mul3A_192 : i32
      %add3A_194 = arith.constant 2 : i32
      %add3A_195 = arith.addi %mul3A_193, %add3A_194 : i32
      %dma_wait3A_196 = arith.constant 256 : i32
      %dma_wait3A_197 = arith.constant 0 : i32
      %dma_wait3A_198 = tpu.memref_slice %arg9[%rem3A_159, %dma_wait3A_196, %dma_wait3A_197] : memref<4x512x32xf32, #tpu.memory_space<vmem>> -> memref<1x128x32xf32, #tpu.memory_space<vmem>>
      %dma_wait3A_199 = tpu.memref_squeeze %dma_wait3A_198 : memref<1x128x32xf32, #tpu.memory_space<vmem>> -> memref<128x32xf32, #tpu.memory_space<vmem>>
      %dma_wait3A_200 = arith.constant 0 : i32
      %dma_wait3A_201 = tpu.memref_slice %arg7[%add3A_195, %dma_wait3A_200] : memref<80x128xi32, #tpu.memory_space<vmem>> -> memref<1x128xi32, #tpu.memory_space<vmem>>
      %dma_wait3A_202 = tpu.memref_squeeze %dma_wait3A_201 : memref<1x128xi32, #tpu.memory_space<vmem>> -> memref<128xi32, #tpu.memory_space<vmem>>
      %dma_wait3A_203 = arith.constant 0 : i32
      %dma_wait3A_204 = arith.constant 0 : i32
      %dma_wait3A_205 = tpu.memref_slice %arg2[%dma_wait3A_203, %dma_wait3A_204] : memref<10240x32xf32, #tpu.memory_space<hbm>> -> memref<10240x32xf32, #tpu.memory_space<hbm>>
      tpu.wait_indirect_dma semaphore(%arg11 : memref<!tpu.dma_semaphore, #tpu.memory_space<semaphore_mem>>) src(%dma_wait3A_205 : memref<10240x32xf32, #tpu.memory_space<hbm>>) dst(%dma_wait3A_199 : memref<128x32xf32, #tpu.memory_space<vmem>>)
      %mul3A_206 = arith.constant 4 : i32
      %mul3A_207 = arith.muli %scan3A_158, %mul3A_206 : i32
      %add3A_208 = arith.constant 3 : i32
      %add3A_209 = arith.addi %mul3A_207, %add3A_208 : i32
      %dma_wait3A_210 = arith.constant 384 : i32
      %dma_wait3A_211 = arith.constant 0 : i32
      %dma_wait3A_212 = tpu.memref_slice %arg9[%rem3A_159, %dma_wait3A_210, %dma_wait3A_211] : memref<4x512x32xf32, #tpu.memory_space<vmem>> -> memref<1x128x32xf32, #tpu.memory_space<vmem>>
      %dma_wait3A_213 = tpu.memref_squeeze %dma_wait3A_212 : memref<1x128x32xf32, #tpu.memory_space<vmem>> -> memref<128x32xf32, #tpu.memory_space<vmem>>
      %dma_wait3A_214 = arith.constant 0 : i32
      %dma_wait3A_215 = tpu.memref_slice %arg7[%add3A_209, %dma_wait3A_214] : memref<80x128xi32, #tpu.memory_space<vmem>> -> memref<1x128xi32, #tpu.memory_space<vmem>>
      %dma_wait3A_216 = tpu.memref_squeeze %dma_wait3A_215 : memref<1x128xi32, #tpu.memory_space<vmem>> -> memref<128xi32, #tpu.memory_space<vmem>>
      %dma_wait3A_217 = arith.constant 0 : i32
      %dma_wait3A_218 = arith.constant 0 : i32
      %dma_wait3A_219 = tpu.memref_slice %arg2[%dma_wait3A_217, %dma_wait3A_218] : memref<10240x32xf32, #tpu.memory_space<hbm>> -> memref<10240x32xf32, #tpu.memory_space<hbm>>
      tpu.wait_indirect_dma semaphore(%arg11 : memref<!tpu.dma_semaphore, #tpu.memory_space<semaphore_mem>>) src(%dma_wait3A_219 : memref<10240x32xf32, #tpu.memory_space<hbm>>) dst(%dma_wait3A_213 : memref<128x32xf32, #tpu.memory_space<vmem>>)
      %mul3A_220 = arith.constant 4 : i32
      %mul3A_221 = arith.muli %scan3A_158, %mul3A_220 : i32
      %add3A_222 = arith.constant 0 : i32
      %add3A_223 = arith.addi %mul3A_221, %add3A_222 : i32
      %dma_start3A_224 = arith.constant 0 : i32
      %dma_start3A_225 = arith.constant 0 : i32
      %dma_start3A_226 = tpu.memref_slice %arg9[%rem3A_159, %dma_start3A_224, %dma_start3A_225] : memref<4x512x32xf32, #tpu.memory_space<vmem>> -> memref<1x128x32xf32, #tpu.memory_space<vmem>>
      %dma_start3A_227 = tpu.memref_squeeze %dma_start3A_226 : memref<1x128x32xf32, #tpu.memory_space<vmem>> -> memref<128x32xf32, #tpu.memory_space<vmem>>
      %dma_start3A_228 = arith.constant 0 : i32
      %dma_start3A_229 = tpu.memref_slice %arg8[%add3A_223, %dma_start3A_228] : memref<80x128xi32, #tpu.memory_space<vmem>> -> memref<1x128xi32, #tpu.memory_space<vmem>>
      %dma_start3A_230 = tpu.memref_squeeze %dma_start3A_229 : memref<1x128xi32, #tpu.memory_space<vmem>> -> memref<128xi32, #tpu.memory_space<vmem>>
      %dma_start3A_231 = arith.constant 0 : i32
      %dma_start3A_232 = arith.constant 0 : i32
      %dma_start3A_233 = tpu.memref_slice %arg10[%dma_start3A_231, %dma_start3A_232] : memref<10240x32xf32, #tpu.memory_space<vmem_shared>> -> memref<10240x32xf32, #tpu.memory_space<vmem_shared>>
      tpu.enqueue_indirect_dma source(%dma_start3A_227 : memref<128x32xf32, #tpu.memory_space<vmem>>) target(%dma_start3A_233 : memref<10240x32xf32, #tpu.memory_space<vmem_shared>>) offsets(%dma_start3A_230 : memref<128xi32, #tpu.memory_space<vmem>>) semaphore(%arg12 : memref<!tpu.dma_semaphore, #tpu.memory_space<semaphore_mem>>) {add = true}
      %mul3A_234 = arith.constant 4 : i32
      %mul3A_235 = arith.muli %scan3A_158, %mul3A_234 : i32
      %add3A_236 = arith.constant 1 : i32
      %add3A_237 = arith.addi %mul3A_235, %add3A_236 : i32
      %dma_start3A_238 = arith.constant 128 : i32
      %dma_start3A_239 = arith.constant 0 : i32
      %dma_start3A_240 = tpu.memref_slice %arg9[%rem3A_159, %dma_start3A_238, %dma_start3A_239] : memref<4x512x32xf32, #tpu.memory_space<vmem>> -> memref<1x128x32xf32, #tpu.memory_space<vmem>>
      %dma_start3A_241 = tpu.memref_squeeze %dma_start3A_240 : memref<1x128x32xf32, #tpu.memory_space<vmem>> -> memref<128x32xf32, #tpu.memory_space<vmem>>
      %dma_start3A_242 = arith.constant 0 : i32
      %dma_start3A_243 = tpu.memref_slice %arg8[%add3A_237, %dma_start3A_242] : memref<80x128xi32, #tpu.memory_space<vmem>> -> memref<1x128xi32, #tpu.memory_space<vmem>>
      %dma_start3A_244 = tpu.memref_squeeze %dma_start3A_243 : memref<1x128xi32, #tpu.memory_space<vmem>> -> memref<128xi32, #tpu.memory_space<vmem>>
      %dma_start3A_245 = arith.constant 0 : i32
      %dma_start3A_246 = arith.constant 0 : i32
      %dma_start3A_247 = tpu.memref_slice %arg10[%dma_start3A_245, %dma_start3A_246] : memref<10240x32xf32, #tpu.memory_space<vmem_shared>> -> memref<10240x32xf32, #tpu.memory_space<vmem_shared>>
      tpu.enqueue_indirect_dma source(%dma_start3A_241 : memref<128x32xf32, #tpu.memory_space<vmem>>) target(%dma_start3A_247 : memref<10240x32xf32, #tpu.memory_space<vmem_shared>>) offsets(%dma_start3A_244 : memref<128xi32, #tpu.memory_space<vmem>>) semaphore(%arg12 : memref<!tpu.dma_semaphore, #tpu.memory_space<semaphore_mem>>) {add = true}
      %mul3A_248 = arith.constant 4 : i32
      %mul3A_249 = arith.muli %scan3A_158, %mul3A_248 : i32
      %add3A_250 = arith.constant 2 : i32
      %add3A_251 = arith.addi %mul3A_249, %add3A_250 : i32
      %dma_start3A_252 = arith.constant 256 : i32
      %dma_start3A_253 = arith.constant 0 : i32
      %dma_start3A_254 = tpu.memref_slice %arg9[%rem3A_159, %dma_start3A_252, %dma_start3A_253] : memref<4x512x32xf32, #tpu.memory_space<vmem>> -> memref<1x128x32xf32, #tpu.memory_space<vmem>>
      %dma_start3A_255 = tpu.memref_squeeze %dma_start3A_254 : memref<1x128x32xf32, #tpu.memory_space<vmem>> -> memref<128x32xf32, #tpu.memory_space<vmem>>
      %dma_start3A_256 = arith.constant 0 : i32
      %dma_start3A_257 = tpu.memref_slice %arg8[%add3A_251, %dma_start3A_256] : memref<80x128xi32, #tpu.memory_space<vmem>> -> memref<1x128xi32, #tpu.memory_space<vmem>>
      %dma_start3A_258 = tpu.memref_squeeze %dma_start3A_257 : memref<1x128xi32, #tpu.memory_space<vmem>> -> memref<128xi32, #tpu.memory_space<vmem>>
      %dma_start3A_259 = arith.constant 0 : i32
      %dma_start3A_260 = arith.constant 0 : i32
      %dma_start3A_261 = tpu.memref_slice %arg10[%dma_start3A_259, %dma_start3A_260] : memref<10240x32xf32, #tpu.memory_space<vmem_shared>> -> memref<10240x32xf32, #tpu.memory_space<vmem_shared>>
      tpu.enqueue_indirect_dma source(%dma_start3A_255 : memref<128x32xf32, #tpu.memory_space<vmem>>) target(%dma_start3A_261 : memref<10240x32xf32, #tpu.memory_space<vmem_shared>>) offsets(%dma_start3A_258 : memref<128xi32, #tpu.memory_space<vmem>>) semaphore(%arg12 : memref<!tpu.dma_semaphore, #tpu.memory_space<semaphore_mem>>) {add = true}
      %mul3A_262 = arith.constant 4 : i32
      %mul3A_263 = arith.muli %scan3A_158, %mul3A_262 : i32
      %add3A_264 = arith.constant 3 : i32
      %add3A_265 = arith.addi %mul3A_263, %add3A_264 : i32
      %dma_start3A_266 = arith.constant 384 : i32
      %dma_start3A_267 = arith.constant 0 : i32
      %dma_start3A_268 = tpu.memref_slice %arg9[%rem3A_159, %dma_start3A_266, %dma_start3A_267] : memref<4x512x32xf32, #tpu.memory_space<vmem>> -> memref<1x128x32xf32, #tpu.memory_space<vmem>>
      %dma_start3A_269 = tpu.memref_squeeze %dma_start3A_268 : memref<1x128x32xf32, #tpu.memory_space<vmem>> -> memref<128x32xf32, #tpu.memory_space<vmem>>
      %dma_start3A_270 = arith.constant 0 : i32
      %dma_start3A_271 = tpu.memref_slice %arg8[%add3A_265, %dma_start3A_270] : memref<80x128xi32, #tpu.memory_space<vmem>> -> memref<1x128xi32, #tpu.memory_space<vmem>>
      %dma_start3A_272 = tpu.memref_squeeze %dma_start3A_271 : memref<1x128xi32, #tpu.memory_space<vmem>> -> memref<128xi32, #tpu.memory_space<vmem>>
      %dma_start3A_273 = arith.constant 0 : i32
      %dma_start3A_274 = arith.constant 0 : i32
      %dma_start3A_275 = tpu.memref_slice %arg10[%dma_start3A_273, %dma_start3A_274] : memref<10240x32xf32, #tpu.memory_space<vmem_shared>> -> memref<10240x32xf32, #tpu.memory_space<vmem_shared>>
      tpu.enqueue_indirect_dma source(%dma_start3A_269 : memref<128x32xf32, #tpu.memory_space<vmem>>) target(%dma_start3A_275 : memref<10240x32xf32, #tpu.memory_space<vmem_shared>>) offsets(%dma_start3A_272 : memref<128xi32, #tpu.memory_space<vmem>>) semaphore(%arg12 : memref<!tpu.dma_semaphore, #tpu.memory_space<semaphore_mem>>) {add = true}
      %mul3A_276 = arith.constant 4 : i32
      %mul3A_277 = arith.muli %scan3A_158, %mul3A_276 : i32
      %add3A_278 = arith.constant 0 : i32
      %add3A_279 = arith.addi %mul3A_277, %add3A_278 : i32
      %dma_wait3A_280 = arith.constant 0 : i32
      %dma_wait3A_281 = arith.constant 0 : i32
      %dma_wait3A_282 = tpu.memref_slice %arg9[%rem3A_159, %dma_wait3A_280, %dma_wait3A_281] : memref<4x512x32xf32, #tpu.memory_space<vmem>> -> memref<1x128x32xf32, #tpu.memory_space<vmem>>
      %dma_wait3A_283 = tpu.memref_squeeze %dma_wait3A_282 : memref<1x128x32xf32, #tpu.memory_space<vmem>> -> memref<128x32xf32, #tpu.memory_space<vmem>>
      %dma_wait3A_284 = arith.constant 0 : i32
      %dma_wait3A_285 = tpu.memref_slice %arg8[%add3A_279, %dma_wait3A_284] : memref<80x128xi32, #tpu.memory_space<vmem>> -> memref<1x128xi32, #tpu.memory_space<vmem>>
      %dma_wait3A_286 = tpu.memref_squeeze %dma_wait3A_285 : memref<1x128xi32, #tpu.memory_space<vmem>> -> memref<128xi32, #tpu.memory_space<vmem>>
      %dma_wait3A_287 = arith.constant 0 : i32
      %dma_wait3A_288 = arith.constant 0 : i32
      %dma_wait3A_289 = tpu.memref_slice %arg10[%dma_wait3A_287, %dma_wait3A_288] : memref<10240x32xf32, #tpu.memory_space<vmem_shared>> -> memref<10240x32xf32, #tpu.memory_space<vmem_shared>>
      tpu.wait_indirect_dma semaphore(%arg12 : memref<!tpu.dma_semaphore, #tpu.memory_space<semaphore_mem>>) src(%dma_wait3A_283 : memref<128x32xf32, #tpu.memory_space<vmem>>) dst(%dma_wait3A_289 : memref<10240x32xf32, #tpu.memory_space<vmem_shared>>)
      %mul3A_290 = arith.constant 4 : i32
      %mul3A_291 = arith.muli %scan3A_158, %mul3A_290 : i32
      %add3A_292 = arith.constant 1 : i32
      %add3A_293 = arith.addi %mul3A_291, %add3A_292 : i32
      %dma_wait3A_294 = arith.constant 128 : i32
      %dma_wait3A_295 = arith.constant 0 : i32
      %dma_wait3A_296 = tpu.memref_slice %arg9[%rem3A_159, %dma_wait3A_294, %dma_wait3A_295] : memref<4x512x32xf32, #tpu.memory_space<vmem>> -> memref<1x128x32xf32, #tpu.memory_space<vmem>>
      %dma_wait3A_297 = tpu.memref_squeeze %dma_wait3A_296 : memref<1x128x32xf32, #tpu.memory_space<vmem>> -> memref<128x32xf32, #tpu.memory_space<vmem>>
      %dma_wait3A_298 = arith.constant 0 : i32
      %dma_wait3A_299 = tpu.memref_slice %arg8[%add3A_293, %dma_wait3A_298] : memref<80x128xi32, #tpu.memory_space<vmem>> -> memref<1x128xi32, #tpu.memory_space<vmem>>
      %dma_wait3A_300 = tpu.memref_squeeze %dma_wait3A_299 : memref<1x128xi32, #tpu.memory_space<vmem>> -> memref<128xi32, #tpu.memory_space<vmem>>
      %dma_wait3A_301 = arith.constant 0 : i32
      %dma_wait3A_302 = arith.constant 0 : i32
      %dma_wait3A_303 = tpu.memref_slice %arg10[%dma_wait3A_301, %dma_wait3A_302] : memref<10240x32xf32, #tpu.memory_space<vmem_shared>> -> memref<10240x32xf32, #tpu.memory_space<vmem_shared>>
      tpu.wait_indirect_dma semaphore(%arg12 : memref<!tpu.dma_semaphore, #tpu.memory_space<semaphore_mem>>) src(%dma_wait3A_297 : memref<128x32xf32, #tpu.memory_space<vmem>>) dst(%dma_wait3A_303 : memref<10240x32xf32, #tpu.memory_space<vmem_shared>>)
      %mul3A_304 = arith.constant 4 : i32
      %mul3A_305 = arith.muli %scan3A_158, %mul3A_304 : i32
      %add3A_306 = arith.constant 2 : i32
      %add3A_307 = arith.addi %mul3A_305, %add3A_306 : i32
      %dma_wait3A_308 = arith.constant 256 : i32
      %dma_wait3A_309 = arith.constant 0 : i32
      %dma_wait3A_310 = tpu.memref_slice %arg9[%rem3A_159, %dma_wait3A_308, %dma_wait3A_309] : memref<4x512x32xf32, #tpu.memory_space<vmem>> -> memref<1x128x32xf32, #tpu.memory_space<vmem>>
      %dma_wait3A_311 = tpu.memref_squeeze %dma_wait3A_310 : memref<1x128x32xf32, #tpu.memory_space<vmem>> -> memref<128x32xf32, #tpu.memory_space<vmem>>
      %dma_wait3A_312 = arith.constant 0 : i32
      %dma_wait3A_313 = tpu.memref_slice %arg8[%add3A_307, %dma_wait3A_312] : memref<80x128xi32, #tpu.memory_space<vmem>> -> memref<1x128xi32, #tpu.memory_space<vmem>>
      %dma_wait3A_314 = tpu.memref_squeeze %dma_wait3A_313 : memref<1x128xi32, #tpu.memory_space<vmem>> -> memref<128xi32, #tpu.memory_space<vmem>>
      %dma_wait3A_315 = arith.constant 0 : i32
      %dma_wait3A_316 = arith.constant 0 : i32
      %dma_wait3A_317 = tpu.memref_slice %arg10[%dma_wait3A_315, %dma_wait3A_316] : memref<10240x32xf32, #tpu.memory_space<vmem_shared>> -> memref<10240x32xf32, #tpu.memory_space<vmem_shared>>
      tpu.wait_indirect_dma semaphore(%arg12 : memref<!tpu.dma_semaphore, #tpu.memory_space<semaphore_mem>>) src(%dma_wait3A_311 : memref<128x32xf32, #tpu.memory_space<vmem>>) dst(%dma_wait3A_317 : memref<10240x32xf32, #tpu.memory_space<vmem_shared>>)
      %mul3A_318 = arith.constant 4 : i32
      %mul3A_319 = arith.muli %scan3A_158, %mul3A_318 : i32
      %add3A_320 = arith.constant 3 : i32
      %add3A_321 = arith.addi %mul3A_319, %add3A_320 : i32
      %dma_wait3A_322 = arith.constant 384 : i32
      %dma_wait3A_323 = arith.constant 0 : i32
      %dma_wait3A_324 = tpu.memref_slice %arg9[%rem3A_159, %dma_wait3A_322, %dma_wait3A_323] : memref<4x512x32xf32, #tpu.memory_space<vmem>> -> memref<1x128x32xf32, #tpu.memory_space<vmem>>
      %dma_wait3A_325 = tpu.memref_squeeze %dma_wait3A_324 : memref<1x128x32xf32, #tpu.memory_space<vmem>> -> memref<128x32xf32, #tpu.memory_space<vmem>>
      %dma_wait3A_326 = arith.constant 0 : i32
      %dma_wait3A_327 = tpu.memref_slice %arg8[%add3A_321, %dma_wait3A_326] : memref<80x128xi32, #tpu.memory_space<vmem>> -> memref<1x128xi32, #tpu.memory_space<vmem>>
      %dma_wait3A_328 = tpu.memref_squeeze %dma_wait3A_327 : memref<1x128xi32, #tpu.memory_space<vmem>> -> memref<128xi32, #tpu.memory_space<vmem>>
      %dma_wait3A_329 = arith.constant 0 : i32
      %dma_wait3A_330 = arith.constant 0 : i32
      %dma_wait3A_331 = tpu.memref_slice %arg10[%dma_wait3A_329, %dma_wait3A_330] : memref<10240x32xf32, #tpu.memory_space<vmem_shared>> -> memref<10240x32xf32, #tpu.memory_space<vmem_shared>>
      tpu.wait_indirect_dma semaphore(%arg12 : memref<!tpu.dma_semaphore, #tpu.memory_space<semaphore_mem>>) src(%dma_wait3A_325 : memref<128x32xf32, #tpu.memory_space<vmem>>) dst(%dma_wait3A_331 : memref<10240x32xf32, #tpu.memory_space<vmem_shared>>)
    }
    %scan3A_152 = arith.constant 20 : i32
    %barrier3A_153 = arith.constant 0 : index
    tpu.barrier barrier_id(%barrier3A_153)
    %mul3A_154 = arith.constant 640 : i32
    %mul3A_155 = arith.muli %arg1, %mul3A_154 : i32
    %mul3A_156 = arith.constant 640 : i32
    %mul3A_157 = arith.muli %arg1, %mul3A_156 : i32
    "tpu.region"() ({
      %run_scoped3A = tpu.sem_alloc : memref<!tpu.dma_semaphore, #tpu.memory_space<semaphore_mem>>
      %dma_start3A_158 = arith.constant 0 : i32
      %dma_start3A_159 = tpu.memref_slice %arg6[%arg0, %mul3A_157, %dma_start3A_158] : memref<2x10240x32xf32, #tpu.memory_space<hbm>> -> memref<1x640x32xf32, #tpu.memory_space<hbm>>
      %dma_start3A_160 = tpu.memref_squeeze %dma_start3A_159 : memref<1x640x32xf32, #tpu.memory_space<hbm>> -> memref<640x32xf32, #tpu.memory_space<hbm>>
      %dma_start3A_161 = arith.constant 0 : i32
      %dma_start3A_162 = tpu.memref_slice %arg10[%mul3A_155, %dma_start3A_161] : memref<10240x32xf32, #tpu.memory_space<vmem_shared>> -> memref<640x32xf32, #tpu.memory_space<vmem_shared>>
      tpu.enqueue_dma source(%dma_start3A_162 : memref<640x32xf32, #tpu.memory_space<vmem_shared>>) target(%dma_start3A_160 : memref<640x32xf32, #tpu.memory_space<hbm>>) target_semaphore(%run_scoped3A : memref<!tpu.dma_semaphore, #tpu.memory_space<semaphore_mem>>)
      %dma_wait3A = arith.constant 0 : i32
      %dma_wait3A_163 = tpu.memref_slice %arg6[%arg0, %mul3A_157, %dma_wait3A] : memref<2x10240x32xf32, #tpu.memory_space<hbm>> -> memref<1x640x32xf32, #tpu.memory_space<hbm>>
      %dma_wait3A_164 = tpu.memref_squeeze %dma_wait3A_163 : memref<1x640x32xf32, #tpu.memory_space<hbm>> -> memref<640x32xf32, #tpu.memory_space<hbm>>
      %dma_wait3A_165 = arith.constant 0 : i32
      %dma_wait3A_166 = tpu.memref_slice %arg10[%mul3A_155, %dma_wait3A_165] : memref<10240x32xf32, #tpu.memory_space<vmem_shared>> -> memref<640x32xf32, #tpu.memory_space<vmem_shared>>
      tpu.wait_dma2 semaphore(%run_scoped3A : memref<!tpu.dma_semaphore, #tpu.memory_space<semaphore_mem>>) src(%dma_wait3A_166 : memref<640x32xf32, #tpu.memory_space<vmem_shared>>) dst(%dma_wait3A_164 : memref<640x32xf32, #tpu.memory_space<hbm>>)
      tpu.yield
    }) : () -> ()
    return
  }
}

#map = affine_map<(d0, d1) -> (0, 0)>
#map1 = affine_map<(d0, d1) -> (0, 0, 0)>
module attributes {stable_mosaic.version = 14 : i64} {
  func.func @_edge_gather(%arg0: i32, %arg1: i32, %arg2: memref<10240x16xf32, #tpu.memory_space<hbm>>, %arg3: memref<32x80x128xi32, #tpu.memory_space<hbm>>, %arg4: memref<32x80x128xi32, #tpu.memory_space<hbm>>, %arg5: memref<40960x128xf32, #tpu.memory_space<hbm>>, %arg6: memref<40960x128xf32, #tpu.memory_space<hbm>>, %arg7: memref<80x128xi32, #tpu.memory_space<vmem>>, %arg8: memref<80x128xi32, #tpu.memory_space<vmem>>, %arg9: memref<2x1024x16xf32, #tpu.memory_space<vmem>>, %arg10: memref<2x128x128xf32, #tpu.memory_space<vmem>>, %arg11: memref<!tpu.dma_semaphore, #tpu.memory_space<semaphore_mem>>, %arg12: memref<!tpu.dma_semaphore, #tpu.memory_space<semaphore_mem>>, %arg13: memref<!tpu.dma_semaphore, #tpu.memory_space<semaphore_mem>>, %arg14: memref<!tpu.dma_semaphore, #tpu.memory_space<semaphore_mem>>) attributes {dimension_semantics = [#tpu.dimension_semantics<core_parallel>, #tpu.dimension_semantics<subcore_parallel>], iteration_bounds = array<i64: 2, 16>, scalar_prefetch = 0 : i64, scratch_operands = 8 : i64, tpu.core_type = #tpu.core_type<sc_vector_subcore>, window_params = [{transform_indices = #map}, {transform_indices = #map1}, {transform_indices = #map1}, {transform_indices = #map}, {transform_indices = #map}]} {
    %mul3A = arith.constant 16 : i32
    %mul3A_0 = arith.muli %arg0, %mul3A : i32
    %add3A = arith.addi %mul3A_0, %arg1 : i32
    "tpu.region"() ({
      %run_scoped3A = tpu.sem_alloc : memref<!tpu.dma_semaphore, #tpu.memory_space<semaphore_mem>>
      %dma_start3A_132 = arith.constant 0 : i32
      %dma_start3A_133 = arith.constant 0 : i32
      %dma_start3A_134 = tpu.memref_slice %arg3[%add3A, %dma_start3A_132, %dma_start3A_133] : memref<32x80x128xi32, #tpu.memory_space<hbm>> -> memref<1x80x128xi32, #tpu.memory_space<hbm>>
      %dma_start3A_135 = tpu.memref_squeeze %dma_start3A_134 : memref<1x80x128xi32, #tpu.memory_space<hbm>> -> memref<80x128xi32, #tpu.memory_space<hbm>>
      %dma_start3A_136 = arith.constant 0 : i32
      %dma_start3A_137 = arith.constant 0 : i32
      %dma_start3A_138 = tpu.memref_slice %arg3[%add3A, %dma_start3A_136, %dma_start3A_137] : memref<32x80x128xi32, #tpu.memory_space<hbm>> -> memref<1x80x128xi32, #tpu.memory_space<hbm>>
      %dma_start3A_139 = tpu.memref_squeeze %dma_start3A_138 : memref<1x80x128xi32, #tpu.memory_space<hbm>> -> memref<80x128xi32, #tpu.memory_space<hbm>>
      tpu.enqueue_dma source(%dma_start3A_139 : memref<80x128xi32, #tpu.memory_space<hbm>>) target(%arg7 : memref<80x128xi32, #tpu.memory_space<vmem>>) target_semaphore(%run_scoped3A : memref<!tpu.dma_semaphore, #tpu.memory_space<semaphore_mem>>)
      %dma_wait3A_140 = arith.constant 0 : i32
      %dma_wait3A_141 = arith.constant 0 : i32
      %dma_wait3A_142 = tpu.memref_slice %arg3[%add3A, %dma_wait3A_140, %dma_wait3A_141] : memref<32x80x128xi32, #tpu.memory_space<hbm>> -> memref<1x80x128xi32, #tpu.memory_space<hbm>>
      %dma_wait3A_143 = tpu.memref_squeeze %dma_wait3A_142 : memref<1x80x128xi32, #tpu.memory_space<hbm>> -> memref<80x128xi32, #tpu.memory_space<hbm>>
      %dma_wait3A_144 = arith.constant 0 : i32
      %dma_wait3A_145 = arith.constant 0 : i32
      %dma_wait3A_146 = tpu.memref_slice %arg3[%add3A, %dma_wait3A_144, %dma_wait3A_145] : memref<32x80x128xi32, #tpu.memory_space<hbm>> -> memref<1x80x128xi32, #tpu.memory_space<hbm>>
      %dma_wait3A_147 = tpu.memref_squeeze %dma_wait3A_146 : memref<1x80x128xi32, #tpu.memory_space<hbm>> -> memref<80x128xi32, #tpu.memory_space<hbm>>
      tpu.wait_dma2 semaphore(%run_scoped3A : memref<!tpu.dma_semaphore, #tpu.memory_space<semaphore_mem>>) src(%dma_wait3A_147 : memref<80x128xi32, #tpu.memory_space<hbm>>) dst(%arg7 : memref<80x128xi32, #tpu.memory_space<vmem>>)
      tpu.yield
    }) : () -> ()
    "tpu.region"() ({
      %run_scoped3A = tpu.sem_alloc : memref<!tpu.dma_semaphore, #tpu.memory_space<semaphore_mem>>
      %dma_start3A_132 = arith.constant 0 : i32
      %dma_start3A_133 = arith.constant 0 : i32
      %dma_start3A_134 = tpu.memref_slice %arg4[%add3A, %dma_start3A_132, %dma_start3A_133] : memref<32x80x128xi32, #tpu.memory_space<hbm>> -> memref<1x80x128xi32, #tpu.memory_space<hbm>>
      %dma_start3A_135 = tpu.memref_squeeze %dma_start3A_134 : memref<1x80x128xi32, #tpu.memory_space<hbm>> -> memref<80x128xi32, #tpu.memory_space<hbm>>
      %dma_start3A_136 = arith.constant 0 : i32
      %dma_start3A_137 = arith.constant 0 : i32
      %dma_start3A_138 = tpu.memref_slice %arg4[%add3A, %dma_start3A_136, %dma_start3A_137] : memref<32x80x128xi32, #tpu.memory_space<hbm>> -> memref<1x80x128xi32, #tpu.memory_space<hbm>>
      %dma_start3A_139 = tpu.memref_squeeze %dma_start3A_138 : memref<1x80x128xi32, #tpu.memory_space<hbm>> -> memref<80x128xi32, #tpu.memory_space<hbm>>
      tpu.enqueue_dma source(%dma_start3A_139 : memref<80x128xi32, #tpu.memory_space<hbm>>) target(%arg8 : memref<80x128xi32, #tpu.memory_space<vmem>>) target_semaphore(%run_scoped3A : memref<!tpu.dma_semaphore, #tpu.memory_space<semaphore_mem>>)
      %dma_wait3A_140 = arith.constant 0 : i32
      %dma_wait3A_141 = arith.constant 0 : i32
      %dma_wait3A_142 = tpu.memref_slice %arg4[%add3A, %dma_wait3A_140, %dma_wait3A_141] : memref<32x80x128xi32, #tpu.memory_space<hbm>> -> memref<1x80x128xi32, #tpu.memory_space<hbm>>
      %dma_wait3A_143 = tpu.memref_squeeze %dma_wait3A_142 : memref<1x80x128xi32, #tpu.memory_space<hbm>> -> memref<80x128xi32, #tpu.memory_space<hbm>>
      %dma_wait3A_144 = arith.constant 0 : i32
      %dma_wait3A_145 = arith.constant 0 : i32
      %dma_wait3A_146 = tpu.memref_slice %arg4[%add3A, %dma_wait3A_144, %dma_wait3A_145] : memref<32x80x128xi32, #tpu.memory_space<hbm>> -> memref<1x80x128xi32, #tpu.memory_space<hbm>>
      %dma_wait3A_147 = tpu.memref_squeeze %dma_wait3A_146 : memref<1x80x128xi32, #tpu.memory_space<hbm>> -> memref<80x128xi32, #tpu.memory_space<hbm>>
      tpu.wait_dma2 semaphore(%run_scoped3A : memref<!tpu.dma_semaphore, #tpu.memory_space<semaphore_mem>>) src(%dma_wait3A_147 : memref<80x128xi32, #tpu.memory_space<hbm>>) dst(%arg8 : memref<80x128xi32, #tpu.memory_space<vmem>>)
      tpu.yield
    }) : () -> ()
    %mul3A_1 = arith.constant 1280 : i32
    %mul3A_2 = arith.muli %add3A, %mul3A_1 : i32
    %dma_start3A = arith.constant 0 : i32
    %dma_start3A_3 = arith.constant 0 : i32
    %dma_start3A_4 = arith.constant 0 : i32
    %dma_start3A_5 = arith.constant 0 : i32
    %dma_start3A_6 = tpu.memref_slice %arg9[%dma_start3A_3, %dma_start3A_4, %dma_start3A_5] : memref<2x1024x16xf32, #tpu.memory_space<vmem>> -> memref<1x128x16xf32, #tpu.memory_space<vmem>>
    %dma_start3A_7 = tpu.memref_squeeze %dma_start3A_6 : memref<1x128x16xf32, #tpu.memory_space<vmem>> -> memref<128x16xf32, #tpu.memory_space<vmem>>
    %dma_start3A_8 = arith.constant 0 : i32
    %dma_start3A_9 = tpu.memref_slice %arg7[%dma_start3A, %dma_start3A_8] : memref<80x128xi32, #tpu.memory_space<vmem>> -> memref<1x128xi32, #tpu.memory_space<vmem>>
    %dma_start3A_10 = tpu.memref_squeeze %dma_start3A_9 : memref<1x128xi32, #tpu.memory_space<vmem>> -> memref<128xi32, #tpu.memory_space<vmem>>
    %dma_start3A_11 = arith.constant 0 : i32
    %dma_start3A_12 = arith.constant 0 : i32
    %dma_start3A_13 = tpu.memref_slice %arg2[%dma_start3A_11, %dma_start3A_12] : memref<10240x16xf32, #tpu.memory_space<hbm>> -> memref<10240x16xf32, #tpu.memory_space<hbm>>
    tpu.enqueue_indirect_dma source(%dma_start3A_13 : memref<10240x16xf32, #tpu.memory_space<hbm>>) target(%dma_start3A_7 : memref<128x16xf32, #tpu.memory_space<vmem>>) offsets(%dma_start3A_10 : memref<128xi32, #tpu.memory_space<vmem>>) semaphore(%arg11 : memref<!tpu.dma_semaphore, #tpu.memory_space<semaphore_mem>>)
    %dma_start3A_14 = arith.constant 1 : i32
    %dma_start3A_15 = arith.constant 0 : i32
    %dma_start3A_16 = arith.constant 128 : i32
    %dma_start3A_17 = arith.constant 0 : i32
    %dma_start3A_18 = tpu.memref_slice %arg9[%dma_start3A_15, %dma_start3A_16, %dma_start3A_17] : memref<2x1024x16xf32, #tpu.memory_space<vmem>> -> memref<1x128x16xf32, #tpu.memory_space<vmem>>
    %dma_start3A_19 = tpu.memref_squeeze %dma_start3A_18 : memref<1x128x16xf32, #tpu.memory_space<vmem>> -> memref<128x16xf32, #tpu.memory_space<vmem>>
    %dma_start3A_20 = arith.constant 0 : i32
    %dma_start3A_21 = tpu.memref_slice %arg7[%dma_start3A_14, %dma_start3A_20] : memref<80x128xi32, #tpu.memory_space<vmem>> -> memref<1x128xi32, #tpu.memory_space<vmem>>
    %dma_start3A_22 = tpu.memref_squeeze %dma_start3A_21 : memref<1x128xi32, #tpu.memory_space<vmem>> -> memref<128xi32, #tpu.memory_space<vmem>>
    %dma_start3A_23 = arith.constant 0 : i32
    %dma_start3A_24 = arith.constant 0 : i32
    %dma_start3A_25 = tpu.memref_slice %arg2[%dma_start3A_23, %dma_start3A_24] : memref<10240x16xf32, #tpu.memory_space<hbm>> -> memref<10240x16xf32, #tpu.memory_space<hbm>>
    tpu.enqueue_indirect_dma source(%dma_start3A_25 : memref<10240x16xf32, #tpu.memory_space<hbm>>) target(%dma_start3A_19 : memref<128x16xf32, #tpu.memory_space<vmem>>) offsets(%dma_start3A_22 : memref<128xi32, #tpu.memory_space<vmem>>) semaphore(%arg11 : memref<!tpu.dma_semaphore, #tpu.memory_space<semaphore_mem>>)
    %dma_start3A_26 = arith.constant 2 : i32
    %dma_start3A_27 = arith.constant 0 : i32
    %dma_start3A_28 = arith.constant 256 : i32
    %dma_start3A_29 = arith.constant 0 : i32
    %dma_start3A_30 = tpu.memref_slice %arg9[%dma_start3A_27, %dma_start3A_28, %dma_start3A_29] : memref<2x1024x16xf32, #tpu.memory_space<vmem>> -> memref<1x128x16xf32, #tpu.memory_space<vmem>>
    %dma_start3A_31 = tpu.memref_squeeze %dma_start3A_30 : memref<1x128x16xf32, #tpu.memory_space<vmem>> -> memref<128x16xf32, #tpu.memory_space<vmem>>
    %dma_start3A_32 = arith.constant 0 : i32
    %dma_start3A_33 = tpu.memref_slice %arg7[%dma_start3A_26, %dma_start3A_32] : memref<80x128xi32, #tpu.memory_space<vmem>> -> memref<1x128xi32, #tpu.memory_space<vmem>>
    %dma_start3A_34 = tpu.memref_squeeze %dma_start3A_33 : memref<1x128xi32, #tpu.memory_space<vmem>> -> memref<128xi32, #tpu.memory_space<vmem>>
    %dma_start3A_35 = arith.constant 0 : i32
    %dma_start3A_36 = arith.constant 0 : i32
    %dma_start3A_37 = tpu.memref_slice %arg2[%dma_start3A_35, %dma_start3A_36] : memref<10240x16xf32, #tpu.memory_space<hbm>> -> memref<10240x16xf32, #tpu.memory_space<hbm>>
    tpu.enqueue_indirect_dma source(%dma_start3A_37 : memref<10240x16xf32, #tpu.memory_space<hbm>>) target(%dma_start3A_31 : memref<128x16xf32, #tpu.memory_space<vmem>>) offsets(%dma_start3A_34 : memref<128xi32, #tpu.memory_space<vmem>>) semaphore(%arg11 : memref<!tpu.dma_semaphore, #tpu.memory_space<semaphore_mem>>)
    %dma_start3A_38 = arith.constant 3 : i32
    %dma_start3A_39 = arith.constant 0 : i32
    %dma_start3A_40 = arith.constant 384 : i32
    %dma_start3A_41 = arith.constant 0 : i32
    %dma_start3A_42 = tpu.memref_slice %arg9[%dma_start3A_39, %dma_start3A_40, %dma_start3A_41] : memref<2x1024x16xf32, #tpu.memory_space<vmem>> -> memref<1x128x16xf32, #tpu.memory_space<vmem>>
    %dma_start3A_43 = tpu.memref_squeeze %dma_start3A_42 : memref<1x128x16xf32, #tpu.memory_space<vmem>> -> memref<128x16xf32, #tpu.memory_space<vmem>>
    %dma_start3A_44 = arith.constant 0 : i32
    %dma_start3A_45 = tpu.memref_slice %arg7[%dma_start3A_38, %dma_start3A_44] : memref<80x128xi32, #tpu.memory_space<vmem>> -> memref<1x128xi32, #tpu.memory_space<vmem>>
    %dma_start3A_46 = tpu.memref_squeeze %dma_start3A_45 : memref<1x128xi32, #tpu.memory_space<vmem>> -> memref<128xi32, #tpu.memory_space<vmem>>
    %dma_start3A_47 = arith.constant 0 : i32
    %dma_start3A_48 = arith.constant 0 : i32
    %dma_start3A_49 = tpu.memref_slice %arg2[%dma_start3A_47, %dma_start3A_48] : memref<10240x16xf32, #tpu.memory_space<hbm>> -> memref<10240x16xf32, #tpu.memory_space<hbm>>
    tpu.enqueue_indirect_dma source(%dma_start3A_49 : memref<10240x16xf32, #tpu.memory_space<hbm>>) target(%dma_start3A_43 : memref<128x16xf32, #tpu.memory_space<vmem>>) offsets(%dma_start3A_46 : memref<128xi32, #tpu.memory_space<vmem>>) semaphore(%arg11 : memref<!tpu.dma_semaphore, #tpu.memory_space<semaphore_mem>>)
    %dma_start3A_50 = arith.constant 4 : i32
    %dma_start3A_51 = arith.constant 0 : i32
    %dma_start3A_52 = arith.constant 512 : i32
    %dma_start3A_53 = arith.constant 0 : i32
    %dma_start3A_54 = tpu.memref_slice %arg9[%dma_start3A_51, %dma_start3A_52, %dma_start3A_53] : memref<2x1024x16xf32, #tpu.memory_space<vmem>> -> memref<1x128x16xf32, #tpu.memory_space<vmem>>
    %dma_start3A_55 = tpu.memref_squeeze %dma_start3A_54 : memref<1x128x16xf32, #tpu.memory_space<vmem>> -> memref<128x16xf32, #tpu.memory_space<vmem>>
    %dma_start3A_56 = arith.constant 0 : i32
    %dma_start3A_57 = tpu.memref_slice %arg7[%dma_start3A_50, %dma_start3A_56] : memref<80x128xi32, #tpu.memory_space<vmem>> -> memref<1x128xi32, #tpu.memory_space<vmem>>
    %dma_start3A_58 = tpu.memref_squeeze %dma_start3A_57 : memref<1x128xi32, #tpu.memory_space<vmem>> -> memref<128xi32, #tpu.memory_space<vmem>>
    %dma_start3A_59 = arith.constant 0 : i32
    %dma_start3A_60 = arith.constant 0 : i32
    %dma_start3A_61 = tpu.memref_slice %arg2[%dma_start3A_59, %dma_start3A_60] : memref<10240x16xf32, #tpu.memory_space<hbm>> -> memref<10240x16xf32, #tpu.memory_space<hbm>>
    tpu.enqueue_indirect_dma source(%dma_start3A_61 : memref<10240x16xf32, #tpu.memory_space<hbm>>) target(%dma_start3A_55 : memref<128x16xf32, #tpu.memory_space<vmem>>) offsets(%dma_start3A_58 : memref<128xi32, #tpu.memory_space<vmem>>) semaphore(%arg11 : memref<!tpu.dma_semaphore, #tpu.memory_space<semaphore_mem>>)
    %dma_start3A_62 = arith.constant 5 : i32
    %dma_start3A_63 = arith.constant 0 : i32
    %dma_start3A_64 = arith.constant 640 : i32
    %dma_start3A_65 = arith.constant 0 : i32
    %dma_start3A_66 = tpu.memref_slice %arg9[%dma_start3A_63, %dma_start3A_64, %dma_start3A_65] : memref<2x1024x16xf32, #tpu.memory_space<vmem>> -> memref<1x128x16xf32, #tpu.memory_space<vmem>>
    %dma_start3A_67 = tpu.memref_squeeze %dma_start3A_66 : memref<1x128x16xf32, #tpu.memory_space<vmem>> -> memref<128x16xf32, #tpu.memory_space<vmem>>
    %dma_start3A_68 = arith.constant 0 : i32
    %dma_start3A_69 = tpu.memref_slice %arg7[%dma_start3A_62, %dma_start3A_68] : memref<80x128xi32, #tpu.memory_space<vmem>> -> memref<1x128xi32, #tpu.memory_space<vmem>>
    %dma_start3A_70 = tpu.memref_squeeze %dma_start3A_69 : memref<1x128xi32, #tpu.memory_space<vmem>> -> memref<128xi32, #tpu.memory_space<vmem>>
    %dma_start3A_71 = arith.constant 0 : i32
    %dma_start3A_72 = arith.constant 0 : i32
    %dma_start3A_73 = tpu.memref_slice %arg2[%dma_start3A_71, %dma_start3A_72] : memref<10240x16xf32, #tpu.memory_space<hbm>> -> memref<10240x16xf32, #tpu.memory_space<hbm>>
    tpu.enqueue_indirect_dma source(%dma_start3A_73 : memref<10240x16xf32, #tpu.memory_space<hbm>>) target(%dma_start3A_67 : memref<128x16xf32, #tpu.memory_space<vmem>>) offsets(%dma_start3A_70 : memref<128xi32, #tpu.memory_space<vmem>>) semaphore(%arg11 : memref<!tpu.dma_semaphore, #tpu.memory_space<semaphore_mem>>)
    %dma_start3A_74 = arith.constant 6 : i32
    %dma_start3A_75 = arith.constant 0 : i32
    %dma_start3A_76 = arith.constant 768 : i32
    %dma_start3A_77 = arith.constant 0 : i32
    %dma_start3A_78 = tpu.memref_slice %arg9[%dma_start3A_75, %dma_start3A_76, %dma_start3A_77] : memref<2x1024x16xf32, #tpu.memory_space<vmem>> -> memref<1x128x16xf32, #tpu.memory_space<vmem>>
    %dma_start3A_79 = tpu.memref_squeeze %dma_start3A_78 : memref<1x128x16xf32, #tpu.memory_space<vmem>> -> memref<128x16xf32, #tpu.memory_space<vmem>>
    %dma_start3A_80 = arith.constant 0 : i32
    %dma_start3A_81 = tpu.memref_slice %arg7[%dma_start3A_74, %dma_start3A_80] : memref<80x128xi32, #tpu.memory_space<vmem>> -> memref<1x128xi32, #tpu.memory_space<vmem>>
    %dma_start3A_82 = tpu.memref_squeeze %dma_start3A_81 : memref<1x128xi32, #tpu.memory_space<vmem>> -> memref<128xi32, #tpu.memory_space<vmem>>
    %dma_start3A_83 = arith.constant 0 : i32
    %dma_start3A_84 = arith.constant 0 : i32
    %dma_start3A_85 = tpu.memref_slice %arg2[%dma_start3A_83, %dma_start3A_84] : memref<10240x16xf32, #tpu.memory_space<hbm>> -> memref<10240x16xf32, #tpu.memory_space<hbm>>
    tpu.enqueue_indirect_dma source(%dma_start3A_85 : memref<10240x16xf32, #tpu.memory_space<hbm>>) target(%dma_start3A_79 : memref<128x16xf32, #tpu.memory_space<vmem>>) offsets(%dma_start3A_82 : memref<128xi32, #tpu.memory_space<vmem>>) semaphore(%arg11 : memref<!tpu.dma_semaphore, #tpu.memory_space<semaphore_mem>>)
    %dma_start3A_86 = arith.constant 7 : i32
    %dma_start3A_87 = arith.constant 0 : i32
    %dma_start3A_88 = arith.constant 896 : i32
    %dma_start3A_89 = arith.constant 0 : i32
    %dma_start3A_90 = tpu.memref_slice %arg9[%dma_start3A_87, %dma_start3A_88, %dma_start3A_89] : memref<2x1024x16xf32, #tpu.memory_space<vmem>> -> memref<1x128x16xf32, #tpu.memory_space<vmem>>
    %dma_start3A_91 = tpu.memref_squeeze %dma_start3A_90 : memref<1x128x16xf32, #tpu.memory_space<vmem>> -> memref<128x16xf32, #tpu.memory_space<vmem>>
    %dma_start3A_92 = arith.constant 0 : i32
    %dma_start3A_93 = tpu.memref_slice %arg7[%dma_start3A_86, %dma_start3A_92] : memref<80x128xi32, #tpu.memory_space<vmem>> -> memref<1x128xi32, #tpu.memory_space<vmem>>
    %dma_start3A_94 = tpu.memref_squeeze %dma_start3A_93 : memref<1x128xi32, #tpu.memory_space<vmem>> -> memref<128xi32, #tpu.memory_space<vmem>>
    %dma_start3A_95 = arith.constant 0 : i32
    %dma_start3A_96 = arith.constant 0 : i32
    %dma_start3A_97 = tpu.memref_slice %arg2[%dma_start3A_95, %dma_start3A_96] : memref<10240x16xf32, #tpu.memory_space<hbm>> -> memref<10240x16xf32, #tpu.memory_space<hbm>>
    tpu.enqueue_indirect_dma source(%dma_start3A_97 : memref<10240x16xf32, #tpu.memory_space<hbm>>) target(%dma_start3A_91 : memref<128x16xf32, #tpu.memory_space<vmem>>) offsets(%dma_start3A_94 : memref<128xi32, #tpu.memory_space<vmem>>) semaphore(%arg11 : memref<!tpu.dma_semaphore, #tpu.memory_space<semaphore_mem>>)
    %scan3A = arith.constant 0 : i32
    %scan3A_98 = arith.constant 0 : i32
    %scan3A_99 = arith.constant 10 : i32
    %scan3A_100 = arith.addi %scan3A_98, %scan3A_99 : i32
    %scan3A_101 = arith.constant 1 : i32
    scf.for %scan3A_132 = %scan3A_98 to %scan3A_100 step %scan3A_101  : i32 {
      %mul3A_133 = arith.constant 8 : i32
      %mul3A_134 = arith.muli %scan3A_132, %mul3A_133 : i32
      %add3A_135 = arith.constant 0 : i32
      %add3A_136 = arith.addi %mul3A_134, %add3A_135 : i32
      %dma_start3A_137 = arith.constant 1 : i32
      %dma_start3A_138 = arith.constant 0 : i32
      %dma_start3A_139 = arith.constant 0 : i32
      %dma_start3A_140 = tpu.memref_slice %arg9[%dma_start3A_137, %dma_start3A_138, %dma_start3A_139] : memref<2x1024x16xf32, #tpu.memory_space<vmem>> -> memref<1x128x16xf32, #tpu.memory_space<vmem>>
      %dma_start3A_141 = tpu.memref_squeeze %dma_start3A_140 : memref<1x128x16xf32, #tpu.memory_space<vmem>> -> memref<128x16xf32, #tpu.memory_space<vmem>>
      %dma_start3A_142 = arith.constant 0 : i32
      %dma_start3A_143 = tpu.memref_slice %arg8[%add3A_136, %dma_start3A_142] : memref<80x128xi32, #tpu.memory_space<vmem>> -> memref<1x128xi32, #tpu.memory_space<vmem>>
      %dma_start3A_144 = tpu.memref_squeeze %dma_start3A_143 : memref<1x128xi32, #tpu.memory_space<vmem>> -> memref<128xi32, #tpu.memory_space<vmem>>
      %dma_start3A_145 = arith.constant 0 : i32
      %dma_start3A_146 = arith.constant 0 : i32
      %dma_start3A_147 = tpu.memref_slice %arg2[%dma_start3A_145, %dma_start3A_146] : memref<10240x16xf32, #tpu.memory_space<hbm>> -> memref<10240x16xf32, #tpu.memory_space<hbm>>
      tpu.enqueue_indirect_dma source(%dma_start3A_147 : memref<10240x16xf32, #tpu.memory_space<hbm>>) target(%dma_start3A_141 : memref<128x16xf32, #tpu.memory_space<vmem>>) offsets(%dma_start3A_144 : memref<128xi32, #tpu.memory_space<vmem>>) semaphore(%arg12 : memref<!tpu.dma_semaphore, #tpu.memory_space<semaphore_mem>>)
      %mul3A_148 = arith.constant 8 : i32
      %mul3A_149 = arith.muli %scan3A_132, %mul3A_148 : i32
      %add3A_150 = arith.constant 1 : i32
      %add3A_151 = arith.addi %mul3A_149, %add3A_150 : i32
      %dma_start3A_152 = arith.constant 1 : i32
      %dma_start3A_153 = arith.constant 128 : i32
      %dma_start3A_154 = arith.constant 0 : i32
      %dma_start3A_155 = tpu.memref_slice %arg9[%dma_start3A_152, %dma_start3A_153, %dma_start3A_154] : memref<2x1024x16xf32, #tpu.memory_space<vmem>> -> memref<1x128x16xf32, #tpu.memory_space<vmem>>
      %dma_start3A_156 = tpu.memref_squeeze %dma_start3A_155 : memref<1x128x16xf32, #tpu.memory_space<vmem>> -> memref<128x16xf32, #tpu.memory_space<vmem>>
      %dma_start3A_157 = arith.constant 0 : i32
      %dma_start3A_158 = tpu.memref_slice %arg8[%add3A_151, %dma_start3A_157] : memref<80x128xi32, #tpu.memory_space<vmem>> -> memref<1x128xi32, #tpu.memory_space<vmem>>
      %dma_start3A_159 = tpu.memref_squeeze %dma_start3A_158 : memref<1x128xi32, #tpu.memory_space<vmem>> -> memref<128xi32, #tpu.memory_space<vmem>>
      %dma_start3A_160 = arith.constant 0 : i32
      %dma_start3A_161 = arith.constant 0 : i32
      %dma_start3A_162 = tpu.memref_slice %arg2[%dma_start3A_160, %dma_start3A_161] : memref<10240x16xf32, #tpu.memory_space<hbm>> -> memref<10240x16xf32, #tpu.memory_space<hbm>>
      tpu.enqueue_indirect_dma source(%dma_start3A_162 : memref<10240x16xf32, #tpu.memory_space<hbm>>) target(%dma_start3A_156 : memref<128x16xf32, #tpu.memory_space<vmem>>) offsets(%dma_start3A_159 : memref<128xi32, #tpu.memory_space<vmem>>) semaphore(%arg12 : memref<!tpu.dma_semaphore, #tpu.memory_space<semaphore_mem>>)
      %mul3A_163 = arith.constant 8 : i32
      %mul3A_164 = arith.muli %scan3A_132, %mul3A_163 : i32
      %add3A_165 = arith.constant 2 : i32
      %add3A_166 = arith.addi %mul3A_164, %add3A_165 : i32
      %dma_start3A_167 = arith.constant 1 : i32
      %dma_start3A_168 = arith.constant 256 : i32
      %dma_start3A_169 = arith.constant 0 : i32
      %dma_start3A_170 = tpu.memref_slice %arg9[%dma_start3A_167, %dma_start3A_168, %dma_start3A_169] : memref<2x1024x16xf32, #tpu.memory_space<vmem>> -> memref<1x128x16xf32, #tpu.memory_space<vmem>>
      %dma_start3A_171 = tpu.memref_squeeze %dma_start3A_170 : memref<1x128x16xf32, #tpu.memory_space<vmem>> -> memref<128x16xf32, #tpu.memory_space<vmem>>
      %dma_start3A_172 = arith.constant 0 : i32
      %dma_start3A_173 = tpu.memref_slice %arg8[%add3A_166, %dma_start3A_172] : memref<80x128xi32, #tpu.memory_space<vmem>> -> memref<1x128xi32, #tpu.memory_space<vmem>>
      %dma_start3A_174 = tpu.memref_squeeze %dma_start3A_173 : memref<1x128xi32, #tpu.memory_space<vmem>> -> memref<128xi32, #tpu.memory_space<vmem>>
      %dma_start3A_175 = arith.constant 0 : i32
      %dma_start3A_176 = arith.constant 0 : i32
      %dma_start3A_177 = tpu.memref_slice %arg2[%dma_start3A_175, %dma_start3A_176] : memref<10240x16xf32, #tpu.memory_space<hbm>> -> memref<10240x16xf32, #tpu.memory_space<hbm>>
      tpu.enqueue_indirect_dma source(%dma_start3A_177 : memref<10240x16xf32, #tpu.memory_space<hbm>>) target(%dma_start3A_171 : memref<128x16xf32, #tpu.memory_space<vmem>>) offsets(%dma_start3A_174 : memref<128xi32, #tpu.memory_space<vmem>>) semaphore(%arg12 : memref<!tpu.dma_semaphore, #tpu.memory_space<semaphore_mem>>)
      %mul3A_178 = arith.constant 8 : i32
      %mul3A_179 = arith.muli %scan3A_132, %mul3A_178 : i32
      %add3A_180 = arith.constant 3 : i32
      %add3A_181 = arith.addi %mul3A_179, %add3A_180 : i32
      %dma_start3A_182 = arith.constant 1 : i32
      %dma_start3A_183 = arith.constant 384 : i32
      %dma_start3A_184 = arith.constant 0 : i32
      %dma_start3A_185 = tpu.memref_slice %arg9[%dma_start3A_182, %dma_start3A_183, %dma_start3A_184] : memref<2x1024x16xf32, #tpu.memory_space<vmem>> -> memref<1x128x16xf32, #tpu.memory_space<vmem>>
      %dma_start3A_186 = tpu.memref_squeeze %dma_start3A_185 : memref<1x128x16xf32, #tpu.memory_space<vmem>> -> memref<128x16xf32, #tpu.memory_space<vmem>>
      %dma_start3A_187 = arith.constant 0 : i32
      %dma_start3A_188 = tpu.memref_slice %arg8[%add3A_181, %dma_start3A_187] : memref<80x128xi32, #tpu.memory_space<vmem>> -> memref<1x128xi32, #tpu.memory_space<vmem>>
      %dma_start3A_189 = tpu.memref_squeeze %dma_start3A_188 : memref<1x128xi32, #tpu.memory_space<vmem>> -> memref<128xi32, #tpu.memory_space<vmem>>
      %dma_start3A_190 = arith.constant 0 : i32
      %dma_start3A_191 = arith.constant 0 : i32
      %dma_start3A_192 = tpu.memref_slice %arg2[%dma_start3A_190, %dma_start3A_191] : memref<10240x16xf32, #tpu.memory_space<hbm>> -> memref<10240x16xf32, #tpu.memory_space<hbm>>
      tpu.enqueue_indirect_dma source(%dma_start3A_192 : memref<10240x16xf32, #tpu.memory_space<hbm>>) target(%dma_start3A_186 : memref<128x16xf32, #tpu.memory_space<vmem>>) offsets(%dma_start3A_189 : memref<128xi32, #tpu.memory_space<vmem>>) semaphore(%arg12 : memref<!tpu.dma_semaphore, #tpu.memory_space<semaphore_mem>>)
      %mul3A_193 = arith.constant 8 : i32
      %mul3A_194 = arith.muli %scan3A_132, %mul3A_193 : i32
      %add3A_195 = arith.constant 4 : i32
      %add3A_196 = arith.addi %mul3A_194, %add3A_195 : i32
      %dma_start3A_197 = arith.constant 1 : i32
      %dma_start3A_198 = arith.constant 512 : i32
      %dma_start3A_199 = arith.constant 0 : i32
      %dma_start3A_200 = tpu.memref_slice %arg9[%dma_start3A_197, %dma_start3A_198, %dma_start3A_199] : memref<2x1024x16xf32, #tpu.memory_space<vmem>> -> memref<1x128x16xf32, #tpu.memory_space<vmem>>
      %dma_start3A_201 = tpu.memref_squeeze %dma_start3A_200 : memref<1x128x16xf32, #tpu.memory_space<vmem>> -> memref<128x16xf32, #tpu.memory_space<vmem>>
      %dma_start3A_202 = arith.constant 0 : i32
      %dma_start3A_203 = tpu.memref_slice %arg8[%add3A_196, %dma_start3A_202] : memref<80x128xi32, #tpu.memory_space<vmem>> -> memref<1x128xi32, #tpu.memory_space<vmem>>
      %dma_start3A_204 = tpu.memref_squeeze %dma_start3A_203 : memref<1x128xi32, #tpu.memory_space<vmem>> -> memref<128xi32, #tpu.memory_space<vmem>>
      %dma_start3A_205 = arith.constant 0 : i32
      %dma_start3A_206 = arith.constant 0 : i32
      %dma_start3A_207 = tpu.memref_slice %arg2[%dma_start3A_205, %dma_start3A_206] : memref<10240x16xf32, #tpu.memory_space<hbm>> -> memref<10240x16xf32, #tpu.memory_space<hbm>>
      tpu.enqueue_indirect_dma source(%dma_start3A_207 : memref<10240x16xf32, #tpu.memory_space<hbm>>) target(%dma_start3A_201 : memref<128x16xf32, #tpu.memory_space<vmem>>) offsets(%dma_start3A_204 : memref<128xi32, #tpu.memory_space<vmem>>) semaphore(%arg12 : memref<!tpu.dma_semaphore, #tpu.memory_space<semaphore_mem>>)
      %mul3A_208 = arith.constant 8 : i32
      %mul3A_209 = arith.muli %scan3A_132, %mul3A_208 : i32
      %add3A_210 = arith.constant 5 : i32
      %add3A_211 = arith.addi %mul3A_209, %add3A_210 : i32
      %dma_start3A_212 = arith.constant 1 : i32
      %dma_start3A_213 = arith.constant 640 : i32
      %dma_start3A_214 = arith.constant 0 : i32
      %dma_start3A_215 = tpu.memref_slice %arg9[%dma_start3A_212, %dma_start3A_213, %dma_start3A_214] : memref<2x1024x16xf32, #tpu.memory_space<vmem>> -> memref<1x128x16xf32, #tpu.memory_space<vmem>>
      %dma_start3A_216 = tpu.memref_squeeze %dma_start3A_215 : memref<1x128x16xf32, #tpu.memory_space<vmem>> -> memref<128x16xf32, #tpu.memory_space<vmem>>
      %dma_start3A_217 = arith.constant 0 : i32
      %dma_start3A_218 = tpu.memref_slice %arg8[%add3A_211, %dma_start3A_217] : memref<80x128xi32, #tpu.memory_space<vmem>> -> memref<1x128xi32, #tpu.memory_space<vmem>>
      %dma_start3A_219 = tpu.memref_squeeze %dma_start3A_218 : memref<1x128xi32, #tpu.memory_space<vmem>> -> memref<128xi32, #tpu.memory_space<vmem>>
      %dma_start3A_220 = arith.constant 0 : i32
      %dma_start3A_221 = arith.constant 0 : i32
      %dma_start3A_222 = tpu.memref_slice %arg2[%dma_start3A_220, %dma_start3A_221] : memref<10240x16xf32, #tpu.memory_space<hbm>> -> memref<10240x16xf32, #tpu.memory_space<hbm>>
      tpu.enqueue_indirect_dma source(%dma_start3A_222 : memref<10240x16xf32, #tpu.memory_space<hbm>>) target(%dma_start3A_216 : memref<128x16xf32, #tpu.memory_space<vmem>>) offsets(%dma_start3A_219 : memref<128xi32, #tpu.memory_space<vmem>>) semaphore(%arg12 : memref<!tpu.dma_semaphore, #tpu.memory_space<semaphore_mem>>)
      %mul3A_223 = arith.constant 8 : i32
      %mul3A_224 = arith.muli %scan3A_132, %mul3A_223 : i32
      %add3A_225 = arith.constant 6 : i32
      %add3A_226 = arith.addi %mul3A_224, %add3A_225 : i32
      %dma_start3A_227 = arith.constant 1 : i32
      %dma_start3A_228 = arith.constant 768 : i32
      %dma_start3A_229 = arith.constant 0 : i32
      %dma_start3A_230 = tpu.memref_slice %arg9[%dma_start3A_227, %dma_start3A_228, %dma_start3A_229] : memref<2x1024x16xf32, #tpu.memory_space<vmem>> -> memref<1x128x16xf32, #tpu.memory_space<vmem>>
      %dma_start3A_231 = tpu.memref_squeeze %dma_start3A_230 : memref<1x128x16xf32, #tpu.memory_space<vmem>> -> memref<128x16xf32, #tpu.memory_space<vmem>>
      %dma_start3A_232 = arith.constant 0 : i32
      %dma_start3A_233 = tpu.memref_slice %arg8[%add3A_226, %dma_start3A_232] : memref<80x128xi32, #tpu.memory_space<vmem>> -> memref<1x128xi32, #tpu.memory_space<vmem>>
      %dma_start3A_234 = tpu.memref_squeeze %dma_start3A_233 : memref<1x128xi32, #tpu.memory_space<vmem>> -> memref<128xi32, #tpu.memory_space<vmem>>
      %dma_start3A_235 = arith.constant 0 : i32
      %dma_start3A_236 = arith.constant 0 : i32
      %dma_start3A_237 = tpu.memref_slice %arg2[%dma_start3A_235, %dma_start3A_236] : memref<10240x16xf32, #tpu.memory_space<hbm>> -> memref<10240x16xf32, #tpu.memory_space<hbm>>
      tpu.enqueue_indirect_dma source(%dma_start3A_237 : memref<10240x16xf32, #tpu.memory_space<hbm>>) target(%dma_start3A_231 : memref<128x16xf32, #tpu.memory_space<vmem>>) offsets(%dma_start3A_234 : memref<128xi32, #tpu.memory_space<vmem>>) semaphore(%arg12 : memref<!tpu.dma_semaphore, #tpu.memory_space<semaphore_mem>>)
      %mul3A_238 = arith.constant 8 : i32
      %mul3A_239 = arith.muli %scan3A_132, %mul3A_238 : i32
      %add3A_240 = arith.constant 7 : i32
      %add3A_241 = arith.addi %mul3A_239, %add3A_240 : i32
      %dma_start3A_242 = arith.constant 1 : i32
      %dma_start3A_243 = arith.constant 896 : i32
      %dma_start3A_244 = arith.constant 0 : i32
      %dma_start3A_245 = tpu.memref_slice %arg9[%dma_start3A_242, %dma_start3A_243, %dma_start3A_244] : memref<2x1024x16xf32, #tpu.memory_space<vmem>> -> memref<1x128x16xf32, #tpu.memory_space<vmem>>
      %dma_start3A_246 = tpu.memref_squeeze %dma_start3A_245 : memref<1x128x16xf32, #tpu.memory_space<vmem>> -> memref<128x16xf32, #tpu.memory_space<vmem>>
      %dma_start3A_247 = arith.constant 0 : i32
      %dma_start3A_248 = tpu.memref_slice %arg8[%add3A_241, %dma_start3A_247] : memref<80x128xi32, #tpu.memory_space<vmem>> -> memref<1x128xi32, #tpu.memory_space<vmem>>
      %dma_start3A_249 = tpu.memref_squeeze %dma_start3A_248 : memref<1x128xi32, #tpu.memory_space<vmem>> -> memref<128xi32, #tpu.memory_space<vmem>>
      %dma_start3A_250 = arith.constant 0 : i32
      %dma_start3A_251 = arith.constant 0 : i32
      %dma_start3A_252 = tpu.memref_slice %arg2[%dma_start3A_250, %dma_start3A_251] : memref<10240x16xf32, #tpu.memory_space<hbm>> -> memref<10240x16xf32, #tpu.memory_space<hbm>>
      tpu.enqueue_indirect_dma source(%dma_start3A_252 : memref<10240x16xf32, #tpu.memory_space<hbm>>) target(%dma_start3A_246 : memref<128x16xf32, #tpu.memory_space<vmem>>) offsets(%dma_start3A_249 : memref<128xi32, #tpu.memory_space<vmem>>) semaphore(%arg12 : memref<!tpu.dma_semaphore, #tpu.memory_space<semaphore_mem>>)
      %mul3A_253 = arith.constant 8 : i32
      %mul3A_254 = arith.muli %scan3A_132, %mul3A_253 : i32
      %add3A_255 = arith.constant 0 : i32
      %add3A_256 = arith.addi %mul3A_254, %add3A_255 : i32
      %dma_wait3A_257 = arith.constant 0 : i32
      %dma_wait3A_258 = arith.constant 0 : i32
      %dma_wait3A_259 = arith.constant 0 : i32
      %dma_wait3A_260 = tpu.memref_slice %arg9[%dma_wait3A_257, %dma_wait3A_258, %dma_wait3A_259] : memref<2x1024x16xf32, #tpu.memory_space<vmem>> -> memref<1x128x16xf32, #tpu.memory_space<vmem>>
      %dma_wait3A_261 = tpu.memref_squeeze %dma_wait3A_260 : memref<1x128x16xf32, #tpu.memory_space<vmem>> -> memref<128x16xf32, #tpu.memory_space<vmem>>
      %dma_wait3A_262 = arith.constant 0 : i32
      %dma_wait3A_263 = tpu.memref_slice %arg7[%add3A_256, %dma_wait3A_262] : memref<80x128xi32, #tpu.memory_space<vmem>> -> memref<1x128xi32, #tpu.memory_space<vmem>>
      %dma_wait3A_264 = tpu.memref_squeeze %dma_wait3A_263 : memref<1x128xi32, #tpu.memory_space<vmem>> -> memref<128xi32, #tpu.memory_space<vmem>>
      %dma_wait3A_265 = arith.constant 0 : i32
      %dma_wait3A_266 = arith.constant 0 : i32
      %dma_wait3A_267 = tpu.memref_slice %arg2[%dma_wait3A_265, %dma_wait3A_266] : memref<10240x16xf32, #tpu.memory_space<hbm>> -> memref<10240x16xf32, #tpu.memory_space<hbm>>
      tpu.wait_indirect_dma semaphore(%arg11 : memref<!tpu.dma_semaphore, #tpu.memory_space<semaphore_mem>>) src(%dma_wait3A_267 : memref<10240x16xf32, #tpu.memory_space<hbm>>) dst(%dma_wait3A_261 : memref<128x16xf32, #tpu.memory_space<vmem>>)
      %mul3A_268 = arith.constant 8 : i32
      %mul3A_269 = arith.muli %scan3A_132, %mul3A_268 : i32
      %add3A_270 = arith.constant 1 : i32
      %add3A_271 = arith.addi %mul3A_269, %add3A_270 : i32
      %dma_wait3A_272 = arith.constant 0 : i32
      %dma_wait3A_273 = arith.constant 128 : i32
      %dma_wait3A_274 = arith.constant 0 : i32
      %dma_wait3A_275 = tpu.memref_slice %arg9[%dma_wait3A_272, %dma_wait3A_273, %dma_wait3A_274] : memref<2x1024x16xf32, #tpu.memory_space<vmem>> -> memref<1x128x16xf32, #tpu.memory_space<vmem>>
      %dma_wait3A_276 = tpu.memref_squeeze %dma_wait3A_275 : memref<1x128x16xf32, #tpu.memory_space<vmem>> -> memref<128x16xf32, #tpu.memory_space<vmem>>
      %dma_wait3A_277 = arith.constant 0 : i32
      %dma_wait3A_278 = tpu.memref_slice %arg7[%add3A_271, %dma_wait3A_277] : memref<80x128xi32, #tpu.memory_space<vmem>> -> memref<1x128xi32, #tpu.memory_space<vmem>>
      %dma_wait3A_279 = tpu.memref_squeeze %dma_wait3A_278 : memref<1x128xi32, #tpu.memory_space<vmem>> -> memref<128xi32, #tpu.memory_space<vmem>>
      %dma_wait3A_280 = arith.constant 0 : i32
      %dma_wait3A_281 = arith.constant 0 : i32
      %dma_wait3A_282 = tpu.memref_slice %arg2[%dma_wait3A_280, %dma_wait3A_281] : memref<10240x16xf32, #tpu.memory_space<hbm>> -> memref<10240x16xf32, #tpu.memory_space<hbm>>
      tpu.wait_indirect_dma semaphore(%arg11 : memref<!tpu.dma_semaphore, #tpu.memory_space<semaphore_mem>>) src(%dma_wait3A_282 : memref<10240x16xf32, #tpu.memory_space<hbm>>) dst(%dma_wait3A_276 : memref<128x16xf32, #tpu.memory_space<vmem>>)
      %mul3A_283 = arith.constant 8 : i32
      %mul3A_284 = arith.muli %scan3A_132, %mul3A_283 : i32
      %add3A_285 = arith.constant 2 : i32
      %add3A_286 = arith.addi %mul3A_284, %add3A_285 : i32
      %dma_wait3A_287 = arith.constant 0 : i32
      %dma_wait3A_288 = arith.constant 256 : i32
      %dma_wait3A_289 = arith.constant 0 : i32
      %dma_wait3A_290 = tpu.memref_slice %arg9[%dma_wait3A_287, %dma_wait3A_288, %dma_wait3A_289] : memref<2x1024x16xf32, #tpu.memory_space<vmem>> -> memref<1x128x16xf32, #tpu.memory_space<vmem>>
      %dma_wait3A_291 = tpu.memref_squeeze %dma_wait3A_290 : memref<1x128x16xf32, #tpu.memory_space<vmem>> -> memref<128x16xf32, #tpu.memory_space<vmem>>
      %dma_wait3A_292 = arith.constant 0 : i32
      %dma_wait3A_293 = tpu.memref_slice %arg7[%add3A_286, %dma_wait3A_292] : memref<80x128xi32, #tpu.memory_space<vmem>> -> memref<1x128xi32, #tpu.memory_space<vmem>>
      %dma_wait3A_294 = tpu.memref_squeeze %dma_wait3A_293 : memref<1x128xi32, #tpu.memory_space<vmem>> -> memref<128xi32, #tpu.memory_space<vmem>>
      %dma_wait3A_295 = arith.constant 0 : i32
      %dma_wait3A_296 = arith.constant 0 : i32
      %dma_wait3A_297 = tpu.memref_slice %arg2[%dma_wait3A_295, %dma_wait3A_296] : memref<10240x16xf32, #tpu.memory_space<hbm>> -> memref<10240x16xf32, #tpu.memory_space<hbm>>
      tpu.wait_indirect_dma semaphore(%arg11 : memref<!tpu.dma_semaphore, #tpu.memory_space<semaphore_mem>>) src(%dma_wait3A_297 : memref<10240x16xf32, #tpu.memory_space<hbm>>) dst(%dma_wait3A_291 : memref<128x16xf32, #tpu.memory_space<vmem>>)
      %mul3A_298 = arith.constant 8 : i32
      %mul3A_299 = arith.muli %scan3A_132, %mul3A_298 : i32
      %add3A_300 = arith.constant 3 : i32
      %add3A_301 = arith.addi %mul3A_299, %add3A_300 : i32
      %dma_wait3A_302 = arith.constant 0 : i32
      %dma_wait3A_303 = arith.constant 384 : i32
      %dma_wait3A_304 = arith.constant 0 : i32
      %dma_wait3A_305 = tpu.memref_slice %arg9[%dma_wait3A_302, %dma_wait3A_303, %dma_wait3A_304] : memref<2x1024x16xf32, #tpu.memory_space<vmem>> -> memref<1x128x16xf32, #tpu.memory_space<vmem>>
      %dma_wait3A_306 = tpu.memref_squeeze %dma_wait3A_305 : memref<1x128x16xf32, #tpu.memory_space<vmem>> -> memref<128x16xf32, #tpu.memory_space<vmem>>
      %dma_wait3A_307 = arith.constant 0 : i32
      %dma_wait3A_308 = tpu.memref_slice %arg7[%add3A_301, %dma_wait3A_307] : memref<80x128xi32, #tpu.memory_space<vmem>> -> memref<1x128xi32, #tpu.memory_space<vmem>>
      %dma_wait3A_309 = tpu.memref_squeeze %dma_wait3A_308 : memref<1x128xi32, #tpu.memory_space<vmem>> -> memref<128xi32, #tpu.memory_space<vmem>>
      %dma_wait3A_310 = arith.constant 0 : i32
      %dma_wait3A_311 = arith.constant 0 : i32
      %dma_wait3A_312 = tpu.memref_slice %arg2[%dma_wait3A_310, %dma_wait3A_311] : memref<10240x16xf32, #tpu.memory_space<hbm>> -> memref<10240x16xf32, #tpu.memory_space<hbm>>
      tpu.wait_indirect_dma semaphore(%arg11 : memref<!tpu.dma_semaphore, #tpu.memory_space<semaphore_mem>>) src(%dma_wait3A_312 : memref<10240x16xf32, #tpu.memory_space<hbm>>) dst(%dma_wait3A_306 : memref<128x16xf32, #tpu.memory_space<vmem>>)
      %mul3A_313 = arith.constant 8 : i32
      %mul3A_314 = arith.muli %scan3A_132, %mul3A_313 : i32
      %add3A_315 = arith.constant 4 : i32
      %add3A_316 = arith.addi %mul3A_314, %add3A_315 : i32
      %dma_wait3A_317 = arith.constant 0 : i32
      %dma_wait3A_318 = arith.constant 512 : i32
      %dma_wait3A_319 = arith.constant 0 : i32
      %dma_wait3A_320 = tpu.memref_slice %arg9[%dma_wait3A_317, %dma_wait3A_318, %dma_wait3A_319] : memref<2x1024x16xf32, #tpu.memory_space<vmem>> -> memref<1x128x16xf32, #tpu.memory_space<vmem>>
      %dma_wait3A_321 = tpu.memref_squeeze %dma_wait3A_320 : memref<1x128x16xf32, #tpu.memory_space<vmem>> -> memref<128x16xf32, #tpu.memory_space<vmem>>
      %dma_wait3A_322 = arith.constant 0 : i32
      %dma_wait3A_323 = tpu.memref_slice %arg7[%add3A_316, %dma_wait3A_322] : memref<80x128xi32, #tpu.memory_space<vmem>> -> memref<1x128xi32, #tpu.memory_space<vmem>>
      %dma_wait3A_324 = tpu.memref_squeeze %dma_wait3A_323 : memref<1x128xi32, #tpu.memory_space<vmem>> -> memref<128xi32, #tpu.memory_space<vmem>>
      %dma_wait3A_325 = arith.constant 0 : i32
      %dma_wait3A_326 = arith.constant 0 : i32
      %dma_wait3A_327 = tpu.memref_slice %arg2[%dma_wait3A_325, %dma_wait3A_326] : memref<10240x16xf32, #tpu.memory_space<hbm>> -> memref<10240x16xf32, #tpu.memory_space<hbm>>
      tpu.wait_indirect_dma semaphore(%arg11 : memref<!tpu.dma_semaphore, #tpu.memory_space<semaphore_mem>>) src(%dma_wait3A_327 : memref<10240x16xf32, #tpu.memory_space<hbm>>) dst(%dma_wait3A_321 : memref<128x16xf32, #tpu.memory_space<vmem>>)
      %mul3A_328 = arith.constant 8 : i32
      %mul3A_329 = arith.muli %scan3A_132, %mul3A_328 : i32
      %add3A_330 = arith.constant 5 : i32
      %add3A_331 = arith.addi %mul3A_329, %add3A_330 : i32
      %dma_wait3A_332 = arith.constant 0 : i32
      %dma_wait3A_333 = arith.constant 640 : i32
      %dma_wait3A_334 = arith.constant 0 : i32
      %dma_wait3A_335 = tpu.memref_slice %arg9[%dma_wait3A_332, %dma_wait3A_333, %dma_wait3A_334] : memref<2x1024x16xf32, #tpu.memory_space<vmem>> -> memref<1x128x16xf32, #tpu.memory_space<vmem>>
      %dma_wait3A_336 = tpu.memref_squeeze %dma_wait3A_335 : memref<1x128x16xf32, #tpu.memory_space<vmem>> -> memref<128x16xf32, #tpu.memory_space<vmem>>
      %dma_wait3A_337 = arith.constant 0 : i32
      %dma_wait3A_338 = tpu.memref_slice %arg7[%add3A_331, %dma_wait3A_337] : memref<80x128xi32, #tpu.memory_space<vmem>> -> memref<1x128xi32, #tpu.memory_space<vmem>>
      %dma_wait3A_339 = tpu.memref_squeeze %dma_wait3A_338 : memref<1x128xi32, #tpu.memory_space<vmem>> -> memref<128xi32, #tpu.memory_space<vmem>>
      %dma_wait3A_340 = arith.constant 0 : i32
      %dma_wait3A_341 = arith.constant 0 : i32
      %dma_wait3A_342 = tpu.memref_slice %arg2[%dma_wait3A_340, %dma_wait3A_341] : memref<10240x16xf32, #tpu.memory_space<hbm>> -> memref<10240x16xf32, #tpu.memory_space<hbm>>
      tpu.wait_indirect_dma semaphore(%arg11 : memref<!tpu.dma_semaphore, #tpu.memory_space<semaphore_mem>>) src(%dma_wait3A_342 : memref<10240x16xf32, #tpu.memory_space<hbm>>) dst(%dma_wait3A_336 : memref<128x16xf32, #tpu.memory_space<vmem>>)
      %mul3A_343 = arith.constant 8 : i32
      %mul3A_344 = arith.muli %scan3A_132, %mul3A_343 : i32
      %add3A_345 = arith.constant 6 : i32
      %add3A_346 = arith.addi %mul3A_344, %add3A_345 : i32
      %dma_wait3A_347 = arith.constant 0 : i32
      %dma_wait3A_348 = arith.constant 768 : i32
      %dma_wait3A_349 = arith.constant 0 : i32
      %dma_wait3A_350 = tpu.memref_slice %arg9[%dma_wait3A_347, %dma_wait3A_348, %dma_wait3A_349] : memref<2x1024x16xf32, #tpu.memory_space<vmem>> -> memref<1x128x16xf32, #tpu.memory_space<vmem>>
      %dma_wait3A_351 = tpu.memref_squeeze %dma_wait3A_350 : memref<1x128x16xf32, #tpu.memory_space<vmem>> -> memref<128x16xf32, #tpu.memory_space<vmem>>
      %dma_wait3A_352 = arith.constant 0 : i32
      %dma_wait3A_353 = tpu.memref_slice %arg7[%add3A_346, %dma_wait3A_352] : memref<80x128xi32, #tpu.memory_space<vmem>> -> memref<1x128xi32, #tpu.memory_space<vmem>>
      %dma_wait3A_354 = tpu.memref_squeeze %dma_wait3A_353 : memref<1x128xi32, #tpu.memory_space<vmem>> -> memref<128xi32, #tpu.memory_space<vmem>>
      %dma_wait3A_355 = arith.constant 0 : i32
      %dma_wait3A_356 = arith.constant 0 : i32
      %dma_wait3A_357 = tpu.memref_slice %arg2[%dma_wait3A_355, %dma_wait3A_356] : memref<10240x16xf32, #tpu.memory_space<hbm>> -> memref<10240x16xf32, #tpu.memory_space<hbm>>
      tpu.wait_indirect_dma semaphore(%arg11 : memref<!tpu.dma_semaphore, #tpu.memory_space<semaphore_mem>>) src(%dma_wait3A_357 : memref<10240x16xf32, #tpu.memory_space<hbm>>) dst(%dma_wait3A_351 : memref<128x16xf32, #tpu.memory_space<vmem>>)
      %mul3A_358 = arith.constant 8 : i32
      %mul3A_359 = arith.muli %scan3A_132, %mul3A_358 : i32
      %add3A_360 = arith.constant 7 : i32
      %add3A_361 = arith.addi %mul3A_359, %add3A_360 : i32
      %dma_wait3A_362 = arith.constant 0 : i32
      %dma_wait3A_363 = arith.constant 896 : i32
      %dma_wait3A_364 = arith.constant 0 : i32
      %dma_wait3A_365 = tpu.memref_slice %arg9[%dma_wait3A_362, %dma_wait3A_363, %dma_wait3A_364] : memref<2x1024x16xf32, #tpu.memory_space<vmem>> -> memref<1x128x16xf32, #tpu.memory_space<vmem>>
      %dma_wait3A_366 = tpu.memref_squeeze %dma_wait3A_365 : memref<1x128x16xf32, #tpu.memory_space<vmem>> -> memref<128x16xf32, #tpu.memory_space<vmem>>
      %dma_wait3A_367 = arith.constant 0 : i32
      %dma_wait3A_368 = tpu.memref_slice %arg7[%add3A_361, %dma_wait3A_367] : memref<80x128xi32, #tpu.memory_space<vmem>> -> memref<1x128xi32, #tpu.memory_space<vmem>>
      %dma_wait3A_369 = tpu.memref_squeeze %dma_wait3A_368 : memref<1x128xi32, #tpu.memory_space<vmem>> -> memref<128xi32, #tpu.memory_space<vmem>>
      %dma_wait3A_370 = arith.constant 0 : i32
      %dma_wait3A_371 = arith.constant 0 : i32
      %dma_wait3A_372 = tpu.memref_slice %arg2[%dma_wait3A_370, %dma_wait3A_371] : memref<10240x16xf32, #tpu.memory_space<hbm>> -> memref<10240x16xf32, #tpu.memory_space<hbm>>
      tpu.wait_indirect_dma semaphore(%arg11 : memref<!tpu.dma_semaphore, #tpu.memory_space<semaphore_mem>>) src(%dma_wait3A_372 : memref<10240x16xf32, #tpu.memory_space<hbm>>) dst(%dma_wait3A_366 : memref<128x16xf32, #tpu.memory_space<vmem>>)
      %gt3A = arith.constant 0 : i32
      %gt3A_373 = arith.cmpi sgt, %scan3A_132, %gt3A : i32
      %convert_element_type3A = arith.extui %gt3A_373 : i1 to i32
      %cond3A = arith.constant 0 : i32
      %cond3A_374 = arith.cmpi ne, %convert_element_type3A, %cond3A : i32
      scf.if %cond3A_374 {
        %sub3A = arith.constant 1 : i32
        %sub3A_550 = arith.subi %scan3A_132, %sub3A : i32
        %mul3A_551 = arith.constant 128 : i32
        %mul3A_552 = arith.muli %sub3A_550, %mul3A_551 : i32
        %add3A_553 = arith.addi %mul3A_2, %mul3A_552 : i32
        %dma_wait3A_554 = arith.constant 0 : i32
        %dma_wait3A_555 = arith.constant 0 : i32
        %dma_wait3A_556 = arith.constant 0 : i32
        %dma_wait3A_557 = tpu.memref_slice %arg10[%dma_wait3A_554, %dma_wait3A_555, %dma_wait3A_556] : memref<2x128x128xf32, #tpu.memory_space<vmem>> -> memref<1x128x128xf32, #tpu.memory_space<vmem>>
        %dma_wait3A_558 = tpu.memref_squeeze %dma_wait3A_557 : memref<1x128x128xf32, #tpu.memory_space<vmem>> -> memref<128x128xf32, #tpu.memory_space<vmem>>
        %dma_wait3A_559 = arith.constant 0 : i32
        %dma_wait3A_560 = tpu.memref_slice %arg5[%add3A_553, %dma_wait3A_559] : memref<40960x128xf32, #tpu.memory_space<hbm>> -> memref<128x128xf32, #tpu.memory_space<hbm>>
        %dma_wait3A_561 = arith.constant 0 : i32
        %dma_wait3A_562 = tpu.memref_slice %arg5[%add3A_553, %dma_wait3A_561] : memref<40960x128xf32, #tpu.memory_space<hbm>> -> memref<128x128xf32, #tpu.memory_space<hbm>>
        %dma_wait3A_563 = arith.constant 0 : i32
        %dma_wait3A_564 = arith.constant 0 : i32
        %dma_wait3A_565 = tpu.memref_slice %arg10[%dma_wait3A_554, %dma_wait3A_563, %dma_wait3A_564] : memref<2x128x128xf32, #tpu.memory_space<vmem>> -> memref<1x128x128xf32, #tpu.memory_space<vmem>>
        %dma_wait3A_566 = tpu.memref_squeeze %dma_wait3A_565 : memref<1x128x128xf32, #tpu.memory_space<vmem>> -> memref<128x128xf32, #tpu.memory_space<vmem>>
        tpu.wait_dma2 semaphore(%arg13 : memref<!tpu.dma_semaphore, #tpu.memory_space<semaphore_mem>>) src(%dma_wait3A_566 : memref<128x128xf32, #tpu.memory_space<vmem>>) dst(%dma_wait3A_562 : memref<128x128xf32, #tpu.memory_space<hbm>>)
      } else {
      }
      %scan3A_375 = arith.constant 0 : i32
      %scan3A_376 = arith.constant 0 : i32
      %scan3A_377 = arith.constant 128 : i32
      %scan3A_378 = arith.addi %scan3A_376, %scan3A_377 : i32
      %scan3A_379 = arith.constant 1 : i32
      scf.for %scan3A_550 = %scan3A_376 to %scan3A_378 step %scan3A_379  : i32 {
        %mul3A_551 = arith.constant 8 : i32
        %mul3A_552 = arith.muli %scan3A_550, %mul3A_551 : i32
        %add3A_553 = arith.constant 0 : i32
        %add3A_554 = arith.addi %mul3A_552, %add3A_553 : i32
        %get3A = arith.constant 0 : i32
        %get3A_555 = arith.index_cast %get3A : i32 to index
        %get3A_556 = arith.index_cast %add3A_554 : i32 to index
        %get3A_557 = arith.constant 0 : index
        %get3A_558 = tpu.vector_load %arg9[%get3A_555, %get3A_556, %get3A_557] {strides = array<i32>} : memref<2x1024x16xf32, #tpu.memory_space<vmem>>, vector<1x1x16xf32>,
        %get3A_559 = vector.shape_cast %get3A_558 : vector<1x1x16xf32> to vector<16xf32>
        %swap3A = arith.constant 0 : i32
        %swap3A_560 = arith.index_cast %swap3A : i32 to index
        %swap3A_561 = arith.index_cast %scan3A_550 : i32 to index
        %swap3A_562 = arith.constant 0 : index
        %swap3A_563 = tpu.vector_load %arg10[%swap3A_560, %swap3A_561, %swap3A_562] {strides = array<i32>} : memref<2x128x128xf32, #tpu.memory_space<vmem>>, vector<1x1x16xf32>,
        %swap3A_564 = vector.shape_cast %swap3A_563 : vector<1x1x16xf32> to vector<16xf32>
        %swap3A_565 = vector.shape_cast %get3A_559 : vector<16xf32> to vector<1x1x16xf32>
        tpu.vector_store %arg10[%swap3A_560, %swap3A_561, %swap3A_562], %swap3A_565 {strides = array<i32>} : memref<2x128x128xf32, #tpu.memory_space<vmem>>, vector<1x1x16xf32>,
        %mul3A_566 = arith.constant 8 : i32
        %mul3A_567 = arith.muli %scan3A_550, %mul3A_566 : i32
        %add3A_568 = arith.constant 1 : i32
        %add3A_569 = arith.addi %mul3A_567, %add3A_568 : i32
        %get3A_570 = arith.constant 0 : i32
        %get3A_571 = arith.index_cast %get3A_570 : i32 to index
        %get3A_572 = arith.index_cast %add3A_569 : i32 to index
        %get3A_573 = arith.constant 0 : index
        %get3A_574 = tpu.vector_load %arg9[%get3A_571, %get3A_572, %get3A_573] {strides = array<i32>} : memref<2x1024x16xf32, #tpu.memory_space<vmem>>, vector<1x1x16xf32>,
        %get3A_575 = vector.shape_cast %get3A_574 : vector<1x1x16xf32> to vector<16xf32>
        %swap3A_576 = arith.constant 0 : i32
        %swap3A_577 = arith.index_cast %swap3A_576 : i32 to index
        %swap3A_578 = arith.index_cast %scan3A_550 : i32 to index
        %swap3A_579 = arith.constant 16 : index
        %swap3A_580 = tpu.vector_load %arg10[%swap3A_577, %swap3A_578, %swap3A_579] {strides = array<i32>} : memref<2x128x128xf32, #tpu.memory_space<vmem>>, vector<1x1x16xf32>,
        %swap3A_581 = vector.shape_cast %swap3A_580 : vector<1x1x16xf32> to vector<16xf32>
        %swap3A_582 = vector.shape_cast %get3A_575 : vector<16xf32> to vector<1x1x16xf32>
        tpu.vector_store %arg10[%swap3A_577, %swap3A_578, %swap3A_579], %swap3A_582 {strides = array<i32>} : memref<2x128x128xf32, #tpu.memory_space<vmem>>, vector<1x1x16xf32>,
        %mul3A_583 = arith.constant 8 : i32
        %mul3A_584 = arith.muli %scan3A_550, %mul3A_583 : i32
        %add3A_585 = arith.constant 2 : i32
        %add3A_586 = arith.addi %mul3A_584, %add3A_585 : i32
        %get3A_587 = arith.constant 0 : i32
        %get3A_588 = arith.index_cast %get3A_587 : i32 to index
        %get3A_589 = arith.index_cast %add3A_586 : i32 to index
        %get3A_590 = arith.constant 0 : index
        %get3A_591 = tpu.vector_load %arg9[%get3A_588, %get3A_589, %get3A_590] {strides = array<i32>} : memref<2x1024x16xf32, #tpu.memory_space<vmem>>, vector<1x1x16xf32>,
        %get3A_592 = vector.shape_cast %get3A_591 : vector<1x1x16xf32> to vector<16xf32>
        %swap3A_593 = arith.constant 0 : i32
        %swap3A_594 = arith.index_cast %swap3A_593 : i32 to index
        %swap3A_595 = arith.index_cast %scan3A_550 : i32 to index
        %swap3A_596 = arith.constant 32 : index
        %swap3A_597 = tpu.vector_load %arg10[%swap3A_594, %swap3A_595, %swap3A_596] {strides = array<i32>} : memref<2x128x128xf32, #tpu.memory_space<vmem>>, vector<1x1x16xf32>,
        %swap3A_598 = vector.shape_cast %swap3A_597 : vector<1x1x16xf32> to vector<16xf32>
        %swap3A_599 = vector.shape_cast %get3A_592 : vector<16xf32> to vector<1x1x16xf32>
        tpu.vector_store %arg10[%swap3A_594, %swap3A_595, %swap3A_596], %swap3A_599 {strides = array<i32>} : memref<2x128x128xf32, #tpu.memory_space<vmem>>, vector<1x1x16xf32>,
        %mul3A_600 = arith.constant 8 : i32
        %mul3A_601 = arith.muli %scan3A_550, %mul3A_600 : i32
        %add3A_602 = arith.constant 3 : i32
        %add3A_603 = arith.addi %mul3A_601, %add3A_602 : i32
        %get3A_604 = arith.constant 0 : i32
        %get3A_605 = arith.index_cast %get3A_604 : i32 to index
        %get3A_606 = arith.index_cast %add3A_603 : i32 to index
        %get3A_607 = arith.constant 0 : index
        %get3A_608 = tpu.vector_load %arg9[%get3A_605, %get3A_606, %get3A_607] {strides = array<i32>} : memref<2x1024x16xf32, #tpu.memory_space<vmem>>, vector<1x1x16xf32>,
        %get3A_609 = vector.shape_cast %get3A_608 : vector<1x1x16xf32> to vector<16xf32>
        %swap3A_610 = arith.constant 0 : i32
        %swap3A_611 = arith.index_cast %swap3A_610 : i32 to index
        %swap3A_612 = arith.index_cast %scan3A_550 : i32 to index
        %swap3A_613 = arith.constant 48 : index
        %swap3A_614 = tpu.vector_load %arg10[%swap3A_611, %swap3A_612, %swap3A_613] {strides = array<i32>} : memref<2x128x128xf32, #tpu.memory_space<vmem>>, vector<1x1x16xf32>,
        %swap3A_615 = vector.shape_cast %swap3A_614 : vector<1x1x16xf32> to vector<16xf32>
        %swap3A_616 = vector.shape_cast %get3A_609 : vector<16xf32> to vector<1x1x16xf32>
        tpu.vector_store %arg10[%swap3A_611, %swap3A_612, %swap3A_613], %swap3A_616 {strides = array<i32>} : memref<2x128x128xf32, #tpu.memory_space<vmem>>, vector<1x1x16xf32>,
        %mul3A_617 = arith.constant 8 : i32
        %mul3A_618 = arith.muli %scan3A_550, %mul3A_617 : i32
        %add3A_619 = arith.constant 4 : i32
        %add3A_620 = arith.addi %mul3A_618, %add3A_619 : i32
        %get3A_621 = arith.constant 0 : i32
        %get3A_622 = arith.index_cast %get3A_621 : i32 to index
        %get3A_623 = arith.index_cast %add3A_620 : i32 to index
        %get3A_624 = arith.constant 0 : index
        %get3A_625 = tpu.vector_load %arg9[%get3A_622, %get3A_623, %get3A_624] {strides = array<i32>} : memref<2x1024x16xf32, #tpu.memory_space<vmem>>, vector<1x1x16xf32>,
        %get3A_626 = vector.shape_cast %get3A_625 : vector<1x1x16xf32> to vector<16xf32>
        %swap3A_627 = arith.constant 0 : i32
        %swap3A_628 = arith.index_cast %swap3A_627 : i32 to index
        %swap3A_629 = arith.index_cast %scan3A_550 : i32 to index
        %swap3A_630 = arith.constant 64 : index
        %swap3A_631 = tpu.vector_load %arg10[%swap3A_628, %swap3A_629, %swap3A_630] {strides = array<i32>} : memref<2x128x128xf32, #tpu.memory_space<vmem>>, vector<1x1x16xf32>,
        %swap3A_632 = vector.shape_cast %swap3A_631 : vector<1x1x16xf32> to vector<16xf32>
        %swap3A_633 = vector.shape_cast %get3A_626 : vector<16xf32> to vector<1x1x16xf32>
        tpu.vector_store %arg10[%swap3A_628, %swap3A_629, %swap3A_630], %swap3A_633 {strides = array<i32>} : memref<2x128x128xf32, #tpu.memory_space<vmem>>, vector<1x1x16xf32>,
        %mul3A_634 = arith.constant 8 : i32
        %mul3A_635 = arith.muli %scan3A_550, %mul3A_634 : i32
        %add3A_636 = arith.constant 5 : i32
        %add3A_637 = arith.addi %mul3A_635, %add3A_636 : i32
        %get3A_638 = arith.constant 0 : i32
        %get3A_639 = arith.index_cast %get3A_638 : i32 to index
        %get3A_640 = arith.index_cast %add3A_637 : i32 to index
        %get3A_641 = arith.constant 0 : index
        %get3A_642 = tpu.vector_load %arg9[%get3A_639, %get3A_640, %get3A_641] {strides = array<i32>} : memref<2x1024x16xf32, #tpu.memory_space<vmem>>, vector<1x1x16xf32>,
        %get3A_643 = vector.shape_cast %get3A_642 : vector<1x1x16xf32> to vector<16xf32>
        %swap3A_644 = arith.constant 0 : i32
        %swap3A_645 = arith.index_cast %swap3A_644 : i32 to index
        %swap3A_646 = arith.index_cast %scan3A_550 : i32 to index
        %swap3A_647 = arith.constant 80 : index
        %swap3A_648 = tpu.vector_load %arg10[%swap3A_645, %swap3A_646, %swap3A_647] {strides = array<i32>} : memref<2x128x128xf32, #tpu.memory_space<vmem>>, vector<1x1x16xf32>,
        %swap3A_649 = vector.shape_cast %swap3A_648 : vector<1x1x16xf32> to vector<16xf32>
        %swap3A_650 = vector.shape_cast %get3A_643 : vector<16xf32> to vector<1x1x16xf32>
        tpu.vector_store %arg10[%swap3A_645, %swap3A_646, %swap3A_647], %swap3A_650 {strides = array<i32>} : memref<2x128x128xf32, #tpu.memory_space<vmem>>, vector<1x1x16xf32>,
        %mul3A_651 = arith.constant 8 : i32
        %mul3A_652 = arith.muli %scan3A_550, %mul3A_651 : i32
        %add3A_653 = arith.constant 6 : i32
        %add3A_654 = arith.addi %mul3A_652, %add3A_653 : i32
        %get3A_655 = arith.constant 0 : i32
        %get3A_656 = arith.index_cast %get3A_655 : i32 to index
        %get3A_657 = arith.index_cast %add3A_654 : i32 to index
        %get3A_658 = arith.constant 0 : index
        %get3A_659 = tpu.vector_load %arg9[%get3A_656, %get3A_657, %get3A_658] {strides = array<i32>} : memref<2x1024x16xf32, #tpu.memory_space<vmem>>, vector<1x1x16xf32>,
        %get3A_660 = vector.shape_cast %get3A_659 : vector<1x1x16xf32> to vector<16xf32>
        %swap3A_661 = arith.constant 0 : i32
        %swap3A_662 = arith.index_cast %swap3A_661 : i32 to index
        %swap3A_663 = arith.index_cast %scan3A_550 : i32 to index
        %swap3A_664 = arith.constant 96 : index
        %swap3A_665 = tpu.vector_load %arg10[%swap3A_662, %swap3A_663, %swap3A_664] {strides = array<i32>} : memref<2x128x128xf32, #tpu.memory_space<vmem>>, vector<1x1x16xf32>,
        %swap3A_666 = vector.shape_cast %swap3A_665 : vector<1x1x16xf32> to vector<16xf32>
        %swap3A_667 = vector.shape_cast %get3A_660 : vector<16xf32> to vector<1x1x16xf32>
        tpu.vector_store %arg10[%swap3A_662, %swap3A_663, %swap3A_664], %swap3A_667 {strides = array<i32>} : memref<2x128x128xf32, #tpu.memory_space<vmem>>, vector<1x1x16xf32>,
        %mul3A_668 = arith.constant 8 : i32
        %mul3A_669 = arith.muli %scan3A_550, %mul3A_668 : i32
        %add3A_670 = arith.constant 7 : i32
        %add3A_671 = arith.addi %mul3A_669, %add3A_670 : i32
        %get3A_672 = arith.constant 0 : i32
        %get3A_673 = arith.index_cast %get3A_672 : i32 to index
        %get3A_674 = arith.index_cast %add3A_671 : i32 to index
        %get3A_675 = arith.constant 0 : index
        %get3A_676 = tpu.vector_load %arg9[%get3A_673, %get3A_674, %get3A_675] {strides = array<i32>} : memref<2x1024x16xf32, #tpu.memory_space<vmem>>, vector<1x1x16xf32>,
        %get3A_677 = vector.shape_cast %get3A_676 : vector<1x1x16xf32> to vector<16xf32>
        %swap3A_678 = arith.constant 0 : i32
        %swap3A_679 = arith.index_cast %swap3A_678 : i32 to index
        %swap3A_680 = arith.index_cast %scan3A_550 : i32 to index
        %swap3A_681 = arith.constant 112 : index
        %swap3A_682 = tpu.vector_load %arg10[%swap3A_679, %swap3A_680, %swap3A_681] {strides = array<i32>} : memref<2x128x128xf32, #tpu.memory_space<vmem>>, vector<1x1x16xf32>,
        %swap3A_683 = vector.shape_cast %swap3A_682 : vector<1x1x16xf32> to vector<16xf32>
        %swap3A_684 = vector.shape_cast %get3A_677 : vector<16xf32> to vector<1x1x16xf32>
        tpu.vector_store %arg10[%swap3A_679, %swap3A_680, %swap3A_681], %swap3A_684 {strides = array<i32>} : memref<2x128x128xf32, #tpu.memory_space<vmem>>, vector<1x1x16xf32>,
      }
      %scan3A_380 = arith.constant 128 : i32
      %mul3A_381 = arith.constant 128 : i32
      %mul3A_382 = arith.muli %scan3A_132, %mul3A_381 : i32
      %add3A_383 = arith.addi %mul3A_2, %mul3A_382 : i32
      %dma_start3A_384 = arith.constant 0 : i32
      %dma_start3A_385 = arith.constant 0 : i32
      %dma_start3A_386 = arith.constant 0 : i32
      %dma_start3A_387 = tpu.memref_slice %arg10[%dma_start3A_384, %dma_start3A_385, %dma_start3A_386] : memref<2x128x128xf32, #tpu.memory_space<vmem>> -> memref<1x128x128xf32, #tpu.memory_space<vmem>>
      %dma_start3A_388 = tpu.memref_squeeze %dma_start3A_387 : memref<1x128x128xf32, #tpu.memory_space<vmem>> -> memref<128x128xf32, #tpu.memory_space<vmem>>
      %dma_start3A_389 = arith.constant 0 : i32
      %dma_start3A_390 = tpu.memref_slice %arg5[%add3A_383, %dma_start3A_389] : memref<40960x128xf32, #tpu.memory_space<hbm>> -> memref<128x128xf32, #tpu.memory_space<hbm>>
      %dma_start3A_391 = arith.constant 0 : i32
      %dma_start3A_392 = tpu.memref_slice %arg5[%add3A_383, %dma_start3A_391] : memref<40960x128xf32, #tpu.memory_space<hbm>> -> memref<128x128xf32, #tpu.memory_space<hbm>>
      %dma_start3A_393 = arith.constant 0 : i32
      %dma_start3A_394 = arith.constant 0 : i32
      %dma_start3A_395 = tpu.memref_slice %arg10[%dma_start3A_384, %dma_start3A_393, %dma_start3A_394] : memref<2x128x128xf32, #tpu.memory_space<vmem>> -> memref<1x128x128xf32, #tpu.memory_space<vmem>>
      %dma_start3A_396 = tpu.memref_squeeze %dma_start3A_395 : memref<1x128x128xf32, #tpu.memory_space<vmem>> -> memref<128x128xf32, #tpu.memory_space<vmem>>
      tpu.enqueue_dma source(%dma_start3A_396 : memref<128x128xf32, #tpu.memory_space<vmem>>) target(%dma_start3A_392 : memref<128x128xf32, #tpu.memory_space<hbm>>) target_semaphore(%arg13 : memref<!tpu.dma_semaphore, #tpu.memory_space<semaphore_mem>>)
      %add3A_397 = arith.constant 1 : i32
      %add3A_398 = arith.addi %scan3A_132, %add3A_397 : i32
      %lt3A = arith.constant 10 : i32
      %lt3A_399 = arith.cmpi slt, %add3A_398, %lt3A : i32
      %convert_element_type3A_400 = arith.extui %lt3A_399 : i1 to i32
      %cond3A_401 = arith.constant 0 : i32
      %cond3A_402 = arith.cmpi ne, %convert_element_type3A_400, %cond3A_401 : i32
      scf.if %cond3A_402 {
        %add3A_550 = arith.constant 1 : i32
        %add3A_551 = arith.addi %scan3A_132, %add3A_550 : i32
        %mul3A_552 = arith.constant 8 : i32
        %mul3A_553 = arith.muli %add3A_551, %mul3A_552 : i32
        %add3A_554 = arith.constant 0 : i32
        %add3A_555 = arith.addi %mul3A_553, %add3A_554 : i32
        %dma_start3A_556 = arith.constant 0 : i32
        %dma_start3A_557 = arith.constant 0 : i32
        %dma_start3A_558 = arith.constant 0 : i32
        %dma_start3A_559 = tpu.memref_slice %arg9[%dma_start3A_556, %dma_start3A_557, %dma_start3A_558] : memref<2x1024x16xf32, #tpu.memory_space<vmem>> -> memref<1x128x16xf32, #tpu.memory_space<vmem>>
        %dma_start3A_560 = tpu.memref_squeeze %dma_start3A_559 : memref<1x128x16xf32, #tpu.memory_space<vmem>> -> memref<128x16xf32, #tpu.memory_space<vmem>>
        %dma_start3A_561 = arith.constant 0 : i32
        %dma_start3A_562 = tpu.memref_slice %arg7[%add3A_555, %dma_start3A_561] : memref<80x128xi32, #tpu.memory_space<vmem>> -> memref<1x128xi32, #tpu.memory_space<vmem>>
        %dma_start3A_563 = tpu.memref_squeeze %dma_start3A_562 : memref<1x128xi32, #tpu.memory_space<vmem>> -> memref<128xi32, #tpu.memory_space<vmem>>
        %dma_start3A_564 = arith.constant 0 : i32
        %dma_start3A_565 = arith.constant 0 : i32
        %dma_start3A_566 = tpu.memref_slice %arg2[%dma_start3A_564, %dma_start3A_565] : memref<10240x16xf32, #tpu.memory_space<hbm>> -> memref<10240x16xf32, #tpu.memory_space<hbm>>
        tpu.enqueue_indirect_dma source(%dma_start3A_566 : memref<10240x16xf32, #tpu.memory_space<hbm>>) target(%dma_start3A_560 : memref<128x16xf32, #tpu.memory_space<vmem>>) offsets(%dma_start3A_563 : memref<128xi32, #tpu.memory_space<vmem>>) semaphore(%arg11 : memref<!tpu.dma_semaphore, #tpu.memory_space<semaphore_mem>>)
        %mul3A_567 = arith.constant 8 : i32
        %mul3A_568 = arith.muli %add3A_551, %mul3A_567 : i32
        %add3A_569 = arith.constant 1 : i32
        %add3A_570 = arith.addi %mul3A_568, %add3A_569 : i32
        %dma_start3A_571 = arith.constant 0 : i32
        %dma_start3A_572 = arith.constant 128 : i32
        %dma_start3A_573 = arith.constant 0 : i32
        %dma_start3A_574 = tpu.memref_slice %arg9[%dma_start3A_571, %dma_start3A_572, %dma_start3A_573] : memref<2x1024x16xf32, #tpu.memory_space<vmem>> -> memref<1x128x16xf32, #tpu.memory_space<vmem>>
        %dma_start3A_575 = tpu.memref_squeeze %dma_start3A_574 : memref<1x128x16xf32, #tpu.memory_space<vmem>> -> memref<128x16xf32, #tpu.memory_space<vmem>>
        %dma_start3A_576 = arith.constant 0 : i32
        %dma_start3A_577 = tpu.memref_slice %arg7[%add3A_570, %dma_start3A_576] : memref<80x128xi32, #tpu.memory_space<vmem>> -> memref<1x128xi32, #tpu.memory_space<vmem>>
        %dma_start3A_578 = tpu.memref_squeeze %dma_start3A_577 : memref<1x128xi32, #tpu.memory_space<vmem>> -> memref<128xi32, #tpu.memory_space<vmem>>
        %dma_start3A_579 = arith.constant 0 : i32
        %dma_start3A_580 = arith.constant 0 : i32
        %dma_start3A_581 = tpu.memref_slice %arg2[%dma_start3A_579, %dma_start3A_580] : memref<10240x16xf32, #tpu.memory_space<hbm>> -> memref<10240x16xf32, #tpu.memory_space<hbm>>
        tpu.enqueue_indirect_dma source(%dma_start3A_581 : memref<10240x16xf32, #tpu.memory_space<hbm>>) target(%dma_start3A_575 : memref<128x16xf32, #tpu.memory_space<vmem>>) offsets(%dma_start3A_578 : memref<128xi32, #tpu.memory_space<vmem>>) semaphore(%arg11 : memref<!tpu.dma_semaphore, #tpu.memory_space<semaphore_mem>>)
        %mul3A_582 = arith.constant 8 : i32
        %mul3A_583 = arith.muli %add3A_551, %mul3A_582 : i32
        %add3A_584 = arith.constant 2 : i32
        %add3A_585 = arith.addi %mul3A_583, %add3A_584 : i32
        %dma_start3A_586 = arith.constant 0 : i32
        %dma_start3A_587 = arith.constant 256 : i32
        %dma_start3A_588 = arith.constant 0 : i32
        %dma_start3A_589 = tpu.memref_slice %arg9[%dma_start3A_586, %dma_start3A_587, %dma_start3A_588] : memref<2x1024x16xf32, #tpu.memory_space<vmem>> -> memref<1x128x16xf32, #tpu.memory_space<vmem>>
        %dma_start3A_590 = tpu.memref_squeeze %dma_start3A_589 : memref<1x128x16xf32, #tpu.memory_space<vmem>> -> memref<128x16xf32, #tpu.memory_space<vmem>>
        %dma_start3A_591 = arith.constant 0 : i32
        %dma_start3A_592 = tpu.memref_slice %arg7[%add3A_585, %dma_start3A_591] : memref<80x128xi32, #tpu.memory_space<vmem>> -> memref<1x128xi32, #tpu.memory_space<vmem>>
        %dma_start3A_593 = tpu.memref_squeeze %dma_start3A_592 : memref<1x128xi32, #tpu.memory_space<vmem>> -> memref<128xi32, #tpu.memory_space<vmem>>
        %dma_start3A_594 = arith.constant 0 : i32
        %dma_start3A_595 = arith.constant 0 : i32
        %dma_start3A_596 = tpu.memref_slice %arg2[%dma_start3A_594, %dma_start3A_595] : memref<10240x16xf32, #tpu.memory_space<hbm>> -> memref<10240x16xf32, #tpu.memory_space<hbm>>
        tpu.enqueue_indirect_dma source(%dma_start3A_596 : memref<10240x16xf32, #tpu.memory_space<hbm>>) target(%dma_start3A_590 : memref<128x16xf32, #tpu.memory_space<vmem>>) offsets(%dma_start3A_593 : memref<128xi32, #tpu.memory_space<vmem>>) semaphore(%arg11 : memref<!tpu.dma_semaphore, #tpu.memory_space<semaphore_mem>>)
        %mul3A_597 = arith.constant 8 : i32
        %mul3A_598 = arith.muli %add3A_551, %mul3A_597 : i32
        %add3A_599 = arith.constant 3 : i32
        %add3A_600 = arith.addi %mul3A_598, %add3A_599 : i32
        %dma_start3A_601 = arith.constant 0 : i32
        %dma_start3A_602 = arith.constant 384 : i32
        %dma_start3A_603 = arith.constant 0 : i32
        %dma_start3A_604 = tpu.memref_slice %arg9[%dma_start3A_601, %dma_start3A_602, %dma_start3A_603] : memref<2x1024x16xf32, #tpu.memory_space<vmem>> -> memref<1x128x16xf32, #tpu.memory_space<vmem>>
        %dma_start3A_605 = tpu.memref_squeeze %dma_start3A_604 : memref<1x128x16xf32, #tpu.memory_space<vmem>> -> memref<128x16xf32, #tpu.memory_space<vmem>>
        %dma_start3A_606 = arith.constant 0 : i32
        %dma_start3A_607 = tpu.memref_slice %arg7[%add3A_600, %dma_start3A_606] : memref<80x128xi32, #tpu.memory_space<vmem>> -> memref<1x128xi32, #tpu.memory_space<vmem>>
        %dma_start3A_608 = tpu.memref_squeeze %dma_start3A_607 : memref<1x128xi32, #tpu.memory_space<vmem>> -> memref<128xi32, #tpu.memory_space<vmem>>
        %dma_start3A_609 = arith.constant 0 : i32
        %dma_start3A_610 = arith.constant 0 : i32
        %dma_start3A_611 = tpu.memref_slice %arg2[%dma_start3A_609, %dma_start3A_610] : memref<10240x16xf32, #tpu.memory_space<hbm>> -> memref<10240x16xf32, #tpu.memory_space<hbm>>
        tpu.enqueue_indirect_dma source(%dma_start3A_611 : memref<10240x16xf32, #tpu.memory_space<hbm>>) target(%dma_start3A_605 : memref<128x16xf32, #tpu.memory_space<vmem>>) offsets(%dma_start3A_608 : memref<128xi32, #tpu.memory_space<vmem>>) semaphore(%arg11 : memref<!tpu.dma_semaphore, #tpu.memory_space<semaphore_mem>>)
        %mul3A_612 = arith.constant 8 : i32
        %mul3A_613 = arith.muli %add3A_551, %mul3A_612 : i32
        %add3A_614 = arith.constant 4 : i32
        %add3A_615 = arith.addi %mul3A_613, %add3A_614 : i32
        %dma_start3A_616 = arith.constant 0 : i32
        %dma_start3A_617 = arith.constant 512 : i32
        %dma_start3A_618 = arith.constant 0 : i32
        %dma_start3A_619 = tpu.memref_slice %arg9[%dma_start3A_616, %dma_start3A_617, %dma_start3A_618] : memref<2x1024x16xf32, #tpu.memory_space<vmem>> -> memref<1x128x16xf32, #tpu.memory_space<vmem>>
        %dma_start3A_620 = tpu.memref_squeeze %dma_start3A_619 : memref<1x128x16xf32, #tpu.memory_space<vmem>> -> memref<128x16xf32, #tpu.memory_space<vmem>>
        %dma_start3A_621 = arith.constant 0 : i32
        %dma_start3A_622 = tpu.memref_slice %arg7[%add3A_615, %dma_start3A_621] : memref<80x128xi32, #tpu.memory_space<vmem>> -> memref<1x128xi32, #tpu.memory_space<vmem>>
        %dma_start3A_623 = tpu.memref_squeeze %dma_start3A_622 : memref<1x128xi32, #tpu.memory_space<vmem>> -> memref<128xi32, #tpu.memory_space<vmem>>
        %dma_start3A_624 = arith.constant 0 : i32
        %dma_start3A_625 = arith.constant 0 : i32
        %dma_start3A_626 = tpu.memref_slice %arg2[%dma_start3A_624, %dma_start3A_625] : memref<10240x16xf32, #tpu.memory_space<hbm>> -> memref<10240x16xf32, #tpu.memory_space<hbm>>
        tpu.enqueue_indirect_dma source(%dma_start3A_626 : memref<10240x16xf32, #tpu.memory_space<hbm>>) target(%dma_start3A_620 : memref<128x16xf32, #tpu.memory_space<vmem>>) offsets(%dma_start3A_623 : memref<128xi32, #tpu.memory_space<vmem>>) semaphore(%arg11 : memref<!tpu.dma_semaphore, #tpu.memory_space<semaphore_mem>>)
        %mul3A_627 = arith.constant 8 : i32
        %mul3A_628 = arith.muli %add3A_551, %mul3A_627 : i32
        %add3A_629 = arith.constant 5 : i32
        %add3A_630 = arith.addi %mul3A_628, %add3A_629 : i32
        %dma_start3A_631 = arith.constant 0 : i32
        %dma_start3A_632 = arith.constant 640 : i32
        %dma_start3A_633 = arith.constant 0 : i32
        %dma_start3A_634 = tpu.memref_slice %arg9[%dma_start3A_631, %dma_start3A_632, %dma_start3A_633] : memref<2x1024x16xf32, #tpu.memory_space<vmem>> -> memref<1x128x16xf32, #tpu.memory_space<vmem>>
        %dma_start3A_635 = tpu.memref_squeeze %dma_start3A_634 : memref<1x128x16xf32, #tpu.memory_space<vmem>> -> memref<128x16xf32, #tpu.memory_space<vmem>>
        %dma_start3A_636 = arith.constant 0 : i32
        %dma_start3A_637 = tpu.memref_slice %arg7[%add3A_630, %dma_start3A_636] : memref<80x128xi32, #tpu.memory_space<vmem>> -> memref<1x128xi32, #tpu.memory_space<vmem>>
        %dma_start3A_638 = tpu.memref_squeeze %dma_start3A_637 : memref<1x128xi32, #tpu.memory_space<vmem>> -> memref<128xi32, #tpu.memory_space<vmem>>
        %dma_start3A_639 = arith.constant 0 : i32
        %dma_start3A_640 = arith.constant 0 : i32
        %dma_start3A_641 = tpu.memref_slice %arg2[%dma_start3A_639, %dma_start3A_640] : memref<10240x16xf32, #tpu.memory_space<hbm>> -> memref<10240x16xf32, #tpu.memory_space<hbm>>
        tpu.enqueue_indirect_dma source(%dma_start3A_641 : memref<10240x16xf32, #tpu.memory_space<hbm>>) target(%dma_start3A_635 : memref<128x16xf32, #tpu.memory_space<vmem>>) offsets(%dma_start3A_638 : memref<128xi32, #tpu.memory_space<vmem>>) semaphore(%arg11 : memref<!tpu.dma_semaphore, #tpu.memory_space<semaphore_mem>>)
        %mul3A_642 = arith.constant 8 : i32
        %mul3A_643 = arith.muli %add3A_551, %mul3A_642 : i32
        %add3A_644 = arith.constant 6 : i32
        %add3A_645 = arith.addi %mul3A_643, %add3A_644 : i32
        %dma_start3A_646 = arith.constant 0 : i32
        %dma_start3A_647 = arith.constant 768 : i32
        %dma_start3A_648 = arith.constant 0 : i32
        %dma_start3A_649 = tpu.memref_slice %arg9[%dma_start3A_646, %dma_start3A_647, %dma_start3A_648] : memref<2x1024x16xf32, #tpu.memory_space<vmem>> -> memref<1x128x16xf32, #tpu.memory_space<vmem>>
        %dma_start3A_650 = tpu.memref_squeeze %dma_start3A_649 : memref<1x128x16xf32, #tpu.memory_space<vmem>> -> memref<128x16xf32, #tpu.memory_space<vmem>>
        %dma_start3A_651 = arith.constant 0 : i32
        %dma_start3A_652 = tpu.memref_slice %arg7[%add3A_645, %dma_start3A_651] : memref<80x128xi32, #tpu.memory_space<vmem>> -> memref<1x128xi32, #tpu.memory_space<vmem>>
        %dma_start3A_653 = tpu.memref_squeeze %dma_start3A_652 : memref<1x128xi32, #tpu.memory_space<vmem>> -> memref<128xi32, #tpu.memory_space<vmem>>
        %dma_start3A_654 = arith.constant 0 : i32
        %dma_start3A_655 = arith.constant 0 : i32
        %dma_start3A_656 = tpu.memref_slice %arg2[%dma_start3A_654, %dma_start3A_655] : memref<10240x16xf32, #tpu.memory_space<hbm>> -> memref<10240x16xf32, #tpu.memory_space<hbm>>
        tpu.enqueue_indirect_dma source(%dma_start3A_656 : memref<10240x16xf32, #tpu.memory_space<hbm>>) target(%dma_start3A_650 : memref<128x16xf32, #tpu.memory_space<vmem>>) offsets(%dma_start3A_653 : memref<128xi32, #tpu.memory_space<vmem>>) semaphore(%arg11 : memref<!tpu.dma_semaphore, #tpu.memory_space<semaphore_mem>>)
        %mul3A_657 = arith.constant 8 : i32
        %mul3A_658 = arith.muli %add3A_551, %mul3A_657 : i32
        %add3A_659 = arith.constant 7 : i32
        %add3A_660 = arith.addi %mul3A_658, %add3A_659 : i32
        %dma_start3A_661 = arith.constant 0 : i32
        %dma_start3A_662 = arith.constant 896 : i32
        %dma_start3A_663 = arith.constant 0 : i32
        %dma_start3A_664 = tpu.memref_slice %arg9[%dma_start3A_661, %dma_start3A_662, %dma_start3A_663] : memref<2x1024x16xf32, #tpu.memory_space<vmem>> -> memref<1x128x16xf32, #tpu.memory_space<vmem>>
        %dma_start3A_665 = tpu.memref_squeeze %dma_start3A_664 : memref<1x128x16xf32, #tpu.memory_space<vmem>> -> memref<128x16xf32, #tpu.memory_space<vmem>>
        %dma_start3A_666 = arith.constant 0 : i32
        %dma_start3A_667 = tpu.memref_slice %arg7[%add3A_660, %dma_start3A_666] : memref<80x128xi32, #tpu.memory_space<vmem>> -> memref<1x128xi32, #tpu.memory_space<vmem>>
        %dma_start3A_668 = tpu.memref_squeeze %dma_start3A_667 : memref<1x128xi32, #tpu.memory_space<vmem>> -> memref<128xi32, #tpu.memory_space<vmem>>
        %dma_start3A_669 = arith.constant 0 : i32
        %dma_start3A_670 = arith.constant 0 : i32
        %dma_start3A_671 = tpu.memref_slice %arg2[%dma_start3A_669, %dma_start3A_670] : memref<10240x16xf32, #tpu.memory_space<hbm>> -> memref<10240x16xf32, #tpu.memory_space<hbm>>
        tpu.enqueue_indirect_dma source(%dma_start3A_671 : memref<10240x16xf32, #tpu.memory_space<hbm>>) target(%dma_start3A_665 : memref<128x16xf32, #tpu.memory_space<vmem>>) offsets(%dma_start3A_668 : memref<128xi32, #tpu.memory_space<vmem>>) semaphore(%arg11 : memref<!tpu.dma_semaphore, #tpu.memory_space<semaphore_mem>>)
      } else {
      }
      %mul3A_403 = arith.constant 8 : i32
      %mul3A_404 = arith.muli %scan3A_132, %mul3A_403 : i32
      %add3A_405 = arith.constant 0 : i32
      %add3A_406 = arith.addi %mul3A_404, %add3A_405 : i32
      %dma_wait3A_407 = arith.constant 1 : i32
      %dma_wait3A_408 = arith.constant 0 : i32
      %dma_wait3A_409 = arith.constant 0 : i32
      %dma_wait3A_410 = tpu.memref_slice %arg9[%dma_wait3A_407, %dma_wait3A_408, %dma_wait3A_409] : memref<2x1024x16xf32, #tpu.memory_space<vmem>> -> memref<1x128x16xf32, #tpu.memory_space<vmem>>
      %dma_wait3A_411 = tpu.memref_squeeze %dma_wait3A_410 : memref<1x128x16xf32, #tpu.memory_space<vmem>> -> memref<128x16xf32, #tpu.memory_space<vmem>>
      %dma_wait3A_412 = arith.constant 0 : i32
      %dma_wait3A_413 = tpu.memref_slice %arg8[%add3A_406, %dma_wait3A_412] : memref<80x128xi32, #tpu.memory_space<vmem>> -> memref<1x128xi32, #tpu.memory_space<vmem>>
      %dma_wait3A_414 = tpu.memref_squeeze %dma_wait3A_413 : memref<1x128xi32, #tpu.memory_space<vmem>> -> memref<128xi32, #tpu.memory_space<vmem>>
      %dma_wait3A_415 = arith.constant 0 : i32
      %dma_wait3A_416 = arith.constant 0 : i32
      %dma_wait3A_417 = tpu.memref_slice %arg2[%dma_wait3A_415, %dma_wait3A_416] : memref<10240x16xf32, #tpu.memory_space<hbm>> -> memref<10240x16xf32, #tpu.memory_space<hbm>>
      tpu.wait_indirect_dma semaphore(%arg12 : memref<!tpu.dma_semaphore, #tpu.memory_space<semaphore_mem>>) src(%dma_wait3A_417 : memref<10240x16xf32, #tpu.memory_space<hbm>>) dst(%dma_wait3A_411 : memref<128x16xf32, #tpu.memory_space<vmem>>)
      %mul3A_418 = arith.constant 8 : i32
      %mul3A_419 = arith.muli %scan3A_132, %mul3A_418 : i32
      %add3A_420 = arith.constant 1 : i32
      %add3A_421 = arith.addi %mul3A_419, %add3A_420 : i32
      %dma_wait3A_422 = arith.constant 1 : i32
      %dma_wait3A_423 = arith.constant 128 : i32
      %dma_wait3A_424 = arith.constant 0 : i32
      %dma_wait3A_425 = tpu.memref_slice %arg9[%dma_wait3A_422, %dma_wait3A_423, %dma_wait3A_424] : memref<2x1024x16xf32, #tpu.memory_space<vmem>> -> memref<1x128x16xf32, #tpu.memory_space<vmem>>
      %dma_wait3A_426 = tpu.memref_squeeze %dma_wait3A_425 : memref<1x128x16xf32, #tpu.memory_space<vmem>> -> memref<128x16xf32, #tpu.memory_space<vmem>>
      %dma_wait3A_427 = arith.constant 0 : i32
      %dma_wait3A_428 = tpu.memref_slice %arg8[%add3A_421, %dma_wait3A_427] : memref<80x128xi32, #tpu.memory_space<vmem>> -> memref<1x128xi32, #tpu.memory_space<vmem>>
      %dma_wait3A_429 = tpu.memref_squeeze %dma_wait3A_428 : memref<1x128xi32, #tpu.memory_space<vmem>> -> memref<128xi32, #tpu.memory_space<vmem>>
      %dma_wait3A_430 = arith.constant 0 : i32
      %dma_wait3A_431 = arith.constant 0 : i32
      %dma_wait3A_432 = tpu.memref_slice %arg2[%dma_wait3A_430, %dma_wait3A_431] : memref<10240x16xf32, #tpu.memory_space<hbm>> -> memref<10240x16xf32, #tpu.memory_space<hbm>>
      tpu.wait_indirect_dma semaphore(%arg12 : memref<!tpu.dma_semaphore, #tpu.memory_space<semaphore_mem>>) src(%dma_wait3A_432 : memref<10240x16xf32, #tpu.memory_space<hbm>>) dst(%dma_wait3A_426 : memref<128x16xf32, #tpu.memory_space<vmem>>)
      %mul3A_433 = arith.constant 8 : i32
      %mul3A_434 = arith.muli %scan3A_132, %mul3A_433 : i32
      %add3A_435 = arith.constant 2 : i32
      %add3A_436 = arith.addi %mul3A_434, %add3A_435 : i32
      %dma_wait3A_437 = arith.constant 1 : i32
      %dma_wait3A_438 = arith.constant 256 : i32
      %dma_wait3A_439 = arith.constant 0 : i32
      %dma_wait3A_440 = tpu.memref_slice %arg9[%dma_wait3A_437, %dma_wait3A_438, %dma_wait3A_439] : memref<2x1024x16xf32, #tpu.memory_space<vmem>> -> memref<1x128x16xf32, #tpu.memory_space<vmem>>
      %dma_wait3A_441 = tpu.memref_squeeze %dma_wait3A_440 : memref<1x128x16xf32, #tpu.memory_space<vmem>> -> memref<128x16xf32, #tpu.memory_space<vmem>>
      %dma_wait3A_442 = arith.constant 0 : i32
      %dma_wait3A_443 = tpu.memref_slice %arg8[%add3A_436, %dma_wait3A_442] : memref<80x128xi32, #tpu.memory_space<vmem>> -> memref<1x128xi32, #tpu.memory_space<vmem>>
      %dma_wait3A_444 = tpu.memref_squeeze %dma_wait3A_443 : memref<1x128xi32, #tpu.memory_space<vmem>> -> memref<128xi32, #tpu.memory_space<vmem>>
      %dma_wait3A_445 = arith.constant 0 : i32
      %dma_wait3A_446 = arith.constant 0 : i32
      %dma_wait3A_447 = tpu.memref_slice %arg2[%dma_wait3A_445, %dma_wait3A_446] : memref<10240x16xf32, #tpu.memory_space<hbm>> -> memref<10240x16xf32, #tpu.memory_space<hbm>>
      tpu.wait_indirect_dma semaphore(%arg12 : memref<!tpu.dma_semaphore, #tpu.memory_space<semaphore_mem>>) src(%dma_wait3A_447 : memref<10240x16xf32, #tpu.memory_space<hbm>>) dst(%dma_wait3A_441 : memref<128x16xf32, #tpu.memory_space<vmem>>)
      %mul3A_448 = arith.constant 8 : i32
      %mul3A_449 = arith.muli %scan3A_132, %mul3A_448 : i32
      %add3A_450 = arith.constant 3 : i32
      %add3A_451 = arith.addi %mul3A_449, %add3A_450 : i32
      %dma_wait3A_452 = arith.constant 1 : i32
      %dma_wait3A_453 = arith.constant 384 : i32
      %dma_wait3A_454 = arith.constant 0 : i32
      %dma_wait3A_455 = tpu.memref_slice %arg9[%dma_wait3A_452, %dma_wait3A_453, %dma_wait3A_454] : memref<2x1024x16xf32, #tpu.memory_space<vmem>> -> memref<1x128x16xf32, #tpu.memory_space<vmem>>
      %dma_wait3A_456 = tpu.memref_squeeze %dma_wait3A_455 : memref<1x128x16xf32, #tpu.memory_space<vmem>> -> memref<128x16xf32, #tpu.memory_space<vmem>>
      %dma_wait3A_457 = arith.constant 0 : i32
      %dma_wait3A_458 = tpu.memref_slice %arg8[%add3A_451, %dma_wait3A_457] : memref<80x128xi32, #tpu.memory_space<vmem>> -> memref<1x128xi32, #tpu.memory_space<vmem>>
      %dma_wait3A_459 = tpu.memref_squeeze %dma_wait3A_458 : memref<1x128xi32, #tpu.memory_space<vmem>> -> memref<128xi32, #tpu.memory_space<vmem>>
      %dma_wait3A_460 = arith.constant 0 : i32
      %dma_wait3A_461 = arith.constant 0 : i32
      %dma_wait3A_462 = tpu.memref_slice %arg2[%dma_wait3A_460, %dma_wait3A_461] : memref<10240x16xf32, #tpu.memory_space<hbm>> -> memref<10240x16xf32, #tpu.memory_space<hbm>>
      tpu.wait_indirect_dma semaphore(%arg12 : memref<!tpu.dma_semaphore, #tpu.memory_space<semaphore_mem>>) src(%dma_wait3A_462 : memref<10240x16xf32, #tpu.memory_space<hbm>>) dst(%dma_wait3A_456 : memref<128x16xf32, #tpu.memory_space<vmem>>)
      %mul3A_463 = arith.constant 8 : i32
      %mul3A_464 = arith.muli %scan3A_132, %mul3A_463 : i32
      %add3A_465 = arith.constant 4 : i32
      %add3A_466 = arith.addi %mul3A_464, %add3A_465 : i32
      %dma_wait3A_467 = arith.constant 1 : i32
      %dma_wait3A_468 = arith.constant 512 : i32
      %dma_wait3A_469 = arith.constant 0 : i32
      %dma_wait3A_470 = tpu.memref_slice %arg9[%dma_wait3A_467, %dma_wait3A_468, %dma_wait3A_469] : memref<2x1024x16xf32, #tpu.memory_space<vmem>> -> memref<1x128x16xf32, #tpu.memory_space<vmem>>
      %dma_wait3A_471 = tpu.memref_squeeze %dma_wait3A_470 : memref<1x128x16xf32, #tpu.memory_space<vmem>> -> memref<128x16xf32, #tpu.memory_space<vmem>>
      %dma_wait3A_472 = arith.constant 0 : i32
      %dma_wait3A_473 = tpu.memref_slice %arg8[%add3A_466, %dma_wait3A_472] : memref<80x128xi32, #tpu.memory_space<vmem>> -> memref<1x128xi32, #tpu.memory_space<vmem>>
      %dma_wait3A_474 = tpu.memref_squeeze %dma_wait3A_473 : memref<1x128xi32, #tpu.memory_space<vmem>> -> memref<128xi32, #tpu.memory_space<vmem>>
      %dma_wait3A_475 = arith.constant 0 : i32
      %dma_wait3A_476 = arith.constant 0 : i32
      %dma_wait3A_477 = tpu.memref_slice %arg2[%dma_wait3A_475, %dma_wait3A_476] : memref<10240x16xf32, #tpu.memory_space<hbm>> -> memref<10240x16xf32, #tpu.memory_space<hbm>>
      tpu.wait_indirect_dma semaphore(%arg12 : memref<!tpu.dma_semaphore, #tpu.memory_space<semaphore_mem>>) src(%dma_wait3A_477 : memref<10240x16xf32, #tpu.memory_space<hbm>>) dst(%dma_wait3A_471 : memref<128x16xf32, #tpu.memory_space<vmem>>)
      %mul3A_478 = arith.constant 8 : i32
      %mul3A_479 = arith.muli %scan3A_132, %mul3A_478 : i32
      %add3A_480 = arith.constant 5 : i32
      %add3A_481 = arith.addi %mul3A_479, %add3A_480 : i32
      %dma_wait3A_482 = arith.constant 1 : i32
      %dma_wait3A_483 = arith.constant 640 : i32
      %dma_wait3A_484 = arith.constant 0 : i32
      %dma_wait3A_485 = tpu.memref_slice %arg9[%dma_wait3A_482, %dma_wait3A_483, %dma_wait3A_484] : memref<2x1024x16xf32, #tpu.memory_space<vmem>> -> memref<1x128x16xf32, #tpu.memory_space<vmem>>
      %dma_wait3A_486 = tpu.memref_squeeze %dma_wait3A_485 : memref<1x128x16xf32, #tpu.memory_space<vmem>> -> memref<128x16xf32, #tpu.memory_space<vmem>>
      %dma_wait3A_487 = arith.constant 0 : i32
      %dma_wait3A_488 = tpu.memref_slice %arg8[%add3A_481, %dma_wait3A_487] : memref<80x128xi32, #tpu.memory_space<vmem>> -> memref<1x128xi32, #tpu.memory_space<vmem>>
      %dma_wait3A_489 = tpu.memref_squeeze %dma_wait3A_488 : memref<1x128xi32, #tpu.memory_space<vmem>> -> memref<128xi32, #tpu.memory_space<vmem>>
      %dma_wait3A_490 = arith.constant 0 : i32
      %dma_wait3A_491 = arith.constant 0 : i32
      %dma_wait3A_492 = tpu.memref_slice %arg2[%dma_wait3A_490, %dma_wait3A_491] : memref<10240x16xf32, #tpu.memory_space<hbm>> -> memref<10240x16xf32, #tpu.memory_space<hbm>>
      tpu.wait_indirect_dma semaphore(%arg12 : memref<!tpu.dma_semaphore, #tpu.memory_space<semaphore_mem>>) src(%dma_wait3A_492 : memref<10240x16xf32, #tpu.memory_space<hbm>>) dst(%dma_wait3A_486 : memref<128x16xf32, #tpu.memory_space<vmem>>)
      %mul3A_493 = arith.constant 8 : i32
      %mul3A_494 = arith.muli %scan3A_132, %mul3A_493 : i32
      %add3A_495 = arith.constant 6 : i32
      %add3A_496 = arith.addi %mul3A_494, %add3A_495 : i32
      %dma_wait3A_497 = arith.constant 1 : i32
      %dma_wait3A_498 = arith.constant 768 : i32
      %dma_wait3A_499 = arith.constant 0 : i32
      %dma_wait3A_500 = tpu.memref_slice %arg9[%dma_wait3A_497, %dma_wait3A_498, %dma_wait3A_499] : memref<2x1024x16xf32, #tpu.memory_space<vmem>> -> memref<1x128x16xf32, #tpu.memory_space<vmem>>
      %dma_wait3A_501 = tpu.memref_squeeze %dma_wait3A_500 : memref<1x128x16xf32, #tpu.memory_space<vmem>> -> memref<128x16xf32, #tpu.memory_space<vmem>>
      %dma_wait3A_502 = arith.constant 0 : i32
      %dma_wait3A_503 = tpu.memref_slice %arg8[%add3A_496, %dma_wait3A_502] : memref<80x128xi32, #tpu.memory_space<vmem>> -> memref<1x128xi32, #tpu.memory_space<vmem>>
      %dma_wait3A_504 = tpu.memref_squeeze %dma_wait3A_503 : memref<1x128xi32, #tpu.memory_space<vmem>> -> memref<128xi32, #tpu.memory_space<vmem>>
      %dma_wait3A_505 = arith.constant 0 : i32
      %dma_wait3A_506 = arith.constant 0 : i32
      %dma_wait3A_507 = tpu.memref_slice %arg2[%dma_wait3A_505, %dma_wait3A_506] : memref<10240x16xf32, #tpu.memory_space<hbm>> -> memref<10240x16xf32, #tpu.memory_space<hbm>>
      tpu.wait_indirect_dma semaphore(%arg12 : memref<!tpu.dma_semaphore, #tpu.memory_space<semaphore_mem>>) src(%dma_wait3A_507 : memref<10240x16xf32, #tpu.memory_space<hbm>>) dst(%dma_wait3A_501 : memref<128x16xf32, #tpu.memory_space<vmem>>)
      %mul3A_508 = arith.constant 8 : i32
      %mul3A_509 = arith.muli %scan3A_132, %mul3A_508 : i32
      %add3A_510 = arith.constant 7 : i32
      %add3A_511 = arith.addi %mul3A_509, %add3A_510 : i32
      %dma_wait3A_512 = arith.constant 1 : i32
      %dma_wait3A_513 = arith.constant 896 : i32
      %dma_wait3A_514 = arith.constant 0 : i32
      %dma_wait3A_515 = tpu.memref_slice %arg9[%dma_wait3A_512, %dma_wait3A_513, %dma_wait3A_514] : memref<2x1024x16xf32, #tpu.memory_space<vmem>> -> memref<1x128x16xf32, #tpu.memory_space<vmem>>
      %dma_wait3A_516 = tpu.memref_squeeze %dma_wait3A_515 : memref<1x128x16xf32, #tpu.memory_space<vmem>> -> memref<128x16xf32, #tpu.memory_space<vmem>>
      %dma_wait3A_517 = arith.constant 0 : i32
      %dma_wait3A_518 = tpu.memref_slice %arg8[%add3A_511, %dma_wait3A_517] : memref<80x128xi32, #tpu.memory_space<vmem>> -> memref<1x128xi32, #tpu.memory_space<vmem>>
      %dma_wait3A_519 = tpu.memref_squeeze %dma_wait3A_518 : memref<1x128xi32, #tpu.memory_space<vmem>> -> memref<128xi32, #tpu.memory_space<vmem>>
      %dma_wait3A_520 = arith.constant 0 : i32
      %dma_wait3A_521 = arith.constant 0 : i32
      %dma_wait3A_522 = tpu.memref_slice %arg2[%dma_wait3A_520, %dma_wait3A_521] : memref<10240x16xf32, #tpu.memory_space<hbm>> -> memref<10240x16xf32, #tpu.memory_space<hbm>>
      tpu.wait_indirect_dma semaphore(%arg12 : memref<!tpu.dma_semaphore, #tpu.memory_space<semaphore_mem>>) src(%dma_wait3A_522 : memref<10240x16xf32, #tpu.memory_space<hbm>>) dst(%dma_wait3A_516 : memref<128x16xf32, #tpu.memory_space<vmem>>)
      %gt3A_523 = arith.constant 0 : i32
      %gt3A_524 = arith.cmpi sgt, %scan3A_132, %gt3A_523 : i32
      %convert_element_type3A_525 = arith.extui %gt3A_524 : i1 to i32
      %cond3A_526 = arith.constant 0 : i32
      %cond3A_527 = arith.cmpi ne, %convert_element_type3A_525, %cond3A_526 : i32
      scf.if %cond3A_527 {
        %sub3A = arith.constant 1 : i32
        %sub3A_550 = arith.subi %scan3A_132, %sub3A : i32
        %mul3A_551 = arith.constant 128 : i32
        %mul3A_552 = arith.muli %sub3A_550, %mul3A_551 : i32
        %add3A_553 = arith.addi %mul3A_2, %mul3A_552 : i32
        %dma_wait3A_554 = arith.constant 1 : i32
        %dma_wait3A_555 = arith.constant 0 : i32
        %dma_wait3A_556 = arith.constant 0 : i32
        %dma_wait3A_557 = tpu.memref_slice %arg10[%dma_wait3A_554, %dma_wait3A_555, %dma_wait3A_556] : memref<2x128x128xf32, #tpu.memory_space<vmem>> -> memref<1x128x128xf32, #tpu.memory_space<vmem>>
        %dma_wait3A_558 = tpu.memref_squeeze %dma_wait3A_557 : memref<1x128x128xf32, #tpu.memory_space<vmem>> -> memref<128x128xf32, #tpu.memory_space<vmem>>
        %dma_wait3A_559 = arith.constant 0 : i32
        %dma_wait3A_560 = tpu.memref_slice %arg6[%add3A_553, %dma_wait3A_559] : memref<40960x128xf32, #tpu.memory_space<hbm>> -> memref<128x128xf32, #tpu.memory_space<hbm>>
        %dma_wait3A_561 = arith.constant 0 : i32
        %dma_wait3A_562 = tpu.memref_slice %arg6[%add3A_553, %dma_wait3A_561] : memref<40960x128xf32, #tpu.memory_space<hbm>> -> memref<128x128xf32, #tpu.memory_space<hbm>>
        %dma_wait3A_563 = arith.constant 0 : i32
        %dma_wait3A_564 = arith.constant 0 : i32
        %dma_wait3A_565 = tpu.memref_slice %arg10[%dma_wait3A_554, %dma_wait3A_563, %dma_wait3A_564] : memref<2x128x128xf32, #tpu.memory_space<vmem>> -> memref<1x128x128xf32, #tpu.memory_space<vmem>>
        %dma_wait3A_566 = tpu.memref_squeeze %dma_wait3A_565 : memref<1x128x128xf32, #tpu.memory_space<vmem>> -> memref<128x128xf32, #tpu.memory_space<vmem>>
        tpu.wait_dma2 semaphore(%arg14 : memref<!tpu.dma_semaphore, #tpu.memory_space<semaphore_mem>>) src(%dma_wait3A_566 : memref<128x128xf32, #tpu.memory_space<vmem>>) dst(%dma_wait3A_562 : memref<128x128xf32, #tpu.memory_space<hbm>>)
      } else {
      }
      %scan3A_528 = arith.constant 0 : i32
      %scan3A_529 = arith.constant 0 : i32
      %scan3A_530 = arith.constant 128 : i32
      %scan3A_531 = arith.addi %scan3A_529, %scan3A_530 : i32
      %scan3A_532 = arith.constant 1 : i32
      scf.for %scan3A_550 = %scan3A_529 to %scan3A_531 step %scan3A_532  : i32 {
        %mul3A_551 = arith.constant 8 : i32
        %mul3A_552 = arith.muli %scan3A_550, %mul3A_551 : i32
        %add3A_553 = arith.constant 0 : i32
        %add3A_554 = arith.addi %mul3A_552, %add3A_553 : i32
        %get3A = arith.constant 1 : i32
        %get3A_555 = arith.index_cast %get3A : i32 to index
        %get3A_556 = arith.index_cast %add3A_554 : i32 to index
        %get3A_557 = arith.constant 0 : index
        %get3A_558 = tpu.vector_load %arg9[%get3A_555, %get3A_556, %get3A_557] {strides = array<i32>} : memref<2x1024x16xf32, #tpu.memory_space<vmem>>, vector<1x1x16xf32>,
        %get3A_559 = vector.shape_cast %get3A_558 : vector<1x1x16xf32> to vector<16xf32>
        %swap3A = arith.constant 1 : i32
        %swap3A_560 = arith.index_cast %swap3A : i32 to index
        %swap3A_561 = arith.index_cast %scan3A_550 : i32 to index
        %swap3A_562 = arith.constant 0 : index
        %swap3A_563 = tpu.vector_load %arg10[%swap3A_560, %swap3A_561, %swap3A_562] {strides = array<i32>} : memref<2x128x128xf32, #tpu.memory_space<vmem>>, vector<1x1x16xf32>,
        %swap3A_564 = vector.shape_cast %swap3A_563 : vector<1x1x16xf32> to vector<16xf32>
        %swap3A_565 = vector.shape_cast %get3A_559 : vector<16xf32> to vector<1x1x16xf32>
        tpu.vector_store %arg10[%swap3A_560, %swap3A_561, %swap3A_562], %swap3A_565 {strides = array<i32>} : memref<2x128x128xf32, #tpu.memory_space<vmem>>, vector<1x1x16xf32>,
        %mul3A_566 = arith.constant 8 : i32
        %mul3A_567 = arith.muli %scan3A_550, %mul3A_566 : i32
        %add3A_568 = arith.constant 1 : i32
        %add3A_569 = arith.addi %mul3A_567, %add3A_568 : i32
        %get3A_570 = arith.constant 1 : i32
        %get3A_571 = arith.index_cast %get3A_570 : i32 to index
        %get3A_572 = arith.index_cast %add3A_569 : i32 to index
        %get3A_573 = arith.constant 0 : index
        %get3A_574 = tpu.vector_load %arg9[%get3A_571, %get3A_572, %get3A_573] {strides = array<i32>} : memref<2x1024x16xf32, #tpu.memory_space<vmem>>, vector<1x1x16xf32>,
        %get3A_575 = vector.shape_cast %get3A_574 : vector<1x1x16xf32> to vector<16xf32>
        %swap3A_576 = arith.constant 1 : i32
        %swap3A_577 = arith.index_cast %swap3A_576 : i32 to index
        %swap3A_578 = arith.index_cast %scan3A_550 : i32 to index
        %swap3A_579 = arith.constant 16 : index
        %swap3A_580 = tpu.vector_load %arg10[%swap3A_577, %swap3A_578, %swap3A_579] {strides = array<i32>} : memref<2x128x128xf32, #tpu.memory_space<vmem>>, vector<1x1x16xf32>,
        %swap3A_581 = vector.shape_cast %swap3A_580 : vector<1x1x16xf32> to vector<16xf32>
        %swap3A_582 = vector.shape_cast %get3A_575 : vector<16xf32> to vector<1x1x16xf32>
        tpu.vector_store %arg10[%swap3A_577, %swap3A_578, %swap3A_579], %swap3A_582 {strides = array<i32>} : memref<2x128x128xf32, #tpu.memory_space<vmem>>, vector<1x1x16xf32>,
        %mul3A_583 = arith.constant 8 : i32
        %mul3A_584 = arith.muli %scan3A_550, %mul3A_583 : i32
        %add3A_585 = arith.constant 2 : i32
        %add3A_586 = arith.addi %mul3A_584, %add3A_585 : i32
        %get3A_587 = arith.constant 1 : i32
        %get3A_588 = arith.index_cast %get3A_587 : i32 to index
        %get3A_589 = arith.index_cast %add3A_586 : i32 to index
        %get3A_590 = arith.constant 0 : index
        %get3A_591 = tpu.vector_load %arg9[%get3A_588, %get3A_589, %get3A_590] {strides = array<i32>} : memref<2x1024x16xf32, #tpu.memory_space<vmem>>, vector<1x1x16xf32>,
        %get3A_592 = vector.shape_cast %get3A_591 : vector<1x1x16xf32> to vector<16xf32>
        %swap3A_593 = arith.constant 1 : i32
        %swap3A_594 = arith.index_cast %swap3A_593 : i32 to index
        %swap3A_595 = arith.index_cast %scan3A_550 : i32 to index
        %swap3A_596 = arith.constant 32 : index
        %swap3A_597 = tpu.vector_load %arg10[%swap3A_594, %swap3A_595, %swap3A_596] {strides = array<i32>} : memref<2x128x128xf32, #tpu.memory_space<vmem>>, vector<1x1x16xf32>,
        %swap3A_598 = vector.shape_cast %swap3A_597 : vector<1x1x16xf32> to vector<16xf32>
        %swap3A_599 = vector.shape_cast %get3A_592 : vector<16xf32> to vector<1x1x16xf32>
        tpu.vector_store %arg10[%swap3A_594, %swap3A_595, %swap3A_596], %swap3A_599 {strides = array<i32>} : memref<2x128x128xf32, #tpu.memory_space<vmem>>, vector<1x1x16xf32>,
        %mul3A_600 = arith.constant 8 : i32
        %mul3A_601 = arith.muli %scan3A_550, %mul3A_600 : i32
        %add3A_602 = arith.constant 3 : i32
        %add3A_603 = arith.addi %mul3A_601, %add3A_602 : i32
        %get3A_604 = arith.constant 1 : i32
        %get3A_605 = arith.index_cast %get3A_604 : i32 to index
        %get3A_606 = arith.index_cast %add3A_603 : i32 to index
        %get3A_607 = arith.constant 0 : index
        %get3A_608 = tpu.vector_load %arg9[%get3A_605, %get3A_606, %get3A_607] {strides = array<i32>} : memref<2x1024x16xf32, #tpu.memory_space<vmem>>, vector<1x1x16xf32>,
        %get3A_609 = vector.shape_cast %get3A_608 : vector<1x1x16xf32> to vector<16xf32>
        %swap3A_610 = arith.constant 1 : i32
        %swap3A_611 = arith.index_cast %swap3A_610 : i32 to index
        %swap3A_612 = arith.index_cast %scan3A_550 : i32 to index
        %swap3A_613 = arith.constant 48 : index
        %swap3A_614 = tpu.vector_load %arg10[%swap3A_611, %swap3A_612, %swap3A_613] {strides = array<i32>} : memref<2x128x128xf32, #tpu.memory_space<vmem>>, vector<1x1x16xf32>,
        %swap3A_615 = vector.shape_cast %swap3A_614 : vector<1x1x16xf32> to vector<16xf32>
        %swap3A_616 = vector.shape_cast %get3A_609 : vector<16xf32> to vector<1x1x16xf32>
        tpu.vector_store %arg10[%swap3A_611, %swap3A_612, %swap3A_613], %swap3A_616 {strides = array<i32>} : memref<2x128x128xf32, #tpu.memory_space<vmem>>, vector<1x1x16xf32>,
        %mul3A_617 = arith.constant 8 : i32
        %mul3A_618 = arith.muli %scan3A_550, %mul3A_617 : i32
        %add3A_619 = arith.constant 4 : i32
        %add3A_620 = arith.addi %mul3A_618, %add3A_619 : i32
        %get3A_621 = arith.constant 1 : i32
        %get3A_622 = arith.index_cast %get3A_621 : i32 to index
        %get3A_623 = arith.index_cast %add3A_620 : i32 to index
        %get3A_624 = arith.constant 0 : index
        %get3A_625 = tpu.vector_load %arg9[%get3A_622, %get3A_623, %get3A_624] {strides = array<i32>} : memref<2x1024x16xf32, #tpu.memory_space<vmem>>, vector<1x1x16xf32>,
        %get3A_626 = vector.shape_cast %get3A_625 : vector<1x1x16xf32> to vector<16xf32>
        %swap3A_627 = arith.constant 1 : i32
        %swap3A_628 = arith.index_cast %swap3A_627 : i32 to index
        %swap3A_629 = arith.index_cast %scan3A_550 : i32 to index
        %swap3A_630 = arith.constant 64 : index
        %swap3A_631 = tpu.vector_load %arg10[%swap3A_628, %swap3A_629, %swap3A_630] {strides = array<i32>} : memref<2x128x128xf32, #tpu.memory_space<vmem>>, vector<1x1x16xf32>,
        %swap3A_632 = vector.shape_cast %swap3A_631 : vector<1x1x16xf32> to vector<16xf32>
        %swap3A_633 = vector.shape_cast %get3A_626 : vector<16xf32> to vector<1x1x16xf32>
        tpu.vector_store %arg10[%swap3A_628, %swap3A_629, %swap3A_630], %swap3A_633 {strides = array<i32>} : memref<2x128x128xf32, #tpu.memory_space<vmem>>, vector<1x1x16xf32>,
        %mul3A_634 = arith.constant 8 : i32
        %mul3A_635 = arith.muli %scan3A_550, %mul3A_634 : i32
        %add3A_636 = arith.constant 5 : i32
        %add3A_637 = arith.addi %mul3A_635, %add3A_636 : i32
        %get3A_638 = arith.constant 1 : i32
        %get3A_639 = arith.index_cast %get3A_638 : i32 to index
        %get3A_640 = arith.index_cast %add3A_637 : i32 to index
        %get3A_641 = arith.constant 0 : index
        %get3A_642 = tpu.vector_load %arg9[%get3A_639, %get3A_640, %get3A_641] {strides = array<i32>} : memref<2x1024x16xf32, #tpu.memory_space<vmem>>, vector<1x1x16xf32>,
        %get3A_643 = vector.shape_cast %get3A_642 : vector<1x1x16xf32> to vector<16xf32>
        %swap3A_644 = arith.constant 1 : i32
        %swap3A_645 = arith.index_cast %swap3A_644 : i32 to index
        %swap3A_646 = arith.index_cast %scan3A_550 : i32 to index
        %swap3A_647 = arith.constant 80 : index
        %swap3A_648 = tpu.vector_load %arg10[%swap3A_645, %swap3A_646, %swap3A_647] {strides = array<i32>} : memref<2x128x128xf32, #tpu.memory_space<vmem>>, vector<1x1x16xf32>,
        %swap3A_649 = vector.shape_cast %swap3A_648 : vector<1x1x16xf32> to vector<16xf32>
        %swap3A_650 = vector.shape_cast %get3A_643 : vector<16xf32> to vector<1x1x16xf32>
        tpu.vector_store %arg10[%swap3A_645, %swap3A_646, %swap3A_647], %swap3A_650 {strides = array<i32>} : memref<2x128x128xf32, #tpu.memory_space<vmem>>, vector<1x1x16xf32>,
        %mul3A_651 = arith.constant 8 : i32
        %mul3A_652 = arith.muli %scan3A_550, %mul3A_651 : i32
        %add3A_653 = arith.constant 6 : i32
        %add3A_654 = arith.addi %mul3A_652, %add3A_653 : i32
        %get3A_655 = arith.constant 1 : i32
        %get3A_656 = arith.index_cast %get3A_655 : i32 to index
        %get3A_657 = arith.index_cast %add3A_654 : i32 to index
        %get3A_658 = arith.constant 0 : index
        %get3A_659 = tpu.vector_load %arg9[%get3A_656, %get3A_657, %get3A_658] {strides = array<i32>} : memref<2x1024x16xf32, #tpu.memory_space<vmem>>, vector<1x1x16xf32>,
        %get3A_660 = vector.shape_cast %get3A_659 : vector<1x1x16xf32> to vector<16xf32>
        %swap3A_661 = arith.constant 1 : i32
        %swap3A_662 = arith.index_cast %swap3A_661 : i32 to index
        %swap3A_663 = arith.index_cast %scan3A_550 : i32 to index
        %swap3A_664 = arith.constant 96 : index
        %swap3A_665 = tpu.vector_load %arg10[%swap3A_662, %swap3A_663, %swap3A_664] {strides = array<i32>} : memref<2x128x128xf32, #tpu.memory_space<vmem>>, vector<1x1x16xf32>,
        %swap3A_666 = vector.shape_cast %swap3A_665 : vector<1x1x16xf32> to vector<16xf32>
        %swap3A_667 = vector.shape_cast %get3A_660 : vector<16xf32> to vector<1x1x16xf32>
        tpu.vector_store %arg10[%swap3A_662, %swap3A_663, %swap3A_664], %swap3A_667 {strides = array<i32>} : memref<2x128x128xf32, #tpu.memory_space<vmem>>, vector<1x1x16xf32>,
        %mul3A_668 = arith.constant 8 : i32
        %mul3A_669 = arith.muli %scan3A_550, %mul3A_668 : i32
        %add3A_670 = arith.constant 7 : i32
        %add3A_671 = arith.addi %mul3A_669, %add3A_670 : i32
        %get3A_672 = arith.constant 1 : i32
        %get3A_673 = arith.index_cast %get3A_672 : i32 to index
        %get3A_674 = arith.index_cast %add3A_671 : i32 to index
        %get3A_675 = arith.constant 0 : index
        %get3A_676 = tpu.vector_load %arg9[%get3A_673, %get3A_674, %get3A_675] {strides = array<i32>} : memref<2x1024x16xf32, #tpu.memory_space<vmem>>, vector<1x1x16xf32>,
        %get3A_677 = vector.shape_cast %get3A_676 : vector<1x1x16xf32> to vector<16xf32>
        %swap3A_678 = arith.constant 1 : i32
        %swap3A_679 = arith.index_cast %swap3A_678 : i32 to index
        %swap3A_680 = arith.index_cast %scan3A_550 : i32 to index
        %swap3A_681 = arith.constant 112 : index
        %swap3A_682 = tpu.vector_load %arg10[%swap3A_679, %swap3A_680, %swap3A_681] {strides = array<i32>} : memref<2x128x128xf32, #tpu.memory_space<vmem>>, vector<1x1x16xf32>,
        %swap3A_683 = vector.shape_cast %swap3A_682 : vector<1x1x16xf32> to vector<16xf32>
        %swap3A_684 = vector.shape_cast %get3A_677 : vector<16xf32> to vector<1x1x16xf32>
        tpu.vector_store %arg10[%swap3A_679, %swap3A_680, %swap3A_681], %swap3A_684 {strides = array<i32>} : memref<2x128x128xf32, #tpu.memory_space<vmem>>, vector<1x1x16xf32>,
      }
      %scan3A_533 = arith.constant 128 : i32
      %mul3A_534 = arith.constant 128 : i32
      %mul3A_535 = arith.muli %scan3A_132, %mul3A_534 : i32
      %add3A_536 = arith.addi %mul3A_2, %mul3A_535 : i32
      %dma_start3A_537 = arith.constant 1 : i32
      %dma_start3A_538 = arith.constant 0 : i32
      %dma_start3A_539 = arith.constant 0 : i32
      %dma_start3A_540 = tpu.memref_slice %arg10[%dma_start3A_537, %dma_start3A_538, %dma_start3A_539] : memref<2x128x128xf32, #tpu.memory_space<vmem>> -> memref<1x128x128xf32, #tpu.memory_space<vmem>>
      %dma_start3A_541 = tpu.memref_squeeze %dma_start3A_540 : memref<1x128x128xf32, #tpu.memory_space<vmem>> -> memref<128x128xf32, #tpu.memory_space<vmem>>
      %dma_start3A_542 = arith.constant 0 : i32
      %dma_start3A_543 = tpu.memref_slice %arg6[%add3A_536, %dma_start3A_542] : memref<40960x128xf32, #tpu.memory_space<hbm>> -> memref<128x128xf32, #tpu.memory_space<hbm>>
      %dma_start3A_544 = arith.constant 0 : i32
      %dma_start3A_545 = tpu.memref_slice %arg6[%add3A_536, %dma_start3A_544] : memref<40960x128xf32, #tpu.memory_space<hbm>> -> memref<128x128xf32, #tpu.memory_space<hbm>>
      %dma_start3A_546 = arith.constant 0 : i32
      %dma_start3A_547 = arith.constant 0 : i32
      %dma_start3A_548 = tpu.memref_slice %arg10[%dma_start3A_537, %dma_start3A_546, %dma_start3A_547] : memref<2x128x128xf32, #tpu.memory_space<vmem>> -> memref<1x128x128xf32, #tpu.memory_space<vmem>>
      %dma_start3A_549 = tpu.memref_squeeze %dma_start3A_548 : memref<1x128x128xf32, #tpu.memory_space<vmem>> -> memref<128x128xf32, #tpu.memory_space<vmem>>
      tpu.enqueue_dma source(%dma_start3A_549 : memref<128x128xf32, #tpu.memory_space<vmem>>) target(%dma_start3A_545 : memref<128x128xf32, #tpu.memory_space<hbm>>) target_semaphore(%arg14 : memref<!tpu.dma_semaphore, #tpu.memory_space<semaphore_mem>>)
    }
    %scan3A_102 = arith.constant 10 : i32
    %add3A_103 = arith.constant 1152 : i32
    %add3A_104 = arith.addi %mul3A_2, %add3A_103 : i32
    %dma_wait3A = arith.constant 0 : i32
    %dma_wait3A_105 = arith.constant 0 : i32
    %dma_wait3A_106 = arith.constant 0 : i32
    %dma_wait3A_107 = tpu.memref_slice %arg10[%dma_wait3A, %dma_wait3A_105, %dma_wait3A_106] : memref<2x128x128xf32, #tpu.memory_space<vmem>> -> memref<1x128x128xf32, #tpu.memory_space<vmem>>
    %dma_wait3A_108 = tpu.memref_squeeze %dma_wait3A_107 : memref<1x128x128xf32, #tpu.memory_space<vmem>> -> memref<128x128xf32, #tpu.memory_space<vmem>>
    %dma_wait3A_109 = arith.constant 0 : i32
    %dma_wait3A_110 = tpu.memref_slice %arg5[%add3A_104, %dma_wait3A_109] : memref<40960x128xf32, #tpu.memory_space<hbm>> -> memref<128x128xf32, #tpu.memory_space<hbm>>
    %dma_wait3A_111 = arith.constant 0 : i32
    %dma_wait3A_112 = tpu.memref_slice %arg5[%add3A_104, %dma_wait3A_111] : memref<40960x128xf32, #tpu.memory_space<hbm>> -> memref<128x128xf32, #tpu.memory_space<hbm>>
    %dma_wait3A_113 = arith.constant 0 : i32
    %dma_wait3A_114 = arith.constant 0 : i32
    %dma_wait3A_115 = tpu.memref_slice %arg10[%dma_wait3A, %dma_wait3A_113, %dma_wait3A_114] : memref<2x128x128xf32, #tpu.memory_space<vmem>> -> memref<1x128x128xf32, #tpu.memory_space<vmem>>
    %dma_wait3A_116 = tpu.memref_squeeze %dma_wait3A_115 : memref<1x128x128xf32, #tpu.memory_space<vmem>> -> memref<128x128xf32, #tpu.memory_space<vmem>>
    tpu.wait_dma2 semaphore(%arg13 : memref<!tpu.dma_semaphore, #tpu.memory_space<semaphore_mem>>) src(%dma_wait3A_116 : memref<128x128xf32, #tpu.memory_space<vmem>>) dst(%dma_wait3A_112 : memref<128x128xf32, #tpu.memory_space<hbm>>)
    %add3A_117 = arith.constant 1152 : i32
    %add3A_118 = arith.addi %mul3A_2, %add3A_117 : i32
    %dma_wait3A_119 = arith.constant 1 : i32
    %dma_wait3A_120 = arith.constant 0 : i32
    %dma_wait3A_121 = arith.constant 0 : i32
    %dma_wait3A_122 = tpu.memref_slice %arg10[%dma_wait3A_119, %dma_wait3A_120, %dma_wait3A_121] : memref<2x128x128xf32, #tpu.memory_space<vmem>> -> memref<1x128x128xf32, #tpu.memory_space<vmem>>
    %dma_wait3A_123 = tpu.memref_squeeze %dma_wait3A_122 : memref<1x128x128xf32, #tpu.memory_space<vmem>> -> memref<128x128xf32, #tpu.memory_space<vmem>>
    %dma_wait3A_124 = arith.constant 0 : i32
    %dma_wait3A_125 = tpu.memref_slice %arg6[%add3A_118, %dma_wait3A_124] : memref<40960x128xf32, #tpu.memory_space<hbm>> -> memref<128x128xf32, #tpu.memory_space<hbm>>
    %dma_wait3A_126 = arith.constant 0 : i32
    %dma_wait3A_127 = tpu.memref_slice %arg6[%add3A_118, %dma_wait3A_126] : memref<40960x128xf32, #tpu.memory_space<hbm>> -> memref<128x128xf32, #tpu.memory_space<hbm>>
    %dma_wait3A_128 = arith.constant 0 : i32
    %dma_wait3A_129 = arith.constant 0 : i32
    %dma_wait3A_130 = tpu.memref_slice %arg10[%dma_wait3A_119, %dma_wait3A_128, %dma_wait3A_129] : memref<2x128x128xf32, #tpu.memory_space<vmem>> -> memref<1x128x128xf32, #tpu.memory_space<vmem>>
    %dma_wait3A_131 = tpu.memref_squeeze %dma_wait3A_130 : memref<1x128x128xf32, #tpu.memory_space<vmem>> -> memref<128x128xf32, #tpu.memory_space<vmem>>
    tpu.wait_dma2 semaphore(%arg14 : memref<!tpu.dma_semaphore, #tpu.memory_space<semaphore_mem>>) src(%dma_wait3A_131 : memref<128x128xf32, #tpu.memory_space<vmem>>) dst(%dma_wait3A_127 : memref<128x128xf32, #tpu.memory_space<hbm>>)
    return
  }
}

#map = affine_map<(d0, d1) -> (0, 0)>
#map1 = affine_map<(d0, d1) -> (0, 0, 0)>
module attributes {stable_mosaic.version = 14 : i64} {
  func.func @_agg(%arg0: i32, %arg1: i32, %arg2: memref<10240x16xf32, #tpu.memory_space<hbm>>, %arg3: memref<32x80x128xi32, #tpu.memory_space<hbm>>, %arg4: memref<32x80x128xi32, #tpu.memory_space<hbm>>, %arg5: memref<10240x16xf32, #tpu.memory_space<hbm>>, %arg6: memref<2x10240x16xf32, #tpu.memory_space<hbm>>, %arg7: memref<80x128xi32, #tpu.memory_space<vmem>>, %arg8: memref<80x128xi32, #tpu.memory_space<vmem>>, %arg9: memref<3x1024x16xf32, #tpu.memory_space<vmem>>, %arg10: memref<10240x16xf32, #tpu.memory_space<vmem_shared>>, %arg11: memref<!tpu.dma_semaphore, #tpu.memory_space<semaphore_mem>>, %arg12: memref<!tpu.dma_semaphore, #tpu.memory_space<semaphore_mem>>) attributes {dimension_semantics = [#tpu.dimension_semantics<core_parallel>, #tpu.dimension_semantics<subcore_parallel>], iteration_bounds = array<i64: 2, 16>, scalar_prefetch = 0 : i64, scratch_operands = 6 : i64, tpu.core_type = #tpu.core_type<sc_vector_subcore>, window_params = [{transform_indices = #map}, {transform_indices = #map1}, {transform_indices = #map1}, {transform_indices = #map}, {transform_indices = #map1}]} {
    %mul3A = arith.constant 16 : i32
    %mul3A_0 = arith.muli %arg0, %mul3A : i32
    %add3A = arith.addi %mul3A_0, %arg1 : i32
    "tpu.region"() ({
      %run_scoped3A = tpu.sem_alloc : memref<!tpu.dma_semaphore, #tpu.memory_space<semaphore_mem>>
      %dma_start3A_206 = arith.constant 0 : i32
      %dma_start3A_207 = arith.constant 0 : i32
      %dma_start3A_208 = tpu.memref_slice %arg3[%add3A, %dma_start3A_206, %dma_start3A_207] : memref<32x80x128xi32, #tpu.memory_space<hbm>> -> memref<1x80x128xi32, #tpu.memory_space<hbm>>
      %dma_start3A_209 = tpu.memref_squeeze %dma_start3A_208 : memref<1x80x128xi32, #tpu.memory_space<hbm>> -> memref<80x128xi32, #tpu.memory_space<hbm>>
      %dma_start3A_210 = arith.constant 0 : i32
      %dma_start3A_211 = arith.constant 0 : i32
      %dma_start3A_212 = tpu.memref_slice %arg3[%add3A, %dma_start3A_210, %dma_start3A_211] : memref<32x80x128xi32, #tpu.memory_space<hbm>> -> memref<1x80x128xi32, #tpu.memory_space<hbm>>
      %dma_start3A_213 = tpu.memref_squeeze %dma_start3A_212 : memref<1x80x128xi32, #tpu.memory_space<hbm>> -> memref<80x128xi32, #tpu.memory_space<hbm>>
      tpu.enqueue_dma source(%dma_start3A_213 : memref<80x128xi32, #tpu.memory_space<hbm>>) target(%arg7 : memref<80x128xi32, #tpu.memory_space<vmem>>) target_semaphore(%run_scoped3A : memref<!tpu.dma_semaphore, #tpu.memory_space<semaphore_mem>>)
      %dma_wait3A = arith.constant 0 : i32
      %dma_wait3A_214 = arith.constant 0 : i32
      %dma_wait3A_215 = tpu.memref_slice %arg3[%add3A, %dma_wait3A, %dma_wait3A_214] : memref<32x80x128xi32, #tpu.memory_space<hbm>> -> memref<1x80x128xi32, #tpu.memory_space<hbm>>
      %dma_wait3A_216 = tpu.memref_squeeze %dma_wait3A_215 : memref<1x80x128xi32, #tpu.memory_space<hbm>> -> memref<80x128xi32, #tpu.memory_space<hbm>>
      %dma_wait3A_217 = arith.constant 0 : i32
      %dma_wait3A_218 = arith.constant 0 : i32
      %dma_wait3A_219 = tpu.memref_slice %arg3[%add3A, %dma_wait3A_217, %dma_wait3A_218] : memref<32x80x128xi32, #tpu.memory_space<hbm>> -> memref<1x80x128xi32, #tpu.memory_space<hbm>>
      %dma_wait3A_220 = tpu.memref_squeeze %dma_wait3A_219 : memref<1x80x128xi32, #tpu.memory_space<hbm>> -> memref<80x128xi32, #tpu.memory_space<hbm>>
      tpu.wait_dma2 semaphore(%run_scoped3A : memref<!tpu.dma_semaphore, #tpu.memory_space<semaphore_mem>>) src(%dma_wait3A_220 : memref<80x128xi32, #tpu.memory_space<hbm>>) dst(%arg7 : memref<80x128xi32, #tpu.memory_space<vmem>>)
      tpu.yield
    }) : () -> ()
    "tpu.region"() ({
      %run_scoped3A = tpu.sem_alloc : memref<!tpu.dma_semaphore, #tpu.memory_space<semaphore_mem>>
      %dma_start3A_206 = arith.constant 0 : i32
      %dma_start3A_207 = arith.constant 0 : i32
      %dma_start3A_208 = tpu.memref_slice %arg4[%add3A, %dma_start3A_206, %dma_start3A_207] : memref<32x80x128xi32, #tpu.memory_space<hbm>> -> memref<1x80x128xi32, #tpu.memory_space<hbm>>
      %dma_start3A_209 = tpu.memref_squeeze %dma_start3A_208 : memref<1x80x128xi32, #tpu.memory_space<hbm>> -> memref<80x128xi32, #tpu.memory_space<hbm>>
      %dma_start3A_210 = arith.constant 0 : i32
      %dma_start3A_211 = arith.constant 0 : i32
      %dma_start3A_212 = tpu.memref_slice %arg4[%add3A, %dma_start3A_210, %dma_start3A_211] : memref<32x80x128xi32, #tpu.memory_space<hbm>> -> memref<1x80x128xi32, #tpu.memory_space<hbm>>
      %dma_start3A_213 = tpu.memref_squeeze %dma_start3A_212 : memref<1x80x128xi32, #tpu.memory_space<hbm>> -> memref<80x128xi32, #tpu.memory_space<hbm>>
      tpu.enqueue_dma source(%dma_start3A_213 : memref<80x128xi32, #tpu.memory_space<hbm>>) target(%arg8 : memref<80x128xi32, #tpu.memory_space<vmem>>) target_semaphore(%run_scoped3A : memref<!tpu.dma_semaphore, #tpu.memory_space<semaphore_mem>>)
      %dma_wait3A = arith.constant 0 : i32
      %dma_wait3A_214 = arith.constant 0 : i32
      %dma_wait3A_215 = tpu.memref_slice %arg4[%add3A, %dma_wait3A, %dma_wait3A_214] : memref<32x80x128xi32, #tpu.memory_space<hbm>> -> memref<1x80x128xi32, #tpu.memory_space<hbm>>
      %dma_wait3A_216 = tpu.memref_squeeze %dma_wait3A_215 : memref<1x80x128xi32, #tpu.memory_space<hbm>> -> memref<80x128xi32, #tpu.memory_space<hbm>>
      %dma_wait3A_217 = arith.constant 0 : i32
      %dma_wait3A_218 = arith.constant 0 : i32
      %dma_wait3A_219 = tpu.memref_slice %arg4[%add3A, %dma_wait3A_217, %dma_wait3A_218] : memref<32x80x128xi32, #tpu.memory_space<hbm>> -> memref<1x80x128xi32, #tpu.memory_space<hbm>>
      %dma_wait3A_220 = tpu.memref_squeeze %dma_wait3A_219 : memref<1x80x128xi32, #tpu.memory_space<hbm>> -> memref<80x128xi32, #tpu.memory_space<hbm>>
      tpu.wait_dma2 semaphore(%run_scoped3A : memref<!tpu.dma_semaphore, #tpu.memory_space<semaphore_mem>>) src(%dma_wait3A_220 : memref<80x128xi32, #tpu.memory_space<hbm>>) dst(%arg8 : memref<80x128xi32, #tpu.memory_space<vmem>>)
      tpu.yield
    }) : () -> ()
    %mul3A_1 = arith.constant 640 : i32
    %mul3A_2 = arith.muli %arg1, %mul3A_1 : i32
    %mul3A_3 = arith.constant 640 : i32
    %mul3A_4 = arith.muli %arg1, %mul3A_3 : i32
    "tpu.region"() ({
      %run_scoped3A = tpu.sem_alloc : memref<!tpu.dma_semaphore, #tpu.memory_space<semaphore_mem>>
      %dma_start3A_206 = arith.constant 0 : i32
      %dma_start3A_207 = tpu.memref_slice %arg10[%mul3A_4, %dma_start3A_206] : memref<10240x16xf32, #tpu.memory_space<vmem_shared>> -> memref<640x16xf32, #tpu.memory_space<vmem_shared>>
      %dma_start3A_208 = arith.constant 0 : i32
      %dma_start3A_209 = tpu.memref_slice %arg5[%mul3A_2, %dma_start3A_208] : memref<10240x16xf32, #tpu.memory_space<hbm>> -> memref<640x16xf32, #tpu.memory_space<hbm>>
      tpu.enqueue_dma source(%dma_start3A_209 : memref<640x16xf32, #tpu.memory_space<hbm>>) target(%dma_start3A_207 : memref<640x16xf32, #tpu.memory_space<vmem_shared>>) target_semaphore(%run_scoped3A : memref<!tpu.dma_semaphore, #tpu.memory_space<semaphore_mem>>)
      %dma_wait3A = arith.constant 0 : i32
      %dma_wait3A_210 = tpu.memref_slice %arg10[%mul3A_4, %dma_wait3A] : memref<10240x16xf32, #tpu.memory_space<vmem_shared>> -> memref<640x16xf32, #tpu.memory_space<vmem_shared>>
      %dma_wait3A_211 = arith.constant 0 : i32
      %dma_wait3A_212 = tpu.memref_slice %arg5[%mul3A_2, %dma_wait3A_211] : memref<10240x16xf32, #tpu.memory_space<hbm>> -> memref<640x16xf32, #tpu.memory_space<hbm>>
      tpu.wait_dma2 semaphore(%run_scoped3A : memref<!tpu.dma_semaphore, #tpu.memory_space<semaphore_mem>>) src(%dma_wait3A_212 : memref<640x16xf32, #tpu.memory_space<hbm>>) dst(%dma_wait3A_210 : memref<640x16xf32, #tpu.memory_space<vmem_shared>>)
      tpu.yield
    }) : () -> ()
    %barrier3A = arith.constant 0 : index
    tpu.barrier barrier_id(%barrier3A)
    %dma_start3A = arith.constant 0 : i32
    %dma_start3A_5 = arith.constant 0 : i32
    %dma_start3A_6 = arith.constant 0 : i32
    %dma_start3A_7 = arith.constant 0 : i32
    %dma_start3A_8 = tpu.memref_slice %arg9[%dma_start3A_5, %dma_start3A_6, %dma_start3A_7] : memref<3x1024x16xf32, #tpu.memory_space<vmem>> -> memref<1x128x16xf32, #tpu.memory_space<vmem>>
    %dma_start3A_9 = tpu.memref_squeeze %dma_start3A_8 : memref<1x128x16xf32, #tpu.memory_space<vmem>> -> memref<128x16xf32, #tpu.memory_space<vmem>>
    %dma_start3A_10 = arith.constant 0 : i32
    %dma_start3A_11 = tpu.memref_slice %arg7[%dma_start3A, %dma_start3A_10] : memref<80x128xi32, #tpu.memory_space<vmem>> -> memref<1x128xi32, #tpu.memory_space<vmem>>
    %dma_start3A_12 = tpu.memref_squeeze %dma_start3A_11 : memref<1x128xi32, #tpu.memory_space<vmem>> -> memref<128xi32, #tpu.memory_space<vmem>>
    %dma_start3A_13 = arith.constant 0 : i32
    %dma_start3A_14 = arith.constant 0 : i32
    %dma_start3A_15 = tpu.memref_slice %arg2[%dma_start3A_13, %dma_start3A_14] : memref<10240x16xf32, #tpu.memory_space<hbm>> -> memref<10240x16xf32, #tpu.memory_space<hbm>>
    tpu.enqueue_indirect_dma source(%dma_start3A_15 : memref<10240x16xf32, #tpu.memory_space<hbm>>) target(%dma_start3A_9 : memref<128x16xf32, #tpu.memory_space<vmem>>) offsets(%dma_start3A_12 : memref<128xi32, #tpu.memory_space<vmem>>) semaphore(%arg11 : memref<!tpu.dma_semaphore, #tpu.memory_space<semaphore_mem>>)
    %dma_start3A_16 = arith.constant 1 : i32
    %dma_start3A_17 = arith.constant 0 : i32
    %dma_start3A_18 = arith.constant 128 : i32
    %dma_start3A_19 = arith.constant 0 : i32
    %dma_start3A_20 = tpu.memref_slice %arg9[%dma_start3A_17, %dma_start3A_18, %dma_start3A_19] : memref<3x1024x16xf32, #tpu.memory_space<vmem>> -> memref<1x128x16xf32, #tpu.memory_space<vmem>>
    %dma_start3A_21 = tpu.memref_squeeze %dma_start3A_20 : memref<1x128x16xf32, #tpu.memory_space<vmem>> -> memref<128x16xf32, #tpu.memory_space<vmem>>
    %dma_start3A_22 = arith.constant 0 : i32
    %dma_start3A_23 = tpu.memref_slice %arg7[%dma_start3A_16, %dma_start3A_22] : memref<80x128xi32, #tpu.memory_space<vmem>> -> memref<1x128xi32, #tpu.memory_space<vmem>>
    %dma_start3A_24 = tpu.memref_squeeze %dma_start3A_23 : memref<1x128xi32, #tpu.memory_space<vmem>> -> memref<128xi32, #tpu.memory_space<vmem>>
    %dma_start3A_25 = arith.constant 0 : i32
    %dma_start3A_26 = arith.constant 0 : i32
    %dma_start3A_27 = tpu.memref_slice %arg2[%dma_start3A_25, %dma_start3A_26] : memref<10240x16xf32, #tpu.memory_space<hbm>> -> memref<10240x16xf32, #tpu.memory_space<hbm>>
    tpu.enqueue_indirect_dma source(%dma_start3A_27 : memref<10240x16xf32, #tpu.memory_space<hbm>>) target(%dma_start3A_21 : memref<128x16xf32, #tpu.memory_space<vmem>>) offsets(%dma_start3A_24 : memref<128xi32, #tpu.memory_space<vmem>>) semaphore(%arg11 : memref<!tpu.dma_semaphore, #tpu.memory_space<semaphore_mem>>)
    %dma_start3A_28 = arith.constant 2 : i32
    %dma_start3A_29 = arith.constant 0 : i32
    %dma_start3A_30 = arith.constant 256 : i32
    %dma_start3A_31 = arith.constant 0 : i32
    %dma_start3A_32 = tpu.memref_slice %arg9[%dma_start3A_29, %dma_start3A_30, %dma_start3A_31] : memref<3x1024x16xf32, #tpu.memory_space<vmem>> -> memref<1x128x16xf32, #tpu.memory_space<vmem>>
    %dma_start3A_33 = tpu.memref_squeeze %dma_start3A_32 : memref<1x128x16xf32, #tpu.memory_space<vmem>> -> memref<128x16xf32, #tpu.memory_space<vmem>>
    %dma_start3A_34 = arith.constant 0 : i32
    %dma_start3A_35 = tpu.memref_slice %arg7[%dma_start3A_28, %dma_start3A_34] : memref<80x128xi32, #tpu.memory_space<vmem>> -> memref<1x128xi32, #tpu.memory_space<vmem>>
    %dma_start3A_36 = tpu.memref_squeeze %dma_start3A_35 : memref<1x128xi32, #tpu.memory_space<vmem>> -> memref<128xi32, #tpu.memory_space<vmem>>
    %dma_start3A_37 = arith.constant 0 : i32
    %dma_start3A_38 = arith.constant 0 : i32
    %dma_start3A_39 = tpu.memref_slice %arg2[%dma_start3A_37, %dma_start3A_38] : memref<10240x16xf32, #tpu.memory_space<hbm>> -> memref<10240x16xf32, #tpu.memory_space<hbm>>
    tpu.enqueue_indirect_dma source(%dma_start3A_39 : memref<10240x16xf32, #tpu.memory_space<hbm>>) target(%dma_start3A_33 : memref<128x16xf32, #tpu.memory_space<vmem>>) offsets(%dma_start3A_36 : memref<128xi32, #tpu.memory_space<vmem>>) semaphore(%arg11 : memref<!tpu.dma_semaphore, #tpu.memory_space<semaphore_mem>>)
    %dma_start3A_40 = arith.constant 3 : i32
    %dma_start3A_41 = arith.constant 0 : i32
    %dma_start3A_42 = arith.constant 384 : i32
    %dma_start3A_43 = arith.constant 0 : i32
    %dma_start3A_44 = tpu.memref_slice %arg9[%dma_start3A_41, %dma_start3A_42, %dma_start3A_43] : memref<3x1024x16xf32, #tpu.memory_space<vmem>> -> memref<1x128x16xf32, #tpu.memory_space<vmem>>
    %dma_start3A_45 = tpu.memref_squeeze %dma_start3A_44 : memref<1x128x16xf32, #tpu.memory_space<vmem>> -> memref<128x16xf32, #tpu.memory_space<vmem>>
    %dma_start3A_46 = arith.constant 0 : i32
    %dma_start3A_47 = tpu.memref_slice %arg7[%dma_start3A_40, %dma_start3A_46] : memref<80x128xi32, #tpu.memory_space<vmem>> -> memref<1x128xi32, #tpu.memory_space<vmem>>
    %dma_start3A_48 = tpu.memref_squeeze %dma_start3A_47 : memref<1x128xi32, #tpu.memory_space<vmem>> -> memref<128xi32, #tpu.memory_space<vmem>>
    %dma_start3A_49 = arith.constant 0 : i32
    %dma_start3A_50 = arith.constant 0 : i32
    %dma_start3A_51 = tpu.memref_slice %arg2[%dma_start3A_49, %dma_start3A_50] : memref<10240x16xf32, #tpu.memory_space<hbm>> -> memref<10240x16xf32, #tpu.memory_space<hbm>>
    tpu.enqueue_indirect_dma source(%dma_start3A_51 : memref<10240x16xf32, #tpu.memory_space<hbm>>) target(%dma_start3A_45 : memref<128x16xf32, #tpu.memory_space<vmem>>) offsets(%dma_start3A_48 : memref<128xi32, #tpu.memory_space<vmem>>) semaphore(%arg11 : memref<!tpu.dma_semaphore, #tpu.memory_space<semaphore_mem>>)
    %dma_start3A_52 = arith.constant 4 : i32
    %dma_start3A_53 = arith.constant 0 : i32
    %dma_start3A_54 = arith.constant 512 : i32
    %dma_start3A_55 = arith.constant 0 : i32
    %dma_start3A_56 = tpu.memref_slice %arg9[%dma_start3A_53, %dma_start3A_54, %dma_start3A_55] : memref<3x1024x16xf32, #tpu.memory_space<vmem>> -> memref<1x128x16xf32, #tpu.memory_space<vmem>>
    %dma_start3A_57 = tpu.memref_squeeze %dma_start3A_56 : memref<1x128x16xf32, #tpu.memory_space<vmem>> -> memref<128x16xf32, #tpu.memory_space<vmem>>
    %dma_start3A_58 = arith.constant 0 : i32
    %dma_start3A_59 = tpu.memref_slice %arg7[%dma_start3A_52, %dma_start3A_58] : memref<80x128xi32, #tpu.memory_space<vmem>> -> memref<1x128xi32, #tpu.memory_space<vmem>>
    %dma_start3A_60 = tpu.memref_squeeze %dma_start3A_59 : memref<1x128xi32, #tpu.memory_space<vmem>> -> memref<128xi32, #tpu.memory_space<vmem>>
    %dma_start3A_61 = arith.constant 0 : i32
    %dma_start3A_62 = arith.constant 0 : i32
    %dma_start3A_63 = tpu.memref_slice %arg2[%dma_start3A_61, %dma_start3A_62] : memref<10240x16xf32, #tpu.memory_space<hbm>> -> memref<10240x16xf32, #tpu.memory_space<hbm>>
    tpu.enqueue_indirect_dma source(%dma_start3A_63 : memref<10240x16xf32, #tpu.memory_space<hbm>>) target(%dma_start3A_57 : memref<128x16xf32, #tpu.memory_space<vmem>>) offsets(%dma_start3A_60 : memref<128xi32, #tpu.memory_space<vmem>>) semaphore(%arg11 : memref<!tpu.dma_semaphore, #tpu.memory_space<semaphore_mem>>)
    %dma_start3A_64 = arith.constant 5 : i32
    %dma_start3A_65 = arith.constant 0 : i32
    %dma_start3A_66 = arith.constant 640 : i32
    %dma_start3A_67 = arith.constant 0 : i32
    %dma_start3A_68 = tpu.memref_slice %arg9[%dma_start3A_65, %dma_start3A_66, %dma_start3A_67] : memref<3x1024x16xf32, #tpu.memory_space<vmem>> -> memref<1x128x16xf32, #tpu.memory_space<vmem>>
    %dma_start3A_69 = tpu.memref_squeeze %dma_start3A_68 : memref<1x128x16xf32, #tpu.memory_space<vmem>> -> memref<128x16xf32, #tpu.memory_space<vmem>>
    %dma_start3A_70 = arith.constant 0 : i32
    %dma_start3A_71 = tpu.memref_slice %arg7[%dma_start3A_64, %dma_start3A_70] : memref<80x128xi32, #tpu.memory_space<vmem>> -> memref<1x128xi32, #tpu.memory_space<vmem>>
    %dma_start3A_72 = tpu.memref_squeeze %dma_start3A_71 : memref<1x128xi32, #tpu.memory_space<vmem>> -> memref<128xi32, #tpu.memory_space<vmem>>
    %dma_start3A_73 = arith.constant 0 : i32
    %dma_start3A_74 = arith.constant 0 : i32
    %dma_start3A_75 = tpu.memref_slice %arg2[%dma_start3A_73, %dma_start3A_74] : memref<10240x16xf32, #tpu.memory_space<hbm>> -> memref<10240x16xf32, #tpu.memory_space<hbm>>
    tpu.enqueue_indirect_dma source(%dma_start3A_75 : memref<10240x16xf32, #tpu.memory_space<hbm>>) target(%dma_start3A_69 : memref<128x16xf32, #tpu.memory_space<vmem>>) offsets(%dma_start3A_72 : memref<128xi32, #tpu.memory_space<vmem>>) semaphore(%arg11 : memref<!tpu.dma_semaphore, #tpu.memory_space<semaphore_mem>>)
    %dma_start3A_76 = arith.constant 6 : i32
    %dma_start3A_77 = arith.constant 0 : i32
    %dma_start3A_78 = arith.constant 768 : i32
    %dma_start3A_79 = arith.constant 0 : i32
    %dma_start3A_80 = tpu.memref_slice %arg9[%dma_start3A_77, %dma_start3A_78, %dma_start3A_79] : memref<3x1024x16xf32, #tpu.memory_space<vmem>> -> memref<1x128x16xf32, #tpu.memory_space<vmem>>
    %dma_start3A_81 = tpu.memref_squeeze %dma_start3A_80 : memref<1x128x16xf32, #tpu.memory_space<vmem>> -> memref<128x16xf32, #tpu.memory_space<vmem>>
    %dma_start3A_82 = arith.constant 0 : i32
    %dma_start3A_83 = tpu.memref_slice %arg7[%dma_start3A_76, %dma_start3A_82] : memref<80x128xi32, #tpu.memory_space<vmem>> -> memref<1x128xi32, #tpu.memory_space<vmem>>
    %dma_start3A_84 = tpu.memref_squeeze %dma_start3A_83 : memref<1x128xi32, #tpu.memory_space<vmem>> -> memref<128xi32, #tpu.memory_space<vmem>>
    %dma_start3A_85 = arith.constant 0 : i32
    %dma_start3A_86 = arith.constant 0 : i32
    %dma_start3A_87 = tpu.memref_slice %arg2[%dma_start3A_85, %dma_start3A_86] : memref<10240x16xf32, #tpu.memory_space<hbm>> -> memref<10240x16xf32, #tpu.memory_space<hbm>>
    tpu.enqueue_indirect_dma source(%dma_start3A_87 : memref<10240x16xf32, #tpu.memory_space<hbm>>) target(%dma_start3A_81 : memref<128x16xf32, #tpu.memory_space<vmem>>) offsets(%dma_start3A_84 : memref<128xi32, #tpu.memory_space<vmem>>) semaphore(%arg11 : memref<!tpu.dma_semaphore, #tpu.memory_space<semaphore_mem>>)
    %dma_start3A_88 = arith.constant 7 : i32
    %dma_start3A_89 = arith.constant 0 : i32
    %dma_start3A_90 = arith.constant 896 : i32
    %dma_start3A_91 = arith.constant 0 : i32
    %dma_start3A_92 = tpu.memref_slice %arg9[%dma_start3A_89, %dma_start3A_90, %dma_start3A_91] : memref<3x1024x16xf32, #tpu.memory_space<vmem>> -> memref<1x128x16xf32, #tpu.memory_space<vmem>>
    %dma_start3A_93 = tpu.memref_squeeze %dma_start3A_92 : memref<1x128x16xf32, #tpu.memory_space<vmem>> -> memref<128x16xf32, #tpu.memory_space<vmem>>
    %dma_start3A_94 = arith.constant 0 : i32
    %dma_start3A_95 = tpu.memref_slice %arg7[%dma_start3A_88, %dma_start3A_94] : memref<80x128xi32, #tpu.memory_space<vmem>> -> memref<1x128xi32, #tpu.memory_space<vmem>>
    %dma_start3A_96 = tpu.memref_squeeze %dma_start3A_95 : memref<1x128xi32, #tpu.memory_space<vmem>> -> memref<128xi32, #tpu.memory_space<vmem>>
    %dma_start3A_97 = arith.constant 0 : i32
    %dma_start3A_98 = arith.constant 0 : i32
    %dma_start3A_99 = tpu.memref_slice %arg2[%dma_start3A_97, %dma_start3A_98] : memref<10240x16xf32, #tpu.memory_space<hbm>> -> memref<10240x16xf32, #tpu.memory_space<hbm>>
    tpu.enqueue_indirect_dma source(%dma_start3A_99 : memref<10240x16xf32, #tpu.memory_space<hbm>>) target(%dma_start3A_93 : memref<128x16xf32, #tpu.memory_space<vmem>>) offsets(%dma_start3A_96 : memref<128xi32, #tpu.memory_space<vmem>>) semaphore(%arg11 : memref<!tpu.dma_semaphore, #tpu.memory_space<semaphore_mem>>)
    %dma_start3A_100 = arith.constant 8 : i32
    %dma_start3A_101 = arith.constant 1 : i32
    %dma_start3A_102 = arith.constant 0 : i32
    %dma_start3A_103 = arith.constant 0 : i32
    %dma_start3A_104 = tpu.memref_slice %arg9[%dma_start3A_101, %dma_start3A_102, %dma_start3A_103] : memref<3x1024x16xf32, #tpu.memory_space<vmem>> -> memref<1x128x16xf32, #tpu.memory_space<vmem>>
    %dma_start3A_105 = tpu.memref_squeeze %dma_start3A_104 : memref<1x128x16xf32, #tpu.memory_space<vmem>> -> memref<128x16xf32, #tpu.memory_space<vmem>>
    %dma_start3A_106 = arith.constant 0 : i32
    %dma_start3A_107 = tpu.memref_slice %arg7[%dma_start3A_100, %dma_start3A_106] : memref<80x128xi32, #tpu.memory_space<vmem>> -> memref<1x128xi32, #tpu.memory_space<vmem>>
    %dma_start3A_108 = tpu.memref_squeeze %dma_start3A_107 : memref<1x128xi32, #tpu.memory_space<vmem>> -> memref<128xi32, #tpu.memory_space<vmem>>
    %dma_start3A_109 = arith.constant 0 : i32
    %dma_start3A_110 = arith.constant 0 : i32
    %dma_start3A_111 = tpu.memref_slice %arg2[%dma_start3A_109, %dma_start3A_110] : memref<10240x16xf32, #tpu.memory_space<hbm>> -> memref<10240x16xf32, #tpu.memory_space<hbm>>
    tpu.enqueue_indirect_dma source(%dma_start3A_111 : memref<10240x16xf32, #tpu.memory_space<hbm>>) target(%dma_start3A_105 : memref<128x16xf32, #tpu.memory_space<vmem>>) offsets(%dma_start3A_108 : memref<128xi32, #tpu.memory_space<vmem>>) semaphore(%arg11 : memref<!tpu.dma_semaphore, #tpu.memory_space<semaphore_mem>>)
    %dma_start3A_112 = arith.constant 9 : i32
    %dma_start3A_113 = arith.constant 1 : i32
    %dma_start3A_114 = arith.constant 128 : i32
    %dma_start3A_115 = arith.constant 0 : i32
    %dma_start3A_116 = tpu.memref_slice %arg9[%dma_start3A_113, %dma_start3A_114, %dma_start3A_115] : memref<3x1024x16xf32, #tpu.memory_space<vmem>> -> memref<1x128x16xf32, #tpu.memory_space<vmem>>
    %dma_start3A_117 = tpu.memref_squeeze %dma_start3A_116 : memref<1x128x16xf32, #tpu.memory_space<vmem>> -> memref<128x16xf32, #tpu.memory_space<vmem>>
    %dma_start3A_118 = arith.constant 0 : i32
    %dma_start3A_119 = tpu.memref_slice %arg7[%dma_start3A_112, %dma_start3A_118] : memref<80x128xi32, #tpu.memory_space<vmem>> -> memref<1x128xi32, #tpu.memory_space<vmem>>
    %dma_start3A_120 = tpu.memref_squeeze %dma_start3A_119 : memref<1x128xi32, #tpu.memory_space<vmem>> -> memref<128xi32, #tpu.memory_space<vmem>>
    %dma_start3A_121 = arith.constant 0 : i32
    %dma_start3A_122 = arith.constant 0 : i32
    %dma_start3A_123 = tpu.memref_slice %arg2[%dma_start3A_121, %dma_start3A_122] : memref<10240x16xf32, #tpu.memory_space<hbm>> -> memref<10240x16xf32, #tpu.memory_space<hbm>>
    tpu.enqueue_indirect_dma source(%dma_start3A_123 : memref<10240x16xf32, #tpu.memory_space<hbm>>) target(%dma_start3A_117 : memref<128x16xf32, #tpu.memory_space<vmem>>) offsets(%dma_start3A_120 : memref<128xi32, #tpu.memory_space<vmem>>) semaphore(%arg11 : memref<!tpu.dma_semaphore, #tpu.memory_space<semaphore_mem>>)
    %dma_start3A_124 = arith.constant 10 : i32
    %dma_start3A_125 = arith.constant 1 : i32
    %dma_start3A_126 = arith.constant 256 : i32
    %dma_start3A_127 = arith.constant 0 : i32
    %dma_start3A_128 = tpu.memref_slice %arg9[%dma_start3A_125, %dma_start3A_126, %dma_start3A_127] : memref<3x1024x16xf32, #tpu.memory_space<vmem>> -> memref<1x128x16xf32, #tpu.memory_space<vmem>>
    %dma_start3A_129 = tpu.memref_squeeze %dma_start3A_128 : memref<1x128x16xf32, #tpu.memory_space<vmem>> -> memref<128x16xf32, #tpu.memory_space<vmem>>
    %dma_start3A_130 = arith.constant 0 : i32
    %dma_start3A_131 = tpu.memref_slice %arg7[%dma_start3A_124, %dma_start3A_130] : memref<80x128xi32, #tpu.memory_space<vmem>> -> memref<1x128xi32, #tpu.memory_space<vmem>>
    %dma_start3A_132 = tpu.memref_squeeze %dma_start3A_131 : memref<1x128xi32, #tpu.memory_space<vmem>> -> memref<128xi32, #tpu.memory_space<vmem>>
    %dma_start3A_133 = arith.constant 0 : i32
    %dma_start3A_134 = arith.constant 0 : i32
    %dma_start3A_135 = tpu.memref_slice %arg2[%dma_start3A_133, %dma_start3A_134] : memref<10240x16xf32, #tpu.memory_space<hbm>> -> memref<10240x16xf32, #tpu.memory_space<hbm>>
    tpu.enqueue_indirect_dma source(%dma_start3A_135 : memref<10240x16xf32, #tpu.memory_space<hbm>>) target(%dma_start3A_129 : memref<128x16xf32, #tpu.memory_space<vmem>>) offsets(%dma_start3A_132 : memref<128xi32, #tpu.memory_space<vmem>>) semaphore(%arg11 : memref<!tpu.dma_semaphore, #tpu.memory_space<semaphore_mem>>)
    %dma_start3A_136 = arith.constant 11 : i32
    %dma_start3A_137 = arith.constant 1 : i32
    %dma_start3A_138 = arith.constant 384 : i32
    %dma_start3A_139 = arith.constant 0 : i32
    %dma_start3A_140 = tpu.memref_slice %arg9[%dma_start3A_137, %dma_start3A_138, %dma_start3A_139] : memref<3x1024x16xf32, #tpu.memory_space<vmem>> -> memref<1x128x16xf32, #tpu.memory_space<vmem>>
    %dma_start3A_141 = tpu.memref_squeeze %dma_start3A_140 : memref<1x128x16xf32, #tpu.memory_space<vmem>> -> memref<128x16xf32, #tpu.memory_space<vmem>>
    %dma_start3A_142 = arith.constant 0 : i32
    %dma_start3A_143 = tpu.memref_slice %arg7[%dma_start3A_136, %dma_start3A_142] : memref<80x128xi32, #tpu.memory_space<vmem>> -> memref<1x128xi32, #tpu.memory_space<vmem>>
    %dma_start3A_144 = tpu.memref_squeeze %dma_start3A_143 : memref<1x128xi32, #tpu.memory_space<vmem>> -> memref<128xi32, #tpu.memory_space<vmem>>
    %dma_start3A_145 = arith.constant 0 : i32
    %dma_start3A_146 = arith.constant 0 : i32
    %dma_start3A_147 = tpu.memref_slice %arg2[%dma_start3A_145, %dma_start3A_146] : memref<10240x16xf32, #tpu.memory_space<hbm>> -> memref<10240x16xf32, #tpu.memory_space<hbm>>
    tpu.enqueue_indirect_dma source(%dma_start3A_147 : memref<10240x16xf32, #tpu.memory_space<hbm>>) target(%dma_start3A_141 : memref<128x16xf32, #tpu.memory_space<vmem>>) offsets(%dma_start3A_144 : memref<128xi32, #tpu.memory_space<vmem>>) semaphore(%arg11 : memref<!tpu.dma_semaphore, #tpu.memory_space<semaphore_mem>>)
    %dma_start3A_148 = arith.constant 12 : i32
    %dma_start3A_149 = arith.constant 1 : i32
    %dma_start3A_150 = arith.constant 512 : i32
    %dma_start3A_151 = arith.constant 0 : i32
    %dma_start3A_152 = tpu.memref_slice %arg9[%dma_start3A_149, %dma_start3A_150, %dma_start3A_151] : memref<3x1024x16xf32, #tpu.memory_space<vmem>> -> memref<1x128x16xf32, #tpu.memory_space<vmem>>
    %dma_start3A_153 = tpu.memref_squeeze %dma_start3A_152 : memref<1x128x16xf32, #tpu.memory_space<vmem>> -> memref<128x16xf32, #tpu.memory_space<vmem>>
    %dma_start3A_154 = arith.constant 0 : i32
    %dma_start3A_155 = tpu.memref_slice %arg7[%dma_start3A_148, %dma_start3A_154] : memref<80x128xi32, #tpu.memory_space<vmem>> -> memref<1x128xi32, #tpu.memory_space<vmem>>
    %dma_start3A_156 = tpu.memref_squeeze %dma_start3A_155 : memref<1x128xi32, #tpu.memory_space<vmem>> -> memref<128xi32, #tpu.memory_space<vmem>>
    %dma_start3A_157 = arith.constant 0 : i32
    %dma_start3A_158 = arith.constant 0 : i32
    %dma_start3A_159 = tpu.memref_slice %arg2[%dma_start3A_157, %dma_start3A_158] : memref<10240x16xf32, #tpu.memory_space<hbm>> -> memref<10240x16xf32, #tpu.memory_space<hbm>>
    tpu.enqueue_indirect_dma source(%dma_start3A_159 : memref<10240x16xf32, #tpu.memory_space<hbm>>) target(%dma_start3A_153 : memref<128x16xf32, #tpu.memory_space<vmem>>) offsets(%dma_start3A_156 : memref<128xi32, #tpu.memory_space<vmem>>) semaphore(%arg11 : memref<!tpu.dma_semaphore, #tpu.memory_space<semaphore_mem>>)
    %dma_start3A_160 = arith.constant 13 : i32
    %dma_start3A_161 = arith.constant 1 : i32
    %dma_start3A_162 = arith.constant 640 : i32
    %dma_start3A_163 = arith.constant 0 : i32
    %dma_start3A_164 = tpu.memref_slice %arg9[%dma_start3A_161, %dma_start3A_162, %dma_start3A_163] : memref<3x1024x16xf32, #tpu.memory_space<vmem>> -> memref<1x128x16xf32, #tpu.memory_space<vmem>>
    %dma_start3A_165 = tpu.memref_squeeze %dma_start3A_164 : memref<1x128x16xf32, #tpu.memory_space<vmem>> -> memref<128x16xf32, #tpu.memory_space<vmem>>
    %dma_start3A_166 = arith.constant 0 : i32
    %dma_start3A_167 = tpu.memref_slice %arg7[%dma_start3A_160, %dma_start3A_166] : memref<80x128xi32, #tpu.memory_space<vmem>> -> memref<1x128xi32, #tpu.memory_space<vmem>>
    %dma_start3A_168 = tpu.memref_squeeze %dma_start3A_167 : memref<1x128xi32, #tpu.memory_space<vmem>> -> memref<128xi32, #tpu.memory_space<vmem>>
    %dma_start3A_169 = arith.constant 0 : i32
    %dma_start3A_170 = arith.constant 0 : i32
    %dma_start3A_171 = tpu.memref_slice %arg2[%dma_start3A_169, %dma_start3A_170] : memref<10240x16xf32, #tpu.memory_space<hbm>> -> memref<10240x16xf32, #tpu.memory_space<hbm>>
    tpu.enqueue_indirect_dma source(%dma_start3A_171 : memref<10240x16xf32, #tpu.memory_space<hbm>>) target(%dma_start3A_165 : memref<128x16xf32, #tpu.memory_space<vmem>>) offsets(%dma_start3A_168 : memref<128xi32, #tpu.memory_space<vmem>>) semaphore(%arg11 : memref<!tpu.dma_semaphore, #tpu.memory_space<semaphore_mem>>)
    %dma_start3A_172 = arith.constant 14 : i32
    %dma_start3A_173 = arith.constant 1 : i32
    %dma_start3A_174 = arith.constant 768 : i32
    %dma_start3A_175 = arith.constant 0 : i32
    %dma_start3A_176 = tpu.memref_slice %arg9[%dma_start3A_173, %dma_start3A_174, %dma_start3A_175] : memref<3x1024x16xf32, #tpu.memory_space<vmem>> -> memref<1x128x16xf32, #tpu.memory_space<vmem>>
    %dma_start3A_177 = tpu.memref_squeeze %dma_start3A_176 : memref<1x128x16xf32, #tpu.memory_space<vmem>> -> memref<128x16xf32, #tpu.memory_space<vmem>>
    %dma_start3A_178 = arith.constant 0 : i32
    %dma_start3A_179 = tpu.memref_slice %arg7[%dma_start3A_172, %dma_start3A_178] : memref<80x128xi32, #tpu.memory_space<vmem>> -> memref<1x128xi32, #tpu.memory_space<vmem>>
    %dma_start3A_180 = tpu.memref_squeeze %dma_start3A_179 : memref<1x128xi32, #tpu.memory_space<vmem>> -> memref<128xi32, #tpu.memory_space<vmem>>
    %dma_start3A_181 = arith.constant 0 : i32
    %dma_start3A_182 = arith.constant 0 : i32
    %dma_start3A_183 = tpu.memref_slice %arg2[%dma_start3A_181, %dma_start3A_182] : memref<10240x16xf32, #tpu.memory_space<hbm>> -> memref<10240x16xf32, #tpu.memory_space<hbm>>
    tpu.enqueue_indirect_dma source(%dma_start3A_183 : memref<10240x16xf32, #tpu.memory_space<hbm>>) target(%dma_start3A_177 : memref<128x16xf32, #tpu.memory_space<vmem>>) offsets(%dma_start3A_180 : memref<128xi32, #tpu.memory_space<vmem>>) semaphore(%arg11 : memref<!tpu.dma_semaphore, #tpu.memory_space<semaphore_mem>>)
    %dma_start3A_184 = arith.constant 15 : i32
    %dma_start3A_185 = arith.constant 1 : i32
    %dma_start3A_186 = arith.constant 896 : i32
    %dma_start3A_187 = arith.constant 0 : i32
    %dma_start3A_188 = tpu.memref_slice %arg9[%dma_start3A_185, %dma_start3A_186, %dma_start3A_187] : memref<3x1024x16xf32, #tpu.memory_space<vmem>> -> memref<1x128x16xf32, #tpu.memory_space<vmem>>
    %dma_start3A_189 = tpu.memref_squeeze %dma_start3A_188 : memref<1x128x16xf32, #tpu.memory_space<vmem>> -> memref<128x16xf32, #tpu.memory_space<vmem>>
    %dma_start3A_190 = arith.constant 0 : i32
    %dma_start3A_191 = tpu.memref_slice %arg7[%dma_start3A_184, %dma_start3A_190] : memref<80x128xi32, #tpu.memory_space<vmem>> -> memref<1x128xi32, #tpu.memory_space<vmem>>
    %dma_start3A_192 = tpu.memref_squeeze %dma_start3A_191 : memref<1x128xi32, #tpu.memory_space<vmem>> -> memref<128xi32, #tpu.memory_space<vmem>>
    %dma_start3A_193 = arith.constant 0 : i32
    %dma_start3A_194 = arith.constant 0 : i32
    %dma_start3A_195 = tpu.memref_slice %arg2[%dma_start3A_193, %dma_start3A_194] : memref<10240x16xf32, #tpu.memory_space<hbm>> -> memref<10240x16xf32, #tpu.memory_space<hbm>>
    tpu.enqueue_indirect_dma source(%dma_start3A_195 : memref<10240x16xf32, #tpu.memory_space<hbm>>) target(%dma_start3A_189 : memref<128x16xf32, #tpu.memory_space<vmem>>) offsets(%dma_start3A_192 : memref<128xi32, #tpu.memory_space<vmem>>) semaphore(%arg11 : memref<!tpu.dma_semaphore, #tpu.memory_space<semaphore_mem>>)
    %scan3A = arith.constant 0 : i32
    %scan3A_196 = arith.constant 0 : i32
    %scan3A_197 = arith.constant 10 : i32
    %scan3A_198 = arith.addi %scan3A_196, %scan3A_197 : i32
    %scan3A_199 = arith.constant 1 : i32
    scf.for %scan3A_206 = %scan3A_196 to %scan3A_198 step %scan3A_199  : i32 {
      %rem3A = arith.constant 3 : i32
      %rem3A_207 = arith.remsi %scan3A_206, %rem3A : i32
      %add3A_208 = arith.constant 3 : i32
      %add3A_209 = arith.addi %scan3A_206, %add3A_208 : i32
      %sub3A = arith.constant 1 : i32
      %sub3A_210 = arith.subi %add3A_209, %sub3A : i32
      %lt3A = arith.constant 10 : i32
      %lt3A_211 = arith.cmpi slt, %sub3A_210, %lt3A : i32
      %convert_element_type3A = arith.extui %lt3A_211 : i1 to i32
      %cond3A = arith.constant 0 : i32
      %cond3A_212 = arith.cmpi ne, %convert_element_type3A, %cond3A : i32
      scf.if %cond3A_212 {
        %add3A_548 = arith.constant 3 : i32
        %add3A_549 = arith.addi %scan3A_206, %add3A_548 : i32
        %sub3A_550 = arith.constant 1 : i32
        %sub3A_551 = arith.subi %add3A_549, %sub3A_550 : i32
        %add3A_552 = arith.constant 3 : i32
        %add3A_553 = arith.addi %scan3A_206, %add3A_552 : i32
        %sub3A_554 = arith.constant 1 : i32
        %sub3A_555 = arith.subi %add3A_553, %sub3A_554 : i32
        %rem3A_556 = arith.constant 3 : i32
        %rem3A_557 = arith.remsi %sub3A_555, %rem3A_556 : i32
        %mul3A_558 = arith.constant 8 : i32
        %mul3A_559 = arith.muli %sub3A_551, %mul3A_558 : i32
        %add3A_560 = arith.constant 0 : i32
        %add3A_561 = arith.addi %mul3A_559, %add3A_560 : i32
        %dma_start3A_562 = arith.constant 0 : i32
        %dma_start3A_563 = arith.constant 0 : i32
        %dma_start3A_564 = tpu.memref_slice %arg9[%rem3A_557, %dma_start3A_562, %dma_start3A_563] : memref<3x1024x16xf32, #tpu.memory_space<vmem>> -> memref<1x128x16xf32, #tpu.memory_space<vmem>>
        %dma_start3A_565 = tpu.memref_squeeze %dma_start3A_564 : memref<1x128x16xf32, #tpu.memory_space<vmem>> -> memref<128x16xf32, #tpu.memory_space<vmem>>
        %dma_start3A_566 = arith.constant 0 : i32
        %dma_start3A_567 = tpu.memref_slice %arg7[%add3A_561, %dma_start3A_566] : memref<80x128xi32, #tpu.memory_space<vmem>> -> memref<1x128xi32, #tpu.memory_space<vmem>>
        %dma_start3A_568 = tpu.memref_squeeze %dma_start3A_567 : memref<1x128xi32, #tpu.memory_space<vmem>> -> memref<128xi32, #tpu.memory_space<vmem>>
        %dma_start3A_569 = arith.constant 0 : i32
        %dma_start3A_570 = arith.constant 0 : i32
        %dma_start3A_571 = tpu.memref_slice %arg2[%dma_start3A_569, %dma_start3A_570] : memref<10240x16xf32, #tpu.memory_space<hbm>> -> memref<10240x16xf32, #tpu.memory_space<hbm>>
        tpu.enqueue_indirect_dma source(%dma_start3A_571 : memref<10240x16xf32, #tpu.memory_space<hbm>>) target(%dma_start3A_565 : memref<128x16xf32, #tpu.memory_space<vmem>>) offsets(%dma_start3A_568 : memref<128xi32, #tpu.memory_space<vmem>>) semaphore(%arg11 : memref<!tpu.dma_semaphore, #tpu.memory_space<semaphore_mem>>)
        %mul3A_572 = arith.constant 8 : i32
        %mul3A_573 = arith.muli %sub3A_551, %mul3A_572 : i32
        %add3A_574 = arith.constant 1 : i32
        %add3A_575 = arith.addi %mul3A_573, %add3A_574 : i32
        %dma_start3A_576 = arith.constant 128 : i32
        %dma_start3A_577 = arith.constant 0 : i32
        %dma_start3A_578 = tpu.memref_slice %arg9[%rem3A_557, %dma_start3A_576, %dma_start3A_577] : memref<3x1024x16xf32, #tpu.memory_space<vmem>> -> memref<1x128x16xf32, #tpu.memory_space<vmem>>
        %dma_start3A_579 = tpu.memref_squeeze %dma_start3A_578 : memref<1x128x16xf32, #tpu.memory_space<vmem>> -> memref<128x16xf32, #tpu.memory_space<vmem>>
        %dma_start3A_580 = arith.constant 0 : i32
        %dma_start3A_581 = tpu.memref_slice %arg7[%add3A_575, %dma_start3A_580] : memref<80x128xi32, #tpu.memory_space<vmem>> -> memref<1x128xi32, #tpu.memory_space<vmem>>
        %dma_start3A_582 = tpu.memref_squeeze %dma_start3A_581 : memref<1x128xi32, #tpu.memory_space<vmem>> -> memref<128xi32, #tpu.memory_space<vmem>>
        %dma_start3A_583 = arith.constant 0 : i32
        %dma_start3A_584 = arith.constant 0 : i32
        %dma_start3A_585 = tpu.memref_slice %arg2[%dma_start3A_583, %dma_start3A_584] : memref<10240x16xf32, #tpu.memory_space<hbm>> -> memref<10240x16xf32, #tpu.memory_space<hbm>>
        tpu.enqueue_indirect_dma source(%dma_start3A_585 : memref<10240x16xf32, #tpu.memory_space<hbm>>) target(%dma_start3A_579 : memref<128x16xf32, #tpu.memory_space<vmem>>) offsets(%dma_start3A_582 : memref<128xi32, #tpu.memory_space<vmem>>) semaphore(%arg11 : memref<!tpu.dma_semaphore, #tpu.memory_space<semaphore_mem>>)
        %mul3A_586 = arith.constant 8 : i32
        %mul3A_587 = arith.muli %sub3A_551, %mul3A_586 : i32
        %add3A_588 = arith.constant 2 : i32
        %add3A_589 = arith.addi %mul3A_587, %add3A_588 : i32
        %dma_start3A_590 = arith.constant 256 : i32
        %dma_start3A_591 = arith.constant 0 : i32
        %dma_start3A_592 = tpu.memref_slice %arg9[%rem3A_557, %dma_start3A_590, %dma_start3A_591] : memref<3x1024x16xf32, #tpu.memory_space<vmem>> -> memref<1x128x16xf32, #tpu.memory_space<vmem>>
        %dma_start3A_593 = tpu.memref_squeeze %dma_start3A_592 : memref<1x128x16xf32, #tpu.memory_space<vmem>> -> memref<128x16xf32, #tpu.memory_space<vmem>>
        %dma_start3A_594 = arith.constant 0 : i32
        %dma_start3A_595 = tpu.memref_slice %arg7[%add3A_589, %dma_start3A_594] : memref<80x128xi32, #tpu.memory_space<vmem>> -> memref<1x128xi32, #tpu.memory_space<vmem>>
        %dma_start3A_596 = tpu.memref_squeeze %dma_start3A_595 : memref<1x128xi32, #tpu.memory_space<vmem>> -> memref<128xi32, #tpu.memory_space<vmem>>
        %dma_start3A_597 = arith.constant 0 : i32
        %dma_start3A_598 = arith.constant 0 : i32
        %dma_start3A_599 = tpu.memref_slice %arg2[%dma_start3A_597, %dma_start3A_598] : memref<10240x16xf32, #tpu.memory_space<hbm>> -> memref<10240x16xf32, #tpu.memory_space<hbm>>
        tpu.enqueue_indirect_dma source(%dma_start3A_599 : memref<10240x16xf32, #tpu.memory_space<hbm>>) target(%dma_start3A_593 : memref<128x16xf32, #tpu.memory_space<vmem>>) offsets(%dma_start3A_596 : memref<128xi32, #tpu.memory_space<vmem>>) semaphore(%arg11 : memref<!tpu.dma_semaphore, #tpu.memory_space<semaphore_mem>>)
        %mul3A_600 = arith.constant 8 : i32
        %mul3A_601 = arith.muli %sub3A_551, %mul3A_600 : i32
        %add3A_602 = arith.constant 3 : i32
        %add3A_603 = arith.addi %mul3A_601, %add3A_602 : i32
        %dma_start3A_604 = arith.constant 384 : i32
        %dma_start3A_605 = arith.constant 0 : i32
        %dma_start3A_606 = tpu.memref_slice %arg9[%rem3A_557, %dma_start3A_604, %dma_start3A_605] : memref<3x1024x16xf32, #tpu.memory_space<vmem>> -> memref<1x128x16xf32, #tpu.memory_space<vmem>>
        %dma_start3A_607 = tpu.memref_squeeze %dma_start3A_606 : memref<1x128x16xf32, #tpu.memory_space<vmem>> -> memref<128x16xf32, #tpu.memory_space<vmem>>
        %dma_start3A_608 = arith.constant 0 : i32
        %dma_start3A_609 = tpu.memref_slice %arg7[%add3A_603, %dma_start3A_608] : memref<80x128xi32, #tpu.memory_space<vmem>> -> memref<1x128xi32, #tpu.memory_space<vmem>>
        %dma_start3A_610 = tpu.memref_squeeze %dma_start3A_609 : memref<1x128xi32, #tpu.memory_space<vmem>> -> memref<128xi32, #tpu.memory_space<vmem>>
        %dma_start3A_611 = arith.constant 0 : i32
        %dma_start3A_612 = arith.constant 0 : i32
        %dma_start3A_613 = tpu.memref_slice %arg2[%dma_start3A_611, %dma_start3A_612] : memref<10240x16xf32, #tpu.memory_space<hbm>> -> memref<10240x16xf32, #tpu.memory_space<hbm>>
        tpu.enqueue_indirect_dma source(%dma_start3A_613 : memref<10240x16xf32, #tpu.memory_space<hbm>>) target(%dma_start3A_607 : memref<128x16xf32, #tpu.memory_space<vmem>>) offsets(%dma_start3A_610 : memref<128xi32, #tpu.memory_space<vmem>>) semaphore(%arg11 : memref<!tpu.dma_semaphore, #tpu.memory_space<semaphore_mem>>)
        %mul3A_614 = arith.constant 8 : i32
        %mul3A_615 = arith.muli %sub3A_551, %mul3A_614 : i32
        %add3A_616 = arith.constant 4 : i32
        %add3A_617 = arith.addi %mul3A_615, %add3A_616 : i32
        %dma_start3A_618 = arith.constant 512 : i32
        %dma_start3A_619 = arith.constant 0 : i32
        %dma_start3A_620 = tpu.memref_slice %arg9[%rem3A_557, %dma_start3A_618, %dma_start3A_619] : memref<3x1024x16xf32, #tpu.memory_space<vmem>> -> memref<1x128x16xf32, #tpu.memory_space<vmem>>
        %dma_start3A_621 = tpu.memref_squeeze %dma_start3A_620 : memref<1x128x16xf32, #tpu.memory_space<vmem>> -> memref<128x16xf32, #tpu.memory_space<vmem>>
        %dma_start3A_622 = arith.constant 0 : i32
        %dma_start3A_623 = tpu.memref_slice %arg7[%add3A_617, %dma_start3A_622] : memref<80x128xi32, #tpu.memory_space<vmem>> -> memref<1x128xi32, #tpu.memory_space<vmem>>
        %dma_start3A_624 = tpu.memref_squeeze %dma_start3A_623 : memref<1x128xi32, #tpu.memory_space<vmem>> -> memref<128xi32, #tpu.memory_space<vmem>>
        %dma_start3A_625 = arith.constant 0 : i32
        %dma_start3A_626 = arith.constant 0 : i32
        %dma_start3A_627 = tpu.memref_slice %arg2[%dma_start3A_625, %dma_start3A_626] : memref<10240x16xf32, #tpu.memory_space<hbm>> -> memref<10240x16xf32, #tpu.memory_space<hbm>>
        tpu.enqueue_indirect_dma source(%dma_start3A_627 : memref<10240x16xf32, #tpu.memory_space<hbm>>) target(%dma_start3A_621 : memref<128x16xf32, #tpu.memory_space<vmem>>) offsets(%dma_start3A_624 : memref<128xi32, #tpu.memory_space<vmem>>) semaphore(%arg11 : memref<!tpu.dma_semaphore, #tpu.memory_space<semaphore_mem>>)
        %mul3A_628 = arith.constant 8 : i32
        %mul3A_629 = arith.muli %sub3A_551, %mul3A_628 : i32
        %add3A_630 = arith.constant 5 : i32
        %add3A_631 = arith.addi %mul3A_629, %add3A_630 : i32
        %dma_start3A_632 = arith.constant 640 : i32
        %dma_start3A_633 = arith.constant 0 : i32
        %dma_start3A_634 = tpu.memref_slice %arg9[%rem3A_557, %dma_start3A_632, %dma_start3A_633] : memref<3x1024x16xf32, #tpu.memory_space<vmem>> -> memref<1x128x16xf32, #tpu.memory_space<vmem>>
        %dma_start3A_635 = tpu.memref_squeeze %dma_start3A_634 : memref<1x128x16xf32, #tpu.memory_space<vmem>> -> memref<128x16xf32, #tpu.memory_space<vmem>>
        %dma_start3A_636 = arith.constant 0 : i32
        %dma_start3A_637 = tpu.memref_slice %arg7[%add3A_631, %dma_start3A_636] : memref<80x128xi32, #tpu.memory_space<vmem>> -> memref<1x128xi32, #tpu.memory_space<vmem>>
        %dma_start3A_638 = tpu.memref_squeeze %dma_start3A_637 : memref<1x128xi32, #tpu.memory_space<vmem>> -> memref<128xi32, #tpu.memory_space<vmem>>
        %dma_start3A_639 = arith.constant 0 : i32
        %dma_start3A_640 = arith.constant 0 : i32
        %dma_start3A_641 = tpu.memref_slice %arg2[%dma_start3A_639, %dma_start3A_640] : memref<10240x16xf32, #tpu.memory_space<hbm>> -> memref<10240x16xf32, #tpu.memory_space<hbm>>
        tpu.enqueue_indirect_dma source(%dma_start3A_641 : memref<10240x16xf32, #tpu.memory_space<hbm>>) target(%dma_start3A_635 : memref<128x16xf32, #tpu.memory_space<vmem>>) offsets(%dma_start3A_638 : memref<128xi32, #tpu.memory_space<vmem>>) semaphore(%arg11 : memref<!tpu.dma_semaphore, #tpu.memory_space<semaphore_mem>>)
        %mul3A_642 = arith.constant 8 : i32
        %mul3A_643 = arith.muli %sub3A_551, %mul3A_642 : i32
        %add3A_644 = arith.constant 6 : i32
        %add3A_645 = arith.addi %mul3A_643, %add3A_644 : i32
        %dma_start3A_646 = arith.constant 768 : i32
        %dma_start3A_647 = arith.constant 0 : i32
        %dma_start3A_648 = tpu.memref_slice %arg9[%rem3A_557, %dma_start3A_646, %dma_start3A_647] : memref<3x1024x16xf32, #tpu.memory_space<vmem>> -> memref<1x128x16xf32, #tpu.memory_space<vmem>>
        %dma_start3A_649 = tpu.memref_squeeze %dma_start3A_648 : memref<1x128x16xf32, #tpu.memory_space<vmem>> -> memref<128x16xf32, #tpu.memory_space<vmem>>
        %dma_start3A_650 = arith.constant 0 : i32
        %dma_start3A_651 = tpu.memref_slice %arg7[%add3A_645, %dma_start3A_650] : memref<80x128xi32, #tpu.memory_space<vmem>> -> memref<1x128xi32, #tpu.memory_space<vmem>>
        %dma_start3A_652 = tpu.memref_squeeze %dma_start3A_651 : memref<1x128xi32, #tpu.memory_space<vmem>> -> memref<128xi32, #tpu.memory_space<vmem>>
        %dma_start3A_653 = arith.constant 0 : i32
        %dma_start3A_654 = arith.constant 0 : i32
        %dma_start3A_655 = tpu.memref_slice %arg2[%dma_start3A_653, %dma_start3A_654] : memref<10240x16xf32, #tpu.memory_space<hbm>> -> memref<10240x16xf32, #tpu.memory_space<hbm>>
        tpu.enqueue_indirect_dma source(%dma_start3A_655 : memref<10240x16xf32, #tpu.memory_space<hbm>>) target(%dma_start3A_649 : memref<128x16xf32, #tpu.memory_space<vmem>>) offsets(%dma_start3A_652 : memref<128xi32, #tpu.memory_space<vmem>>) semaphore(%arg11 : memref<!tpu.dma_semaphore, #tpu.memory_space<semaphore_mem>>)
        %mul3A_656 = arith.constant 8 : i32
        %mul3A_657 = arith.muli %sub3A_551, %mul3A_656 : i32
        %add3A_658 = arith.constant 7 : i32
        %add3A_659 = arith.addi %mul3A_657, %add3A_658 : i32
        %dma_start3A_660 = arith.constant 896 : i32
        %dma_start3A_661 = arith.constant 0 : i32
        %dma_start3A_662 = tpu.memref_slice %arg9[%rem3A_557, %dma_start3A_660, %dma_start3A_661] : memref<3x1024x16xf32, #tpu.memory_space<vmem>> -> memref<1x128x16xf32, #tpu.memory_space<vmem>>
        %dma_start3A_663 = tpu.memref_squeeze %dma_start3A_662 : memref<1x128x16xf32, #tpu.memory_space<vmem>> -> memref<128x16xf32, #tpu.memory_space<vmem>>
        %dma_start3A_664 = arith.constant 0 : i32
        %dma_start3A_665 = tpu.memref_slice %arg7[%add3A_659, %dma_start3A_664] : memref<80x128xi32, #tpu.memory_space<vmem>> -> memref<1x128xi32, #tpu.memory_space<vmem>>
        %dma_start3A_666 = tpu.memref_squeeze %dma_start3A_665 : memref<1x128xi32, #tpu.memory_space<vmem>> -> memref<128xi32, #tpu.memory_space<vmem>>
        %dma_start3A_667 = arith.constant 0 : i32
        %dma_start3A_668 = arith.constant 0 : i32
        %dma_start3A_669 = tpu.memref_slice %arg2[%dma_start3A_667, %dma_start3A_668] : memref<10240x16xf32, #tpu.memory_space<hbm>> -> memref<10240x16xf32, #tpu.memory_space<hbm>>
        tpu.enqueue_indirect_dma source(%dma_start3A_669 : memref<10240x16xf32, #tpu.memory_space<hbm>>) target(%dma_start3A_663 : memref<128x16xf32, #tpu.memory_space<vmem>>) offsets(%dma_start3A_666 : memref<128xi32, #tpu.memory_space<vmem>>) semaphore(%arg11 : memref<!tpu.dma_semaphore, #tpu.memory_space<semaphore_mem>>)
      } else {
      }
      %mul3A_213 = arith.constant 8 : i32
      %mul3A_214 = arith.muli %scan3A_206, %mul3A_213 : i32
      %add3A_215 = arith.constant 0 : i32
      %add3A_216 = arith.addi %mul3A_214, %add3A_215 : i32
      %dma_wait3A = arith.constant 0 : i32
      %dma_wait3A_217 = arith.constant 0 : i32
      %dma_wait3A_218 = tpu.memref_slice %arg9[%rem3A_207, %dma_wait3A, %dma_wait3A_217] : memref<3x1024x16xf32, #tpu.memory_space<vmem>> -> memref<1x128x16xf32, #tpu.memory_space<vmem>>
      %dma_wait3A_219 = tpu.memref_squeeze %dma_wait3A_218 : memref<1x128x16xf32, #tpu.memory_space<vmem>> -> memref<128x16xf32, #tpu.memory_space<vmem>>
      %dma_wait3A_220 = arith.constant 0 : i32
      %dma_wait3A_221 = tpu.memref_slice %arg7[%add3A_216, %dma_wait3A_220] : memref<80x128xi32, #tpu.memory_space<vmem>> -> memref<1x128xi32, #tpu.memory_space<vmem>>
      %dma_wait3A_222 = tpu.memref_squeeze %dma_wait3A_221 : memref<1x128xi32, #tpu.memory_space<vmem>> -> memref<128xi32, #tpu.memory_space<vmem>>
      %dma_wait3A_223 = arith.constant 0 : i32
      %dma_wait3A_224 = arith.constant 0 : i32
      %dma_wait3A_225 = tpu.memref_slice %arg2[%dma_wait3A_223, %dma_wait3A_224] : memref<10240x16xf32, #tpu.memory_space<hbm>> -> memref<10240x16xf32, #tpu.memory_space<hbm>>
      tpu.wait_indirect_dma semaphore(%arg11 : memref<!tpu.dma_semaphore, #tpu.memory_space<semaphore_mem>>) src(%dma_wait3A_225 : memref<10240x16xf32, #tpu.memory_space<hbm>>) dst(%dma_wait3A_219 : memref<128x16xf32, #tpu.memory_space<vmem>>)
      %mul3A_226 = arith.constant 8 : i32
      %mul3A_227 = arith.muli %scan3A_206, %mul3A_226 : i32
      %add3A_228 = arith.constant 1 : i32
      %add3A_229 = arith.addi %mul3A_227, %add3A_228 : i32
      %dma_wait3A_230 = arith.constant 128 : i32
      %dma_wait3A_231 = arith.constant 0 : i32
      %dma_wait3A_232 = tpu.memref_slice %arg9[%rem3A_207, %dma_wait3A_230, %dma_wait3A_231] : memref<3x1024x16xf32, #tpu.memory_space<vmem>> -> memref<1x128x16xf32, #tpu.memory_space<vmem>>
      %dma_wait3A_233 = tpu.memref_squeeze %dma_wait3A_232 : memref<1x128x16xf32, #tpu.memory_space<vmem>> -> memref<128x16xf32, #tpu.memory_space<vmem>>
      %dma_wait3A_234 = arith.constant 0 : i32
      %dma_wait3A_235 = tpu.memref_slice %arg7[%add3A_229, %dma_wait3A_234] : memref<80x128xi32, #tpu.memory_space<vmem>> -> memref<1x128xi32, #tpu.memory_space<vmem>>
      %dma_wait3A_236 = tpu.memref_squeeze %dma_wait3A_235 : memref<1x128xi32, #tpu.memory_space<vmem>> -> memref<128xi32, #tpu.memory_space<vmem>>
      %dma_wait3A_237 = arith.constant 0 : i32
      %dma_wait3A_238 = arith.constant 0 : i32
      %dma_wait3A_239 = tpu.memref_slice %arg2[%dma_wait3A_237, %dma_wait3A_238] : memref<10240x16xf32, #tpu.memory_space<hbm>> -> memref<10240x16xf32, #tpu.memory_space<hbm>>
      tpu.wait_indirect_dma semaphore(%arg11 : memref<!tpu.dma_semaphore, #tpu.memory_space<semaphore_mem>>) src(%dma_wait3A_239 : memref<10240x16xf32, #tpu.memory_space<hbm>>) dst(%dma_wait3A_233 : memref<128x16xf32, #tpu.memory_space<vmem>>)
      %mul3A_240 = arith.constant 8 : i32
      %mul3A_241 = arith.muli %scan3A_206, %mul3A_240 : i32
      %add3A_242 = arith.constant 2 : i32
      %add3A_243 = arith.addi %mul3A_241, %add3A_242 : i32
      %dma_wait3A_244 = arith.constant 256 : i32
      %dma_wait3A_245 = arith.constant 0 : i32
      %dma_wait3A_246 = tpu.memref_slice %arg9[%rem3A_207, %dma_wait3A_244, %dma_wait3A_245] : memref<3x1024x16xf32, #tpu.memory_space<vmem>> -> memref<1x128x16xf32, #tpu.memory_space<vmem>>
      %dma_wait3A_247 = tpu.memref_squeeze %dma_wait3A_246 : memref<1x128x16xf32, #tpu.memory_space<vmem>> -> memref<128x16xf32, #tpu.memory_space<vmem>>
      %dma_wait3A_248 = arith.constant 0 : i32
      %dma_wait3A_249 = tpu.memref_slice %arg7[%add3A_243, %dma_wait3A_248] : memref<80x128xi32, #tpu.memory_space<vmem>> -> memref<1x128xi32, #tpu.memory_space<vmem>>
      %dma_wait3A_250 = tpu.memref_squeeze %dma_wait3A_249 : memref<1x128xi32, #tpu.memory_space<vmem>> -> memref<128xi32, #tpu.memory_space<vmem>>
      %dma_wait3A_251 = arith.constant 0 : i32
      %dma_wait3A_252 = arith.constant 0 : i32
      %dma_wait3A_253 = tpu.memref_slice %arg2[%dma_wait3A_251, %dma_wait3A_252] : memref<10240x16xf32, #tpu.memory_space<hbm>> -> memref<10240x16xf32, #tpu.memory_space<hbm>>
      tpu.wait_indirect_dma semaphore(%arg11 : memref<!tpu.dma_semaphore, #tpu.memory_space<semaphore_mem>>) src(%dma_wait3A_253 : memref<10240x16xf32, #tpu.memory_space<hbm>>) dst(%dma_wait3A_247 : memref<128x16xf32, #tpu.memory_space<vmem>>)
      %mul3A_254 = arith.constant 8 : i32
      %mul3A_255 = arith.muli %scan3A_206, %mul3A_254 : i32
      %add3A_256 = arith.constant 3 : i32
      %add3A_257 = arith.addi %mul3A_255, %add3A_256 : i32
      %dma_wait3A_258 = arith.constant 384 : i32
      %dma_wait3A_259 = arith.constant 0 : i32
      %dma_wait3A_260 = tpu.memref_slice %arg9[%rem3A_207, %dma_wait3A_258, %dma_wait3A_259] : memref<3x1024x16xf32, #tpu.memory_space<vmem>> -> memref<1x128x16xf32, #tpu.memory_space<vmem>>
      %dma_wait3A_261 = tpu.memref_squeeze %dma_wait3A_260 : memref<1x128x16xf32, #tpu.memory_space<vmem>> -> memref<128x16xf32, #tpu.memory_space<vmem>>
      %dma_wait3A_262 = arith.constant 0 : i32
      %dma_wait3A_263 = tpu.memref_slice %arg7[%add3A_257, %dma_wait3A_262] : memref<80x128xi32, #tpu.memory_space<vmem>> -> memref<1x128xi32, #tpu.memory_space<vmem>>
      %dma_wait3A_264 = tpu.memref_squeeze %dma_wait3A_263 : memref<1x128xi32, #tpu.memory_space<vmem>> -> memref<128xi32, #tpu.memory_space<vmem>>
      %dma_wait3A_265 = arith.constant 0 : i32
      %dma_wait3A_266 = arith.constant 0 : i32
      %dma_wait3A_267 = tpu.memref_slice %arg2[%dma_wait3A_265, %dma_wait3A_266] : memref<10240x16xf32, #tpu.memory_space<hbm>> -> memref<10240x16xf32, #tpu.memory_space<hbm>>
      tpu.wait_indirect_dma semaphore(%arg11 : memref<!tpu.dma_semaphore, #tpu.memory_space<semaphore_mem>>) src(%dma_wait3A_267 : memref<10240x16xf32, #tpu.memory_space<hbm>>) dst(%dma_wait3A_261 : memref<128x16xf32, #tpu.memory_space<vmem>>)
      %mul3A_268 = arith.constant 8 : i32
      %mul3A_269 = arith.muli %scan3A_206, %mul3A_268 : i32
      %add3A_270 = arith.constant 4 : i32
      %add3A_271 = arith.addi %mul3A_269, %add3A_270 : i32
      %dma_wait3A_272 = arith.constant 512 : i32
      %dma_wait3A_273 = arith.constant 0 : i32
      %dma_wait3A_274 = tpu.memref_slice %arg9[%rem3A_207, %dma_wait3A_272, %dma_wait3A_273] : memref<3x1024x16xf32, #tpu.memory_space<vmem>> -> memref<1x128x16xf32, #tpu.memory_space<vmem>>
      %dma_wait3A_275 = tpu.memref_squeeze %dma_wait3A_274 : memref<1x128x16xf32, #tpu.memory_space<vmem>> -> memref<128x16xf32, #tpu.memory_space<vmem>>
      %dma_wait3A_276 = arith.constant 0 : i32
      %dma_wait3A_277 = tpu.memref_slice %arg7[%add3A_271, %dma_wait3A_276] : memref<80x128xi32, #tpu.memory_space<vmem>> -> memref<1x128xi32, #tpu.memory_space<vmem>>
      %dma_wait3A_278 = tpu.memref_squeeze %dma_wait3A_277 : memref<1x128xi32, #tpu.memory_space<vmem>> -> memref<128xi32, #tpu.memory_space<vmem>>
      %dma_wait3A_279 = arith.constant 0 : i32
      %dma_wait3A_280 = arith.constant 0 : i32
      %dma_wait3A_281 = tpu.memref_slice %arg2[%dma_wait3A_279, %dma_wait3A_280] : memref<10240x16xf32, #tpu.memory_space<hbm>> -> memref<10240x16xf32, #tpu.memory_space<hbm>>
      tpu.wait_indirect_dma semaphore(%arg11 : memref<!tpu.dma_semaphore, #tpu.memory_space<semaphore_mem>>) src(%dma_wait3A_281 : memref<10240x16xf32, #tpu.memory_space<hbm>>) dst(%dma_wait3A_275 : memref<128x16xf32, #tpu.memory_space<vmem>>)
      %mul3A_282 = arith.constant 8 : i32
      %mul3A_283 = arith.muli %scan3A_206, %mul3A_282 : i32
      %add3A_284 = arith.constant 5 : i32
      %add3A_285 = arith.addi %mul3A_283, %add3A_284 : i32
      %dma_wait3A_286 = arith.constant 640 : i32
      %dma_wait3A_287 = arith.constant 0 : i32
      %dma_wait3A_288 = tpu.memref_slice %arg9[%rem3A_207, %dma_wait3A_286, %dma_wait3A_287] : memref<3x1024x16xf32, #tpu.memory_space<vmem>> -> memref<1x128x16xf32, #tpu.memory_space<vmem>>
      %dma_wait3A_289 = tpu.memref_squeeze %dma_wait3A_288 : memref<1x128x16xf32, #tpu.memory_space<vmem>> -> memref<128x16xf32, #tpu.memory_space<vmem>>
      %dma_wait3A_290 = arith.constant 0 : i32
      %dma_wait3A_291 = tpu.memref_slice %arg7[%add3A_285, %dma_wait3A_290] : memref<80x128xi32, #tpu.memory_space<vmem>> -> memref<1x128xi32, #tpu.memory_space<vmem>>
      %dma_wait3A_292 = tpu.memref_squeeze %dma_wait3A_291 : memref<1x128xi32, #tpu.memory_space<vmem>> -> memref<128xi32, #tpu.memory_space<vmem>>
      %dma_wait3A_293 = arith.constant 0 : i32
      %dma_wait3A_294 = arith.constant 0 : i32
      %dma_wait3A_295 = tpu.memref_slice %arg2[%dma_wait3A_293, %dma_wait3A_294] : memref<10240x16xf32, #tpu.memory_space<hbm>> -> memref<10240x16xf32, #tpu.memory_space<hbm>>
      tpu.wait_indirect_dma semaphore(%arg11 : memref<!tpu.dma_semaphore, #tpu.memory_space<semaphore_mem>>) src(%dma_wait3A_295 : memref<10240x16xf32, #tpu.memory_space<hbm>>) dst(%dma_wait3A_289 : memref<128x16xf32, #tpu.memory_space<vmem>>)
      %mul3A_296 = arith.constant 8 : i32
      %mul3A_297 = arith.muli %scan3A_206, %mul3A_296 : i32
      %add3A_298 = arith.constant 6 : i32
      %add3A_299 = arith.addi %mul3A_297, %add3A_298 : i32
      %dma_wait3A_300 = arith.constant 768 : i32
      %dma_wait3A_301 = arith.constant 0 : i32
      %dma_wait3A_302 = tpu.memref_slice %arg9[%rem3A_207, %dma_wait3A_300, %dma_wait3A_301] : memref<3x1024x16xf32, #tpu.memory_space<vmem>> -> memref<1x128x16xf32, #tpu.memory_space<vmem>>
      %dma_wait3A_303 = tpu.memref_squeeze %dma_wait3A_302 : memref<1x128x16xf32, #tpu.memory_space<vmem>> -> memref<128x16xf32, #tpu.memory_space<vmem>>
      %dma_wait3A_304 = arith.constant 0 : i32
      %dma_wait3A_305 = tpu.memref_slice %arg7[%add3A_299, %dma_wait3A_304] : memref<80x128xi32, #tpu.memory_space<vmem>> -> memref<1x128xi32, #tpu.memory_space<vmem>>
      %dma_wait3A_306 = tpu.memref_squeeze %dma_wait3A_305 : memref<1x128xi32, #tpu.memory_space<vmem>> -> memref<128xi32, #tpu.memory_space<vmem>>
      %dma_wait3A_307 = arith.constant 0 : i32
      %dma_wait3A_308 = arith.constant 0 : i32
      %dma_wait3A_309 = tpu.memref_slice %arg2[%dma_wait3A_307, %dma_wait3A_308] : memref<10240x16xf32, #tpu.memory_space<hbm>> -> memref<10240x16xf32, #tpu.memory_space<hbm>>
      tpu.wait_indirect_dma semaphore(%arg11 : memref<!tpu.dma_semaphore, #tpu.memory_space<semaphore_mem>>) src(%dma_wait3A_309 : memref<10240x16xf32, #tpu.memory_space<hbm>>) dst(%dma_wait3A_303 : memref<128x16xf32, #tpu.memory_space<vmem>>)
      %mul3A_310 = arith.constant 8 : i32
      %mul3A_311 = arith.muli %scan3A_206, %mul3A_310 : i32
      %add3A_312 = arith.constant 7 : i32
      %add3A_313 = arith.addi %mul3A_311, %add3A_312 : i32
      %dma_wait3A_314 = arith.constant 896 : i32
      %dma_wait3A_315 = arith.constant 0 : i32
      %dma_wait3A_316 = tpu.memref_slice %arg9[%rem3A_207, %dma_wait3A_314, %dma_wait3A_315] : memref<3x1024x16xf32, #tpu.memory_space<vmem>> -> memref<1x128x16xf32, #tpu.memory_space<vmem>>
      %dma_wait3A_317 = tpu.memref_squeeze %dma_wait3A_316 : memref<1x128x16xf32, #tpu.memory_space<vmem>> -> memref<128x16xf32, #tpu.memory_space<vmem>>
      %dma_wait3A_318 = arith.constant 0 : i32
      %dma_wait3A_319 = tpu.memref_slice %arg7[%add3A_313, %dma_wait3A_318] : memref<80x128xi32, #tpu.memory_space<vmem>> -> memref<1x128xi32, #tpu.memory_space<vmem>>
      %dma_wait3A_320 = tpu.memref_squeeze %dma_wait3A_319 : memref<1x128xi32, #tpu.memory_space<vmem>> -> memref<128xi32, #tpu.memory_space<vmem>>
      %dma_wait3A_321 = arith.constant 0 : i32
      %dma_wait3A_322 = arith.constant 0 : i32
      %dma_wait3A_323 = tpu.memref_slice %arg2[%dma_wait3A_321, %dma_wait3A_322] : memref<10240x16xf32, #tpu.memory_space<hbm>> -> memref<10240x16xf32, #tpu.memory_space<hbm>>
      tpu.wait_indirect_dma semaphore(%arg11 : memref<!tpu.dma_semaphore, #tpu.memory_space<semaphore_mem>>) src(%dma_wait3A_323 : memref<10240x16xf32, #tpu.memory_space<hbm>>) dst(%dma_wait3A_317 : memref<128x16xf32, #tpu.memory_space<vmem>>)
      %mul3A_324 = arith.constant 8 : i32
      %mul3A_325 = arith.muli %scan3A_206, %mul3A_324 : i32
      %add3A_326 = arith.constant 0 : i32
      %add3A_327 = arith.addi %mul3A_325, %add3A_326 : i32
      %dma_start3A_328 = arith.constant 0 : i32
      %dma_start3A_329 = arith.constant 0 : i32
      %dma_start3A_330 = tpu.memref_slice %arg9[%rem3A_207, %dma_start3A_328, %dma_start3A_329] : memref<3x1024x16xf32, #tpu.memory_space<vmem>> -> memref<1x128x16xf32, #tpu.memory_space<vmem>>
      %dma_start3A_331 = tpu.memref_squeeze %dma_start3A_330 : memref<1x128x16xf32, #tpu.memory_space<vmem>> -> memref<128x16xf32, #tpu.memory_space<vmem>>
      %dma_start3A_332 = arith.constant 0 : i32
      %dma_start3A_333 = tpu.memref_slice %arg8[%add3A_327, %dma_start3A_332] : memref<80x128xi32, #tpu.memory_space<vmem>> -> memref<1x128xi32, #tpu.memory_space<vmem>>
      %dma_start3A_334 = tpu.memref_squeeze %dma_start3A_333 : memref<1x128xi32, #tpu.memory_space<vmem>> -> memref<128xi32, #tpu.memory_space<vmem>>
      %dma_start3A_335 = arith.constant 0 : i32
      %dma_start3A_336 = arith.constant 0 : i32
      %dma_start3A_337 = tpu.memref_slice %arg10[%dma_start3A_335, %dma_start3A_336] : memref<10240x16xf32, #tpu.memory_space<vmem_shared>> -> memref<10240x16xf32, #tpu.memory_space<vmem_shared>>
      tpu.enqueue_indirect_dma source(%dma_start3A_331 : memref<128x16xf32, #tpu.memory_space<vmem>>) target(%dma_start3A_337 : memref<10240x16xf32, #tpu.memory_space<vmem_shared>>) offsets(%dma_start3A_334 : memref<128xi32, #tpu.memory_space<vmem>>) semaphore(%arg12 : memref<!tpu.dma_semaphore, #tpu.memory_space<semaphore_mem>>) {add = true}
      %mul3A_338 = arith.constant 8 : i32
      %mul3A_339 = arith.muli %scan3A_206, %mul3A_338 : i32
      %add3A_340 = arith.constant 1 : i32
      %add3A_341 = arith.addi %mul3A_339, %add3A_340 : i32
      %dma_start3A_342 = arith.constant 128 : i32
      %dma_start3A_343 = arith.constant 0 : i32
      %dma_start3A_344 = tpu.memref_slice %arg9[%rem3A_207, %dma_start3A_342, %dma_start3A_343] : memref<3x1024x16xf32, #tpu.memory_space<vmem>> -> memref<1x128x16xf32, #tpu.memory_space<vmem>>
      %dma_start3A_345 = tpu.memref_squeeze %dma_start3A_344 : memref<1x128x16xf32, #tpu.memory_space<vmem>> -> memref<128x16xf32, #tpu.memory_space<vmem>>
      %dma_start3A_346 = arith.constant 0 : i32
      %dma_start3A_347 = tpu.memref_slice %arg8[%add3A_341, %dma_start3A_346] : memref<80x128xi32, #tpu.memory_space<vmem>> -> memref<1x128xi32, #tpu.memory_space<vmem>>
      %dma_start3A_348 = tpu.memref_squeeze %dma_start3A_347 : memref<1x128xi32, #tpu.memory_space<vmem>> -> memref<128xi32, #tpu.memory_space<vmem>>
      %dma_start3A_349 = arith.constant 0 : i32
      %dma_start3A_350 = arith.constant 0 : i32
      %dma_start3A_351 = tpu.memref_slice %arg10[%dma_start3A_349, %dma_start3A_350] : memref<10240x16xf32, #tpu.memory_space<vmem_shared>> -> memref<10240x16xf32, #tpu.memory_space<vmem_shared>>
      tpu.enqueue_indirect_dma source(%dma_start3A_345 : memref<128x16xf32, #tpu.memory_space<vmem>>) target(%dma_start3A_351 : memref<10240x16xf32, #tpu.memory_space<vmem_shared>>) offsets(%dma_start3A_348 : memref<128xi32, #tpu.memory_space<vmem>>) semaphore(%arg12 : memref<!tpu.dma_semaphore, #tpu.memory_space<semaphore_mem>>) {add = true}
      %mul3A_352 = arith.constant 8 : i32
      %mul3A_353 = arith.muli %scan3A_206, %mul3A_352 : i32
      %add3A_354 = arith.constant 2 : i32
      %add3A_355 = arith.addi %mul3A_353, %add3A_354 : i32
      %dma_start3A_356 = arith.constant 256 : i32
      %dma_start3A_357 = arith.constant 0 : i32
      %dma_start3A_358 = tpu.memref_slice %arg9[%rem3A_207, %dma_start3A_356, %dma_start3A_357] : memref<3x1024x16xf32, #tpu.memory_space<vmem>> -> memref<1x128x16xf32, #tpu.memory_space<vmem>>
      %dma_start3A_359 = tpu.memref_squeeze %dma_start3A_358 : memref<1x128x16xf32, #tpu.memory_space<vmem>> -> memref<128x16xf32, #tpu.memory_space<vmem>>
      %dma_start3A_360 = arith.constant 0 : i32
      %dma_start3A_361 = tpu.memref_slice %arg8[%add3A_355, %dma_start3A_360] : memref<80x128xi32, #tpu.memory_space<vmem>> -> memref<1x128xi32, #tpu.memory_space<vmem>>
      %dma_start3A_362 = tpu.memref_squeeze %dma_start3A_361 : memref<1x128xi32, #tpu.memory_space<vmem>> -> memref<128xi32, #tpu.memory_space<vmem>>
      %dma_start3A_363 = arith.constant 0 : i32
      %dma_start3A_364 = arith.constant 0 : i32
      %dma_start3A_365 = tpu.memref_slice %arg10[%dma_start3A_363, %dma_start3A_364] : memref<10240x16xf32, #tpu.memory_space<vmem_shared>> -> memref<10240x16xf32, #tpu.memory_space<vmem_shared>>
      tpu.enqueue_indirect_dma source(%dma_start3A_359 : memref<128x16xf32, #tpu.memory_space<vmem>>) target(%dma_start3A_365 : memref<10240x16xf32, #tpu.memory_space<vmem_shared>>) offsets(%dma_start3A_362 : memref<128xi32, #tpu.memory_space<vmem>>) semaphore(%arg12 : memref<!tpu.dma_semaphore, #tpu.memory_space<semaphore_mem>>) {add = true}
      %mul3A_366 = arith.constant 8 : i32
      %mul3A_367 = arith.muli %scan3A_206, %mul3A_366 : i32
      %add3A_368 = arith.constant 3 : i32
      %add3A_369 = arith.addi %mul3A_367, %add3A_368 : i32
      %dma_start3A_370 = arith.constant 384 : i32
      %dma_start3A_371 = arith.constant 0 : i32
      %dma_start3A_372 = tpu.memref_slice %arg9[%rem3A_207, %dma_start3A_370, %dma_start3A_371] : memref<3x1024x16xf32, #tpu.memory_space<vmem>> -> memref<1x128x16xf32, #tpu.memory_space<vmem>>
      %dma_start3A_373 = tpu.memref_squeeze %dma_start3A_372 : memref<1x128x16xf32, #tpu.memory_space<vmem>> -> memref<128x16xf32, #tpu.memory_space<vmem>>
      %dma_start3A_374 = arith.constant 0 : i32
      %dma_start3A_375 = tpu.memref_slice %arg8[%add3A_369, %dma_start3A_374] : memref<80x128xi32, #tpu.memory_space<vmem>> -> memref<1x128xi32, #tpu.memory_space<vmem>>
      %dma_start3A_376 = tpu.memref_squeeze %dma_start3A_375 : memref<1x128xi32, #tpu.memory_space<vmem>> -> memref<128xi32, #tpu.memory_space<vmem>>
      %dma_start3A_377 = arith.constant 0 : i32
      %dma_start3A_378 = arith.constant 0 : i32
      %dma_start3A_379 = tpu.memref_slice %arg10[%dma_start3A_377, %dma_start3A_378] : memref<10240x16xf32, #tpu.memory_space<vmem_shared>> -> memref<10240x16xf32, #tpu.memory_space<vmem_shared>>
      tpu.enqueue_indirect_dma source(%dma_start3A_373 : memref<128x16xf32, #tpu.memory_space<vmem>>) target(%dma_start3A_379 : memref<10240x16xf32, #tpu.memory_space<vmem_shared>>) offsets(%dma_start3A_376 : memref<128xi32, #tpu.memory_space<vmem>>) semaphore(%arg12 : memref<!tpu.dma_semaphore, #tpu.memory_space<semaphore_mem>>) {add = true}
      %mul3A_380 = arith.constant 8 : i32
      %mul3A_381 = arith.muli %scan3A_206, %mul3A_380 : i32
      %add3A_382 = arith.constant 4 : i32
      %add3A_383 = arith.addi %mul3A_381, %add3A_382 : i32
      %dma_start3A_384 = arith.constant 512 : i32
      %dma_start3A_385 = arith.constant 0 : i32
      %dma_start3A_386 = tpu.memref_slice %arg9[%rem3A_207, %dma_start3A_384, %dma_start3A_385] : memref<3x1024x16xf32, #tpu.memory_space<vmem>> -> memref<1x128x16xf32, #tpu.memory_space<vmem>>
      %dma_start3A_387 = tpu.memref_squeeze %dma_start3A_386 : memref<1x128x16xf32, #tpu.memory_space<vmem>> -> memref<128x16xf32, #tpu.memory_space<vmem>>
      %dma_start3A_388 = arith.constant 0 : i32
      %dma_start3A_389 = tpu.memref_slice %arg8[%add3A_383, %dma_start3A_388] : memref<80x128xi32, #tpu.memory_space<vmem>> -> memref<1x128xi32, #tpu.memory_space<vmem>>
      %dma_start3A_390 = tpu.memref_squeeze %dma_start3A_389 : memref<1x128xi32, #tpu.memory_space<vmem>> -> memref<128xi32, #tpu.memory_space<vmem>>
      %dma_start3A_391 = arith.constant 0 : i32
      %dma_start3A_392 = arith.constant 0 : i32
      %dma_start3A_393 = tpu.memref_slice %arg10[%dma_start3A_391, %dma_start3A_392] : memref<10240x16xf32, #tpu.memory_space<vmem_shared>> -> memref<10240x16xf32, #tpu.memory_space<vmem_shared>>
      tpu.enqueue_indirect_dma source(%dma_start3A_387 : memref<128x16xf32, #tpu.memory_space<vmem>>) target(%dma_start3A_393 : memref<10240x16xf32, #tpu.memory_space<vmem_shared>>) offsets(%dma_start3A_390 : memref<128xi32, #tpu.memory_space<vmem>>) semaphore(%arg12 : memref<!tpu.dma_semaphore, #tpu.memory_space<semaphore_mem>>) {add = true}
      %mul3A_394 = arith.constant 8 : i32
      %mul3A_395 = arith.muli %scan3A_206, %mul3A_394 : i32
      %add3A_396 = arith.constant 5 : i32
      %add3A_397 = arith.addi %mul3A_395, %add3A_396 : i32
      %dma_start3A_398 = arith.constant 640 : i32
      %dma_start3A_399 = arith.constant 0 : i32
      %dma_start3A_400 = tpu.memref_slice %arg9[%rem3A_207, %dma_start3A_398, %dma_start3A_399] : memref<3x1024x16xf32, #tpu.memory_space<vmem>> -> memref<1x128x16xf32, #tpu.memory_space<vmem>>
      %dma_start3A_401 = tpu.memref_squeeze %dma_start3A_400 : memref<1x128x16xf32, #tpu.memory_space<vmem>> -> memref<128x16xf32, #tpu.memory_space<vmem>>
      %dma_start3A_402 = arith.constant 0 : i32
      %dma_start3A_403 = tpu.memref_slice %arg8[%add3A_397, %dma_start3A_402] : memref<80x128xi32, #tpu.memory_space<vmem>> -> memref<1x128xi32, #tpu.memory_space<vmem>>
      %dma_start3A_404 = tpu.memref_squeeze %dma_start3A_403 : memref<1x128xi32, #tpu.memory_space<vmem>> -> memref<128xi32, #tpu.memory_space<vmem>>
      %dma_start3A_405 = arith.constant 0 : i32
      %dma_start3A_406 = arith.constant 0 : i32
      %dma_start3A_407 = tpu.memref_slice %arg10[%dma_start3A_405, %dma_start3A_406] : memref<10240x16xf32, #tpu.memory_space<vmem_shared>> -> memref<10240x16xf32, #tpu.memory_space<vmem_shared>>
      tpu.enqueue_indirect_dma source(%dma_start3A_401 : memref<128x16xf32, #tpu.memory_space<vmem>>) target(%dma_start3A_407 : memref<10240x16xf32, #tpu.memory_space<vmem_shared>>) offsets(%dma_start3A_404 : memref<128xi32, #tpu.memory_space<vmem>>) semaphore(%arg12 : memref<!tpu.dma_semaphore, #tpu.memory_space<semaphore_mem>>) {add = true}
      %mul3A_408 = arith.constant 8 : i32
      %mul3A_409 = arith.muli %scan3A_206, %mul3A_408 : i32
      %add3A_410 = arith.constant 6 : i32
      %add3A_411 = arith.addi %mul3A_409, %add3A_410 : i32
      %dma_start3A_412 = arith.constant 768 : i32
      %dma_start3A_413 = arith.constant 0 : i32
      %dma_start3A_414 = tpu.memref_slice %arg9[%rem3A_207, %dma_start3A_412, %dma_start3A_413] : memref<3x1024x16xf32, #tpu.memory_space<vmem>> -> memref<1x128x16xf32, #tpu.memory_space<vmem>>
      %dma_start3A_415 = tpu.memref_squeeze %dma_start3A_414 : memref<1x128x16xf32, #tpu.memory_space<vmem>> -> memref<128x16xf32, #tpu.memory_space<vmem>>
      %dma_start3A_416 = arith.constant 0 : i32
      %dma_start3A_417 = tpu.memref_slice %arg8[%add3A_411, %dma_start3A_416] : memref<80x128xi32, #tpu.memory_space<vmem>> -> memref<1x128xi32, #tpu.memory_space<vmem>>
      %dma_start3A_418 = tpu.memref_squeeze %dma_start3A_417 : memref<1x128xi32, #tpu.memory_space<vmem>> -> memref<128xi32, #tpu.memory_space<vmem>>
      %dma_start3A_419 = arith.constant 0 : i32
      %dma_start3A_420 = arith.constant 0 : i32
      %dma_start3A_421 = tpu.memref_slice %arg10[%dma_start3A_419, %dma_start3A_420] : memref<10240x16xf32, #tpu.memory_space<vmem_shared>> -> memref<10240x16xf32, #tpu.memory_space<vmem_shared>>
      tpu.enqueue_indirect_dma source(%dma_start3A_415 : memref<128x16xf32, #tpu.memory_space<vmem>>) target(%dma_start3A_421 : memref<10240x16xf32, #tpu.memory_space<vmem_shared>>) offsets(%dma_start3A_418 : memref<128xi32, #tpu.memory_space<vmem>>) semaphore(%arg12 : memref<!tpu.dma_semaphore, #tpu.memory_space<semaphore_mem>>) {add = true}
      %mul3A_422 = arith.constant 8 : i32
      %mul3A_423 = arith.muli %scan3A_206, %mul3A_422 : i32
      %add3A_424 = arith.constant 7 : i32
      %add3A_425 = arith.addi %mul3A_423, %add3A_424 : i32
      %dma_start3A_426 = arith.constant 896 : i32
      %dma_start3A_427 = arith.constant 0 : i32
      %dma_start3A_428 = tpu.memref_slice %arg9[%rem3A_207, %dma_start3A_426, %dma_start3A_427] : memref<3x1024x16xf32, #tpu.memory_space<vmem>> -> memref<1x128x16xf32, #tpu.memory_space<vmem>>
      %dma_start3A_429 = tpu.memref_squeeze %dma_start3A_428 : memref<1x128x16xf32, #tpu.memory_space<vmem>> -> memref<128x16xf32, #tpu.memory_space<vmem>>
      %dma_start3A_430 = arith.constant 0 : i32
      %dma_start3A_431 = tpu.memref_slice %arg8[%add3A_425, %dma_start3A_430] : memref<80x128xi32, #tpu.memory_space<vmem>> -> memref<1x128xi32, #tpu.memory_space<vmem>>
      %dma_start3A_432 = tpu.memref_squeeze %dma_start3A_431 : memref<1x128xi32, #tpu.memory_space<vmem>> -> memref<128xi32, #tpu.memory_space<vmem>>
      %dma_start3A_433 = arith.constant 0 : i32
      %dma_start3A_434 = arith.constant 0 : i32
      %dma_start3A_435 = tpu.memref_slice %arg10[%dma_start3A_433, %dma_start3A_434] : memref<10240x16xf32, #tpu.memory_space<vmem_shared>> -> memref<10240x16xf32, #tpu.memory_space<vmem_shared>>
      tpu.enqueue_indirect_dma source(%dma_start3A_429 : memref<128x16xf32, #tpu.memory_space<vmem>>) target(%dma_start3A_435 : memref<10240x16xf32, #tpu.memory_space<vmem_shared>>) offsets(%dma_start3A_432 : memref<128xi32, #tpu.memory_space<vmem>>) semaphore(%arg12 : memref<!tpu.dma_semaphore, #tpu.memory_space<semaphore_mem>>) {add = true}
      %mul3A_436 = arith.constant 8 : i32
      %mul3A_437 = arith.muli %scan3A_206, %mul3A_436 : i32
      %add3A_438 = arith.constant 0 : i32
      %add3A_439 = arith.addi %mul3A_437, %add3A_438 : i32
      %dma_wait3A_440 = arith.constant 0 : i32
      %dma_wait3A_441 = arith.constant 0 : i32
      %dma_wait3A_442 = tpu.memref_slice %arg9[%rem3A_207, %dma_wait3A_440, %dma_wait3A_441] : memref<3x1024x16xf32, #tpu.memory_space<vmem>> -> memref<1x128x16xf32, #tpu.memory_space<vmem>>
      %dma_wait3A_443 = tpu.memref_squeeze %dma_wait3A_442 : memref<1x128x16xf32, #tpu.memory_space<vmem>> -> memref<128x16xf32, #tpu.memory_space<vmem>>
      %dma_wait3A_444 = arith.constant 0 : i32
      %dma_wait3A_445 = tpu.memref_slice %arg8[%add3A_439, %dma_wait3A_444] : memref<80x128xi32, #tpu.memory_space<vmem>> -> memref<1x128xi32, #tpu.memory_space<vmem>>
      %dma_wait3A_446 = tpu.memref_squeeze %dma_wait3A_445 : memref<1x128xi32, #tpu.memory_space<vmem>> -> memref<128xi32, #tpu.memory_space<vmem>>
      %dma_wait3A_447 = arith.constant 0 : i32
      %dma_wait3A_448 = arith.constant 0 : i32
      %dma_wait3A_449 = tpu.memref_slice %arg10[%dma_wait3A_447, %dma_wait3A_448] : memref<10240x16xf32, #tpu.memory_space<vmem_shared>> -> memref<10240x16xf32, #tpu.memory_space<vmem_shared>>
      tpu.wait_indirect_dma semaphore(%arg12 : memref<!tpu.dma_semaphore, #tpu.memory_space<semaphore_mem>>) src(%dma_wait3A_443 : memref<128x16xf32, #tpu.memory_space<vmem>>) dst(%dma_wait3A_449 : memref<10240x16xf32, #tpu.memory_space<vmem_shared>>)
      %mul3A_450 = arith.constant 8 : i32
      %mul3A_451 = arith.muli %scan3A_206, %mul3A_450 : i32
      %add3A_452 = arith.constant 1 : i32
      %add3A_453 = arith.addi %mul3A_451, %add3A_452 : i32
      %dma_wait3A_454 = arith.constant 128 : i32
      %dma_wait3A_455 = arith.constant 0 : i32
      %dma_wait3A_456 = tpu.memref_slice %arg9[%rem3A_207, %dma_wait3A_454, %dma_wait3A_455] : memref<3x1024x16xf32, #tpu.memory_space<vmem>> -> memref<1x128x16xf32, #tpu.memory_space<vmem>>
      %dma_wait3A_457 = tpu.memref_squeeze %dma_wait3A_456 : memref<1x128x16xf32, #tpu.memory_space<vmem>> -> memref<128x16xf32, #tpu.memory_space<vmem>>
      %dma_wait3A_458 = arith.constant 0 : i32
      %dma_wait3A_459 = tpu.memref_slice %arg8[%add3A_453, %dma_wait3A_458] : memref<80x128xi32, #tpu.memory_space<vmem>> -> memref<1x128xi32, #tpu.memory_space<vmem>>
      %dma_wait3A_460 = tpu.memref_squeeze %dma_wait3A_459 : memref<1x128xi32, #tpu.memory_space<vmem>> -> memref<128xi32, #tpu.memory_space<vmem>>
      %dma_wait3A_461 = arith.constant 0 : i32
      %dma_wait3A_462 = arith.constant 0 : i32
      %dma_wait3A_463 = tpu.memref_slice %arg10[%dma_wait3A_461, %dma_wait3A_462] : memref<10240x16xf32, #tpu.memory_space<vmem_shared>> -> memref<10240x16xf32, #tpu.memory_space<vmem_shared>>
      tpu.wait_indirect_dma semaphore(%arg12 : memref<!tpu.dma_semaphore, #tpu.memory_space<semaphore_mem>>) src(%dma_wait3A_457 : memref<128x16xf32, #tpu.memory_space<vmem>>) dst(%dma_wait3A_463 : memref<10240x16xf32, #tpu.memory_space<vmem_shared>>)
      %mul3A_464 = arith.constant 8 : i32
      %mul3A_465 = arith.muli %scan3A_206, %mul3A_464 : i32
      %add3A_466 = arith.constant 2 : i32
      %add3A_467 = arith.addi %mul3A_465, %add3A_466 : i32
      %dma_wait3A_468 = arith.constant 256 : i32
      %dma_wait3A_469 = arith.constant 0 : i32
      %dma_wait3A_470 = tpu.memref_slice %arg9[%rem3A_207, %dma_wait3A_468, %dma_wait3A_469] : memref<3x1024x16xf32, #tpu.memory_space<vmem>> -> memref<1x128x16xf32, #tpu.memory_space<vmem>>
      %dma_wait3A_471 = tpu.memref_squeeze %dma_wait3A_470 : memref<1x128x16xf32, #tpu.memory_space<vmem>> -> memref<128x16xf32, #tpu.memory_space<vmem>>
      %dma_wait3A_472 = arith.constant 0 : i32
      %dma_wait3A_473 = tpu.memref_slice %arg8[%add3A_467, %dma_wait3A_472] : memref<80x128xi32, #tpu.memory_space<vmem>> -> memref<1x128xi32, #tpu.memory_space<vmem>>
      %dma_wait3A_474 = tpu.memref_squeeze %dma_wait3A_473 : memref<1x128xi32, #tpu.memory_space<vmem>> -> memref<128xi32, #tpu.memory_space<vmem>>
      %dma_wait3A_475 = arith.constant 0 : i32
      %dma_wait3A_476 = arith.constant 0 : i32
      %dma_wait3A_477 = tpu.memref_slice %arg10[%dma_wait3A_475, %dma_wait3A_476] : memref<10240x16xf32, #tpu.memory_space<vmem_shared>> -> memref<10240x16xf32, #tpu.memory_space<vmem_shared>>
      tpu.wait_indirect_dma semaphore(%arg12 : memref<!tpu.dma_semaphore, #tpu.memory_space<semaphore_mem>>) src(%dma_wait3A_471 : memref<128x16xf32, #tpu.memory_space<vmem>>) dst(%dma_wait3A_477 : memref<10240x16xf32, #tpu.memory_space<vmem_shared>>)
      %mul3A_478 = arith.constant 8 : i32
      %mul3A_479 = arith.muli %scan3A_206, %mul3A_478 : i32
      %add3A_480 = arith.constant 3 : i32
      %add3A_481 = arith.addi %mul3A_479, %add3A_480 : i32
      %dma_wait3A_482 = arith.constant 384 : i32
      %dma_wait3A_483 = arith.constant 0 : i32
      %dma_wait3A_484 = tpu.memref_slice %arg9[%rem3A_207, %dma_wait3A_482, %dma_wait3A_483] : memref<3x1024x16xf32, #tpu.memory_space<vmem>> -> memref<1x128x16xf32, #tpu.memory_space<vmem>>
      %dma_wait3A_485 = tpu.memref_squeeze %dma_wait3A_484 : memref<1x128x16xf32, #tpu.memory_space<vmem>> -> memref<128x16xf32, #tpu.memory_space<vmem>>
      %dma_wait3A_486 = arith.constant 0 : i32
      %dma_wait3A_487 = tpu.memref_slice %arg8[%add3A_481, %dma_wait3A_486] : memref<80x128xi32, #tpu.memory_space<vmem>> -> memref<1x128xi32, #tpu.memory_space<vmem>>
      %dma_wait3A_488 = tpu.memref_squeeze %dma_wait3A_487 : memref<1x128xi32, #tpu.memory_space<vmem>> -> memref<128xi32, #tpu.memory_space<vmem>>
      %dma_wait3A_489 = arith.constant 0 : i32
      %dma_wait3A_490 = arith.constant 0 : i32
      %dma_wait3A_491 = tpu.memref_slice %arg10[%dma_wait3A_489, %dma_wait3A_490] : memref<10240x16xf32, #tpu.memory_space<vmem_shared>> -> memref<10240x16xf32, #tpu.memory_space<vmem_shared>>
      tpu.wait_indirect_dma semaphore(%arg12 : memref<!tpu.dma_semaphore, #tpu.memory_space<semaphore_mem>>) src(%dma_wait3A_485 : memref<128x16xf32, #tpu.memory_space<vmem>>) dst(%dma_wait3A_491 : memref<10240x16xf32, #tpu.memory_space<vmem_shared>>)
      %mul3A_492 = arith.constant 8 : i32
      %mul3A_493 = arith.muli %scan3A_206, %mul3A_492 : i32
      %add3A_494 = arith.constant 4 : i32
      %add3A_495 = arith.addi %mul3A_493, %add3A_494 : i32
      %dma_wait3A_496 = arith.constant 512 : i32
      %dma_wait3A_497 = arith.constant 0 : i32
      %dma_wait3A_498 = tpu.memref_slice %arg9[%rem3A_207, %dma_wait3A_496, %dma_wait3A_497] : memref<3x1024x16xf32, #tpu.memory_space<vmem>> -> memref<1x128x16xf32, #tpu.memory_space<vmem>>
      %dma_wait3A_499 = tpu.memref_squeeze %dma_wait3A_498 : memref<1x128x16xf32, #tpu.memory_space<vmem>> -> memref<128x16xf32, #tpu.memory_space<vmem>>
      %dma_wait3A_500 = arith.constant 0 : i32
      %dma_wait3A_501 = tpu.memref_slice %arg8[%add3A_495, %dma_wait3A_500] : memref<80x128xi32, #tpu.memory_space<vmem>> -> memref<1x128xi32, #tpu.memory_space<vmem>>
      %dma_wait3A_502 = tpu.memref_squeeze %dma_wait3A_501 : memref<1x128xi32, #tpu.memory_space<vmem>> -> memref<128xi32, #tpu.memory_space<vmem>>
      %dma_wait3A_503 = arith.constant 0 : i32
      %dma_wait3A_504 = arith.constant 0 : i32
      %dma_wait3A_505 = tpu.memref_slice %arg10[%dma_wait3A_503, %dma_wait3A_504] : memref<10240x16xf32, #tpu.memory_space<vmem_shared>> -> memref<10240x16xf32, #tpu.memory_space<vmem_shared>>
      tpu.wait_indirect_dma semaphore(%arg12 : memref<!tpu.dma_semaphore, #tpu.memory_space<semaphore_mem>>) src(%dma_wait3A_499 : memref<128x16xf32, #tpu.memory_space<vmem>>) dst(%dma_wait3A_505 : memref<10240x16xf32, #tpu.memory_space<vmem_shared>>)
      %mul3A_506 = arith.constant 8 : i32
      %mul3A_507 = arith.muli %scan3A_206, %mul3A_506 : i32
      %add3A_508 = arith.constant 5 : i32
      %add3A_509 = arith.addi %mul3A_507, %add3A_508 : i32
      %dma_wait3A_510 = arith.constant 640 : i32
      %dma_wait3A_511 = arith.constant 0 : i32
      %dma_wait3A_512 = tpu.memref_slice %arg9[%rem3A_207, %dma_wait3A_510, %dma_wait3A_511] : memref<3x1024x16xf32, #tpu.memory_space<vmem>> -> memref<1x128x16xf32, #tpu.memory_space<vmem>>
      %dma_wait3A_513 = tpu.memref_squeeze %dma_wait3A_512 : memref<1x128x16xf32, #tpu.memory_space<vmem>> -> memref<128x16xf32, #tpu.memory_space<vmem>>
      %dma_wait3A_514 = arith.constant 0 : i32
      %dma_wait3A_515 = tpu.memref_slice %arg8[%add3A_509, %dma_wait3A_514] : memref<80x128xi32, #tpu.memory_space<vmem>> -> memref<1x128xi32, #tpu.memory_space<vmem>>
      %dma_wait3A_516 = tpu.memref_squeeze %dma_wait3A_515 : memref<1x128xi32, #tpu.memory_space<vmem>> -> memref<128xi32, #tpu.memory_space<vmem>>
      %dma_wait3A_517 = arith.constant 0 : i32
      %dma_wait3A_518 = arith.constant 0 : i32
      %dma_wait3A_519 = tpu.memref_slice %arg10[%dma_wait3A_517, %dma_wait3A_518] : memref<10240x16xf32, #tpu.memory_space<vmem_shared>> -> memref<10240x16xf32, #tpu.memory_space<vmem_shared>>
      tpu.wait_indirect_dma semaphore(%arg12 : memref<!tpu.dma_semaphore, #tpu.memory_space<semaphore_mem>>) src(%dma_wait3A_513 : memref<128x16xf32, #tpu.memory_space<vmem>>) dst(%dma_wait3A_519 : memref<10240x16xf32, #tpu.memory_space<vmem_shared>>)
      %mul3A_520 = arith.constant 8 : i32
      %mul3A_521 = arith.muli %scan3A_206, %mul3A_520 : i32
      %add3A_522 = arith.constant 6 : i32
      %add3A_523 = arith.addi %mul3A_521, %add3A_522 : i32
      %dma_wait3A_524 = arith.constant 768 : i32
      %dma_wait3A_525 = arith.constant 0 : i32
      %dma_wait3A_526 = tpu.memref_slice %arg9[%rem3A_207, %dma_wait3A_524, %dma_wait3A_525] : memref<3x1024x16xf32, #tpu.memory_space<vmem>> -> memref<1x128x16xf32, #tpu.memory_space<vmem>>
      %dma_wait3A_527 = tpu.memref_squeeze %dma_wait3A_526 : memref<1x128x16xf32, #tpu.memory_space<vmem>> -> memref<128x16xf32, #tpu.memory_space<vmem>>
      %dma_wait3A_528 = arith.constant 0 : i32
      %dma_wait3A_529 = tpu.memref_slice %arg8[%add3A_523, %dma_wait3A_528] : memref<80x128xi32, #tpu.memory_space<vmem>> -> memref<1x128xi32, #tpu.memory_space<vmem>>
      %dma_wait3A_530 = tpu.memref_squeeze %dma_wait3A_529 : memref<1x128xi32, #tpu.memory_space<vmem>> -> memref<128xi32, #tpu.memory_space<vmem>>
      %dma_wait3A_531 = arith.constant 0 : i32
      %dma_wait3A_532 = arith.constant 0 : i32
      %dma_wait3A_533 = tpu.memref_slice %arg10[%dma_wait3A_531, %dma_wait3A_532] : memref<10240x16xf32, #tpu.memory_space<vmem_shared>> -> memref<10240x16xf32, #tpu.memory_space<vmem_shared>>
      tpu.wait_indirect_dma semaphore(%arg12 : memref<!tpu.dma_semaphore, #tpu.memory_space<semaphore_mem>>) src(%dma_wait3A_527 : memref<128x16xf32, #tpu.memory_space<vmem>>) dst(%dma_wait3A_533 : memref<10240x16xf32, #tpu.memory_space<vmem_shared>>)
      %mul3A_534 = arith.constant 8 : i32
      %mul3A_535 = arith.muli %scan3A_206, %mul3A_534 : i32
      %add3A_536 = arith.constant 7 : i32
      %add3A_537 = arith.addi %mul3A_535, %add3A_536 : i32
      %dma_wait3A_538 = arith.constant 896 : i32
      %dma_wait3A_539 = arith.constant 0 : i32
      %dma_wait3A_540 = tpu.memref_slice %arg9[%rem3A_207, %dma_wait3A_538, %dma_wait3A_539] : memref<3x1024x16xf32, #tpu.memory_space<vmem>> -> memref<1x128x16xf32, #tpu.memory_space<vmem>>
      %dma_wait3A_541 = tpu.memref_squeeze %dma_wait3A_540 : memref<1x128x16xf32, #tpu.memory_space<vmem>> -> memref<128x16xf32, #tpu.memory_space<vmem>>
      %dma_wait3A_542 = arith.constant 0 : i32
      %dma_wait3A_543 = tpu.memref_slice %arg8[%add3A_537, %dma_wait3A_542] : memref<80x128xi32, #tpu.memory_space<vmem>> -> memref<1x128xi32, #tpu.memory_space<vmem>>
      %dma_wait3A_544 = tpu.memref_squeeze %dma_wait3A_543 : memref<1x128xi32, #tpu.memory_space<vmem>> -> memref<128xi32, #tpu.memory_space<vmem>>
      %dma_wait3A_545 = arith.constant 0 : i32
      %dma_wait3A_546 = arith.constant 0 : i32
      %dma_wait3A_547 = tpu.memref_slice %arg10[%dma_wait3A_545, %dma_wait3A_546] : memref<10240x16xf32, #tpu.memory_space<vmem_shared>> -> memref<10240x16xf32, #tpu.memory_space<vmem_shared>>
      tpu.wait_indirect_dma semaphore(%arg12 : memref<!tpu.dma_semaphore, #tpu.memory_space<semaphore_mem>>) src(%dma_wait3A_541 : memref<128x16xf32, #tpu.memory_space<vmem>>) dst(%dma_wait3A_547 : memref<10240x16xf32, #tpu.memory_space<vmem_shared>>)
    }
    %scan3A_200 = arith.constant 10 : i32
    %barrier3A_201 = arith.constant 0 : index
    tpu.barrier barrier_id(%barrier3A_201)
    %mul3A_202 = arith.constant 640 : i32
    %mul3A_203 = arith.muli %arg1, %mul3A_202 : i32
    %mul3A_204 = arith.constant 640 : i32
    %mul3A_205 = arith.muli %arg1, %mul3A_204 : i32
    "tpu.region"() ({
      %run_scoped3A = tpu.sem_alloc : memref<!tpu.dma_semaphore, #tpu.memory_space<semaphore_mem>>
      %dma_start3A_206 = arith.constant 0 : i32
      %dma_start3A_207 = tpu.memref_slice %arg6[%arg0, %mul3A_205, %dma_start3A_206] : memref<2x10240x16xf32, #tpu.memory_space<hbm>> -> memref<1x640x16xf32, #tpu.memory_space<hbm>>
      %dma_start3A_208 = tpu.memref_squeeze %dma_start3A_207 : memref<1x640x16xf32, #tpu.memory_space<hbm>> -> memref<640x16xf32, #tpu.memory_space<hbm>>
      %dma_start3A_209 = arith.constant 0 : i32
      %dma_start3A_210 = tpu.memref_slice %arg10[%mul3A_203, %dma_start3A_209] : memref<10240x16xf32, #tpu.memory_space<vmem_shared>> -> memref<640x16xf32, #tpu.memory_space<vmem_shared>>
      tpu.enqueue_dma source(%dma_start3A_210 : memref<640x16xf32, #tpu.memory_space<vmem_shared>>) target(%dma_start3A_208 : memref<640x16xf32, #tpu.memory_space<hbm>>) target_semaphore(%run_scoped3A : memref<!tpu.dma_semaphore, #tpu.memory_space<semaphore_mem>>)
      %dma_wait3A = arith.constant 0 : i32
      %dma_wait3A_211 = tpu.memref_slice %arg6[%arg0, %mul3A_205, %dma_wait3A] : memref<2x10240x16xf32, #tpu.memory_space<hbm>> -> memref<1x640x16xf32, #tpu.memory_space<hbm>>
      %dma_wait3A_212 = tpu.memref_squeeze %dma_wait3A_211 : memref<1x640x16xf32, #tpu.memory_space<hbm>> -> memref<640x16xf32, #tpu.memory_space<hbm>>
      %dma_wait3A_213 = arith.constant 0 : i32
      %dma_wait3A_214 = tpu.memref_slice %arg10[%mul3A_203, %dma_wait3A_213] : memref<10240x16xf32, #tpu.memory_space<vmem_shared>> -> memref<640x16xf32, #tpu.memory_space<vmem_shared>>
      tpu.wait_dma2 semaphore(%run_scoped3A : memref<!tpu.dma_semaphore, #tpu.memory_space<semaphore_mem>>) src(%dma_wait3A_214 : memref<640x16xf32, #tpu.memory_space<vmem_shared>>) dst(%dma_wait3A_212 : memref<640x16xf32, #tpu.memory_space<hbm>>)
      tpu.yield
    }) : () -> ()
    return
  }
}

module attributes {stable_mosaic.version = 14 : i64} {
  func.func @_tc1_body(%arg0: memref<2x10240xf32, #tpu.memory_space<vmem>>, %arg1: memref<10240x128xf32, #tpu.memory_space<vmem>>, %arg2: memref<128x32xf32, #tpu.memory_space<vmem>>, %arg3: memref<10240x32xf32, #tpu.memory_space<vmem>>) attributes {dimension_semantics = [], scalar_prefetch = 0 : i64, scratch_operands = 0 : i64, tpu.core_type = #tpu.core_type<tc>} {
    %get3A = arith.constant 0 : index
    %get3A_0 = arith.constant 0 : index
    %get3A_1 = vector.load %arg0[%get3A, %get3A_0] : memref<2x10240xf32, #tpu.memory_space<vmem>>, vector<1x10240xf32>
    %get3A_2 = vector.shape_cast %get3A_1 : vector<1x10240xf32> to vector<10240xf32>
    %get3A_3 = arith.constant 1 : index
    %get3A_4 = arith.constant 0 : index
    %get3A_5 = vector.load %arg0[%get3A_3, %get3A_4] : memref<2x10240xf32, #tpu.memory_space<vmem>>, vector<1x10240xf32>
    %get3A_6 = vector.shape_cast %get3A_5 : vector<1x10240xf32> to vector<10240xf32>
    %add3A = arith.addf %get3A_2, %get3A_6 : vector<10240xf32>
    %add3A_7 = arith.constant 1.000000e+00 : f32
    %add3A_8 = vector.broadcast %add3A_7 : f32 to vector<10240xf32>
    %add3A_9 = arith.addf %add3A, %add3A_8 : vector<10240xf32>
    %rsqrt3A = math.rsqrt %add3A_9 : vector<10240xf32>
    %get3A_10 = arith.constant 0 : index
    %get3A_11 = arith.constant 0 : index
    %get3A_12 = vector.load %arg1[%get3A_10, %get3A_11] : memref<10240x128xf32, #tpu.memory_space<vmem>>, vector<10240x128xf32>
    %get3A_13 = arith.constant 0 : index
    %get3A_14 = arith.constant 0 : index
    %get3A_15 = vector.load %arg2[%get3A_13, %get3A_14] : memref<128x32xf32, #tpu.memory_space<vmem>>, vector<128x32xf32>
    %dot_general3A = arith.constant dense<0.000000e+00> : vector<10240x32xf32>
    %dot_general3A_16 = tpu.matmul %get3A_12, %get3A_15, %dot_general3A {dimension_numbers = #tpu.dot_dimension_numbers<[1], [0], [0], [1], [0, 0, 1, 1], [], []>, transpose_lhs_hint = false} : vector<10240x128xf32>, vector<128x32xf32>, vector<10240x32xf32> -> vector<10240x32xf32>
    %broadcast_in_dim3A = vector.shape_cast %rsqrt3A : vector<10240xf32> to vector<10240x1xf32>
    %mul3A = vector.broadcast %broadcast_in_dim3A : vector<10240x1xf32> to vector<10240x32xf32>
    %mul3A_17 = arith.mulf %dot_general3A_16, %mul3A : vector<10240x32xf32>
    %swap3A = arith.constant 0 : index
    %swap3A_18 = arith.constant 0 : index
    %swap3A_19 = vector.load %arg3[%swap3A, %swap3A_18] : memref<10240x32xf32, #tpu.memory_space<vmem>>, vector<10240x32xf32>
    tpu.vector_store %arg3[%swap3A, %swap3A_18], %mul3A_17 {strides = array<i32>} : memref<10240x32xf32, #tpu.memory_space<vmem>>, vector<10240x32xf32>,
    return
  }
}

module attributes {stable_mosaic.version = 14 : i64} {
  func.func @_tc2_body(%arg0: memref<2x10240xf32, #tpu.memory_space<vmem>>, %arg1: memref<2x10240x32xf32, #tpu.memory_space<vmem>>, %arg2: memref<10240x32xf32, #tpu.memory_space<vmem>>, %arg3: memref<32x16xf32, #tpu.memory_space<vmem>>, %arg4: memref<1x32xf32, #tpu.memory_space<vmem>>, %arg5: memref<10240x16xf32, #tpu.memory_space<vmem>>) attributes {dimension_semantics = [], scalar_prefetch = 0 : i64, scratch_operands = 0 : i64, tpu.core_type = #tpu.core_type<tc>} {
    %get3A = arith.constant 0 : index
    %get3A_0 = arith.constant 0 : index
    %get3A_1 = vector.load %arg0[%get3A, %get3A_0] : memref<2x10240xf32, #tpu.memory_space<vmem>>, vector<1x10240xf32>
    %get3A_2 = vector.shape_cast %get3A_1 : vector<1x10240xf32> to vector<10240xf32>
    %get3A_3 = arith.constant 1 : index
    %get3A_4 = arith.constant 0 : index
    %get3A_5 = vector.load %arg0[%get3A_3, %get3A_4] : memref<2x10240xf32, #tpu.memory_space<vmem>>, vector<1x10240xf32>
    %get3A_6 = vector.shape_cast %get3A_5 : vector<1x10240xf32> to vector<10240xf32>
    %add3A = arith.addf %get3A_2, %get3A_6 : vector<10240xf32>
    %add3A_7 = arith.constant 1.000000e+00 : f32
    %add3A_8 = vector.broadcast %add3A_7 : f32 to vector<10240xf32>
    %add3A_9 = arith.addf %add3A, %add3A_8 : vector<10240xf32>
    %rsqrt3A = math.rsqrt %add3A_9 : vector<10240xf32>
    %broadcast_in_dim3A = vector.shape_cast %rsqrt3A : vector<10240xf32> to vector<10240x1xf32>
    %get3A_10 = arith.constant 0 : index
    %get3A_11 = arith.constant 0 : index
    %get3A_12 = arith.constant 0 : index
    %get3A_13 = vector.load %arg1[%get3A_10, %get3A_11, %get3A_12] : memref<2x10240x32xf32, #tpu.memory_space<vmem>>, vector<1x10240x32xf32>
    %get3A_14 = vector.shape_cast %get3A_13 : vector<1x10240x32xf32> to vector<10240x32xf32>
    %get3A_15 = arith.constant 1 : index
    %get3A_16 = arith.constant 0 : index
    %get3A_17 = arith.constant 0 : index
    %get3A_18 = vector.load %arg1[%get3A_15, %get3A_16, %get3A_17] : memref<2x10240x32xf32, #tpu.memory_space<vmem>>, vector<1x10240x32xf32>
    %get3A_19 = vector.shape_cast %get3A_18 : vector<1x10240x32xf32> to vector<10240x32xf32>
    %add3A_20 = arith.addf %get3A_14, %get3A_19 : vector<10240x32xf32>
    %get3A_21 = arith.constant 0 : index
    %get3A_22 = arith.constant 0 : index
    %get3A_23 = vector.load %arg2[%get3A_21, %get3A_22] : memref<10240x32xf32, #tpu.memory_space<vmem>>, vector<10240x32xf32>
    %add3A_24 = arith.addf %add3A_20, %get3A_23 : vector<10240x32xf32>
    %mul3A = vector.broadcast %broadcast_in_dim3A : vector<10240x1xf32> to vector<10240x32xf32>
    %mul3A_25 = arith.mulf %mul3A, %add3A_24 : vector<10240x32xf32>
    %get3A_26 = arith.constant 0 : index
    %get3A_27 = arith.constant 0 : index
    %get3A_28 = vector.load %arg4[%get3A_26, %get3A_27] : memref<1x32xf32, #tpu.memory_space<vmem>>, vector<1x32xf32>
    %add3A_29 = vector.broadcast %get3A_28 : vector<1x32xf32> to vector<10240x32xf32>
    %add3A_30 = arith.addf %mul3A_25, %add3A_29 : vector<10240x32xf32>
    %max3A = arith.constant 0.000000e+00 : f32
    %max3A_31 = vector.broadcast %max3A : f32 to vector<10240x32xf32>
    %max3A_32 = arith.maximumf %add3A_30, %max3A_31 : vector<10240x32xf32>
    %get3A_33 = arith.constant 0 : index
    %get3A_34 = arith.constant 0 : index
    %get3A_35 = vector.load %arg3[%get3A_33, %get3A_34] : memref<32x16xf32, #tpu.memory_space<vmem>>, vector<32x16xf32>
    %dot_general3A = arith.constant dense<0.000000e+00> : vector<10240x16xf32>
    %dot_general3A_36 = tpu.matmul %max3A_32, %get3A_35, %dot_general3A {dimension_numbers = #tpu.dot_dimension_numbers<[1], [0], [0], [1], [0, 0, 1, 1], [], []>, transpose_lhs_hint = false} : vector<10240x32xf32>, vector<32x16xf32>, vector<10240x16xf32> -> vector<10240x16xf32>
    %mul3A_37 = vector.broadcast %broadcast_in_dim3A : vector<10240x1xf32> to vector<10240x16xf32>
    %mul3A_38 = arith.mulf %dot_general3A_36, %mul3A_37 : vector<10240x16xf32>
    %swap3A = arith.constant 0 : index
    %swap3A_39 = arith.constant 0 : index
    %swap3A_40 = vector.load %arg5[%swap3A, %swap3A_39] : memref<10240x16xf32, #tpu.memory_space<vmem>>, vector<10240x16xf32>
    tpu.vector_store %arg5[%swap3A, %swap3A_39], %mul3A_38 {strides = array<i32>} : memref<10240x16xf32, #tpu.memory_space<vmem>>, vector<10240x16xf32>,
    return
  }
}

module attributes {stable_mosaic.version = 14 : i64} {
  func.func @_tc3_body(%arg0: memref<2x10240xf32, #tpu.memory_space<vmem>>, %arg1: memref<2x10240x16xf32, #tpu.memory_space<vmem>>, %arg2: memref<10240x16xf32, #tpu.memory_space<vmem>>, %arg3: memref<1x16xf32, #tpu.memory_space<vmem>>, %arg4: memref<10240x16xf32, #tpu.memory_space<vmem>>) attributes {dimension_semantics = [], scalar_prefetch = 0 : i64, scratch_operands = 0 : i64, tpu.core_type = #tpu.core_type<tc>} {
    %get3A = arith.constant 0 : index
    %get3A_0 = arith.constant 0 : index
    %get3A_1 = vector.load %arg0[%get3A, %get3A_0] : memref<2x10240xf32, #tpu.memory_space<vmem>>, vector<1x10240xf32>
    %get3A_2 = vector.shape_cast %get3A_1 : vector<1x10240xf32> to vector<10240xf32>
    %get3A_3 = arith.constant 1 : index
    %get3A_4 = arith.constant 0 : index
    %get3A_5 = vector.load %arg0[%get3A_3, %get3A_4] : memref<2x10240xf32, #tpu.memory_space<vmem>>, vector<1x10240xf32>
    %get3A_6 = vector.shape_cast %get3A_5 : vector<1x10240xf32> to vector<10240xf32>
    %add3A = arith.addf %get3A_2, %get3A_6 : vector<10240xf32>
    %add3A_7 = arith.constant 1.000000e+00 : f32
    %add3A_8 = vector.broadcast %add3A_7 : f32 to vector<10240xf32>
    %add3A_9 = arith.addf %add3A, %add3A_8 : vector<10240xf32>
    %rsqrt3A = math.rsqrt %add3A_9 : vector<10240xf32>
    %broadcast_in_dim3A = vector.shape_cast %rsqrt3A : vector<10240xf32> to vector<10240x1xf32>
    %get3A_10 = arith.constant 0 : index
    %get3A_11 = arith.constant 0 : index
    %get3A_12 = arith.constant 0 : index
    %get3A_13 = vector.load %arg1[%get3A_10, %get3A_11, %get3A_12] : memref<2x10240x16xf32, #tpu.memory_space<vmem>>, vector<1x10240x16xf32>
    %get3A_14 = vector.shape_cast %get3A_13 : vector<1x10240x16xf32> to vector<10240x16xf32>
    %get3A_15 = arith.constant 1 : index
    %get3A_16 = arith.constant 0 : index
    %get3A_17 = arith.constant 0 : index
    %get3A_18 = vector.load %arg1[%get3A_15, %get3A_16, %get3A_17] : memref<2x10240x16xf32, #tpu.memory_space<vmem>>, vector<1x10240x16xf32>
    %get3A_19 = vector.shape_cast %get3A_18 : vector<1x10240x16xf32> to vector<10240x16xf32>
    %add3A_20 = arith.addf %get3A_14, %get3A_19 : vector<10240x16xf32>
    %get3A_21 = arith.constant 0 : index
    %get3A_22 = arith.constant 0 : index
    %get3A_23 = vector.load %arg2[%get3A_21, %get3A_22] : memref<10240x16xf32, #tpu.memory_space<vmem>>, vector<10240x16xf32>
    %add3A_24 = arith.addf %add3A_20, %get3A_23 : vector<10240x16xf32>
    %mul3A = vector.broadcast %broadcast_in_dim3A : vector<10240x1xf32> to vector<10240x16xf32>
    %mul3A_25 = arith.mulf %mul3A, %add3A_24 : vector<10240x16xf32>
    %get3A_26 = arith.constant 0 : index
    %get3A_27 = arith.constant 0 : index
    %get3A_28 = vector.load %arg3[%get3A_26, %get3A_27] : memref<1x16xf32, #tpu.memory_space<vmem>>, vector<1x16xf32>
    %add3A_29 = vector.broadcast %get3A_28 : vector<1x16xf32> to vector<10240x16xf32>
    %add3A_30 = arith.addf %mul3A_25, %add3A_29 : vector<10240x16xf32>
    %swap3A = arith.constant 0 : index
    %swap3A_31 = arith.constant 0 : index
    %swap3A_32 = vector.load %arg4[%swap3A, %swap3A_31] : memref<10240x16xf32, #tpu.memory_space<vmem>>, vector<10240x16xf32>
    tpu.vector_store %arg4[%swap3A, %swap3A_31], %add3A_30 {strides = array<i32>} : memref<10240x16xf32, #tpu.memory_space<vmem>>, vector<10240x16xf32>,
    return
  }
}

module attributes {stable_mosaic.version = 14 : i64} {
  func.func @_mlp_body(%arg0: i32, %arg1: memref<1xf32, #tpu.memory_space<smem>>, %arg2: memref<2048x128xf32, #tpu.memory_space<vmem>>, %arg3: memref<2048x128xf32, #tpu.memory_space<vmem>>, %arg4: memref<128x512xf32, #tpu.memory_space<vmem>>, %arg5: memref<128x512xf32, #tpu.memory_space<vmem>>, %arg6: memref<1x512xf32, #tpu.memory_space<vmem>>, %arg7: memref<1x512xf32, #tpu.memory_space<vmem>>, %arg8: memref<512x8xf32, #tpu.memory_space<vmem>>, %arg9: memref<2048x8xf32, #tpu.memory_space<vmem>>) attributes {dimension_semantics = [#tpu.dimension_semantics<arbitrary>], iteration_bounds = array<i64: 20>, scalar_prefetch = 0 : i64, scratch_operands = 0 : i64, tpu.core_type = #tpu.core_type<tc>, window_params = [{transform_indices = @transform_0, window_bounds = array<i64: 1>}, {transform_indices = @transform_1, window_bounds = array<i64: 2048, 128>}, {transform_indices = @transform_2, window_bounds = array<i64: 2048, 128>}, {pipeline_mode = #tpu.pipeline_mode<synchronous>, transform_indices = @transform_3, window_bounds = array<i64: 128, 512>}, {pipeline_mode = #tpu.pipeline_mode<synchronous>, transform_indices = @transform_4, window_bounds = array<i64: 128, 512>}, {pipeline_mode = #tpu.pipeline_mode<synchronous>, transform_indices = @transform_5, window_bounds = array<i64: 1, 512>}, {pipeline_mode = #tpu.pipeline_mode<synchronous>, transform_indices = @transform_6, window_bounds = array<i64: 1, 512>}, {pipeline_mode = #tpu.pipeline_mode<synchronous>, transform_indices = @transform_7, window_bounds = array<i64: 512, 8>}, {transform_indices = @transform_8, window_bounds = array<i64: 2048, 8>}]} {
    %get3A = arith.constant 0 : index
    %get3A_0 = arith.constant 0 : index
    %get3A_1 = vector.load %arg2[%get3A, %get3A_0] : memref<2048x128xf32, #tpu.memory_space<vmem>>, vector<2048x128xf32>
    %get3A_2 = arith.constant 0 : index
    %get3A_3 = arith.constant 0 : index
    %get3A_4 = vector.load %arg4[%get3A_2, %get3A_3] : memref<128x512xf32, #tpu.memory_space<vmem>>, vector<128x512xf32>
    %dot_general3A = arith.constant dense<0.000000e+00> : vector<2048x512xf32>
    %dot_general3A_5 = tpu.matmul %get3A_1, %get3A_4, %dot_general3A {dimension_numbers = #tpu.dot_dimension_numbers<[1], [0], [0], [1], [0, 0, 1, 1], [], []>, transpose_lhs_hint = false} : vector<2048x128xf32>, vector<128x512xf32>, vector<2048x512xf32> -> vector<2048x512xf32>
    %get3A_6 = arith.constant 0 : index
    %get3A_7 = arith.constant 0 : index
    %get3A_8 = vector.load %arg3[%get3A_6, %get3A_7] : memref<2048x128xf32, #tpu.memory_space<vmem>>, vector<2048x128xf32>
    %get3A_9 = arith.constant 0 : index
    %get3A_10 = arith.constant 0 : index
    %get3A_11 = vector.load %arg5[%get3A_9, %get3A_10] : memref<128x512xf32, #tpu.memory_space<vmem>>, vector<128x512xf32>
    %dot_general3A_12 = arith.constant dense<0.000000e+00> : vector<2048x512xf32>
    %dot_general3A_13 = tpu.matmul %get3A_8, %get3A_11, %dot_general3A_12 {dimension_numbers = #tpu.dot_dimension_numbers<[1], [0], [0], [1], [0, 0, 1, 1], [], []>, transpose_lhs_hint = false} : vector<2048x128xf32>, vector<128x512xf32>, vector<2048x512xf32> -> vector<2048x512xf32>
    %add3A = arith.addf %dot_general3A_5, %dot_general3A_13 : vector<2048x512xf32>
    %get3A_14 = arith.constant 0 : index
    %get3A_15 = arith.constant 0 : index
    %get3A_16 = vector.load %arg6[%get3A_14, %get3A_15] : memref<1x512xf32, #tpu.memory_space<vmem>>, vector<1x512xf32>
    %add3A_17 = vector.broadcast %get3A_16 : vector<1x512xf32> to vector<2048x512xf32>
    %add3A_18 = arith.addf %add3A, %add3A_17 : vector<2048x512xf32>
    %max3A = arith.constant 0.000000e+00 : f32
    %max3A_19 = vector.broadcast %max3A : f32 to vector<2048x512xf32>
    %max3A_20 = arith.maximumf %add3A_18, %max3A_19 : vector<2048x512xf32>
    %get3A_21 = arith.constant 0 : index
    %get3A_22 = arith.constant 0 : index
    %get3A_23 = vector.load %arg7[%get3A_21, %get3A_22] : memref<1x512xf32, #tpu.memory_space<vmem>>, vector<1x512xf32>
    %mul3A = vector.broadcast %get3A_23 : vector<1x512xf32> to vector<2048x512xf32>
    %mul3A_24 = arith.mulf %max3A_20, %mul3A : vector<2048x512xf32>
    %get3A_25 = arith.constant 0 : index
    %get3A_26 = arith.constant 0 : index
    %get3A_27 = vector.load %arg8[%get3A_25, %get3A_26] : memref<512x8xf32, #tpu.memory_space<vmem>>, vector<512x8xf32>
    %dot_general3A_28 = arith.constant dense<0.000000e+00> : vector<2048x8xf32>
    %dot_general3A_29 = tpu.matmul %mul3A_24, %get3A_27, %dot_general3A_28 {dimension_numbers = #tpu.dot_dimension_numbers<[1], [0], [0], [1], [0, 0, 1, 1], [], []>, transpose_lhs_hint = false} : vector<2048x512xf32>, vector<512x8xf32>, vector<2048x8xf32> -> vector<2048x8xf32>
    %get3A_30 = arith.constant 0 : index
    %get3A_31 = memref.load %arg1[%get3A_30] : memref<1xf32, #tpu.memory_space<smem>>
    %add3A_32 = vector.broadcast %get3A_31 : f32 to vector<2048x8xf32>
    %add3A_33 = arith.addf %dot_general3A_29, %add3A_32 : vector<2048x8xf32>
    %swap3A = arith.constant 0 : index
    %swap3A_34 = arith.constant 0 : index
    %swap3A_35 = vector.load %arg9[%swap3A, %swap3A_34] : memref<2048x8xf32, #tpu.memory_space<vmem>>, vector<2048x8xf32>
    tpu.vector_store %arg9[%swap3A, %swap3A_34], %add3A_33 {strides = array<i32>} : memref<2048x8xf32, #tpu.memory_space<vmem>>, vector<2048x8xf32>,
    return
  }
  func.func @transform_0(%arg0: i32) -> i32 {
    %c0_i32 = arith.constant 0 : i32
    %c0_i32_0 = arith.constant 0 : i32
    return %c0_i32 : i32
  }
  func.func @transform_1(%arg0: i32) -> (i32, i32) {
    %c0_i32 = arith.constant 0 : i32
    %c0_i32_0 = arith.constant 0 : i32
    return %arg0, %c0_i32 : i32, i32
  }
  func.func @transform_2(%arg0: i32) -> (i32, i32) {
    %c0_i32 = arith.constant 0 : i32
    %c0_i32_0 = arith.constant 0 : i32
    return %arg0, %c0_i32 : i32, i32
  }
  func.func @transform_3(%arg0: i32) -> (i32, i32) {
    %c0_i32 = arith.constant 0 : i32
    %c0_i32_0 = arith.constant 0 : i32
    %c0_i32_1 = arith.constant 0 : i32
    return %c0_i32, %c0_i32_0 : i32, i32
  }
  func.func @transform_4(%arg0: i32) -> (i32, i32) {
    %c0_i32 = arith.constant 0 : i32
    %c0_i32_0 = arith.constant 0 : i32
    %c0_i32_1 = arith.constant 0 : i32
    return %c0_i32, %c0_i32_0 : i32, i32
  }
  func.func @transform_5(%arg0: i32) -> (i32, i32) {
    %c0_i32 = arith.constant 0 : i32
    %c0_i32_0 = arith.constant 0 : i32
    %c0_i32_1 = arith.constant 0 : i32
    return %c0_i32, %c0_i32_0 : i32, i32
  }
  func.func @transform_6(%arg0: i32) -> (i32, i32) {
    %c0_i32 = arith.constant 0 : i32
    %c0_i32_0 = arith.constant 0 : i32
    %c0_i32_1 = arith.constant 0 : i32
    return %c0_i32, %c0_i32_0 : i32, i32
  }
  func.func @transform_7(%arg0: i32) -> (i32, i32) {
    %c0_i32 = arith.constant 0 : i32
    %c0_i32_0 = arith.constant 0 : i32
    %c0_i32_1 = arith.constant 0 : i32
    return %c0_i32, %c0_i32_0 : i32, i32
  }
  func.func @transform_8(%arg0: i32) -> (i32, i32) {
    %c0_i32 = arith.constant 0 : i32
    %c0_i32_0 = arith.constant 0 : i32
    return %arg0, %c0_i32 : i32, i32
  }
}

</mosaic_0001>

<sc_bundles>
// kernel: kernel.10.cloned.1.call-start
scs
__scs_entry_jumppad:
0x0: {  	(pc) =	sbr.rel $0x88, $3  }
0x1: {  	(tag) =	ssettag $0x0;
	lr =	simm.s32 $0x1  }
0x2: {  	[smem:$0x3F97] =	sst lr;
	_ =	strace $0xD0000000  }
0x3: {  	_ = 	snop  }
0x4: {  	_ = 	snop  }
0x5: {  	_ = 	snop  }
0x6: {  	_ = 	snop  }
0x7: {  	_ = 	snop  }
__scs_overlays_trampoline_lowered:
0x8: {  	[smem:$0x3FA6] =	sst s0  }
0x9: {  	[smem:$0x3FA7] =	sst s1  }
0xa: {  	[smem:$0x3FA8] =	sst s2  }
0xb: {  	[smem:$0x3FA9] =	sst s3  }
0xc: {  	[smem:$0x3FAA] =	sst s4  }
0xd: {  	[smem:$0x3FAB] =	sst s5  }
0xe: {  	[smem:$0x3FAC] =	sst s6  }
0xf: {  	[smem:$0x3FAD] =	sst s7  }
0x10: {  	[smem:$0x3FAE] =	sst s8  }
0x11: {  	[smem:$0x3FAF] =	sst s9;
	s0 =	simm.s32 @!p0 $0x0  }
0x12: {  	s1 =	sld [smem:$0x3F95];
	s0 =	simm.s32 @p0 $0x1  }
0x13: {  	[smem:$0x3FB0] =	sst s0;
	s0 =	simm.s32 @!p1 $0x0  }
0x14: {  	s2 =	sld [smem:$0x3F94];
	s0 =	simm.s32 @p1 $0x1  }
0x15: {  	[smem:$0x3FB1] =	sst s0;
	s0 =	simm.s32 @!p2 $0x0  }
0x16: {  	s3 =	sld [smem:$0x3FDB];
	s0 =	simm.s32 @p2 $0x1  }
0x17: {  	s4 =	simm.s32 $0x1BF5;
	[smem:$0x3FB3] =	sst s0  }
0x18: {  	s0 =	sld [smem:$0x3F96];
	_ =	swait.ge [sflag:s4], $0x0  }
0x19: {  	s7 =	sld [smem:$0x3F97]  }
0x1a: {  	s8 =	sadd.s32 $0xFFFFE003, lr  }
0x1b: {  	s9 =	sadd.s32 $0xFFFFFEF7, lr;
	s5 =	simm.s32 $0xFFFFFFFF;
	p2 =	slt.u32 s8, $0xFFFFF086  }
0x1c: {  	p1 =	slt.u32 s9, $0xF7A;
	s5 =	simm.s32 @!p2 $0x0  }
0x1d: {  	s5 =	simm.s32 @p1 $0x1;
	p0 =	seq.s32 s7, s2  }
0x1e: {  	s7 =	smul.u32 @!p0 $0xF7A, s2;
	p2 =	seq.s32 @!p0 s5, $0x0  }
0x1f: {  	s9 =	smul.u32 $0xF7A, s1;
	s8 =	simm.s32 @!p0 $0x1BF5;
	p2 =	por !p2, p0  }
0x20: {  	[sflag:s8] =	ssyncset.s32 @!p0 $0xFFFFF086;
	s6 =	sadd.s32 @!p0 s3, s7;
	s7 =	simm.s32 @!p0 $0x108  }
0x21: {  	s3 =	sadd.s32 s3, s9;
	s6 =	sadd.s32 @!p0 $0x88, s6;
	s7 =	simm.s32 @p2 $0x1082  }
0x22: {  	[simem:s7], [sflag:s8] =	dma.local @!p0 [hbm:s6], $0xF7A  }
0x23: {  	s9 =	sor.u32 $0xD0000000, s2;
	s6 =	simm.s32 $0x108;
	_ =	swait.ge @!p0 [sflag:s8], $0x0  }
0x24: {  	s3 =	sadd.s32 $0x88, s3;
	s6 =	simm.s32 @!p1 $0x1082;
	[sflag:s4] =	ssyncset.s32 $0xFFFFF086  }
0x25: {  	[simem:s6], [sflag:s4] =	dma.local [hbm:s3], $0xF7A  }
0x26: {  	[smem:$0x3F97] =	sst s1;
	(tag) =	ssettag s2;
	_ =	strace s9  }
0x27: {  	s1 =	sld [smem:$0x3FA7]  }
0x28: {  	s2 =	sld [smem:$0x3FA8]  }
0x29: {  	s4 =	sld [smem:$0x3FAA]  }
0x2a: {  	p0 =	seq.s32 s5, $0x0;
	s5 =	sld [smem:$0x3FAB]  }
0x2b: {  	s6 =	sld [smem:$0x3FAC]  }
0x2c: {  	s7 =	sld [smem:$0x3FAD]  }
0x2d: {  	s3 =	simm.s32 $0x108;
	s8 =	sld [smem:$0x3FAE]  }
0x2e: {  	s3 =	simm.s32 @!p0 $0x1082;
	s9 =	sld [smem:$0x3FAF]  }
0x2f: {  	lr =	sadd.s32 s0, s3;
	s0 =	sld [smem:$0x3FA6]  }
0x30: {  	s3 =	sld [smem:$0x3FA9]  }
0x31: {  	[smem:$0x3FB2] =	sst s10  }
0x32: {  	s10 =	sld [smem:$0x3FB0];
	_ =	sdelay $0x3  }
0x33: {  	p0 =	seq.s32 s10, $0x1;
	s10 =	sld [smem:$0x3FB2];
	_ =	sdelay $0x3  }
0x34: {  	[smem:$0x3FB2] =	sst s10  }
0x35: {  	s10 =	sld [smem:$0x3FB1];
	_ =	sdelay $0x3  }
0x36: {  	p1 =	seq.s32 s10, $0x1;
	s10 =	sld [smem:$0x3FB2];
	_ =	sdelay $0x3  }
0x37: {  	[smem:$0x3FB2] =	sst s10  }
0x38: {  	s10 =	sld [smem:$0x3FB3]  }
0x39: {  	_ = 	snop;
	(pc) =	sbr.ind lr, $3  }
0x3a: {  	_ = 	snop  }
0x3b: {  	_ = 	snop  }
0x3c: {  	p2 =	seq.s32 s10, $0x1;
	s10 =	sld [smem:$0x3FB2]  }
0x3d: {  	_ =	shalt  }
0x3e: {  	_ =	shalt  }
0x3f: {  	_ =	shalt  }
0x40: {  	_ =	shalt  }
0x41: {  	_ =	shalt  }
0x42: {  	_ =	shalt  }
0x43: {  	_ =	shalt  }
0x44: {  	_ =	shalt  }
0x45: {  	_ =	shalt  }
0x46: {  	_ =	shalt  }
0x47: {  	_ =	shalt  }
0x48: {  	_ =	shalt  }
0x49: {  	_ =	shalt  }
0x4a: {  	_ =	shalt  }
0x4b: {  	_ =	shalt  }
0x4c: {  	_ =	shalt  }
0x4d: {  	_ =	shalt  }
0x4e: {  	_ =	shalt  }
0x4f: {  	_ =	shalt  }
0x50: {  	_ =	shalt  }
0x51: {  	_ =	shalt  }
0x52: {  	_ =	shalt  }
0x53: {  	_ =	shalt  }
0x54: {  	_ =	shalt  }
0x55: {  	_ =	shalt  }
0x56: {  	_ =	shalt  }
0x57: {  	_ =	shalt  }
0x58: {  	_ =	shalt  }
0x59: {  	_ =	shalt  }
0x5a: {  	_ =	shalt  }
0x5b: {  	_ =	shalt  }
0x5c: {  	_ =	shalt  }
0x5d: {  	_ =	shalt  }
0x5e: {  	_ =	shalt  }
0x5f: {  	_ =	shalt  }
0x60: {  	_ =	shalt  }
0x61: {  	_ =	shalt  }
0x62: {  	_ =	shalt  }
0x63: {  	_ =	shalt  }
0x64: {  	_ =	shalt  }
0x65: {  	_ =	shalt  }
0x66: {  	_ =	shalt  }
0x67: {  	_ =	shalt  }
0x68: {  	_ =	shalt  }
0x69: {  	_ =	shalt  }
0x6a: {  	_ =	shalt  }
0x6b: {  	_ =	shalt  }
0x6c: {  	_ =	shalt  }
0x6d: {  	_ =	shalt  }
0x6e: {  	_ =	shalt  }
0x6f: {  	_ =	shalt  }
0x70: {  	_ =	shalt  }
0x71: {  	_ =	shalt  }
0x72: {  	_ =	shalt  }
0x73: {  	_ =	shalt  }
0x74: {  	_ =	shalt  }
0x75: {  	_ =	shalt  }
0x76: {  	_ =	shalt  }
0x77: {  	_ =	shalt  }
0x78: {  	_ =	shalt  }
0x79: {  	_ =	shalt  }
0x7a: {  	_ =	shalt  }
0x7b: {  	_ =	shalt  }
0x7c: {  	_ =	shalt  }
0x7d: {  	_ =	shalt  }
0x7e: {  	_ =	shalt  }
0x7f: {  	_ =	shalt  }
0x80: {  	_ =	shalt  }
0x81: {  	_ =	shalt  }
0x82: {  	_ =	shalt  }
0x83: {  	_ =	shalt  }
0x84: {  	_ =	shalt  }
0x85: {  	_ =	shalt  }
0x86: {  	_ =	shalt  }
0x87: {  	_ =	shalt  }
.Lfunc_end0:
.L_simem_size_0:
called_computation_lowered:
.L_overlay_start_0:
0x88: {  	s2 =	sld [smem:$0x3FD9]  }
0x89: {  	s3 =	sld [smem:$0x3FFE];
	_ =	sdelay $0x1  }
0x8a: {  	s1 =	srdreg.scid  }
0x8b: {  	s0 =	sand.u32 $0x1, s1  }
0x8c: {  	s17 =	sshll.u32 s0, $0xA;
	s2 =	sadd.s32 s3, s2  }
0x8d: {  	s2 =	sadd.s32 s2, s17  }
0x8e: {  	[smem:$0x3FBE] =	sst s2  }
0x8f: {  	_ = 	snop  }
0x90: {  	s2 =	sld [smem:$0x3FD0];
	(tm) =	ssettm $0x1  }
0x91: {  	s18 =	sld [smem:$0x3FFB];
	_ =	sdelay $0x3  }
0x92: {  	_ =	strace s18  }
0x93: {  	s3 =	sld [smem:$0x3FFC];
	_ =	sdelay $0x3  }
0x94: {  	_ =	strace s3  }
0x95: {  	s3 =	sld [smem:$0x3FFD];
	_ =	sdelay $0x3  }
0x96: {  	_ =	strace s3  }
0x97: {  	_ =	strace $0x8FFFFFFF  }
0x98: {  	s19 =	sld [smem:$0x3FDB];
	_ =	sdelay $0x1  }
0x99: {  	s4 =	simm.s32 $_scs_section_size  }
0x9a: {  	s5 =	simm.s32 $_size__tile_overlayer_lowered;
	s6 =	simm.s32 $_tile_overlayer_lowered  }
0x9b: {  	s22 =	simm.s32 $0x1BFF;
	s21 =	sshll.u32 s6, $0x1;
	s3 =	sadd.s32 s4, s19  }
0x9c: {  	s7 =	simm.s32 $0x0;
	s20 =	sshll.u32 s5, $0x1;
	s5 =	sadd.s32 s21, s3  }
0x9d: {  	[timem:s7], [sflag:s22] =	dma.local [hbm:s5], s20  }
0x9e: {  	_ =	swait.ge [sflag:s22], s20  }
0x9f: {  	s4 =	ssub.s32 $0x0, s20;
	[sflag:s22] =	ssyncset.done $0x0  }
0xa0: {  	[sflag:s22] =	ssyncadd.s32 s4;
	_ =	sdelay $0x1  }
0xa1: {  	s23 =	simm.s32 $0x1B8B  }
0xa2: {  	_ =	swait.ge [sflag:s23], $0x1  }
0xa3: {  	[sflag:s23] =	ssyncset.done $0x0  }
0xa4: {  	s25 =	simm.s32 $0x1B8E;
	s24 =	sld [smem:$0x3FFE];
	[sflag:s23] =	ssyncadd.s32 $0xFFFFFFFF  }
0xa5: {  	s26 =	simm.s32 $execute0_lowered;
	[smem:$0x3FD2] =	sst s25  }
0xa6: {  	s5 =	sshll.u32 s26, $0x1;
	_ =	strace $0x80000046;
	[dreg:$0x1] =	wrdreg $0xFFFFFFFF  }
0xa7: {  	s28 =	simm.s32 $_size_execute0_lowered;
	s3 =	sadd.s32 s3, s5;
	[dreg:$0x0] =	wrdreg $0x0  }
0xa8: {  	s5 =	sshll.u32 s28, $0x1;
	[dreg:$0x2] =	wrdreg s3  }
0xa9: {  	[dreg:$0x3] =	wrdreg s5  }
0xaa: {  	[dreg:$0x4] =	wrdreg $0xC0  }
0xab: {  	_ =	task [dreg:s7], $0x5FFFF  }
0xac: {  	[dreg:$0x1] =	wrdreg $0xFFFFFFFF  }
0xad: {  	[dreg:$0x0] =	wrdreg $0x60  }
0xae: {  	[dreg:$0x2] =	wrdreg s24  }
0xaf: {  	[dreg:$0x3] =	wrdreg s2  }
0xb0: {  	[dreg:$0x4] =	wrdreg $0x28800  }
0xb1: {  	[dreg:$0x5] =	wrdreg $0x9  }
0xb2: {  	_ =	task.clear_ibuf [dreg:s7], $0x6FFFF;
	_ =	strace $0x90000046  }
0xb3: {  	s29 =	simm.s32 $0x9;
	_ =	strace $0x80000048  }
0xb4: {  	_ =	swait.ge [sflag:s29], $0x1  }
0xb5: {  	[sflag:s29] =	ssyncadd.s32 $0xFFFFFFFF  }
0xb6: {  	_ =	strace $0x90000048  }
0xb7: {  	_ =	sfence  }
0xb8: {  	s30 =	sld [smem:$0x0];
	_ =	sdelay $0x2  }
0xb9: {  	s31 =	sshll.u32 s1, $0xD;
	s1 =	sshrl.u32 s1, $0x2  }
0xba: {  	s3 =	sand.u32 $0x4000, s31;
	s1 =	sadd.s32 s1, s30  }
0xbb: {  	s0 =	sor.u32 s3, s0;
	s1 =	sshll.u32 s1, $0x11  }
0xbc: {  	s0 =	sor.u32 s1, s0  }
0xbd: {  	s0 =	sadd.s32 $0x8F2B, s0  }
0xbe: {  	[sflag:s0] =	ssyncadd.remote.s32 $0x1  }
0xbf: {  	_ =	sfence.sel $0xFFFF  }
0xc0: {  	[dreg:$0x0] =	wrdreg $0xFFFFFFFF;
	(pc) =	sbr.abs _section_cstart, $3  }
0xc1: {  	[dreg:$0x1] =	wrdreg $0xFFFFFFFF  }
0xc2: {  	_ =	task.clear_ibuf [dreg:s7], $0x2FFFF;
	_ =	strace $0x9FFFFFFF  }
0xc3: {  	(tm) =	ssettm $0x7FFFFFFF  }
tec
execute0_lowered:
.L_overlay_start_1:
0x0: {  	(tag) =	ssettag $0x1  }
0x1: {  	s4 =	rddreg [dreg:$0x0]  }
0x2: {  	s0 =	srdreg.scid;
	s6 =	rddreg [dreg:$0x1]  }
0x3: {  	s2 =	rddreg [dreg:$0x2];
	s3 =	simm.s32 $0x0;
	s13 =	simm.s32 $0x1  }
0x4: {  	s14 =	simm.s32 $0x0;
	s5 =	sand.u32 $0x1, s0;
	s0 =	stileid.u32  }
0x5: {  	[smem:$0x7FF] =	sst s3;
	s1 =	sshll.u32 s5, $0x4;
	s8 =	smul.u32 $0x280, s0  }
0x6: {  	s9 =	smul.u32 $0x2800, s5;
	s5 =	ssub.s32 $0x2, s5;
	s31 =	sshll.u32 s0, $0x6  }
0x7: {  	s7 =	sor.u32 s0, s1;
	s1 =	rddreg [dreg:$0x3];
	_ =	strace $0x80000047  }
0x8: {  	s29 =	sshrl.u32 s5, $0x1;
	s7 =	smul.u32 $0x500, s7;
	s10 =	sshrl.u32 s8, $0x3  }
0x9: {  	s9 =	sadd.s32 s8, s9;
	s11 =	ssub.s32 s5, s29;
	s12 =	sadd.s32 s8, s2  }
0xa: {  	s8 =	simm.s32 $0x2;
	s10 =	sadd.s32 s10, s4;
	s30 =	sshrl.u32 s9, $0x3  }
0xb: {  	s9 =	sor.u32 $0x1C02, s31;
	s7 =	sadd.s32 s7, s4;
	s5 =	sadd.s32 $0xC600, s10  }
0xc: {  	s6 =	sadd.s32 s6, s30;
	s10 =	sshrl.u32 s12, $0x3;
	s12 =	simm.s32 $0x2800  }
0xd: {  	v0 =	vimm.f32 $1.000000000e+00;
	s4 =	sadd.s32 $0x2600, s7;
	s7 =	smax.u32 s11, $0x1;
	s11 =	simm.s32 $0x80  }
.LBB2_1:
0xe: {  	[tilespmem:s3], [sflag:$0x2] =	stream.linear.gather [hbm4b:s4+s3], $0x2800, $0x38;
	[tilespmem:$0x2B00] =	vst v63  }
0xf: {  	_ =	swait.ge [sflag:s8], $0x2800  }
0x10: {  	[sflag:s8] =	ssyncset.done $0x0  }
0x11: {  	[sflag:s8] =	ssyncadd.s32 $0xFFFFD800  }
0x12: {  	[tilespmem:$0x2800] =	vst v0  }
0x13: {  	[tilespmem:$0x2810] =	vst v0  }
0x14: {  	[tilespmem:$0x2820] =	vst v0  }
0x15: {  	[tilespmem:$0x2830] =	vst v0  }
0x16: {  	[tilespmem:$0x2840] =	vst v0  }
0x17: {  	[tilespmem:$0x2850] =	vst v0  }
0x18: {  	[tilespmem:$0x2860] =	vst v0  }
0x19: {  	[tilespmem:$0x2870] =	vst v0  }
0x1a: {  	[spmem:s10], [sflag:s9] =	dma.local [hbm:s5], $0x50  }
0x1b: {  	_ =	swait.ge [sflag:s8], $0x50  }
0x1c: {  	[sflag:s8] =	ssyncset.done $0x0  }
0x1d: {  	[sflag:s8] =	ssyncadd.s32 $0xFFFFFFB0  }
0x1e: {  	s15 =	simm.s32 $0x0;
	[bflag:$0x0] =	sbarrier.arrive $0xFFFF  }
0x1f: {  	[spmem:s2] =	stream.indirect.scatter.add.f32 [tilespmem:s12], [sflag:$0x1], $0x1, s15, s11, $0xb8;
	[tilespmem:$0x2B00] =	vst v63  }
0x20: {  	s24 =	simm.s32 $0x80  }
0x21: {  	[spmem:s2] =	stream.indirect.scatter.add.f32 [tilespmem:s12], [sflag:$0x1], $0x1, s24, s11, $0xb8;
	[tilespmem:$0x2B00] =	vst v63  }
0x22: {  	s25 =	simm.s32 $0x100  }
0x23: {  	[spmem:s2] =	stream.indirect.scatter.add.f32 [tilespmem:s12], [sflag:$0x1], $0x1, s25, s11, $0xb8;
	[tilespmem:$0x2B00] =	vst v63  }
0x24: {  	s26 =	simm.s32 $0x180  }
0x25: {  	[spmem:s2] =	stream.indirect.scatter.add.f32 [tilespmem:s12], [sflag:$0x1], $0x1, s26, s11, $0xb8;
	[tilespmem:$0x2B00] =	vst v63  }
0x26: {  	s28 =	simm.s32 $0x200  }
0x27: {  	[spmem:s2] =	stream.indirect.scatter.add.f32 [tilespmem:s12], [sflag:$0x1], $0x1, s28, s11, $0xb8;
	[tilespmem:$0x2B00] =	vst v63  }
0x28: {  	s29 =	simm.s32 $0x280  }
0x29: {  	[spmem:s2] =	stream.indirect.scatter.add.f32 [tilespmem:s12], [sflag:$0x1], $0x1, s29, s11, $0xb8;
	[tilespmem:$0x2B00] =	vst v63  }
0x2a: {  	s30 =	simm.s32 $0x300  }
0x2b: {  	[spmem:s2] =	stream.indirect.scatter.add.f32 [tilespmem:s12], [sflag:$0x1], $0x1, s30, s11, $0xb8;
	[tilespmem:$0x2B00] =	vst v63  }
0x2c: {  	s31 =	simm.s32 $0x380  }
0x2d: {  	[spmem:s2] =	stream.indirect.scatter.add.f32 [tilespmem:s12], [sflag:$0x1], $0x1, s31, s11, $0xb8;
	[tilespmem:$0x2B00] =	vst v63  }
0x2e: {  	_ =	swait.ge [sflag:s13], $0x80  }
0x2f: {  	[sflag:s13] =	ssyncset.done $0x0  }
0x30: {  	[sflag:s13] =	ssyncadd.s32 $0xFFFFFF80  }
0x31: {  	_ =	swait.ge [sflag:s13], $0x80  }
0x32: {  	[sflag:s13] =	ssyncset.done $0x0  }
0x33: {  	[sflag:s13] =	ssyncadd.s32 $0xFFFFFF80  }
0x34: {  	_ =	swait.ge [sflag:s13], $0x80  }
0x35: {  	[sflag:s13] =	ssyncset.done $0x0  }
0x36: {  	[sflag:s13] =	ssyncadd.s32 $0xFFFFFF80  }
0x37: {  	_ =	swait.ge [sflag:s13], $0x80  }
0x38: {  	[sflag:s13] =	ssyncset.done $0x0  }
0x39: {  	[sflag:s13] =	ssyncadd.s32 $0xFFFFFF80  }
0x3a: {  	_ =	swait.ge [sflag:s13], $0x80  }
0x3b: {  	[sflag:s13] =	ssyncset.done $0x0  }
0x3c: {  	[sflag:s13] =	ssyncadd.s32 $0xFFFFFF80  }
0x3d: {  	_ =	swait.ge [sflag:s13], $0x80  }
0x3e: {  	[sflag:s13] =	ssyncset.done $0x0  }
0x3f: {  	[sflag:s13] =	ssyncadd.s32 $0xFFFFFF80  }
0x40: {  	_ =	swait.ge [sflag:s13], $0x80  }
0x41: {  	[sflag:s13] =	ssyncset.done $0x0  }
0x42: {  	[sflag:s13] =	ssyncadd.s32 $0xFFFFFF80  }
0x43: {  	_ =	swait.ge [sflag:s13], $0x80  }
0x44: {  	s17 =	simm.s32 $0x2000;
	s15 =	simm.s32 $0x1000;
	[sflag:s13] =	ssyncset.done $0x0  }
.LBB2_2:
0x45: {  	s18 =	sshra.s32 s15, $0x2  }
0x46: {  	[sflag:s13] =	ssyncadd.s32 $0xFFFFFF80;
	s15 =	smov.u32 s17;
	s16 =	sadd.s32 $0x1000, s17  }
0x47: {  	[spmem:s2] =	stream.indirect.scatter.add.f32 [tilespmem:s12], [sflag:$0x1], $0x1, s18, s11, $0xb8;
	[tilespmem:$0x2B00] =	vst v63  }
0x48: {  	p0 =	sne.s32 s17, $0x9000;
	s17 =	sadd.s32 $0x80, s18  }
0x49: {  	[spmem:s2] =	stream.indirect.scatter.add.f32 [tilespmem:s12], [sflag:$0x1], $0x1, s17, s11, $0xb8;
	[tilespmem:$0x2B00] =	vst v63  }
0x4a: {  	s17 =	sadd.s32 $0x100, s18  }
0x4b: {  	[spmem:s2] =	stream.indirect.scatter.add.f32 [tilespmem:s12], [sflag:$0x1], $0x1, s17, s11, $0xb8;
	[tilespmem:$0x2B00] =	vst v63  }
0x4c: {  	s17 =	sadd.s32 $0x180, s18  }
0x4d: {  	[spmem:s2] =	stream.indirect.scatter.add.f32 [tilespmem:s12], [sflag:$0x1], $0x1, s17, s11, $0xb8;
	[tilespmem:$0x2B00] =	vst v63  }
0x4e: {  	s17 =	sadd.s32 $0x200, s18  }
0x4f: {  	[spmem:s2] =	stream.indirect.scatter.add.f32 [tilespmem:s12], [sflag:$0x1], $0x1, s17, s11, $0xb8;
	[tilespmem:$0x2B00] =	vst v63  }
0x50: {  	s17 =	sadd.s32 $0x280, s18  }
0x51: {  	[spmem:s2] =	stream.indirect.scatter.add.f32 [tilespmem:s12], [sflag:$0x1], $0x1, s17, s11, $0xb8;
	[tilespmem:$0x2B00] =	vst v63  }
0x52: {  	s17 =	sadd.s32 $0x300, s18  }
0x53: {  	[spmem:s2] =	stream.indirect.scatter.add.f32 [tilespmem:s12], [sflag:$0x1], $0x1, s17, s11, $0xb8;
	[tilespmem:$0x2B00] =	vst v63  }
0x54: {  	s17 =	sadd.s32 $0x380, s18  }
0x55: {  	[spmem:s2] =	stream.indirect.scatter.add.f32 [tilespmem:s12], [sflag:$0x1], $0x1, s17, s11, $0xb8;
	[tilespmem:$0x2B00] =	vst v63  }
0x56: {  	_ =	swait.ge [sflag:s13], $0x80  }
0x57: {  	[sflag:s13] =	ssyncset.done $0x0  }
0x58: {  	[sflag:s13] =	ssyncadd.s32 $0xFFFFFF80  }
0x59: {  	_ =	swait.ge [sflag:s13], $0x80  }
0x5a: {  	[sflag:s13] =	ssyncset.done $0x0  }
0x5b: {  	[sflag:s13] =	ssyncadd.s32 $0xFFFFFF80  }
0x5c: {  	_ =	swait.ge [sflag:s13], $0x80  }
0x5d: {  	[sflag:s13] =	ssyncset.done $0x0  }
0x5e: {  	[sflag:s13] =	ssyncadd.s32 $0xFFFFFF80  }
0x5f: {  	_ =	swait.ge [sflag:s13], $0x80  }
0x60: {  	[sflag:s13] =	ssyncset.done $0x0  }
0x61: {  	[sflag:s13] =	ssyncadd.s32 $0xFFFFFF80  }
0x62: {  	_ =	swait.ge [sflag:s13], $0x80  }
0x63: {  	[sflag:s13] =	ssyncset.done $0x0  }
0x64: {  	[sflag:s13] =	ssyncadd.s32 $0xFFFFFF80  }
0x65: {  	_ =	swait.ge [sflag:s13], $0x80  }
0x66: {  	[sflag:s13] =	ssyncset.done $0x0  }
0x67: {  	[sflag:s13] =	ssyncadd.s32 $0xFFFFFF80  }
.Ltmp0:
0x68: {  	_ =	swait.ge [sflag:s13], $0x80;
	(pc) =	sbr.rel @p0 .LBB2_2-.Ltmp0, $4  }
0x69: {  	[sflag:s13] =	ssyncset.done $0x0  }
0x6a: {  	[sflag:s13] =	ssyncadd.s32 $0xFFFFFF80  }
0x6b: {  	_ =	swait.ge [sflag:s13], $0x80  }
0x6c: {  	s17 =	smov.u32 s16;
	[sflag:s13] =	ssyncset.done $0x0  }
0x6d: {  	s15 =	sshra.s32 s15, $0x2;
	[sflag:s13] =	ssyncadd.s32 $0xFFFFFF80  }
0x6e: {  	[spmem:s2] =	stream.indirect.scatter.add.f32 [tilespmem:s12], [sflag:$0x1], $0x1, s15, s11, $0xb8;
	[tilespmem:$0x2B00] =	vst v63  }
0x6f: {  	s16 =	sadd.s32 $0x80, s15  }
0x70: {  	[spmem:s2] =	stream.indirect.scatter.add.f32 [tilespmem:s12], [sflag:$0x1], $0x1, s16, s11, $0xb8;
	[tilespmem:$0x2B00] =	vst v63  }
0x71: {  	s26 =	sadd.s32 $0x100, s15  }
0x72: {  	[spmem:s2] =	stream.indirect.scatter.add.f32 [tilespmem:s12], [sflag:$0x1], $0x1, s26, s11, $0xb8;
	[tilespmem:$0x2B00] =	vst v63  }
0x73: {  	s28 =	sadd.s32 $0x180, s15  }
0x74: {  	[spmem:s2] =	stream.indirect.scatter.add.f32 [tilespmem:s12], [sflag:$0x1], $0x1, s28, s11, $0xb8;
	[tilespmem:$0x2B00] =	vst v63  }
0x75: {  	s29 =	sadd.s32 $0x200, s15  }
0x76: {  	[spmem:s2] =	stream.indirect.scatter.add.f32 [tilespmem:s12], [sflag:$0x1], $0x1, s29, s11, $0xb8;
	[tilespmem:$0x2B00] =	vst v63  }
0x77: {  	s30 =	sadd.s32 $0x280, s15  }
0x78: {  	[spmem:s2] =	stream.indirect.scatter.add.f32 [tilespmem:s12], [sflag:$0x1], $0x1, s30, s11, $0xb8;
	[tilespmem:$0x2B00] =	vst v63  }
0x79: {  	s31 =	sadd.s32 $0x300, s15  }
0x7a: {  	[spmem:s2] =	stream.indirect.scatter.add.f32 [tilespmem:s12], [sflag:$0x1], $0x1, s31, s11, $0xb8;
	[tilespmem:$0x2B00] =	vst v63  }
0x7b: {  	s15 =	sadd.s32 $0x380, s15  }
0x7c: {  	[spmem:s2] =	stream.indirect.scatter.add.f32 [tilespmem:s12], [sflag:$0x1], $0x1, s15, s11, $0xb8;
	[tilespmem:$0x2B00] =	vst v63  }
0x7d: {  	_ =	swait.ge [sflag:s13], $0x80  }
0x7e: {  	[sflag:s13] =	ssyncset.done $0x0  }
0x7f: {  	[sflag:s13] =	ssyncadd.s32 $0xFFFFFF80  }
0x80: {  	_ =	swait.ge [sflag:s13], $0x80  }
0x81: {  	[sflag:s13] =	ssyncset.done $0x0  }
0x82: {  	[sflag:s13] =	ssyncadd.s32 $0xFFFFFF80  }
0x83: {  	_ =	swait.ge [sflag:s13], $0x80  }
0x84: {  	[sflag:s13] =	ssyncset.done $0x0  }
0x85: {  	[sflag:s13] =	ssyncadd.s32 $0xFFFFFF80  }
0x86: {  	_ =	swait.ge [sflag:s13], $0x80  }
0x87: {  	[sflag:s13] =	ssyncset.done $0x0  }
0x88: {  	[sflag:s13] =	ssyncadd.s32 $0xFFFFFF80  }
0x89: {  	_ =	swait.ge [sflag:s13], $0x80  }
0x8a: {  	[sflag:s13] =	ssyncset.done $0x0  }
0x8b: {  	[sflag:s13] =	ssyncadd.s32 $0xFFFFFF80  }
0x8c: {  	_ =	swait.ge [sflag:s13], $0x80  }
0x8d: {  	[sflag:s13] =	ssyncset.done $0x0  }
0x8e: {  	[sflag:s13] =	ssyncadd.s32 $0xFFFFFF80  }
0x8f: {  	_ =	swait.ge [sflag:s13], $0x80  }
0x90: {  	[sflag:s13] =	ssyncset.done $0x0  }
0x91: {  	[sflag:s13] =	ssyncadd.s32 $0xFFFFFF80  }
0x92: {  	_ =	swait.ge [sflag:s13], $0x80  }
0x93: {  	s14 =	sadd.s32 $0x1, s14;
	[sflag:s13] =	ssyncset.done $0x0  }
0x94: {  	p0 =	sne.s32 s14, s7;
	[sflag:s13] =	ssyncadd.s32 $0xFFFFFF80  }
.Ltmp1:
0x95: {  	[bflag:$0x0] =	sbarrier.arrive $0xFFFF;
	(pc) =	sbr.rel @p0 .LBB2_1-.Ltmp1, $4  }
0x96: {  	[hbm:s6], [sflag:s9] =	dma.local [spmem:s10], $0x50  }
0x97: {  	_ =	swait.ge [sflag:s8], $0x50  }
0x98: {  	[sflag:s8] =	ssyncset.done $0x0  }
0x99: {  	[sflag:s8] =	ssyncadd.s32 $0xFFFFFFB0  }
0x9a: {  	_ =	sfence.sel $0x180000  }
0x9b: {  	[bflag:$0x0] =	sbarrier.arrive $0xFFFF  }
0x9c: {  	p0 =	sne.s32 s0, $0x0;
	_ =	strace $0x90000047  }
0x9d: {  	s0 =	sadd.s32 @!p0 $0x100000, s1;
	[bflag:$0x2] =	sbarrier.arrive $0xFFFF  }
0x9e: {  	[sflag:s0] =	ssyncadd.tile.s32 @!p0 $0x1;
	_ =	shalt  }
.Lfunc_end2:
_tile_overlayer_lowered:
.L_overlay_start_2:
0x9f: {  	(tag) =	ssettag $0x2  }
0xa0: {  	s0 =	rddreg [dreg:$0x0];
	s2 =	stileid.u32  }
0xa1: {  	s1 =	rddreg [dreg:$0x1];
	p0 =	sne.s32 s2, $0x0  }
0xa2: {  	s3 =	rddreg [dreg:$0x2];
	[bflag:$0x3] =	sbarrier.arrive $0xFFFF;
	s2 =	simm.s32 @!p0 $0x1C02  }
0xa3: {  	[timem:s3], [sflag:s2] =	dma.local @!p0 [hbm:s0], s1  }
0xa4: {  	s0 =	simm.s32 @!p0 $0x2  }
0xa5: {  	_ =	swait.ge @!p0 [sflag:s0], s1  }
0xa6: {  	s1 =	ssub.s32 @!p0 $0x0, s1;
	[sflag:s0] =	ssyncset.done @!p0 $0x0  }
0xa7: {  	[sflag:s0] =	ssyncadd.s32 @!p0 s1  }
0xa8: {  	[bflag:$0x3] =	sbarrier.arrive $0xFFFF  }
0xa9: {  	_ =	shalt  }

// kernel: kernel.13.cloned.1.call-start
scs
__scs_entry_jumppad:
0x0: {  	(pc) =	sbr.rel $0x88, $3  }
0x1: {  	(tag) =	ssettag $0x0;
	lr =	simm.s32 $0x1  }
0x2: {  	[smem:$0x3F97] =	sst lr;
	_ =	strace $0xD0000000  }
0x3: {  	_ = 	snop  }
0x4: {  	_ = 	snop  }
0x5: {  	_ = 	snop  }
0x6: {  	_ = 	snop  }
0x7: {  	_ = 	snop  }
__scs_overlays_trampoline_lowered:
0x8: {  	[smem:$0x3FA6] =	sst s0  }
0x9: {  	[smem:$0x3FA7] =	sst s1  }
0xa: {  	[smem:$0x3FA8] =	sst s2  }
0xb: {  	[smem:$0x3FA9] =	sst s3  }
0xc: {  	[smem:$0x3FAA] =	sst s4  }
0xd: {  	[smem:$0x3FAB] =	sst s5  }
0xe: {  	[smem:$0x3FAC] =	sst s6  }
0xf: {  	[smem:$0x3FAD] =	sst s7  }
0x10: {  	[smem:$0x3FAE] =	sst s8  }
0x11: {  	[smem:$0x3FAF] =	sst s9;
	s0 =	simm.s32 @!p0 $0x0  }
0x12: {  	s1 =	sld [smem:$0x3F95];
	s0 =	simm.s32 @p0 $0x1  }
0x13: {  	[smem:$0x3FB0] =	sst s0;
	s0 =	simm.s32 @!p1 $0x0  }
0x14: {  	s2 =	sld [smem:$0x3F94];
	s0 =	simm.s32 @p1 $0x1  }
0x15: {  	[smem:$0x3FB1] =	sst s0;
	s0 =	simm.s32 @!p2 $0x0  }
0x16: {  	s3 =	sld [smem:$0x3FDB];
	s0 =	simm.s32 @p2 $0x1  }
0x17: {  	s4 =	simm.s32 $0x1BF5;
	[smem:$0x3FB3] =	sst s0  }
0x18: {  	s0 =	sld [smem:$0x3F96];
	_ =	swait.ge [sflag:s4], $0x0  }
0x19: {  	s7 =	sld [smem:$0x3F97]  }
0x1a: {  	s8 =	sadd.s32 $0xFFFFE003, lr  }
0x1b: {  	s9 =	sadd.s32 $0xFFFFFEF7, lr;
	s5 =	simm.s32 $0xFFFFFFFF;
	p2 =	slt.u32 s8, $0xFFFFF086  }
0x1c: {  	p1 =	slt.u32 s9, $0xF7A;
	s5 =	simm.s32 @!p2 $0x0  }
0x1d: {  	s5 =	simm.s32 @p1 $0x1;
	p0 =	seq.s32 s7, s2  }
0x1e: {  	s7 =	smul.u32 @!p0 $0xF7A, s2;
	p2 =	seq.s32 @!p0 s5, $0x0  }
0x1f: {  	s9 =	smul.u32 $0xF7A, s1;
	s8 =	simm.s32 @!p0 $0x1BF5;
	p2 =	por !p2, p0  }
0x20: {  	[sflag:s8] =	ssyncset.s32 @!p0 $0xFFFFF086;
	s6 =	sadd.s32 @!p0 s3, s7;
	s7 =	simm.s32 @!p0 $0x108  }
0x21: {  	s3 =	sadd.s32 s3, s9;
	s6 =	sadd.s32 @!p0 $0x88, s6;
	s7 =	simm.s32 @p2 $0x1082  }
0x22: {  	[simem:s7], [sflag:s8] =	dma.local @!p0 [hbm:s6], $0xF7A  }
0x23: {  	s9 =	sor.u32 $0xD0000000, s2;
	s6 =	simm.s32 $0x108;
	_ =	swait.ge @!p0 [sflag:s8], $0x0  }
0x24: {  	s3 =	sadd.s32 $0x88, s3;
	s6 =	simm.s32 @!p1 $0x1082;
	[sflag:s4] =	ssyncset.s32 $0xFFFFF086  }
0x25: {  	[simem:s6], [sflag:s4] =	dma.local [hbm:s3], $0xF7A  }
0x26: {  	[smem:$0x3F97] =	sst s1;
	(tag) =	ssettag s2;
	_ =	strace s9  }
0x27: {  	s1 =	sld [smem:$0x3FA7]  }
0x28: {  	s2 =	sld [smem:$0x3FA8]  }
0x29: {  	s4 =	sld [smem:$0x3FAA]  }
0x2a: {  	p0 =	seq.s32 s5, $0x0;
	s5 =	sld [smem:$0x3FAB]  }
0x2b: {  	s6 =	sld [smem:$0x3FAC]  }
0x2c: {  	s7 =	sld [smem:$0x3FAD]  }
0x2d: {  	s3 =	simm.s32 $0x108;
	s8 =	sld [smem:$0x3FAE]  }
0x2e: {  	s3 =	simm.s32 @!p0 $0x1082;
	s9 =	sld [smem:$0x3FAF]  }
0x2f: {  	lr =	sadd.s32 s0, s3;
	s0 =	sld [smem:$0x3FA6]  }
0x30: {  	s3 =	sld [smem:$0x3FA9]  }
0x31: {  	[smem:$0x3FB2] =	sst s10  }
0x32: {  	s10 =	sld [smem:$0x3FB0];
	_ =	sdelay $0x3  }
0x33: {  	p0 =	seq.s32 s10, $0x1;
	s10 =	sld [smem:$0x3FB2];
	_ =	sdelay $0x3  }
0x34: {  	[smem:$0x3FB2] =	sst s10  }
0x35: {  	s10 =	sld [smem:$0x3FB1];
	_ =	sdelay $0x3  }
0x36: {  	p1 =	seq.s32 s10, $0x1;
	s10 =	sld [smem:$0x3FB2];
	_ =	sdelay $0x3  }
0x37: {  	[smem:$0x3FB2] =	sst s10  }
0x38: {  	s10 =	sld [smem:$0x3FB3]  }
0x39: {  	_ = 	snop;
	(pc) =	sbr.ind lr, $3  }
0x3a: {  	_ = 	snop  }
0x3b: {  	_ = 	snop  }
0x3c: {  	p2 =	seq.s32 s10, $0x1;
	s10 =	sld [smem:$0x3FB2]  }
0x3d: {  	_ =	shalt  }
0x3e: {  	_ =	shalt  }
0x3f: {  	_ =	shalt  }
0x40: {  	_ =	shalt  }
0x41: {  	_ =	shalt  }
0x42: {  	_ =	shalt  }
0x43: {  	_ =	shalt  }
0x44: {  	_ =	shalt  }
0x45: {  	_ =	shalt  }
0x46: {  	_ =	shalt  }
0x47: {  	_ =	shalt  }
0x48: {  	_ =	shalt  }
0x49: {  	_ =	shalt  }
0x4a: {  	_ =	shalt  }
0x4b: {  	_ =	shalt  }
0x4c: {  	_ =	shalt  }
0x4d: {  	_ =	shalt  }
0x4e: {  	_ =	shalt  }
0x4f: {  	_ =	shalt  }
0x50: {  	_ =	shalt  }
0x51: {  	_ =	shalt  }
0x52: {  	_ =	shalt  }
0x53: {  	_ =	shalt  }
0x54: {  	_ =	shalt  }
0x55: {  	_ =	shalt  }
0x56: {  	_ =	shalt  }
0x57: {  	_ =	shalt  }
0x58: {  	_ =	shalt  }
0x59: {  	_ =	shalt  }
0x5a: {  	_ =	shalt  }
0x5b: {  	_ =	shalt  }
0x5c: {  	_ =	shalt  }
0x5d: {  	_ =	shalt  }
0x5e: {  	_ =	shalt  }
0x5f: {  	_ =	shalt  }
0x60: {  	_ =	shalt  }
0x61: {  	_ =	shalt  }
0x62: {  	_ =	shalt  }
0x63: {  	_ =	shalt  }
0x64: {  	_ =	shalt  }
0x65: {  	_ =	shalt  }
0x66: {  	_ =	shalt  }
0x67: {  	_ =	shalt  }
0x68: {  	_ =	shalt  }
0x69: {  	_ =	shalt  }
0x6a: {  	_ =	shalt  }
0x6b: {  	_ =	shalt  }
0x6c: {  	_ =	shalt  }
0x6d: {  	_ =	shalt  }
0x6e: {  	_ =	shalt  }
0x6f: {  	_ =	shalt  }
0x70: {  	_ =	shalt  }
0x71: {  	_ =	shalt  }
0x72: {  	_ =	shalt  }
0x73: {  	_ =	shalt  }
0x74: {  	_ =	shalt  }
0x75: {  	_ =	shalt  }
0x76: {  	_ =	shalt  }
0x77: {  	_ =	shalt  }
0x78: {  	_ =	shalt  }
0x79: {  	_ =	shalt  }
0x7a: {  	_ =	shalt  }
0x7b: {  	_ =	shalt  }
0x7c: {  	_ =	shalt  }
0x7d: {  	_ =	shalt  }
0x7e: {  	_ =	shalt  }
0x7f: {  	_ =	shalt  }
0x80: {  	_ =	shalt  }
0x81: {  	_ =	shalt  }
0x82: {  	_ =	shalt  }
0x83: {  	_ =	shalt  }
0x84: {  	_ =	shalt  }
0x85: {  	_ =	shalt  }
0x86: {  	_ =	shalt  }
0x87: {  	_ =	shalt  }
.Lfunc_end0:
.L_simem_size_0:
called_computation.1_lowered:
.L_overlay_start_0:
0x88: {  	s2 =	sld [smem:$0x3FD9]  }
0x89: {  	s3 =	sld [smem:$0x3FFE];
	_ =	sdelay $0x1  }
0x8a: {  	s1 =	srdreg.scid  }
0x8b: {  	s0 =	sand.u32 $0x1, s1  }
0x8c: {  	s16 =	sshll.u32 s0, $0xA;
	s2 =	sadd.s32 s3, s2  }
0x8d: {  	s2 =	sadd.s32 s2, s16  }
0x8e: {  	[smem:$0x3FBE] =	sst s2  }
0x8f: {  	_ = 	snop  }
0x90: {  	(tm) =	ssettm $0x1  }
0x91: {  	s17 =	sld [smem:$0x3FFB];
	_ =	sdelay $0x3  }
0x92: {  	_ =	strace s17  }
0x93: {  	s2 =	sld [smem:$0x3FFC];
	_ =	sdelay $0x3  }
0x94: {  	_ =	strace s2  }
0x95: {  	s2 =	sld [smem:$0x3FFD];
	_ =	sdelay $0x3  }
0x96: {  	_ =	strace s2  }
0x97: {  	_ =	strace $0x8FFFFFFF  }
0x98: {  	s18 =	sld [smem:$0x3FDB];
	_ =	sdelay $0x1  }
0x99: {  	s19 =	simm.s32 $_scs_section_size  }
0x9a: {  	s4 =	simm.s32 $_size__tile_overlayer_lowered;
	s5 =	simm.s32 $_tile_overlayer_lowered  }
0x9b: {  	s22 =	simm.s32 $0x1BFF;
	s21 =	sshll.u32 s5, $0x1;
	s2 =	sadd.s32 s19, s18  }
0x9c: {  	s6 =	simm.s32 $0x0;
	s20 =	sshll.u32 s4, $0x1;
	s4 =	sadd.s32 s21, s2  }
0x9d: {  	[timem:s6], [sflag:s22] =	dma.local [hbm:s4], s20  }
0x9e: {  	_ =	swait.ge [sflag:s22], s20  }
0x9f: {  	s3 =	ssub.s32 $0x0, s20;
	[sflag:s22] =	ssyncset.done $0x0  }
0xa0: {  	[sflag:s22] =	ssyncadd.s32 s3;
	_ =	sdelay $0x1  }
0xa1: {  	s23 =	simm.s32 $0x1B8B  }
0xa2: {  	_ =	swait.ge [sflag:s23], $0x1  }
0xa3: {  	[sflag:s23] =	ssyncset.done $0x0  }
0xa4: {  	s25 =	simm.s32 $0x1B8E;
	s24 =	sld [smem:$0x3FFE];
	[sflag:s23] =	ssyncadd.s32 $0xFFFFFFFF  }
0xa5: {  	s26 =	simm.s32 $execute0_lowered;
	[smem:$0x3FD2] =	sst s25  }
0xa6: {  	s4 =	sshll.u32 s26, $0x1;
	_ =	strace $0x80000049;
	[dreg:$0x1] =	wrdreg $0xFFFFFFFF  }
0xa7: {  	s28 =	simm.s32 $_size_execute0_lowered;
	s2 =	sadd.s32 s2, s4;
	[dreg:$0x0] =	wrdreg $0x0  }
0xa8: {  	s4 =	sshll.u32 s28, $0x1;
	[dreg:$0x2] =	wrdreg s2  }
0xa9: {  	[dreg:$0x3] =	wrdreg s4  }
0xaa: {  	[dreg:$0x4] =	wrdreg $0xC0  }
0xab: {  	_ =	task [dreg:s6], $0x5FFFF  }
0xac: {  	[dreg:$0x1] =	wrdreg $0xFFFFFFFF  }
0xad: {  	[dreg:$0x0] =	wrdreg $0x60  }
0xae: {  	[dreg:$0x2] =	wrdreg s24  }
0xaf: {  	[dreg:$0x3] =	wrdreg $0x150000  }
0xb0: {  	[dreg:$0x4] =	wrdreg $0x9  }
0xb1: {  	_ =	task.clear_ibuf [dreg:s6], $0x5FFFF;
	_ =	strace $0x90000049  }
0xb2: {  	s29 =	simm.s32 $0x9;
	_ =	strace $0x8000004B  }
0xb3: {  	_ =	swait.ge [sflag:s29], $0x1  }
0xb4: {  	[sflag:s29] =	ssyncadd.s32 $0xFFFFFFFF  }
0xb5: {  	_ =	strace $0x9000004B  }
0xb6: {  	_ =	sfence  }
0xb7: {  	s30 =	sld [smem:$0x0];
	_ =	sdelay $0x2  }
0xb8: {  	s31 =	sshll.u32 s1, $0xD;
	s1 =	sshrl.u32 s1, $0x2  }
0xb9: {  	s3 =	sand.u32 $0x4000, s31;
	s1 =	sadd.s32 s1, s30  }
0xba: {  	s0 =	sor.u32 s3, s0;
	s1 =	sshll.u32 s1, $0x11  }
0xbb: {  	s0 =	sor.u32 s1, s0  }
0xbc: {  	s0 =	sadd.s32 $0x8F2B, s0  }
0xbd: {  	[sflag:s0] =	ssyncadd.remote.s32 $0x1  }
0xbe: {  	_ =	sfence.sel $0xFFFF  }
0xbf: {  	[dreg:$0x0] =	wrdreg $0xFFFFFFFF;
	(pc) =	sbr.abs _section_cstart, $3  }
0xc0: {  	[dreg:$0x1] =	wrdreg $0xFFFFFFFF  }
0xc1: {  	_ =	task.clear_ibuf [dreg:s6], $0x2FFFF;
	_ =	strace $0x9FFFFFFF  }
0xc2: {  	(tm) =	ssettm $0x7FFFFFFF  }
0xc3: {  	_ =	shalt  }
tec
execute0_lowered:
.L_overlay_start_1:
0x0: {  	(tag) =	ssettag $0x1  }
0x1: {  	s0 =	srdreg.scid;
	s5 =	rddreg [dreg:$0x0]  }
0x2: {  	s11 =	stileid.u32;
	s2 =	rddreg [dreg:$0x1];
	s3 =	simm.s32 $0x0  }
0x3: {  	s14 =	simm.s32 $0x80;
	s15 =	simm.s32 $0x580;
	s16 =	simm.s32 $0x10000  }
0x4: {  	s17 =	simm.s32 $0x1;
	s18 =	simm.s32 $0x2;
	s19 =	simm.s32 $0x0  }
0x5: {  	s0 =	sand.u32 $0x1, s0;
	s7 =	smul.u32 $0x5000, s11;
	[smem:$0x7FF] =	sst s3  }
0x6: {  	s4 =	sadd.s32 $0x16C00, s5;
	s31 =	sshll.u32 s11, $0x6;
	s1 =	sshll.u32 s0, $0x4  }
0x7: {  	s6 =	smul.u32 $0x50000, s0;
	_ =	strace $0x8000004A;
	s0 =	ssub.s32 $0x2, s0  }
0x8: {  	s12 =	sor.u32 $0x1C03, s31;
	s1 =	sor.u32 s11, s1;
	s8 =	sshrl.u32 s7, $0x3  }
0x9: {  	s9 =	sshrl.u32 s0, $0x1;
	s30 =	sadd.s32 s7, s2;
	s11 =	simm.s32 $0xF000  }
0xa: {  	s1 =	smul.u32 $0x500, s1;
	s6 =	sadd.s32 s7, s6;
	s8 =	sadd.s32 s8, s5  }
0xb: {  	s0 =	ssub.s32 s0, s9;
	s13 =	sshrl.u32 s30, $0x3;
	s6 =	sshrl.u32 s6, $0x3  }
0xc: {  	s7 =	sadd.s32 $0x20C00, s8;
	s9 =	smax.u32 s0, $0x1;
	s1 =	sadd.s32 s1, s5  }
0xd: {  	s0 =	simm.s32 $0x500;
	s10 =	sadd.s32 s6, s5;
	s5 =	sadd.s32 $0xCC00, s1  }
0xe: {  	s6 =	sadd.s32 $0x2600, s1;
	s8 =	sadd.s32 $0x2AC00, s10;
	s10 =	simm.s32 $0x3  }
.LBB2_1:
0xf: {  	[tilespmem:s3], [sflag:$0x3] =	stream.linear.gather [hbm4b:s5+s3], $0x2800, $0x38;
	[tilespmem:$0x1A000] =	vst v63  }
0x10: {  	_ =	swait.ge [sflag:s10], $0x2800  }
0x11: {  	[sflag:s10] =	ssyncset.done $0x0  }
0x12: {  	s1 =	simm.s32 $0x2800;
	[sflag:s10] =	ssyncadd.s32 $0xFFFFD800  }
0x13: {  	[tilespmem:s1], [sflag:$0x3] =	stream.linear.gather [hbm4b:s6+s3], $0x2800, $0x38;
	[tilespmem:$0x1A000] =	vst v63  }
0x14: {  	_ =	swait.ge [sflag:s10], $0x2800  }
0x15: {  	[sflag:s10] =	ssyncset.done $0x0  }
0x16: {  	[sflag:s10] =	ssyncadd.s32 $0xFFFFD800  }
0x17: {  	[spmem:s13], [sflag:s12] =	dma.local [hbm:s7], $0xA00  }
0x18: {  	_ =	swait.ge [sflag:s10], $0xA00  }
0x19: {  	[sflag:s10] =	ssyncset.done $0x0  }
0x1a: {  	[sflag:s10] =	ssyncadd.s32 $0xFFFFF600  }
0x1b: {  	s29 =	simm.s32 $0x5000;
	[bflag:$0x0] =	sbarrier.arrive $0xFFFF  }
0x1c: {  	[tilespmem:s29], [sflag:$0x1] =	stream.indirect.gather [hbm4b:s4+s14], $0x20, s3, s14, $0xb8;
	[tilespmem:$0x1A000] =	vst v63  }
0x1d: {  	s30 =	simm.s32 $0x6000  }
0x1e: {  	[tilespmem:s30], [sflag:$0x1] =	stream.indirect.gather [hbm4b:s4+s14], $0x20, s14, s14, $0xb8;
	[tilespmem:$0x1A000] =	vst v63  }
0x1f: {  	s31 =	simm.s32 $0x100;
	s20 =	simm.s32 $0x7000  }
0x20: {  	[tilespmem:s20], [sflag:$0x1] =	stream.indirect.gather [hbm4b:s4+s14], $0x20, s31, s14, $0xb8;
	[tilespmem:$0x1A000] =	vst v63  }
0x21: {  	s21 =	simm.s32 $0x180;
	s22 =	simm.s32 $0x8000  }
0x22: {  	[tilespmem:s22], [sflag:$0x1] =	stream.indirect.gather [hbm4b:s4+s14], $0x20, s21, s14, $0xb8;
	[tilespmem:$0x1A000] =	vst v63  }
0x23: {  	s23 =	simm.s32 $0x200;
	s24 =	simm.s32 $0x9000  }
0x24: {  	[tilespmem:s24], [sflag:$0x1] =	stream.indirect.gather [hbm4b:s4+s14], $0x20, s23, s14, $0xb8;
	[tilespmem:$0x1A000] =	vst v63  }
0x25: {  	s25 =	simm.s32 $0x280;
	s26 =	simm.s32 $0xA000  }
0x26: {  	[tilespmem:s26], [sflag:$0x1] =	stream.indirect.gather [hbm4b:s4+s14], $0x20, s25, s14, $0xb8;
	[tilespmem:$0x1A000] =	vst v63  }
0x27: {  	s28 =	simm.s32 $0x300;
	s29 =	simm.s32 $0xB000  }
0x28: {  	[tilespmem:s29], [sflag:$0x1] =	stream.indirect.gather [hbm4b:s4+s14], $0x20, s28, s14, $0xb8;
	[tilespmem:$0x1A000] =	vst v63  }
0x29: {  	s30 =	simm.s32 $0x380;
	s20 =	simm.s32 $0xC000  }
0x2a: {  	[tilespmem:s20], [sflag:$0x1] =	stream.indirect.gather [hbm4b:s4+s14], $0x20, s30, s14, $0xb8;
	[tilespmem:$0x1A000] =	vst v63  }
0x2b: {  	s31 =	simm.s32 $0x400;
	s21 =	simm.s32 $0xD000  }
0x2c: {  	[tilespmem:s21], [sflag:$0x1] =	stream.indirect.gather [hbm4b:s4+s14], $0x20, s31, s14, $0xb8;
	[tilespmem:$0x1A000] =	vst v63  }
0x2d: {  	s22 =	simm.s32 $0xE000;
	s21 =	simm.s32 $0x480  }
0x2e: {  	[tilespmem:s22], [sflag:$0x1] =	stream.indirect.gather [hbm4b:s4+s14], $0x20, s21, s14, $0xb8;
	[tilespmem:$0x1A000] =	vst v63  }
0x2f: {  	p0 =	por $0x0, $0x0  }
0x30: {  	[tilespmem:s11], [sflag:$0x1] =	stream.indirect.gather [hbm4b:s4+s14], $0x20, s0, s14, $0xb8;
	[tilespmem:$0x1A000] =	vst v63  }
0x31: {  	s20 =	sand.u32 @!p0 $0xC000, s20  }
0x32: {  	[tilespmem:s16], [sflag:$0x1] =	stream.indirect.gather [hbm4b:s4+s14], $0x20, s15, s14, $0xb8;
	[tilespmem:$0x1A000] =	vst v63  }
0x33: {  	s23 =	simm.s32 @!p0 $0x80;
	s21 =	sadd.s32 @!p0 $0x5000, s20;
	s22 =	simm.s32 @!p0 $0x600  }
0x34: {  	[tilespmem:s21], [sflag:$0x1] =	stream.indirect.gather @!p0 [hbm4b:s4+s23], $0x20, s22, s23, $0xb8;
	[tilespmem:$0x1A000] =	vst v63  }
0x35: {  	s21 =	sadd.s32 @!p0 $0x6000, s20;
	s22 =	simm.s32 @!p0 $0x680  }
0x36: {  	[tilespmem:s21], [sflag:$0x1] =	stream.indirect.gather @!p0 [hbm4b:s4+s23], $0x20, s22, s23, $0xb8;
	[tilespmem:$0x1A000] =	vst v63  }
0x37: {  	s21 =	sadd.s32 @!p0 $0x7000, s20;
	s22 =	simm.s32 @!p0 $0x700  }
0x38: {  	[tilespmem:s21], [sflag:$0x1] =	stream.indirect.gather @!p0 [hbm4b:s4+s23], $0x20, s22, s23, $0xb8;
	[tilespmem:$0x1A000] =	vst v63  }
0x39: {  	s20 =	sadd.s32 @!p0 $0x8000, s20;
	s21 =	simm.s32 @!p0 $0x780  }
0x3a: {  	[tilespmem:s20], [sflag:$0x1] =	stream.indirect.gather @!p0 [hbm4b:s4+s23], $0x20, s21, s23, $0xb8;
	[tilespmem:$0x1A000] =	vst v63  }
0x3b: {  	_ =	swait.ge [sflag:s17], $0x1000  }
0x3c: {  	[sflag:s17] =	ssyncset.done $0x0  }
0x3d: {  	[sflag:s17] =	ssyncadd.s32 $0xFFFFF000  }
0x3e: {  	_ =	swait.ge [sflag:s17], $0x1000  }
0x3f: {  	[sflag:s17] =	ssyncset.done $0x0  }
0x40: {  	[sflag:s17] =	ssyncadd.s32 $0xFFFFF000  }
0x41: {  	_ =	swait.ge [sflag:s17], $0x1000  }
0x42: {  	[sflag:s17] =	ssyncset.done $0x0  }
0x43: {  	[sflag:s17] =	ssyncadd.s32 $0xFFFFF000  }
0x44: {  	s23 =	simm.s32 $0x0;
	_ =	swait.ge [sflag:s17], $0x1000  }
0x45: {  	s20 =	sand.u32 $0xC000, s23;
	[sflag:s17] =	ssyncset.done $0x0  }
0x46: {  	s25 =	simm.s32 $0x2800;
	s24 =	sadd.s32 $0x5000, s20;
	[sflag:s17] =	ssyncadd.s32 $0xFFFFF000  }
0x47: {  	[spmem:s2] =	stream.indirect.scatter.add.f32 [tilespmem:s24], [sflag:$0x2], $0x20, s25, s14, $0xb8;
	[tilespmem:$0x1A000] =	vst v63  }
0x48: {  	s28 =	simm.s32 $0x2880;
	s26 =	sadd.s32 $0x6000, s20  }
0x49: {  	[spmem:s2] =	stream.indirect.scatter.add.f32 [tilespmem:s26], [sflag:$0x2], $0x20, s28, s14, $0xb8;
	[tilespmem:$0x1A000] =	vst v63  }
0x4a: {  	s30 =	simm.s32 $0x2900;
	s29 =	sadd.s32 $0x7000, s20  }
0x4b: {  	[spmem:s2] =	stream.indirect.scatter.add.f32 [tilespmem:s29], [sflag:$0x2], $0x20, s30, s14, $0xb8;
	[tilespmem:$0x1A000] =	vst v63  }
0x4c: {  	s31 =	simm.s32 $0x2980;
	s20 =	sadd.s32 $0x8000, s20  }
0x4d: {  	[spmem:s2] =	stream.indirect.scatter.add.f32 [tilespmem:s20], [sflag:$0x2], $0x20, s31, s14, $0xb8;
	[tilespmem:$0x1A000] =	vst v63  }
0x4e: {  	_ =	swait.ge [sflag:s18], $0x1000  }
0x4f: {  	[sflag:s18] =	ssyncset.done $0x0  }
0x50: {  	[sflag:s18] =	ssyncadd.s32 $0xFFFFF000  }
0x51: {  	_ =	swait.ge [sflag:s18], $0x1000  }
0x52: {  	[sflag:s18] =	ssyncset.done $0x0  }
0x53: {  	[sflag:s18] =	ssyncadd.s32 $0xFFFFF000  }
0x54: {  	p1 =	por $0x0, $0x0;
	_ =	swait.ge [sflag:s18], $0x1000  }
0x55: {  	s22 =	simm.s32 $0x1000;
	s21 =	simm.s32 $0x800;
	[sflag:s18] =	ssyncset.done $0x0  }
0x56: {  	s23 =	simm.s32 $0x1;
	s20 =	simm.s32 $0x10000;
	[sflag:s18] =	ssyncadd.s32 $0xFFFFF000  }
0x57: {  	s25 =	simm.s32 @!p1 $0x200;
	s24 =	sand.u32 @!p1 $0xC000, s20;
	_ =	swait.ge [sflag:s18], $0x1000  }
.LBB2_2:
0x58: {  	s26 =	sadd.s32 @!p1 $0x5000, s24  }
0x59: {  	s28 =	sadd.s32 @!p1 $0x600, s25;
	[sflag:s18] =	ssyncset.done $0x0;
	s29 =	smov.u32 s22  }
0x5a: {  	s30 =	simm.s32 @!p1 $0x80;
	s31 =	sadd.s32 @!p1 $0x6000, s24;
	[sflag:s18] =	ssyncadd.s32 $0xFFFFF000  }
0x5b: {  	[tilespmem:s26], [sflag:$0x1] =	stream.indirect.gather @!p1 [hbm4b:s4+s30], $0x20, s28, s30, $0xb8;
	[tilespmem:$0x1A000] =	vst v63  }
0x5c: {  	s1 =	sadd.s32 @!p1 $0x700, s25;
	s26 =	sadd.s32 @!p1 $0x680, s25;
	s28 =	sadd.s32 @!p1 $0x7000, s24  }
0x5d: {  	[tilespmem:s31], [sflag:$0x1] =	stream.indirect.gather @!p1 [hbm4b:s4+s30], $0x20, s26, s30, $0xb8;
	[tilespmem:$0x1A000] =	vst v63  }
0x5e: {  	s22 =	sadd.s32 $0x800, s22;
	s24 =	sadd.s32 @!p1 $0x8000, s24;
	s25 =	sadd.s32 @!p1 $0x780, s25  }
0x5f: {  	[tilespmem:s28], [sflag:$0x1] =	stream.indirect.gather @!p1 [hbm4b:s4+s30], $0x20, s1, s30, $0xb8;
	[tilespmem:$0x1A000] =	vst v63  }
0x60: {  	p0 =	sne.s32 s22, $0xA000  }
0x61: {  	[tilespmem:s24], [sflag:$0x1] =	stream.indirect.gather @!p1 [hbm4b:s4+s30], $0x20, s25, s30, $0xb8;
	[tilespmem:$0x1A000] =	vst v63  }
0x62: {  	_ =	swait.ge [sflag:s17], $0x1000  }
0x63: {  	[sflag:s17] =	ssyncset.done $0x0  }
0x64: {  	[sflag:s17] =	ssyncadd.s32 $0xFFFFF000  }
0x65: {  	_ =	swait.ge [sflag:s17], $0x1000  }
0x66: {  	[sflag:s17] =	ssyncset.done $0x0  }
0x67: {  	[sflag:s17] =	ssyncadd.s32 $0xFFFFF000  }
0x68: {  	_ =	swait.ge [sflag:s17], $0x1000  }
0x69: {  	[sflag:s17] =	ssyncset.done $0x0  }
0x6a: {  	s1 =	sadd.s32 $0xFFFF4000, s20;
	[sflag:s17] =	ssyncadd.s32 $0xFFFFF000  }
0x6b: {  	s1 =	sand.u32 $0xC000, s1;
	s24 =	sshra.s32 s21, $0x2;
	_ =	swait.ge [sflag:s17], $0x1000  }
0x6c: {  	s21 =	sadd.s32 $0x5000, s1;
	s25 =	sadd.s32 $0x2800, s24;
	[sflag:s17] =	ssyncset.done $0x0  }
0x6d: {  	s26 =	sadd.s32 $0x6000, s1;
	s28 =	sadd.s32 $0x2880, s24;
	[sflag:s17] =	ssyncadd.s32 $0xFFFFF000  }
0x6e: {  	[spmem:s2] =	stream.indirect.scatter.add.f32 [tilespmem:s21], [sflag:$0x2], $0x20, s25, s14, $0xb8;
	[tilespmem:$0x1A000] =	vst v63  }
0x6f: {  	s30 =	sadd.s32 $0x2900, s24;
	s25 =	sadd.s32 $0x7000, s1;
	s21 =	smov.u32 s29  }
0x70: {  	[spmem:s2] =	stream.indirect.scatter.add.f32 [tilespmem:s26], [sflag:$0x2], $0x20, s28, s14, $0xb8;
	[tilespmem:$0x1A000] =	vst v63  }
0x71: {  	s24 =	sadd.s32 $0x2980, s24;
	s1 =	sadd.s32 $0x8000, s1  }
0x72: {  	[spmem:s2] =	stream.indirect.scatter.add.f32 [tilespmem:s25], [sflag:$0x2], $0x20, s30, s14, $0xb8;
	[tilespmem:$0x1A000] =	vst v63  }
0x73: {  	_ = 	snop  }
0x74: {  	[spmem:s2] =	stream.indirect.scatter.add.f32 [tilespmem:s1], [sflag:$0x2], $0x20, s24, s14, $0xb8;
	[tilespmem:$0x1A000] =	vst v63  }
0x75: {  	_ =	swait.ge [sflag:s18], $0x1000  }
0x76: {  	[sflag:s18] =	ssyncset.done $0x0  }
0x77: {  	[sflag:s18] =	ssyncadd.s32 $0xFFFFF000  }
0x78: {  	_ =	swait.ge [sflag:s18], $0x1000  }
0x79: {  	[sflag:s18] =	ssyncset.done $0x0  }
.Ltmp0:
0x7a: {  	[sflag:s18] =	ssyncadd.s32 $0xFFFFF000;
	(pc) =	sbr.rel @p0 .LBB2_2-.Ltmp0, $4  }
0x7b: {  	_ =	swait.ge [sflag:s18], $0x1000  }
0x7c: {  	s23 =	sadd.s32 $0x1, s23;
	[sflag:s18] =	ssyncset.done $0x0  }
0x7d: {  	s20 =	sadd.s32 $0x4000, s20;
	p1 =	sgt.u32 s23, $0x10;
	[sflag:s18] =	ssyncadd.s32 $0xFFFFF000  }
0x7e: {  	s25 =	sshra.s32 @!p1 s21, $0x2;
	s24 =	sand.u32 @!p1 $0xC000, s20;
	_ =	swait.ge [sflag:s18], $0x1000  }
0x7f: {  	s1 =	sadd.s32 @!p1 $0x5000, s24;
	[sflag:s18] =	ssyncset.done $0x0  }
0x80: {  	s22 =	sadd.s32 @!p1 $0x600, s25;
	s23 =	simm.s32 @!p1 $0x80;
	[sflag:s18] =	ssyncadd.s32 $0xFFFFF000  }
0x81: {  	[tilespmem:s1], [sflag:$0x1] =	stream.indirect.gather @!p1 [hbm4b:s4+s23], $0x20, s22, s23, $0xb8;
	[tilespmem:$0x1A000] =	vst v63  }
0x82: {  	s1 =	sadd.s32 @!p1 $0x6000, s24;
	s22 =	sadd.s32 @!p1 $0x680, s25  }
0x83: {  	[tilespmem:s1], [sflag:$0x1] =	stream.indirect.gather @!p1 [hbm4b:s4+s23], $0x20, s22, s23, $0xb8;
	[tilespmem:$0x1A000] =	vst v63  }
0x84: {  	s1 =	sadd.s32 @!p1 $0x7000, s24;
	s22 =	sadd.s32 @!p1 $0x700, s25  }
0x85: {  	[tilespmem:s1], [sflag:$0x1] =	stream.indirect.gather @!p1 [hbm4b:s4+s23], $0x20, s22, s23, $0xb8;
	[tilespmem:$0x1A000] =	vst v63  }
0x86: {  	s1 =	sadd.s32 @!p1 $0x8000, s24;
	s22 =	sadd.s32 @!p1 $0x780, s25  }
0x87: {  	[tilespmem:s1], [sflag:$0x1] =	stream.indirect.gather @!p1 [hbm4b:s4+s23], $0x20, s22, s23, $0xb8;
	[tilespmem:$0x1A000] =	vst v63  }
0x88: {  	_ =	swait.ge [sflag:s17], $0x1000  }
0x89: {  	[sflag:s17] =	ssyncset.done $0x0  }
0x8a: {  	[sflag:s17] =	ssyncadd.s32 $0xFFFFF000  }
0x8b: {  	_ =	swait.ge [sflag:s17], $0x1000  }
0x8c: {  	[sflag:s17] =	ssyncset.done $0x0  }
0x8d: {  	[sflag:s17] =	ssyncadd.s32 $0xFFFFF000  }
0x8e: {  	_ =	swait.ge [sflag:s17], $0x1000  }
0x8f: {  	[sflag:s17] =	ssyncset.done $0x0  }
0x90: {  	[sflag:s17] =	ssyncadd.s32 $0xFFFFF000  }
0x91: {  	s23 =	sadd.s32 $0xFFFF4000, s20;
	_ =	swait.ge [sflag:s17], $0x1000  }
0x92: {  	s24 =	sshra.s32 s21, $0x2;
	s1 =	sand.u32 $0xC000, s23;
	[sflag:s17] =	ssyncset.done $0x0  }
0x93: {  	s26 =	sadd.s32 $0x2800, s24;
	s25 =	sadd.s32 $0x5000, s1;
	[sflag:s17] =	ssyncadd.s32 $0xFFFFF000  }
0x94: {  	[spmem:s2] =	stream.indirect.scatter.add.f32 [tilespmem:s25], [sflag:$0x2], $0x20, s26, s14, $0xb8;
	[tilespmem:$0x1A000] =	vst v63  }
0x95: {  	s29 =	sadd.s32 $0x2880, s24;
	s28 =	sadd.s32 $0x6000, s1  }
0x96: {  	[spmem:s2] =	stream.indirect.scatter.add.f32 [tilespmem:s28], [sflag:$0x2], $0x20, s29, s14, $0xb8;
	[tilespmem:$0x1A000] =	vst v63  }
0x97: {  	s31 =	sadd.s32 $0x2900, s24;
	s30 =	sadd.s32 $0x7000, s1  }
0x98: {  	[spmem:s2] =	stream.indirect.scatter.add.f32 [tilespmem:s30], [sflag:$0x2], $0x20, s31, s14, $0xb8;
	[tilespmem:$0x1A000] =	vst v63  }
0x99: {  	s20 =	sadd.s32 $0x2980, s24;
	s1 =	sadd.s32 $0x8000, s1  }
0x9a: {  	[spmem:s2] =	stream.indirect.scatter.add.f32 [tilespmem:s1], [sflag:$0x2], $0x20, s20, s14, $0xb8;
	[tilespmem:$0x1A000] =	vst v63  }
0x9b: {  	_ =	swait.ge [sflag:s18], $0x1000  }
0x9c: {  	[sflag:s18] =	ssyncset.done $0x0  }
0x9d: {  	[sflag:s18] =	ssyncadd.s32 $0xFFFFF000  }
0x9e: {  	_ =	swait.ge [sflag:s18], $0x1000  }
0x9f: {  	[sflag:s18] =	ssyncset.done $0x0  }
0xa0: {  	[sflag:s18] =	ssyncadd.s32 $0xFFFFF000  }
0xa1: {  	_ =	swait.ge [sflag:s18], $0x1000  }
0xa2: {  	[sflag:s18] =	ssyncset.done $0x0  }
0xa3: {  	[sflag:s18] =	ssyncadd.s32 $0xFFFFF000  }
0xa4: {  	_ =	swait.ge [sflag:s18], $0x1000  }
0xa5: {  	s19 =	sadd.s32 $0x1, s19;
	[sflag:s18] =	ssyncset.done $0x0  }
0xa6: {  	p0 =	sne.s32 s19, s9;
	[sflag:s18] =	ssyncadd.s32 $0xFFFFF000  }
.Ltmp1:
0xa7: {  	[bflag:$0x0] =	sbarrier.arrive $0xFFFF;
	(pc) =	sbr.rel @p0 .LBB2_1-.Ltmp1, $4  }
0xa8: {  	[hbm:s8], [sflag:s12] =	dma.local [spmem:s13], $0xA00  }
0xa9: {  	_ =	swait.ge [sflag:s10], $0xA00  }
0xaa: {  	[sflag:s10] =	ssyncset.done $0x0  }
0xab: {  	[sflag:s10] =	ssyncadd.s32 $0xFFFFF600  }
0xac: {  	_ =	sfence.sel $0x180000  }
0xad: {  	[bflag:$0x0] =	sbarrier.arrive $0xFFFF  }
0xae: {  	_ =	strace $0x9000004A  }
0xaf: {  	s0 =	stileid.u32;
	[bflag:$0x2] =	sbarrier.arrive $0xFFFF  }
0xb0: {  	p0 =	sne.s32 s0, $0x0;
	s0 =	rddreg [dreg:$0x2]  }
0xb1: {  	s0 =	sadd.s32 @!p0 $0x100000, s0  }
0xb2: {  	[sflag:s0] =	ssyncadd.tile.s32 @!p0 $0x1;
	_ =	shalt  }
.Lfunc_end2:
_tile_overlayer_lowered:
.L_overlay_start_2:
0xb3: {  	(tag) =	ssettag $0x2  }
0xb4: {  	s0 =	rddreg [dreg:$0x0];
	s2 =	stileid.u32  }
0xb5: {  	s1 =	rddreg [dreg:$0x1];
	p0 =	sne.s32 s2, $0x0  }
0xb6: {  	s3 =	rddreg [dreg:$0x2];
	[bflag:$0x3] =	sbarrier.arrive $0xFFFF;
	s2 =	simm.s32 @!p0 $0x1C03  }
0xb7: {  	[timem:s3], [sflag:s2] =	dma.local @!p0 [hbm:s0], s1  }
0xb8: {  	s0 =	simm.s32 @!p0 $0x3  }
0xb9: {  	_ =	swait.ge @!p0 [sflag:s0], s1  }
0xba: {  	s1 =	ssub.s32 @!p0 $0x0, s1;
	[sflag:s0] =	ssyncset.done @!p0 $0x0  }
0xbb: {  	[sflag:s0] =	ssyncadd.s32 @!p0 s1  }
0xbc: {  	[bflag:$0x3] =	sbarrier.arrive $0xFFFF  }
0xbd: {  	_ =	shalt  }

// kernel: kernel.16.cloned.1.call-start
scs
__scs_entry_jumppad:
0x0: {  	(pc) =	sbr.rel $0x88, $3  }
0x1: {  	(tag) =	ssettag $0x0;
	lr =	simm.s32 $0x1  }
0x2: {  	[smem:$0x3F97] =	sst lr;
	_ =	strace $0xD0000000  }
0x3: {  	_ = 	snop  }
0x4: {  	_ = 	snop  }
0x5: {  	_ = 	snop  }
0x6: {  	_ = 	snop  }
0x7: {  	_ = 	snop  }
__scs_overlays_trampoline_lowered:
0x8: {  	[smem:$0x3FA6] =	sst s0  }
0x9: {  	[smem:$0x3FA7] =	sst s1  }
0xa: {  	[smem:$0x3FA8] =	sst s2  }
0xb: {  	[smem:$0x3FA9] =	sst s3  }
0xc: {  	[smem:$0x3FAA] =	sst s4  }
0xd: {  	[smem:$0x3FAB] =	sst s5  }
0xe: {  	[smem:$0x3FAC] =	sst s6  }
0xf: {  	[smem:$0x3FAD] =	sst s7  }
0x10: {  	[smem:$0x3FAE] =	sst s8  }
0x11: {  	[smem:$0x3FAF] =	sst s9;
	s0 =	simm.s32 @!p0 $0x0  }
0x12: {  	s1 =	sld [smem:$0x3F95];
	s0 =	simm.s32 @p0 $0x1  }
0x13: {  	[smem:$0x3FB0] =	sst s0;
	s0 =	simm.s32 @!p1 $0x0  }
0x14: {  	s2 =	sld [smem:$0x3F94];
	s0 =	simm.s32 @p1 $0x1  }
0x15: {  	[smem:$0x3FB1] =	sst s0;
	s0 =	simm.s32 @!p2 $0x0  }
0x16: {  	s3 =	sld [smem:$0x3FDB];
	s0 =	simm.s32 @p2 $0x1  }
0x17: {  	s4 =	simm.s32 $0x1BF5;
	[smem:$0x3FB3] =	sst s0  }
0x18: {  	s0 =	sld [smem:$0x3F96];
	_ =	swait.ge [sflag:s4], $0x0  }
0x19: {  	s7 =	sld [smem:$0x3F97]  }
0x1a: {  	s8 =	sadd.s32 $0xFFFFE003, lr  }
0x1b: {  	s9 =	sadd.s32 $0xFFFFFEF7, lr;
	s5 =	simm.s32 $0xFFFFFFFF;
	p2 =	slt.u32 s8, $0xFFFFF086  }
0x1c: {  	p1 =	slt.u32 s9, $0xF7A;
	s5 =	simm.s32 @!p2 $0x0  }
0x1d: {  	s5 =	simm.s32 @p1 $0x1;
	p0 =	seq.s32 s7, s2  }
0x1e: {  	s7 =	smul.u32 @!p0 $0xF7A, s2;
	p2 =	seq.s32 @!p0 s5, $0x0  }
0x1f: {  	s9 =	smul.u32 $0xF7A, s1;
	s8 =	simm.s32 @!p0 $0x1BF5;
	p2 =	por !p2, p0  }
0x20: {  	[sflag:s8] =	ssyncset.s32 @!p0 $0xFFFFF086;
	s6 =	sadd.s32 @!p0 s3, s7;
	s7 =	simm.s32 @!p0 $0x108  }
0x21: {  	s3 =	sadd.s32 s3, s9;
	s6 =	sadd.s32 @!p0 $0x88, s6;
	s7 =	simm.s32 @p2 $0x1082  }
0x22: {  	[simem:s7], [sflag:s8] =	dma.local @!p0 [hbm:s6], $0xF7A  }
0x23: {  	s9 =	sor.u32 $0xD0000000, s2;
	s6 =	simm.s32 $0x108;
	_ =	swait.ge @!p0 [sflag:s8], $0x0  }
0x24: {  	s3 =	sadd.s32 $0x88, s3;
	s6 =	simm.s32 @!p1 $0x1082;
	[sflag:s4] =	ssyncset.s32 $0xFFFFF086  }
0x25: {  	[simem:s6], [sflag:s4] =	dma.local [hbm:s3], $0xF7A  }
0x26: {  	[smem:$0x3F97] =	sst s1;
	(tag) =	ssettag s2;
	_ =	strace s9  }
0x27: {  	s1 =	sld [smem:$0x3FA7]  }
0x28: {  	s2 =	sld [smem:$0x3FA8]  }
0x29: {  	s4 =	sld [smem:$0x3FAA]  }
0x2a: {  	p0 =	seq.s32 s5, $0x0;
	s5 =	sld [smem:$0x3FAB]  }
0x2b: {  	s6 =	sld [smem:$0x3FAC]  }
0x2c: {  	s7 =	sld [smem:$0x3FAD]  }
0x2d: {  	s3 =	simm.s32 $0x108;
	s8 =	sld [smem:$0x3FAE]  }
0x2e: {  	s3 =	simm.s32 @!p0 $0x1082;
	s9 =	sld [smem:$0x3FAF]  }
0x2f: {  	lr =	sadd.s32 s0, s3;
	s0 =	sld [smem:$0x3FA6]  }
0x30: {  	s3 =	sld [smem:$0x3FA9]  }
0x31: {  	[smem:$0x3FB2] =	sst s10  }
0x32: {  	s10 =	sld [smem:$0x3FB0];
	_ =	sdelay $0x3  }
0x33: {  	p0 =	seq.s32 s10, $0x1;
	s10 =	sld [smem:$0x3FB2];
	_ =	sdelay $0x3  }
0x34: {  	[smem:$0x3FB2] =	sst s10  }
0x35: {  	s10 =	sld [smem:$0x3FB1];
	_ =	sdelay $0x3  }
0x36: {  	p1 =	seq.s32 s10, $0x1;
	s10 =	sld [smem:$0x3FB2];
	_ =	sdelay $0x3  }
0x37: {  	[smem:$0x3FB2] =	sst s10  }
0x38: {  	s10 =	sld [smem:$0x3FB3]  }
0x39: {  	_ = 	snop;
	(pc) =	sbr.ind lr, $3  }
0x3a: {  	_ = 	snop  }
0x3b: {  	_ = 	snop  }
0x3c: {  	p2 =	seq.s32 s10, $0x1;
	s10 =	sld [smem:$0x3FB2]  }
0x3d: {  	_ =	shalt  }
0x3e: {  	_ =	shalt  }
0x3f: {  	_ =	shalt  }
0x40: {  	_ =	shalt  }
0x41: {  	_ =	shalt  }
0x42: {  	_ =	shalt  }
0x43: {  	_ =	shalt  }
0x44: {  	_ =	shalt  }
0x45: {  	_ =	shalt  }
0x46: {  	_ =	shalt  }
0x47: {  	_ =	shalt  }
0x48: {  	_ =	shalt  }
0x49: {  	_ =	shalt  }
0x4a: {  	_ =	shalt  }
0x4b: {  	_ =	shalt  }
0x4c: {  	_ =	shalt  }
0x4d: {  	_ =	shalt  }
0x4e: {  	_ =	shalt  }
0x4f: {  	_ =	shalt  }
0x50: {  	_ =	shalt  }
0x51: {  	_ =	shalt  }
0x52: {  	_ =	shalt  }
0x53: {  	_ =	shalt  }
0x54: {  	_ =	shalt  }
0x55: {  	_ =	shalt  }
0x56: {  	_ =	shalt  }
0x57: {  	_ =	shalt  }
0x58: {  	_ =	shalt  }
0x59: {  	_ =	shalt  }
0x5a: {  	_ =	shalt  }
0x5b: {  	_ =	shalt  }
0x5c: {  	_ =	shalt  }
0x5d: {  	_ =	shalt  }
0x5e: {  	_ =	shalt  }
0x5f: {  	_ =	shalt  }
0x60: {  	_ =	shalt  }
0x61: {  	_ =	shalt  }
0x62: {  	_ =	shalt  }
0x63: {  	_ =	shalt  }
0x64: {  	_ =	shalt  }
0x65: {  	_ =	shalt  }
0x66: {  	_ =	shalt  }
0x67: {  	_ =	shalt  }
0x68: {  	_ =	shalt  }
0x69: {  	_ =	shalt  }
0x6a: {  	_ =	shalt  }
0x6b: {  	_ =	shalt  }
0x6c: {  	_ =	shalt  }
0x6d: {  	_ =	shalt  }
0x6e: {  	_ =	shalt  }
0x6f: {  	_ =	shalt  }
0x70: {  	_ =	shalt  }
0x71: {  	_ =	shalt  }
0x72: {  	_ =	shalt  }
0x73: {  	_ =	shalt  }
0x74: {  	_ =	shalt  }
0x75: {  	_ =	shalt  }
0x76: {  	_ =	shalt  }
0x77: {  	_ =	shalt  }
0x78: {  	_ =	shalt  }
0x79: {  	_ =	shalt  }
0x7a: {  	_ =	shalt  }
0x7b: {  	_ =	shalt  }
0x7c: {  	_ =	shalt  }
0x7d: {  	_ =	shalt  }
0x7e: {  	_ =	shalt  }
0x7f: {  	_ =	shalt  }
0x80: {  	_ =	shalt  }
0x81: {  	_ =	shalt  }
0x82: {  	_ =	shalt  }
0x83: {  	_ =	shalt  }
0x84: {  	_ =	shalt  }
0x85: {  	_ =	shalt  }
0x86: {  	_ =	shalt  }
0x87: {  	_ =	shalt  }
.Lfunc_end0:
.L_simem_size_0:
called_computation.2_lowered:
.L_overlay_start_0:
0x88: {  	s2 =	sld [smem:$0x3FD9]  }
0x89: {  	s3 =	sld [smem:$0x3FFE];
	_ =	sdelay $0x1  }
0x8a: {  	s1 =	srdreg.scid  }
0x8b: {  	s0 =	sand.u32 $0x1, s1  }
0x8c: {  	s17 =	sshll.u32 s0, $0xA;
	s2 =	sadd.s32 s3, s2  }
0x8d: {  	s2 =	sadd.s32 s2, s17  }
0x8e: {  	[smem:$0x3FBE] =	sst s2  }
0x8f: {  	_ = 	snop  }
0x90: {  	s2 =	sld [smem:$0x3FD0];
	(tm) =	ssettm $0x1  }
0x91: {  	s18 =	sld [smem:$0x3FFB];
	_ =	sdelay $0x3  }
0x92: {  	_ =	strace s18  }
0x93: {  	s3 =	sld [smem:$0x3FFC];
	_ =	sdelay $0x3  }
0x94: {  	_ =	strace s3  }
0x95: {  	s3 =	sld [smem:$0x3FFD];
	_ =	sdelay $0x3  }
0x96: {  	_ =	strace s3  }
0x97: {  	_ =	strace $0x8FFFFFFF  }
0x98: {  	s19 =	sld [smem:$0x3FDB];
	_ =	sdelay $0x1  }
0x99: {  	s4 =	simm.s32 $_scs_section_size  }
0x9a: {  	s5 =	simm.s32 $_size__tile_overlayer_lowered;
	s6 =	simm.s32 $_tile_overlayer_lowered  }
0x9b: {  	s22 =	simm.s32 $0x1BFF;
	s21 =	sshll.u32 s6, $0x1;
	s3 =	sadd.s32 s4, s19  }
0x9c: {  	s7 =	simm.s32 $0x0;
	s20 =	sshll.u32 s5, $0x1;
	s5 =	sadd.s32 s21, s3  }
0x9d: {  	[timem:s7], [sflag:s22] =	dma.local [hbm:s5], s20  }
0x9e: {  	_ =	swait.ge [sflag:s22], s20  }
0x9f: {  	s4 =	ssub.s32 $0x0, s20;
	[sflag:s22] =	ssyncset.done $0x0  }
0xa0: {  	[sflag:s22] =	ssyncadd.s32 s4;
	_ =	sdelay $0x1  }
0xa1: {  	s23 =	simm.s32 $0x1B8B  }
0xa2: {  	_ =	swait.ge [sflag:s23], $0x1  }
0xa3: {  	[sflag:s23] =	ssyncset.done $0x0  }
0xa4: {  	s25 =	simm.s32 $0x1B8E;
	s24 =	sld [smem:$0x3FFE];
	[sflag:s23] =	ssyncadd.s32 $0xFFFFFFFF  }
0xa5: {  	s26 =	simm.s32 $execute0_lowered;
	[smem:$0x3FD2] =	sst s25  }
0xa6: {  	s5 =	sshll.u32 s26, $0x1;
	_ =	strace $0x8000004C;
	[dreg:$0x1] =	wrdreg $0xFFFFFFFF  }
0xa7: {  	s28 =	simm.s32 $_size_execute0_lowered;
	s3 =	sadd.s32 s3, s5;
	[dreg:$0x0] =	wrdreg $0x0  }
0xa8: {  	s5 =	sshll.u32 s28, $0x1;
	[dreg:$0x2] =	wrdreg s3  }
0xa9: {  	[dreg:$0x3] =	wrdreg s5  }
0xaa: {  	[dreg:$0x4] =	wrdreg $0xC0  }
0xab: {  	_ =	task [dreg:s7], $0x5FFFF  }
0xac: {  	[dreg:$0x1] =	wrdreg $0xFFFFFFFF  }
0xad: {  	[dreg:$0x0] =	wrdreg $0x60  }
0xae: {  	[dreg:$0x2] =	wrdreg s2  }
0xaf: {  	[dreg:$0x3] =	wrdreg s24  }
0xb0: {  	[dreg:$0x4] =	wrdreg $0x110000  }
0xb1: {  	[dreg:$0x5] =	wrdreg $0x9  }
0xb2: {  	_ =	task.clear_ibuf [dreg:s7], $0x6FFFF;
	_ =	strace $0x9000004C  }
0xb3: {  	s29 =	simm.s32 $0x9;
	_ =	strace $0x8000004E  }
0xb4: {  	_ =	swait.ge [sflag:s29], $0x1  }
0xb5: {  	[sflag:s29] =	ssyncadd.s32 $0xFFFFFFFF  }
0xb6: {  	_ =	strace $0x9000004E  }
0xb7: {  	_ =	sfence  }
0xb8: {  	s30 =	sld [smem:$0x0];
	_ =	sdelay $0x2  }
0xb9: {  	s31 =	sshll.u32 s1, $0xD;
	s1 =	sshrl.u32 s1, $0x2  }
0xba: {  	s3 =	sand.u32 $0x4000, s31;
	s1 =	sadd.s32 s1, s30  }
0xbb: {  	s0 =	sor.u32 s3, s0;
	s1 =	sshll.u32 s1, $0x11  }
0xbc: {  	s0 =	sor.u32 s1, s0  }
0xbd: {  	s0 =	sadd.s32 $0x8F2B, s0  }
0xbe: {  	[sflag:s0] =	ssyncadd.remote.s32 $0x1  }
0xbf: {  	_ =	sfence.sel $0xFFFF  }
0xc0: {  	[dreg:$0x0] =	wrdreg $0xFFFFFFFF;
	(pc) =	sbr.abs _section_cstart, $3  }
0xc1: {  	[dreg:$0x1] =	wrdreg $0xFFFFFFFF  }
0xc2: {  	_ =	task.clear_ibuf [dreg:s7], $0x2FFFF;
	_ =	strace $0x9FFFFFFF  }
0xc3: {  	(tm) =	ssettm $0x7FFFFFFF  }
tec
execute0_lowered:
.L_overlay_start_1:
0x0: {  	(tag) =	ssettag $0x1  }
0x1: {  	s1 =	rddreg [dreg:$0x0]  }
0x2: {  	s0 =	srdreg.scid;
	s5 =	rddreg [dreg:$0x1]  }
0x3: {  	s11 =	stileid.u32;
	s3 =	rddreg [dreg:$0x2]  }
0x4: {  	s4 =	simm.s32 $0x0;
	s14 =	simm.s32 $0x80;
	s28 =	simm.s32 $0x2  }
0x5: {  	s29 =	simm.s32 $0x0;
	s0 =	sand.u32 $0x1, s0;
	s7 =	smul.u32 $0x2800, s11  }
0x6: {  	[smem:$0x7FF] =	sst s4;
	s31 =	sshll.u32 s11, $0x6;
	s2 =	sshll.u32 s0, $0x4  }
0x7: {  	s6 =	smul.u32 $0x28000, s0;
	_ =	strace $0x8000004D;
	s0 =	ssub.s32 $0x2, s0  }
0x8: {  	s12 =	sor.u32 $0x1C03, s31;
	s2 =	sor.u32 s11, s2;
	s8 =	sshrl.u32 s7, $0x3  }
0x9: {  	s9 =	sshrl.u32 s0, $0x1;
	s25 =	sadd.s32 s7, s3;
	s2 =	smul.u32 $0x500, s2  }
0xa: {  	s6 =	sadd.s32 s7, s6;
	s8 =	sadd.s32 s8, s5;
	s0 =	ssub.s32 s0, s9  }
0xb: {  	s13 =	sshrl.u32 s25, $0x3;
	s26 =	sadd.s32 $0x16C00, s8;
	s2 =	sadd.s32 s2, s5  }
0xc: {  	s6 =	sshrl.u32 s6, $0x3;
	[dreg:$0x6] =	wrdreg s26;
	s24 =	sadd.s32 $0xCC00, s2  }
0xd: {  	s10 =	sadd.s32 s6, s5;
	s2 =	sadd.s32 $0x2600, s2;
	[dreg:$0x4] =	wrdreg s24  }
0xe: {  	s9 =	smax.u32 s0, $0x1;
	s30 =	sadd.s32 $0x1BC00, s10;
	[dreg:$0x5] =	wrdreg s2  }
0xf: {  	s26 =	simm.s32 $0x1;
	s10 =	simm.s32 $0x3;
	[dreg:$0x7] =	wrdreg s30  }
.LBB2_1:
0x10: {  	s0 =	rddreg [dreg:$0x4]  }
0x11: {  	[tilespmem:s4], [sflag:$0x3] =	stream.linear.gather [hbm4b:s0+s4], $0x2800, $0x38;
	[tilespmem:$0x13800] =	vst v63  }
0x12: {  	_ =	swait.ge [sflag:s10], $0x2800  }
0x13: {  	[sflag:s10] =	ssyncset.done $0x0  }
0x14: {  	s2 =	simm.s32 $0x2800;
	s7 =	rddreg [dreg:$0x5];
	[sflag:s10] =	ssyncadd.s32 $0xFFFFD800  }
0x15: {  	[tilespmem:s2], [sflag:$0x3] =	stream.linear.gather [hbm4b:s7+s4], $0x2800, $0x38;
	[tilespmem:$0x13800] =	vst v63  }
0x16: {  	_ =	swait.ge [sflag:s10], $0x2800  }
0x17: {  	[sflag:s10] =	ssyncset.done $0x0  }
0x18: {  	s8 =	rddreg [dreg:$0x6];
	[sflag:s10] =	ssyncadd.s32 $0xFFFFD800  }
0x19: {  	[spmem:s13], [sflag:s12] =	dma.local [hbm:s8], $0x500  }
0x1a: {  	_ =	swait.ge [sflag:s10], $0x500  }
0x1b: {  	[sflag:s10] =	ssyncset.done $0x0  }
0x1c: {  	[sflag:s10] =	ssyncadd.s32 $0xFFFFFB00  }
0x1d: {  	s11 =	simm.s32 $0x5000;
	[bflag:$0x0] =	sbarrier.arrive $0xFFFF  }
0x1e: {  	[tilespmem:s11], [sflag:$0x1] =	stream.indirect.gather [hbm4b:s1+s14], $0x10, s4, s14, $0xb8;
	[tilespmem:$0x13800] =	vst v63  }
0x1f: {  	s15 =	simm.s32 $0x5800  }
0x20: {  	[tilespmem:s15], [sflag:$0x1] =	stream.indirect.gather [hbm4b:s1+s14], $0x10, s14, s14, $0xb8;
	[tilespmem:$0x13800] =	vst v63  }
0x21: {  	s16 =	simm.s32 $0x100;
	s17 =	simm.s32 $0x6000  }
0x22: {  	[tilespmem:s17], [sflag:$0x1] =	stream.indirect.gather [hbm4b:s1+s14], $0x10, s16, s14, $0xb8;
	[tilespmem:$0x13800] =	vst v63  }
0x23: {  	s18 =	simm.s32 $0x180;
	s19 =	simm.s32 $0x6800  }
0x24: {  	[tilespmem:s19], [sflag:$0x1] =	stream.indirect.gather [hbm4b:s1+s14], $0x10, s18, s14, $0xb8;
	[tilespmem:$0x13800] =	vst v63  }
0x25: {  	s20 =	simm.s32 $0x200;
	s21 =	simm.s32 $0x7000  }
0x26: {  	[tilespmem:s21], [sflag:$0x1] =	stream.indirect.gather [hbm4b:s1+s14], $0x10, s20, s14, $0xb8;
	[tilespmem:$0x13800] =	vst v63  }
0x27: {  	s22 =	simm.s32 $0x280;
	s23 =	simm.s32 $0x7800  }
0x28: {  	[tilespmem:s23], [sflag:$0x1] =	stream.indirect.gather [hbm4b:s1+s14], $0x10, s22, s14, $0xb8;
	[tilespmem:$0x13800] =	vst v63  }
0x29: {  	s24 =	simm.s32 $0x300;
	s25 =	simm.s32 $0x8000  }
0x2a: {  	[tilespmem:s25], [sflag:$0x1] =	stream.indirect.gather [hbm4b:s1+s14], $0x10, s24, s14, $0xb8;
	[tilespmem:$0x13800] =	vst v63  }
0x2b: {  	s5 =	simm.s32 $0x8800;
	s2 =	simm.s32 $0x380  }
0x2c: {  	[tilespmem:s5], [sflag:$0x1] =	stream.indirect.gather [hbm4b:s1+s14], $0x10, s2, s14, $0xb8;
	[tilespmem:$0x13800] =	vst v63  }
0x2d: {  	s6 =	simm.s32 $0x400;
	p0 =	por $0x0, $0x0;
	s7 =	simm.s32 $0x9000  }
0x2e: {  	[tilespmem:s7], [sflag:$0x1] =	stream.indirect.gather [hbm4b:s1+s14], $0x10, s6, s14, $0xb8;
	[tilespmem:$0x13800] =	vst v63  }
0x2f: {  	s0 =	smul.u32 @!p0 $0xAB, s28;
	s8 =	simm.s32 $0x480;
	s11 =	simm.s32 $0x9800  }
0x30: {  	[tilespmem:s11], [sflag:$0x1] =	stream.indirect.gather [hbm4b:s1+s14], $0x10, s8, s14, $0xb8;
	[tilespmem:$0x13800] =	vst v63  }
0x31: {  	s0 =	sshrl.u32 @!p0 s0, $0x9;
	s15 =	simm.s32 $0x500;
	s16 =	simm.s32 $0xA000  }
0x32: {  	[tilespmem:s16], [sflag:$0x1] =	stream.indirect.gather [hbm4b:s1+s14], $0x10, s15, s14, $0xb8;
	[tilespmem:$0x13800] =	vst v63  }
0x33: {  	s0 =	sand.u32 @!p0 $0x7F, s0;
	s17 =	simm.s32 $0x580;
	s18 =	simm.s32 $0xA800  }
0x34: {  	[tilespmem:s18], [sflag:$0x1] =	stream.indirect.gather [hbm4b:s1+s14], $0x10, s17, s14, $0xb8;
	[tilespmem:$0x13800] =	vst v63  }
0x35: {  	s0 =	smul.u32 @!p0 $0x3, s0;
	s19 =	simm.s32 $0x600;
	s20 =	simm.s32 $0xB000  }
0x36: {  	[tilespmem:s20], [sflag:$0x1] =	stream.indirect.gather [hbm4b:s1+s14], $0x10, s19, s14, $0xb8;
	[tilespmem:$0x13800] =	vst v63  }
0x37: {  	s0 =	ssub.s32 @!p0 $0x2, s0;
	s21 =	simm.s32 $0x680;
	s22 =	simm.s32 $0xB800  }
0x38: {  	[tilespmem:s22], [sflag:$0x1] =	stream.indirect.gather [hbm4b:s1+s14], $0x10, s21, s14, $0xb8;
	[tilespmem:$0x13800] =	vst v63  }
0x39: {  	s0 =	sand.u32 @!p0 $0xFF, s0;
	s23 =	simm.s32 $0x700;
	s5 =	simm.s32 $0xC000  }
0x3a: {  	[tilespmem:s5], [sflag:$0x1] =	stream.indirect.gather [hbm4b:s1+s14], $0x10, s23, s14, $0xb8;
	[tilespmem:$0x13800] =	vst v63  }
0x3b: {  	s0 =	sshll.u32 @!p0 s0, $0xE;
	s24 =	simm.s32 $0x780;
	s25 =	simm.s32 $0xC800  }
0x3c: {  	[tilespmem:s25], [sflag:$0x1] =	stream.indirect.gather [hbm4b:s1+s14], $0x10, s24, s14, $0xb8;
	[tilespmem:$0x13800] =	vst v63  }
0x3d: {  	s2 =	simm.s32 @!p0 $0x800;
	s11 =	simm.s32 @!p0 $0x80;
	s15 =	sadd.s32 @!p0 $0x5000, s0  }
0x3e: {  	[tilespmem:s15], [sflag:$0x1] =	stream.indirect.gather @!p0 [hbm4b:s1+s11], $0x10, s2, s11, $0xb8;
	[tilespmem:$0x13800] =	vst v63  }
0x3f: {  	s2 =	simm.s32 @!p0 $0x880;
	s15 =	sadd.s32 @!p0 $0x5800, s0  }
0x40: {  	[tilespmem:s15], [sflag:$0x1] =	stream.indirect.gather @!p0 [hbm4b:s1+s11], $0x10, s2, s11, $0xb8;
	[tilespmem:$0x13800] =	vst v63  }
0x41: {  	s2 =	simm.s32 @!p0 $0x900;
	s15 =	sadd.s32 @!p0 $0x6000, s0  }
0x42: {  	[tilespmem:s15], [sflag:$0x1] =	stream.indirect.gather @!p0 [hbm4b:s1+s11], $0x10, s2, s11, $0xb8;
	[tilespmem:$0x13800] =	vst v63  }
0x43: {  	s2 =	simm.s32 @!p0 $0x980;
	s15 =	sadd.s32 @!p0 $0x6800, s0  }
0x44: {  	[tilespmem:s15], [sflag:$0x1] =	stream.indirect.gather @!p0 [hbm4b:s1+s11], $0x10, s2, s11, $0xb8;
	[tilespmem:$0x13800] =	vst v63  }
0x45: {  	s2 =	simm.s32 @!p0 $0xA00;
	s15 =	sadd.s32 @!p0 $0x7000, s0  }
0x46: {  	[tilespmem:s15], [sflag:$0x1] =	stream.indirect.gather @!p0 [hbm4b:s1+s11], $0x10, s2, s11, $0xb8;
	[tilespmem:$0x13800] =	vst v63  }
0x47: {  	s2 =	simm.s32 @!p0 $0xA80;
	s15 =	sadd.s32 @!p0 $0x7800, s0  }
0x48: {  	[tilespmem:s15], [sflag:$0x1] =	stream.indirect.gather @!p0 [hbm4b:s1+s11], $0x10, s2, s11, $0xb8;
	[tilespmem:$0x13800] =	vst v63  }
0x49: {  	s2 =	simm.s32 @!p0 $0xB00;
	s15 =	sadd.s32 @!p0 $0x8000, s0  }
0x4a: {  	[tilespmem:s15], [sflag:$0x1] =	stream.indirect.gather @!p0 [hbm4b:s1+s11], $0x10, s2, s11, $0xb8;
	[tilespmem:$0x13800] =	vst v63  }
0x4b: {  	s0 =	sadd.s32 @!p0 $0x8800, s0;
	s2 =	simm.s32 @!p0 $0xB80  }
0x4c: {  	[tilespmem:s0], [sflag:$0x1] =	stream.indirect.gather @!p0 [hbm4b:s1+s11], $0x10, s2, s11, $0xb8;
	[tilespmem:$0x13800] =	vst v63  }
0x4d: {  	_ =	swait.ge [sflag:s26], $0x800  }
0x4e: {  	[sflag:s26] =	ssyncset.done $0x0  }
0x4f: {  	[sflag:s26] =	ssyncadd.s32 $0xFFFFF800  }
0x50: {  	_ =	swait.ge [sflag:s26], $0x800  }
0x51: {  	[sflag:s26] =	ssyncset.done $0x0  }
0x52: {  	[sflag:s26] =	ssyncadd.s32 $0xFFFFF800  }
0x53: {  	_ =	swait.ge [sflag:s26], $0x800  }
0x54: {  	[sflag:s26] =	ssyncset.done $0x0  }
0x55: {  	[sflag:s26] =	ssyncadd.s32 $0xFFFFF800  }
0x56: {  	_ =	swait.ge [sflag:s26], $0x800  }
0x57: {  	[sflag:s26] =	ssyncset.done $0x0  }
0x58: {  	[sflag:s26] =	ssyncadd.s32 $0xFFFFF800  }
0x59: {  	_ =	swait.ge [sflag:s26], $0x800  }
0x5a: {  	s2 =	simm.s32 $0x0;
	[sflag:s26] =	ssyncset.done $0x0  }
0x5b: {  	s0 =	smul.u32 $0xAB, s2;
	[sflag:s26] =	ssyncadd.s32 $0xFFFFF800  }
0x5c: {  	_ =	swait.ge [sflag:s26], $0x800  }
0x5d: {  	s0 =	sshrl.u32 s0, $0x9;
	[sflag:s26] =	ssyncset.done $0x0  }
0x5e: {  	s0 =	sand.u32 $0x7F, s0;
	[sflag:s26] =	ssyncadd.s32 $0xFFFFF800  }
0x5f: {  	s0 =	smul.u32 $0x3, s0;
	_ =	swait.ge [sflag:s26], $0x800  }
0x60: {  	[sflag:s26] =	ssyncset.done $0x0  }
0x61: {  	s0 =	ssub.s32 $0x0, s0;
	[sflag:s26] =	ssyncadd.s32 $0xFFFFF800  }
0x62: {  	s0 =	sand.u32 $0xFF, s0;
	_ =	swait.ge [sflag:s26], $0x800  }
0x63: {  	s0 =	sshll.u32 s0, $0xE;
	[sflag:s26] =	ssyncset.done $0x0  }
0x64: {  	s6 =	simm.s32 $0x2800;
	s5 =	sadd.s32 $0x5000, s0;
	[sflag:s26] =	ssyncadd.s32 $0xFFFFF800  }
0x65: {  	[spmem:s3] =	stream.indirect.scatter.add.f32 [tilespmem:s5], [sflag:$0x2], $0x10, s6, s14, $0xb8;
	[tilespmem:$0x13800] =	vst v63  }
0x66: {  	s8 =	simm.s32 $0x2880;
	s7 =	sadd.s32 $0x5800, s0  }
0x67: {  	[spmem:s3] =	stream.indirect.scatter.add.f32 [tilespmem:s7], [sflag:$0x2], $0x10, s8, s14, $0xb8;
	[tilespmem:$0x13800] =	vst v63  }
0x68: {  	s15 =	simm.s32 $0x2900;
	s11 =	sadd.s32 $0x6000, s0  }
0x69: {  	[spmem:s3] =	stream.indirect.scatter.add.f32 [tilespmem:s11], [sflag:$0x2], $0x10, s15, s14, $0xb8;
	[tilespmem:$0x13800] =	vst v63  }
0x6a: {  	s17 =	simm.s32 $0x2980;
	s16 =	sadd.s32 $0x6800, s0  }
0x6b: {  	[spmem:s3] =	stream.indirect.scatter.add.f32 [tilespmem:s16], [sflag:$0x2], $0x10, s17, s14, $0xb8;
	[tilespmem:$0x13800] =	vst v63  }
0x6c: {  	s19 =	simm.s32 $0x2A00;
	s18 =	sadd.s32 $0x7000, s0  }
0x6d: {  	[spmem:s3] =	stream.indirect.scatter.add.f32 [tilespmem:s18], [sflag:$0x2], $0x10, s19, s14, $0xb8;
	[tilespmem:$0x13800] =	vst v63  }
0x6e: {  	s21 =	simm.s32 $0x2A80;
	s20 =	sadd.s32 $0x7800, s0  }
0x6f: {  	[spmem:s3] =	stream.indirect.scatter.add.f32 [tilespmem:s20], [sflag:$0x2], $0x10, s21, s14, $0xb8;
	[tilespmem:$0x13800] =	vst v63  }
0x70: {  	s23 =	simm.s32 $0x2B00;
	s22 =	sadd.s32 $0x8000, s0  }
0x71: {  	[spmem:s3] =	stream.indirect.scatter.add.f32 [tilespmem:s22], [sflag:$0x2], $0x10, s23, s14, $0xb8;
	[tilespmem:$0x13800] =	vst v63  }
0x72: {  	s24 =	simm.s32 $0x2B80;
	s0 =	sadd.s32 $0x8800, s0  }
0x73: {  	[spmem:s3] =	stream.indirect.scatter.add.f32 [tilespmem:s0], [sflag:$0x2], $0x10, s24, s14, $0xb8;
	[tilespmem:$0x13800] =	vst v63  }
0x74: {  	_ =	swait.ge [sflag:s28], $0x800  }
0x75: {  	[sflag:s28] =	ssyncset.done $0x0  }
0x76: {  	[sflag:s28] =	ssyncadd.s32 $0xFFFFF800  }
0x77: {  	_ =	swait.ge [sflag:s28], $0x800  }
0x78: {  	[sflag:s28] =	ssyncset.done $0x0  }
0x79: {  	[sflag:s28] =	ssyncadd.s32 $0xFFFFF800  }
0x7a: {  	_ =	swait.ge [sflag:s28], $0x800  }
0x7b: {  	[sflag:s28] =	ssyncset.done $0x0  }
0x7c: {  	[sflag:s28] =	ssyncadd.s32 $0xFFFFF800  }
0x7d: {  	_ =	swait.ge [sflag:s28], $0x800  }
0x7e: {  	[sflag:s28] =	ssyncset.done $0x0  }
0x7f: {  	[sflag:s28] =	ssyncadd.s32 $0xFFFFF800  }
0x80: {  	s31 =	simm.s32 $0x3;
	p1 =	por $0x0, $0x0;
	_ =	swait.ge [sflag:s28], $0x800  }
0x81: {  	s15 =	smul.u32 @!p1 $0xAB, s31;
	[sflag:s28] =	ssyncset.done $0x0  }
0x82: {  	s30 =	simm.s32 $0x1000;
	s2 =	simm.s32 $0x2000;
	[sflag:s28] =	ssyncadd.s32 $0xFFFFF800  }
0x83: {  	s15 =	sshrl.u32 @!p1 s15, $0x9;
	s16 =	simm.s32 @!p1 $0xD00;
	_ =	swait.ge [sflag:s28], $0x800  }
0x84: {  	s17 =	simm.s32 @!p1 $0xF00;
	s15 =	sand.u32 @!p1 $0x7F, s15;
	[sflag:s28] =	ssyncset.done $0x0  }
0x85: {  	s18 =	simm.s32 @!p1 $0xC80;
	s15 =	smul.u32 @!p1 $0x3, s15;
	[sflag:s28] =	ssyncadd.s32 $0xFFFFF800  }
0x86: {  	s19 =	simm.s32 @!p1 $0xD80;
	s21 =	simm.s32 @!p1 $0xE00;
	_ =	swait.ge [sflag:s28], $0x800  }
0x87: {  	s15 =	ssub.s32 @!p1 $0x3, s15;
	s0 =	simm.s32 $0x1;
	[sflag:s28] =	ssyncset.done $0x0  }
0x88: {  	s20 =	simm.s32 @!p1 $0xF80;
	s25 =	smul.u32 $0xAB, s0;
	[sflag:s28] =	ssyncadd.s32 $0xFFFFF800  }
0x89: {  	s15 =	sand.u32 @!p1 $0xFF, s15;
	s23 =	simm.s32 @!p1 $0xC00;
	_ =	swait.ge [sflag:s28], $0x800  }
0x8a: {  	s22 =	simm.s32 @!p1 $0xE80;
	s11 =	sshrl.u32 s25, $0x9;
	[sflag:s28] =	ssyncset.done $0x0  }
.LBB2_2:
0x8b: {  	s24 =	sshll.u32 @!p1 s15, $0xE  }
0x8c: {  	s25 =	simm.s32 @!p1 $0x80;
	[sflag:s28] =	ssyncadd.s32 $0xFFFFF800;
	s15 =	smov.u32 s2  }
0x8d: {  	s5 =	sadd.s32 @!p1 $0x5000, s24;
	s6 =	sadd.s32 @!p1 $0x5800, s24;
	s7 =	sadd.s32 @!p1 $0x6000, s24  }
0x8e: {  	[tilespmem:s5], [sflag:$0x1] =	stream.indirect.gather @!p1 [hbm4b:s1+s25], $0x10, s23, s25, $0xb8;
	[tilespmem:$0x13800] =	vst v63  }
0x8f: {  	s8 =	sadd.s32 @!p1 $0x7800, s24;
	s5 =	sadd.s32 @!p1 $0x6800, s24;
	s23 =	sadd.s32 @!p1 $0x7000, s24  }
0x90: {  	[tilespmem:s6], [sflag:$0x1] =	stream.indirect.gather @!p1 [hbm4b:s1+s25], $0x10, s18, s25, $0xb8;
	[tilespmem:$0x13800] =	vst v63  }
0x91: {  	s2 =	sadd.s32 $0x1000, s2;
	s6 =	sadd.s32 @!p1 $0x8000, s24;
	s18 =	sadd.s32 @!p1 $0x8800, s24  }
0x92: {  	[tilespmem:s7], [sflag:$0x1] =	stream.indirect.gather @!p1 [hbm4b:s1+s25], $0x10, s16, s25, $0xb8;
	[tilespmem:$0x13800] =	vst v63  }
0x93: {  	p0 =	sne.s32 s2, $0xA000  }
0x94: {  	[tilespmem:s5], [sflag:$0x1] =	stream.indirect.gather @!p1 [hbm4b:s1+s25], $0x10, s19, s25, $0xb8;
	[tilespmem:$0x13800] =	vst v63  }
0x95: {  	_ = 	snop  }
0x96: {  	[tilespmem:s23], [sflag:$0x1] =	stream.indirect.gather @!p1 [hbm4b:s1+s25], $0x10, s21, s25, $0xb8;
	[tilespmem:$0x13800] =	vst v63  }
0x97: {  	_ = 	snop  }
0x98: {  	[tilespmem:s8], [sflag:$0x1] =	stream.indirect.gather @!p1 [hbm4b:s1+s25], $0x10, s22, s25, $0xb8;
	[tilespmem:$0x13800] =	vst v63  }
0x99: {  	_ = 	snop  }
0x9a: {  	[tilespmem:s6], [sflag:$0x1] =	stream.indirect.gather @!p1 [hbm4b:s1+s25], $0x10, s17, s25, $0xb8;
	[tilespmem:$0x13800] =	vst v63  }
0x9b: {  	_ = 	snop  }
0x9c: {  	[tilespmem:s18], [sflag:$0x1] =	stream.indirect.gather @!p1 [hbm4b:s1+s25], $0x10, s20, s25, $0xb8;
	[tilespmem:$0x13800] =	vst v63  }
0x9d: {  	_ =	swait.ge [sflag:s26], $0x800  }
0x9e: {  	[sflag:s26] =	ssyncset.done $0x0  }
0x9f: {  	[sflag:s26] =	ssyncadd.s32 $0xFFFFF800  }
0xa0: {  	_ =	swait.ge [sflag:s26], $0x800  }
0xa1: {  	[sflag:s26] =	ssyncset.done $0x0  }
0xa2: {  	[sflag:s26] =	ssyncadd.s32 $0xFFFFF800  }
0xa3: {  	_ =	swait.ge [sflag:s26], $0x800  }
0xa4: {  	[sflag:s26] =	ssyncset.done $0x0  }
0xa5: {  	[sflag:s26] =	ssyncadd.s32 $0xFFFFF800  }
0xa6: {  	_ =	swait.ge [sflag:s26], $0x800  }
0xa7: {  	[sflag:s26] =	ssyncset.done $0x0  }
0xa8: {  	[sflag:s26] =	ssyncadd.s32 $0xFFFFF800  }
0xa9: {  	_ =	swait.ge [sflag:s26], $0x800  }
0xaa: {  	[sflag:s26] =	ssyncset.done $0x0  }
0xab: {  	[sflag:s26] =	ssyncadd.s32 $0xFFFFF800  }
0xac: {  	_ =	swait.ge [sflag:s26], $0x800  }
0xad: {  	[sflag:s26] =	ssyncset.done $0x0  }
0xae: {  	s5 =	sand.u32 $0x7F, s11;
	[sflag:s26] =	ssyncadd.s32 $0xFFFFF800  }
0xaf: {  	s5 =	smul.u32 $0x3, s5;
	_ =	swait.ge [sflag:s26], $0x800  }
0xb0: {  	[sflag:s26] =	ssyncset.done $0x0  }
0xb1: {  	s0 =	ssub.s32 s0, s5;
	[sflag:s26] =	ssyncadd.s32 $0xFFFFF800  }
0xb2: {  	s0 =	sand.u32 $0xFF, s0;
	_ =	swait.ge [sflag:s26], $0x800  }
0xb3: {  	s5 =	sshra.s32 s30, $0x2;
	s0 =	sshll.u32 s0, $0xE;
	[sflag:s26] =	ssyncset.done $0x0  }
0xb4: {  	s7 =	sadd.s32 $0x2800, s5;
	s6 =	sadd.s32 $0x5000, s0;
	[sflag:s26] =	ssyncadd.s32 $0xFFFFF800  }
0xb5: {  	[spmem:s3] =	stream.indirect.scatter.add.f32 [tilespmem:s6], [sflag:$0x2], $0x10, s7, s14, $0xb8;
	[tilespmem:$0x13800] =	vst v63  }
0xb6: {  	s30 =	smov.u32 s15;
	s6 =	sadd.s32 $0x5800, s0;
	s7 =	sadd.s32 $0x2880, s5  }
0xb7: {  	[spmem:s3] =	stream.indirect.scatter.add.f32 [tilespmem:s6], [sflag:$0x2], $0x10, s7, s14, $0xb8;
	[tilespmem:$0x13800] =	vst v63  }
0xb8: {  	s6 =	sadd.s32 $0x6000, s0;
	s7 =	sadd.s32 $0x2900, s5  }
0xb9: {  	[spmem:s3] =	stream.indirect.scatter.add.f32 [tilespmem:s6], [sflag:$0x2], $0x10, s7, s14, $0xb8;
	[tilespmem:$0x13800] =	vst v63  }
0xba: {  	s6 =	sadd.s32 $0x6800, s0;
	s7 =	sadd.s32 $0x2980, s5  }
0xbb: {  	[spmem:s3] =	stream.indirect.scatter.add.f32 [tilespmem:s6], [sflag:$0x2], $0x10, s7, s14, $0xb8;
	[tilespmem:$0x13800] =	vst v63  }
0xbc: {  	s6 =	sadd.s32 $0x7000, s0;
	s7 =	sadd.s32 $0x2A00, s5  }
0xbd: {  	[spmem:s3] =	stream.indirect.scatter.add.f32 [tilespmem:s6], [sflag:$0x2], $0x10, s7, s14, $0xb8;
	[tilespmem:$0x13800] =	vst v63  }
0xbe: {  	s6 =	sadd.s32 $0x7800, s0;
	s7 =	sadd.s32 $0x2A80, s5  }
0xbf: {  	[spmem:s3] =	stream.indirect.scatter.add.f32 [tilespmem:s6], [sflag:$0x2], $0x10, s7, s14, $0xb8;
	[tilespmem:$0x13800] =	vst v63  }
0xc0: {  	s6 =	sadd.s32 $0x8000, s0;
	s7 =	sadd.s32 $0x2B00, s5  }
0xc1: {  	[spmem:s3] =	stream.indirect.scatter.add.f32 [tilespmem:s6], [sflag:$0x2], $0x10, s7, s14, $0xb8;
	[tilespmem:$0x13800] =	vst v63  }
0xc2: {  	s0 =	sadd.s32 $0x8800, s0;
	s5 =	sadd.s32 $0x2B80, s5  }
0xc3: {  	[spmem:s3] =	stream.indirect.scatter.add.f32 [tilespmem:s0], [sflag:$0x2], $0x10, s5, s14, $0xb8;
	[tilespmem:$0x13800] =	vst v63  }
0xc4: {  	_ =	swait.ge [sflag:s28], $0x800  }
0xc5: {  	[sflag:s28] =	ssyncset.done $0x0  }
0xc6: {  	[sflag:s28] =	ssyncadd.s32 $0xFFFFF800  }
0xc7: {  	_ =	swait.ge [sflag:s28], $0x800  }
0xc8: {  	[sflag:s28] =	ssyncset.done $0x0  }
0xc9: {  	[sflag:s28] =	ssyncadd.s32 $0xFFFFF800  }
0xca: {  	_ =	swait.ge [sflag:s28], $0x800  }
0xcb: {  	[sflag:s28] =	ssyncset.done $0x0  }
0xcc: {  	[sflag:s28] =	ssyncadd.s32 $0xFFFFF800  }
0xcd: {  	_ =	swait.ge [sflag:s28], $0x800  }
0xce: {  	[sflag:s28] =	ssyncset.done $0x0  }
0xcf: {  	s31 =	sadd.s32 $0x1, s31;
	[sflag:s28] =	ssyncadd.s32 $0xFFFFF800  }
0xd0: {  	s0 =	sadd.s32 $0xFFFFFFFE, s31;
	_ =	swait.ge [sflag:s28], $0x800  }
0xd1: {  	p1 =	sgt.u32 s0, $0x7;
	[sflag:s28] =	ssyncset.done $0x0  }
0xd2: {  	s5 =	smul.u32 $0xAB, s0;
	s7 =	sshra.s32 @!p1 s30, $0x2;
	[sflag:s28] =	ssyncadd.s32 $0xFFFFF800  }
0xd3: {  	s6 =	smul.u32 @!p1 $0xAB, s31;
	s23 =	sadd.s32 @!p1 $0x800, s7;
	_ =	swait.ge [sflag:s28], $0x800  }
0xd4: {  	s18 =	sadd.s32 @!p1 $0x880, s7;
	s16 =	sadd.s32 @!p1 $0x900, s7;
	[sflag:s28] =	ssyncset.done $0x0  }
0xd5: {  	s19 =	sadd.s32 @!p1 $0x980, s7;
	s6 =	sshrl.u32 @!p1 s6, $0x9;
	[sflag:s28] =	ssyncadd.s32 $0xFFFFF800  }
.Ltmp0:
0xd6: {  	s6 =	sand.u32 @!p1 $0x7F, s6;
	_ =	swait.ge [sflag:s28], $0x800;
	(pc) =	sbr.rel @p0 .LBB2_2-.Ltmp0, $4  }
0xd7: {  	s21 =	sadd.s32 @!p1 $0xA00, s7;
	s6 =	smul.u32 @!p1 $0x3, s6;
	[sflag:s28] =	ssyncset.done $0x0  }
0xd8: {  	s22 =	sadd.s32 @!p1 $0xA80, s7;
	s17 =	sadd.s32 @!p1 $0xB00, s7;
	[sflag:s28] =	ssyncadd.s32 $0xFFFFF800  }
0xd9: {  	s20 =	sadd.s32 @!p1 $0xB80, s7;
	s6 =	ssub.s32 @!p1 s31, s6;
	_ =	swait.ge [sflag:s28], $0x800  }
0xda: {  	s11 =	sshrl.u32 s5, $0x9;
	s15 =	sand.u32 @!p1 $0xFF, s6;
	[sflag:s28] =	ssyncset.done $0x0  }
0xdb: {  	s2 =	sshll.u32 @!p1 s15, $0xE  }
0xdc: {  	s5 =	simm.s32 @!p1 $0x80;
	[sflag:s28] =	ssyncadd.s32 $0xFFFFF800;
	s6 =	sadd.s32 @!p1 $0x5000, s2  }
0xdd: {  	[tilespmem:s6], [sflag:$0x1] =	stream.indirect.gather @!p1 [hbm4b:s1+s5], $0x10, s23, s5, $0xb8;
	[tilespmem:$0x13800] =	vst v63  }
0xde: {  	s6 =	sadd.s32 @!p1 $0x5800, s2  }
0xdf: {  	[tilespmem:s6], [sflag:$0x1] =	stream.indirect.gather @!p1 [hbm4b:s1+s5], $0x10, s18, s5, $0xb8;
	[tilespmem:$0x13800] =	vst v63  }
0xe0: {  	s6 =	sadd.s32 @!p1 $0x6000, s2  }
0xe1: {  	[tilespmem:s6], [sflag:$0x1] =	stream.indirect.gather @!p1 [hbm4b:s1+s5], $0x10, s16, s5, $0xb8;
	[tilespmem:$0x13800] =	vst v63  }
0xe2: {  	s6 =	sadd.s32 @!p1 $0x6800, s2  }
0xe3: {  	[tilespmem:s6], [sflag:$0x1] =	stream.indirect.gather @!p1 [hbm4b:s1+s5], $0x10, s19, s5, $0xb8;
	[tilespmem:$0x13800] =	vst v63  }
0xe4: {  	s6 =	sadd.s32 @!p1 $0x7000, s2  }
0xe5: {  	[tilespmem:s6], [sflag:$0x1] =	stream.indirect.gather @!p1 [hbm4b:s1+s5], $0x10, s21, s5, $0xb8;
	[tilespmem:$0x13800] =	vst v63  }
0xe6: {  	s6 =	sadd.s32 @!p1 $0x7800, s2  }
0xe7: {  	[tilespmem:s6], [sflag:$0x1] =	stream.indirect.gather @!p1 [hbm4b:s1+s5], $0x10, s22, s5, $0xb8;
	[tilespmem:$0x13800] =	vst v63  }
0xe8: {  	s6 =	sadd.s32 @!p1 $0x8000, s2  }
0xe9: {  	[tilespmem:s6], [sflag:$0x1] =	stream.indirect.gather @!p1 [hbm4b:s1+s5], $0x10, s17, s5, $0xb8;
	[tilespmem:$0x13800] =	vst v63  }
0xea: {  	s2 =	sadd.s32 @!p1 $0x8800, s2  }
0xeb: {  	[tilespmem:s2], [sflag:$0x1] =	stream.indirect.gather @!p1 [hbm4b:s1+s5], $0x10, s20, s5, $0xb8;
	[tilespmem:$0x13800] =	vst v63  }
0xec: {  	_ =	swait.ge [sflag:s26], $0x800  }
0xed: {  	[sflag:s26] =	ssyncset.done $0x0  }
0xee: {  	[sflag:s26] =	ssyncadd.s32 $0xFFFFF800  }
0xef: {  	_ =	swait.ge [sflag:s26], $0x800  }
0xf0: {  	[sflag:s26] =	ssyncset.done $0x0  }
0xf1: {  	[sflag:s26] =	ssyncadd.s32 $0xFFFFF800  }
0xf2: {  	_ =	swait.ge [sflag:s26], $0x800  }
0xf3: {  	[sflag:s26] =	ssyncset.done $0x0  }
0xf4: {  	[sflag:s26] =	ssyncadd.s32 $0xFFFFF800  }
0xf5: {  	_ =	swait.ge [sflag:s26], $0x800  }
0xf6: {  	[sflag:s26] =	ssyncset.done $0x0  }
0xf7: {  	[sflag:s26] =	ssyncadd.s32 $0xFFFFF800  }
0xf8: {  	_ =	swait.ge [sflag:s26], $0x800  }
0xf9: {  	[sflag:s26] =	ssyncset.done $0x0  }
0xfa: {  	[sflag:s26] =	ssyncadd.s32 $0xFFFFF800  }
0xfb: {  	_ =	swait.ge [sflag:s26], $0x800  }
0xfc: {  	[sflag:s26] =	ssyncset.done $0x0  }
0xfd: {  	s6 =	sand.u32 $0x7F, s11;
	[sflag:s26] =	ssyncadd.s32 $0xFFFFF800  }
0xfe: {  	s2 =	smul.u32 $0x3, s6;
	_ =	swait.ge [sflag:s26], $0x800  }
0xff: {  	[sflag:s26] =	ssyncset.done $0x0  }
0x100: {  	s0 =	ssub.s32 s0, s2;
	[sflag:s26] =	ssyncadd.s32 $0xFFFFF800  }
0x101: {  	s0 =	sand.u32 $0xFF, s0;
	_ =	swait.ge [sflag:s26], $0x800  }
0x102: {  	s7 =	sshra.s32 s30, $0x2;
	s0 =	sshll.u32 s0, $0xE;
	[sflag:s26] =	ssyncset.done $0x0  }
0x103: {  	s11 =	sadd.s32 $0x2800, s7;
	s8 =	sadd.s32 $0x5000, s0;
	[sflag:s26] =	ssyncadd.s32 $0xFFFFF800  }
0x104: {  	[spmem:s3] =	stream.indirect.scatter.add.f32 [tilespmem:s8], [sflag:$0x2], $0x10, s11, s14, $0xb8;
	[tilespmem:$0x13800] =	vst v63  }
0x105: {  	s16 =	sadd.s32 $0x2880, s7;
	s15 =	sadd.s32 $0x5800, s0  }
0x106: {  	[spmem:s3] =	stream.indirect.scatter.add.f32 [tilespmem:s15], [sflag:$0x2], $0x10, s16, s14, $0xb8;
	[tilespmem:$0x13800] =	vst v63  }
0x107: {  	s18 =	sadd.s32 $0x2900, s7;
	s17 =	sadd.s32 $0x6000, s0  }
0x108: {  	[spmem:s3] =	stream.indirect.scatter.add.f32 [tilespmem:s17], [sflag:$0x2], $0x10, s18, s14, $0xb8;
	[tilespmem:$0x13800] =	vst v63  }
0x109: {  	s20 =	sadd.s32 $0x2980, s7;
	s19 =	sadd.s32 $0x6800, s0  }
0x10a: {  	[spmem:s3] =	stream.indirect.scatter.add.f32 [tilespmem:s19], [sflag:$0x2], $0x10, s20, s14, $0xb8;
	[tilespmem:$0x13800] =	vst v63  }
0x10b: {  	s22 =	sadd.s32 $0x2A00, s7;
	s21 =	sadd.s32 $0x7000, s0  }
0x10c: {  	[spmem:s3] =	stream.indirect.scatter.add.f32 [tilespmem:s21], [sflag:$0x2], $0x10, s22, s14, $0xb8;
	[tilespmem:$0x13800] =	vst v63  }
0x10d: {  	s24 =	sadd.s32 $0x2A80, s7;
	s23 =	sadd.s32 $0x7800, s0  }
0x10e: {  	[spmem:s3] =	stream.indirect.scatter.add.f32 [tilespmem:s23], [sflag:$0x2], $0x10, s24, s14, $0xb8;
	[tilespmem:$0x13800] =	vst v63  }
0x10f: {  	s30 =	sadd.s32 $0x2B00, s7;
	s25 =	sadd.s32 $0x8000, s0  }
0x110: {  	[spmem:s3] =	stream.indirect.scatter.add.f32 [tilespmem:s25], [sflag:$0x2], $0x10, s30, s14, $0xb8;
	[tilespmem:$0x13800] =	vst v63  }
0x111: {  	s2 =	sadd.s32 $0x2B80, s7;
	s0 =	sadd.s32 $0x8800, s0  }
0x112: {  	[spmem:s3] =	stream.indirect.scatter.add.f32 [tilespmem:s0], [sflag:$0x2], $0x10, s2, s14, $0xb8;
	[tilespmem:$0x13800] =	vst v63  }
0x113: {  	_ =	swait.ge [sflag:s28], $0x800  }
0x114: {  	[sflag:s28] =	ssyncset.done $0x0  }
0x115: {  	[sflag:s28] =	ssyncadd.s32 $0xFFFFF800  }
0x116: {  	_ =	swait.ge [sflag:s28], $0x800  }
0x117: {  	[sflag:s28] =	ssyncset.done $0x0  }
0x118: {  	[sflag:s28] =	ssyncadd.s32 $0xFFFFF800  }
0x119: {  	_ =	swait.ge [sflag:s28], $0x800  }
0x11a: {  	[sflag:s28] =	ssyncset.done $0x0  }
0x11b: {  	[sflag:s28] =	ssyncadd.s32 $0xFFFFF800  }
0x11c: {  	_ =	swait.ge [sflag:s28], $0x800  }
0x11d: {  	[sflag:s28] =	ssyncset.done $0x0  }
0x11e: {  	[sflag:s28] =	ssyncadd.s32 $0xFFFFF800  }
0x11f: {  	_ =	swait.ge [sflag:s28], $0x800  }
0x120: {  	[sflag:s28] =	ssyncset.done $0x0  }
0x121: {  	[sflag:s28] =	ssyncadd.s32 $0xFFFFF800  }
0x122: {  	_ =	swait.ge [sflag:s28], $0x800  }
0x123: {  	[sflag:s28] =	ssyncset.done $0x0  }
0x124: {  	[sflag:s28] =	ssyncadd.s32 $0xFFFFF800  }
0x125: {  	_ =	swait.ge [sflag:s28], $0x800  }
0x126: {  	[sflag:s28] =	ssyncset.done $0x0  }
0x127: {  	[sflag:s28] =	ssyncadd.s32 $0xFFFFF800  }
0x128: {  	_ =	swait.ge [sflag:s28], $0x800  }
0x129: {  	[sflag:s28] =	ssyncset.done $0x0  }
0x12a: {  	s29 =	sadd.s32 $0x1, s29;
	[sflag:s28] =	ssyncadd.s32 $0xFFFFF800  }
0x12b: {  	p0 =	sne.s32 s29, s9;
	[bflag:$0x0] =	sbarrier.arrive $0xFFFF  }
.Ltmp1:
0x12c: {  	s31 =	rddreg [dreg:$0x7];
	(pc) =	sbr.rel @p0 .LBB2_1-.Ltmp1, $4  }
0x12d: {  	[hbm:s31], [sflag:s12] =	dma.local [spmem:s13], $0x500  }
0x12e: {  	_ =	swait.ge [sflag:s10], $0x500  }
0x12f: {  	[sflag:s10] =	ssyncset.done $0x0  }
0x130: {  	[sflag:s10] =	ssyncadd.s32 $0xFFFFFB00  }
0x131: {  	_ =	sfence.sel $0x180000  }
0x132: {  	[bflag:$0x0] =	sbarrier.arrive $0xFFFF  }
0x133: {  	_ =	strace $0x9000004D  }
0x134: {  	s0 =	stileid.u32;
	[bflag:$0x2] =	sbarrier.arrive $0xFFFF  }
0x135: {  	p0 =	sne.s32 s0, $0x0;
	s0 =	rddreg [dreg:$0x3]  }
0x136: {  	s0 =	sadd.s32 @!p0 $0x100000, s0  }
0x137: {  	[sflag:s0] =	ssyncadd.tile.s32 @!p0 $0x1;
	_ =	shalt  }
.Lfunc_end2:
_tile_overlayer_lowered:
.L_overlay_start_2:
0x138: {  	(tag) =	ssettag $0x2  }
0x139: {  	s0 =	rddreg [dreg:$0x0];
	s2 =	stileid.u32  }
0x13a: {  	s1 =	rddreg [dreg:$0x1];
	p0 =	sne.s32 s2, $0x0  }
0x13b: {  	s3 =	rddreg [dreg:$0x2];
	[bflag:$0x3] =	sbarrier.arrive $0xFFFF;
	s2 =	simm.s32 @!p0 $0x1C03  }
0x13c: {  	[timem:s3], [sflag:s2] =	dma.local @!p0 [hbm:s0], s1  }
0x13d: {  	s0 =	simm.s32 @!p0 $0x3  }
0x13e: {  	_ =	swait.ge @!p0 [sflag:s0], s1  }
0x13f: {  	s1 =	ssub.s32 @!p0 $0x0, s1;
	[sflag:s0] =	ssyncset.done @!p0 $0x0  }
0x140: {  	[sflag:s0] =	ssyncadd.s32 @!p0 s1  }
0x141: {  	[bflag:$0x3] =	sbarrier.arrive $0xFFFF  }
0x142: {  	_ =	shalt  }

// kernel: kernel.19.cloned.1.call-start
scs
__scs_entry_jumppad:
0x0: {  	(pc) =	sbr.rel $0x88, $3  }
0x1: {  	(tag) =	ssettag $0x0;
	lr =	simm.s32 $0x1  }
0x2: {  	[smem:$0x3F97] =	sst lr;
	_ =	strace $0xD0000000  }
0x3: {  	_ = 	snop  }
0x4: {  	_ = 	snop  }
0x5: {  	_ = 	snop  }
0x6: {  	_ = 	snop  }
0x7: {  	_ = 	snop  }
__scs_overlays_trampoline_lowered:
0x8: {  	[smem:$0x3FA6] =	sst s0  }
0x9: {  	[smem:$0x3FA7] =	sst s1  }
0xa: {  	[smem:$0x3FA8] =	sst s2  }
0xb: {  	[smem:$0x3FA9] =	sst s3  }
0xc: {  	[smem:$0x3FAA] =	sst s4  }
0xd: {  	[smem:$0x3FAB] =	sst s5  }
0xe: {  	[smem:$0x3FAC] =	sst s6  }
0xf: {  	[smem:$0x3FAD] =	sst s7  }
0x10: {  	[smem:$0x3FAE] =	sst s8  }
0x11: {  	[smem:$0x3FAF] =	sst s9;
	s0 =	simm.s32 @!p0 $0x0  }
0x12: {  	s1 =	sld [smem:$0x3F95];
	s0 =	simm.s32 @p0 $0x1  }
0x13: {  	[smem:$0x3FB0] =	sst s0;
	s0 =	simm.s32 @!p1 $0x0  }
0x14: {  	s2 =	sld [smem:$0x3F94];
	s0 =	simm.s32 @p1 $0x1  }
0x15: {  	[smem:$0x3FB1] =	sst s0;
	s0 =	simm.s32 @!p2 $0x0  }
0x16: {  	s3 =	sld [smem:$0x3FDB];
	s0 =	simm.s32 @p2 $0x1  }
0x17: {  	s4 =	simm.s32 $0x1BF5;
	[smem:$0x3FB3] =	sst s0  }
0x18: {  	s0 =	sld [smem:$0x3F96];
	_ =	swait.ge [sflag:s4], $0x0  }
0x19: {  	s7 =	sld [smem:$0x3F97]  }
0x1a: {  	s8 =	sadd.s32 $0xFFFFE003, lr  }
0x1b: {  	s9 =	sadd.s32 $0xFFFFFEF7, lr;
	s5 =	simm.s32 $0xFFFFFFFF;
	p2 =	slt.u32 s8, $0xFFFFF086  }
0x1c: {  	p1 =	slt.u32 s9, $0xF7A;
	s5 =	simm.s32 @!p2 $0x0  }
0x1d: {  	s5 =	simm.s32 @p1 $0x1;
	p0 =	seq.s32 s7, s2  }
0x1e: {  	s7 =	smul.u32 @!p0 $0xF7A, s2;
	p2 =	seq.s32 @!p0 s5, $0x0  }
0x1f: {  	s9 =	smul.u32 $0xF7A, s1;
	s8 =	simm.s32 @!p0 $0x1BF5;
	p2 =	por !p2, p0  }
0x20: {  	[sflag:s8] =	ssyncset.s32 @!p0 $0xFFFFF086;
	s6 =	sadd.s32 @!p0 s3, s7;
	s7 =	simm.s32 @!p0 $0x108  }
0x21: {  	s3 =	sadd.s32 s3, s9;
	s6 =	sadd.s32 @!p0 $0x88, s6;
	s7 =	simm.s32 @p2 $0x1082  }
0x22: {  	[simem:s7], [sflag:s8] =	dma.local @!p0 [hbm:s6], $0xF7A  }
0x23: {  	s9 =	sor.u32 $0xD0000000, s2;
	s6 =	simm.s32 $0x108;
	_ =	swait.ge @!p0 [sflag:s8], $0x0  }
0x24: {  	s3 =	sadd.s32 $0x88, s3;
	s6 =	simm.s32 @!p1 $0x1082;
	[sflag:s4] =	ssyncset.s32 $0xFFFFF086  }
0x25: {  	[simem:s6], [sflag:s4] =	dma.local [hbm:s3], $0xF7A  }
0x26: {  	[smem:$0x3F97] =	sst s1;
	(tag) =	ssettag s2;
	_ =	strace s9  }
0x27: {  	s1 =	sld [smem:$0x3FA7]  }
0x28: {  	s2 =	sld [smem:$0x3FA8]  }
0x29: {  	s4 =	sld [smem:$0x3FAA]  }
0x2a: {  	p0 =	seq.s32 s5, $0x0;
	s5 =	sld [smem:$0x3FAB]  }
0x2b: {  	s6 =	sld [smem:$0x3FAC]  }
0x2c: {  	s7 =	sld [smem:$0x3FAD]  }
0x2d: {  	s3 =	simm.s32 $0x108;
	s8 =	sld [smem:$0x3FAE]  }
0x2e: {  	s3 =	simm.s32 @!p0 $0x1082;
	s9 =	sld [smem:$0x3FAF]  }
0x2f: {  	lr =	sadd.s32 s0, s3;
	s0 =	sld [smem:$0x3FA6]  }
0x30: {  	s3 =	sld [smem:$0x3FA9]  }
0x31: {  	[smem:$0x3FB2] =	sst s10  }
0x32: {  	s10 =	sld [smem:$0x3FB0];
	_ =	sdelay $0x3  }
0x33: {  	p0 =	seq.s32 s10, $0x1;
	s10 =	sld [smem:$0x3FB2];
	_ =	sdelay $0x3  }
0x34: {  	[smem:$0x3FB2] =	sst s10  }
0x35: {  	s10 =	sld [smem:$0x3FB1];
	_ =	sdelay $0x3  }
0x36: {  	p1 =	seq.s32 s10, $0x1;
	s10 =	sld [smem:$0x3FB2];
	_ =	sdelay $0x3  }
0x37: {  	[smem:$0x3FB2] =	sst s10  }
0x38: {  	s10 =	sld [smem:$0x3FB3]  }
0x39: {  	_ = 	snop;
	(pc) =	sbr.ind lr, $3  }
0x3a: {  	_ = 	snop  }
0x3b: {  	_ = 	snop  }
0x3c: {  	p2 =	seq.s32 s10, $0x1;
	s10 =	sld [smem:$0x3FB2]  }
0x3d: {  	_ =	shalt  }
0x3e: {  	_ =	shalt  }
0x3f: {  	_ =	shalt  }
0x40: {  	_ =	shalt  }
0x41: {  	_ =	shalt  }
0x42: {  	_ =	shalt  }
0x43: {  	_ =	shalt  }
0x44: {  	_ =	shalt  }
0x45: {  	_ =	shalt  }
0x46: {  	_ =	shalt  }
0x47: {  	_ =	shalt  }
0x48: {  	_ =	shalt  }
0x49: {  	_ =	shalt  }
0x4a: {  	_ =	shalt  }
0x4b: {  	_ =	shalt  }
0x4c: {  	_ =	shalt  }
0x4d: {  	_ =	shalt  }
0x4e: {  	_ =	shalt  }
0x4f: {  	_ =	shalt  }
0x50: {  	_ =	shalt  }
0x51: {  	_ =	shalt  }
0x52: {  	_ =	shalt  }
0x53: {  	_ =	shalt  }
0x54: {  	_ =	shalt  }
0x55: {  	_ =	shalt  }
0x56: {  	_ =	shalt  }
0x57: {  	_ =	shalt  }
0x58: {  	_ =	shalt  }
0x59: {  	_ =	shalt  }
0x5a: {  	_ =	shalt  }
0x5b: {  	_ =	shalt  }
0x5c: {  	_ =	shalt  }
0x5d: {  	_ =	shalt  }
0x5e: {  	_ =	shalt  }
0x5f: {  	_ =	shalt  }
0x60: {  	_ =	shalt  }
0x61: {  	_ =	shalt  }
0x62: {  	_ =	shalt  }
0x63: {  	_ =	shalt  }
0x64: {  	_ =	shalt  }
0x65: {  	_ =	shalt  }
0x66: {  	_ =	shalt  }
0x67: {  	_ =	shalt  }
0x68: {  	_ =	shalt  }
0x69: {  	_ =	shalt  }
0x6a: {  	_ =	shalt  }
0x6b: {  	_ =	shalt  }
0x6c: {  	_ =	shalt  }
0x6d: {  	_ =	shalt  }
0x6e: {  	_ =	shalt  }
0x6f: {  	_ =	shalt  }
0x70: {  	_ =	shalt  }
0x71: {  	_ =	shalt  }
0x72: {  	_ =	shalt  }
0x73: {  	_ =	shalt  }
0x74: {  	_ =	shalt  }
0x75: {  	_ =	shalt  }
0x76: {  	_ =	shalt  }
0x77: {  	_ =	shalt  }
0x78: {  	_ =	shalt  }
0x79: {  	_ =	shalt  }
0x7a: {  	_ =	shalt  }
0x7b: {  	_ =	shalt  }
0x7c: {  	_ =	shalt  }
0x7d: {  	_ =	shalt  }
0x7e: {  	_ =	shalt  }
0x7f: {  	_ =	shalt  }
0x80: {  	_ =	shalt  }
0x81: {  	_ =	shalt  }
0x82: {  	_ =	shalt  }
0x83: {  	_ =	shalt  }
0x84: {  	_ =	shalt  }
0x85: {  	_ =	shalt  }
0x86: {  	_ =	shalt  }
0x87: {  	_ =	shalt  }
.Lfunc_end0:
.L_simem_size_0:
called_computation.3_lowered:
.L_overlay_start_0:
0x88: {  	s2 =	sld [smem:$0x3FD9]  }
0x89: {  	s3 =	sld [smem:$0x3FFE];
	_ =	sdelay $0x1  }
0x8a: {  	s1 =	srdreg.scid  }
0x8b: {  	s0 =	sand.u32 $0x1, s1  }
0x8c: {  	s17 =	sshll.u32 s0, $0xA;
	s2 =	sadd.s32 s3, s2  }
0x8d: {  	s2 =	sadd.s32 s2, s17  }
0x8e: {  	[smem:$0x3FBE] =	sst s2  }
0x8f: {  	_ = 	snop  }
0x90: {  	s2 =	sld [smem:$0x3FD0];
	(tm) =	ssettm $0x1  }
0x91: {  	s18 =	sld [smem:$0x3FFB];
	_ =	sdelay $0x3  }
0x92: {  	_ =	strace s18  }
0x93: {  	s3 =	sld [smem:$0x3FFC];
	_ =	sdelay $0x3  }
0x94: {  	_ =	strace s3  }
0x95: {  	s3 =	sld [smem:$0x3FFD];
	_ =	sdelay $0x3  }
0x96: {  	_ =	strace s3  }
0x97: {  	_ =	strace $0x8FFFFFFF  }
0x98: {  	s19 =	sld [smem:$0x3FDB];
	_ =	sdelay $0x1  }
0x99: {  	s4 =	simm.s32 $_scs_section_size  }
0x9a: {  	s5 =	simm.s32 $_size__tile_overlayer_lowered;
	s6 =	simm.s32 $_tile_overlayer_lowered  }
0x9b: {  	s22 =	simm.s32 $0x1BFF;
	s21 =	sshll.u32 s6, $0x1;
	s3 =	sadd.s32 s4, s19  }
0x9c: {  	s7 =	simm.s32 $0x0;
	s20 =	sshll.u32 s5, $0x1;
	s5 =	sadd.s32 s21, s3  }
0x9d: {  	[timem:s7], [sflag:s22] =	dma.local [hbm:s5], s20  }
0x9e: {  	_ =	swait.ge [sflag:s22], s20  }
0x9f: {  	s4 =	ssub.s32 $0x0, s20;
	[sflag:s22] =	ssyncset.done $0x0  }
0xa0: {  	[sflag:s22] =	ssyncadd.s32 s4;
	_ =	sdelay $0x1  }
0xa1: {  	s23 =	simm.s32 $0x1B8B  }
0xa2: {  	_ =	swait.ge [sflag:s23], $0x1  }
0xa3: {  	[sflag:s23] =	ssyncset.done $0x0  }
0xa4: {  	s25 =	simm.s32 $0x1B8E;
	s24 =	sld [smem:$0x3FFE];
	[sflag:s23] =	ssyncadd.s32 $0xFFFFFFFF  }
0xa5: {  	s26 =	simm.s32 $execute0_lowered;
	[smem:$0x3FD2] =	sst s25  }
0xa6: {  	s5 =	sshll.u32 s26, $0x1;
	_ =	strace $0x8000004F;
	[dreg:$0x1] =	wrdreg $0xFFFFFFFF  }
0xa7: {  	s28 =	simm.s32 $_size_execute0_lowered;
	s3 =	sadd.s32 s3, s5;
	[dreg:$0x0] =	wrdreg $0x0  }
0xa8: {  	s5 =	sshll.u32 s28, $0x1;
	[dreg:$0x2] =	wrdreg s3  }
0xa9: {  	[dreg:$0x3] =	wrdreg s5  }
0xaa: {  	[dreg:$0x4] =	wrdreg $0xC0  }
0xab: {  	_ =	task [dreg:s7], $0x5FFFF  }
0xac: {  	[dreg:$0x1] =	wrdreg $0xFFFFFFFF  }
0xad: {  	[dreg:$0x0] =	wrdreg $0x60  }
0xae: {  	[dreg:$0x2] =	wrdreg s2  }
0xaf: {  	[dreg:$0x3] =	wrdreg s24  }
0xb0: {  	[dreg:$0x4] =	wrdreg $0x9  }
0xb1: {  	_ =	task.clear_ibuf [dreg:s7], $0x5FFFF;
	_ =	strace $0x9000004F  }
0xb2: {  	s29 =	simm.s32 $0x9;
	_ =	strace $0x80000051  }
0xb3: {  	_ =	swait.ge [sflag:s29], $0x1  }
0xb4: {  	[sflag:s29] =	ssyncadd.s32 $0xFFFFFFFF  }
0xb5: {  	_ =	strace $0x90000051  }
0xb6: {  	_ =	sfence  }
0xb7: {  	s30 =	sld [smem:$0x0];
	_ =	sdelay $0x2  }
0xb8: {  	s31 =	sshll.u32 s1, $0xD;
	s1 =	sshrl.u32 s1, $0x2  }
0xb9: {  	s3 =	sand.u32 $0x4000, s31;
	s1 =	sadd.s32 s1, s30  }
0xba: {  	s0 =	sor.u32 s3, s0;
	s1 =	sshll.u32 s1, $0x11  }
0xbb: {  	s0 =	sor.u32 s1, s0  }
0xbc: {  	s0 =	sadd.s32 $0x8F2B, s0  }
0xbd: {  	[sflag:s0] =	ssyncadd.remote.s32 $0x1  }
0xbe: {  	_ =	sfence.sel $0xFFFF  }
0xbf: {  	[dreg:$0x0] =	wrdreg $0xFFFFFFFF;
	(pc) =	sbr.abs _section_cstart, $3  }
0xc0: {  	[dreg:$0x1] =	wrdreg $0xFFFFFFFF  }
0xc1: {  	_ =	task.clear_ibuf [dreg:s7], $0x2FFFF;
	_ =	strace $0x9FFFFFFF  }
0xc2: {  	(tm) =	ssettm $0x7FFFFFFF  }
0xc3: {  	_ =	shalt  }
tec
execute0_lowered:
.L_overlay_start_1:
0x0: {  	(tag) =	ssettag $0x1  }
0x1: {  	s0 =	srdreg.scid;
	s2 =	rddreg [dreg:$0x0]  }
0x2: {  	s3 =	stileid.u32;
	s5 =	rddreg [dreg:$0x1];
	s10 =	simm.s32 $0x5  }
0x3: {  	s12 =	simm.s32 $0x80;
	s28 =	simm.s32 $0x9000;
	s29 =	simm.s32 $0x9800  }
0x4: {  	s30 =	simm.s32 $0xA000;
	s31 =	simm.s32 $0xA800;
	s11 =	simm.s32 $0xC000  }
0x5: {  	s13 =	simm.s32 $0xC800;
	s14 =	simm.s32 $0x1;
	s15 =	simm.s32 $0xD000  }
0x6: {  	s16 =	simm.s32 $0x2;
	s17 =	simm.s32 $0x11000;
	s0 =	sand.u32 $0x1, s0  }
0x7: {  	s18 =	simm.s32 $0x3;
	s19 =	simm.s32 $0x4;
	s1 =	sshll.u32 s0, $0x4  }
0x8: {  	s20 =	simm.s32 $0x0;
	s0 =	ssub.s32 $0x2, s0;
	s1 =	sor.u32 s3, s1  }
0x9: {  	s3 =	simm.s32 $0x0;
	s6 =	sshrl.u32 s0, $0x1;
	s4 =	smul.u32 $0x500, s1  }
0xa: {  	[smem:$0x7FF] =	sst s3;
	s0 =	ssub.s32 s0, s6;
	s8 =	smul.u32 $0x28000, s1  }
0xb: {  	s1 =	simm.s32 $0xB000;
	_ =	strace $0x80000050;
	s9 =	smax.u32 s0, $0x1  }
0xc: {  	s0 =	simm.s32 $0xB800;
	s7 =	sadd.s32 s4, s5;
	s4 =	sadd.s32 $0x16C00, s5  }
0xd: {  	s5 =	sadd.s32 $0xB6C00, s5;
	s6 =	sadd.s32 $0xCC00, s7;
	s7 =	sadd.s32 $0x2600, s7  }
.LBB2_1:
0xe: {  	[tilespmem:s3], [sflag:$0x5] =	stream.linear.gather [hbm4b:s6+s3], $0x2800, $0x38;
	[tilespmem:$0x15000] =	vst v63  }
0xf: {  	_ =	swait.ge [sflag:s10], $0x2800  }
0x10: {  	[sflag:s10] =	ssyncset.done $0x0  }
0x11: {  	s21 =	simm.s32 $0x2800;
	[sflag:s10] =	ssyncadd.s32 $0xFFFFD800  }
0x12: {  	[tilespmem:s21], [sflag:$0x5] =	stream.linear.gather [hbm4b:s7+s3], $0x2800, $0x38;
	[tilespmem:$0x15000] =	vst v63  }
0x13: {  	_ =	swait.ge [sflag:s10], $0x2800  }
0x14: {  	[sflag:s10] =	ssyncset.done $0x0  }
0x15: {  	s22 =	simm.s32 $0x5000;
	[sflag:s10] =	ssyncadd.s32 $0xFFFFD800  }
0x16: {  	[tilespmem:s22], [sflag:$0x1] =	stream.indirect.gather [hbm4b:s2+s12], $0x10, s3, s12, $0xb8;
	[tilespmem:$0x15000] =	vst v63  }
0x17: {  	s23 =	simm.s32 $0x5800  }
0x18: {  	[tilespmem:s23], [sflag:$0x1] =	stream.indirect.gather [hbm4b:s2+s12], $0x10, s12, s12, $0xb8;
	[tilespmem:$0x15000] =	vst v63  }
0x19: {  	s24 =	simm.s32 $0x100;
	s22 =	simm.s32 $0x6000  }
0x1a: {  	[tilespmem:s22], [sflag:$0x1] =	stream.indirect.gather [hbm4b:s2+s12], $0x10, s24, s12, $0xb8;
	[tilespmem:$0x15000] =	vst v63  }
0x1b: {  	s25 =	simm.s32 $0x180;
	s26 =	simm.s32 $0x6800  }
0x1c: {  	[tilespmem:s26], [sflag:$0x1] =	stream.indirect.gather [hbm4b:s2+s12], $0x10, s25, s12, $0xb8;
	[tilespmem:$0x15000] =	vst v63  }
0x1d: {  	s23 =	simm.s32 $0x200;
	s24 =	simm.s32 $0x7000  }
0x1e: {  	[tilespmem:s24], [sflag:$0x1] =	stream.indirect.gather [hbm4b:s2+s12], $0x10, s23, s12, $0xb8;
	[tilespmem:$0x15000] =	vst v63  }
0x1f: {  	s25 =	simm.s32 $0x280;
	s26 =	simm.s32 $0x7800  }
0x20: {  	[tilespmem:s26], [sflag:$0x1] =	stream.indirect.gather [hbm4b:s2+s12], $0x10, s25, s12, $0xb8;
	[tilespmem:$0x15000] =	vst v63  }
0x21: {  	s23 =	simm.s32 $0x300;
	s24 =	simm.s32 $0x8000  }
0x22: {  	[tilespmem:s24], [sflag:$0x1] =	stream.indirect.gather [hbm4b:s2+s12], $0x10, s23, s12, $0xb8;
	[tilespmem:$0x15000] =	vst v63  }
0x23: {  	s22 =	simm.s32 $0x0;
	s25 =	simm.s32 $0x380;
	s26 =	simm.s32 $0x8800  }
0x24: {  	[tilespmem:s26], [sflag:$0x1] =	stream.indirect.gather [hbm4b:s2+s12], $0x10, s25, s12, $0xb8;
	[tilespmem:$0x15000] =	vst v63  }
.LBB2_2:
0x25: {  	s21 =	sshll.u32 s22, $0xA  }
0x26: {  	s21 =	sand.u32 $0x3FFFFC00, s21  }
0x27: {  	s23 =	sadd.s32 $0x2800, s21  }
0x28: {  	[tilespmem:s28], [sflag:$0x2] =	stream.indirect.gather [hbm4b:s2+s12], $0x10, s23, s12, $0xb8;
	[tilespmem:$0x15000] =	vst v63  }
0x29: {  	s24 =	sadd.s32 $0x2880, s21  }
0x2a: {  	[tilespmem:s29], [sflag:$0x2] =	stream.indirect.gather [hbm4b:s2+s12], $0x10, s24, s12, $0xb8;
	[tilespmem:$0x15000] =	vst v63  }
0x2b: {  	s25 =	sadd.s32 $0x2900, s21  }
0x2c: {  	[tilespmem:s30], [sflag:$0x2] =	stream.indirect.gather [hbm4b:s2+s12], $0x10, s25, s12, $0xb8;
	[tilespmem:$0x15000] =	vst v63  }
0x2d: {  	s26 =	sadd.s32 $0x2980, s21  }
0x2e: {  	[tilespmem:s31], [sflag:$0x2] =	stream.indirect.gather [hbm4b:s2+s12], $0x10, s26, s12, $0xb8;
	[tilespmem:$0x15000] =	vst v63  }
0x2f: {  	s24 =	sadd.s32 $0x2A00, s21  }
0x30: {  	[tilespmem:s1], [sflag:$0x2] =	stream.indirect.gather [hbm4b:s2+s12], $0x10, s24, s12, $0xb8;
	[tilespmem:$0x15000] =	vst v63  }
0x31: {  	s25 =	sadd.s32 $0x2A80, s21  }
0x32: {  	[tilespmem:s0], [sflag:$0x2] =	stream.indirect.gather [hbm4b:s2+s12], $0x10, s25, s12, $0xb8;
	[tilespmem:$0x15000] =	vst v63  }
0x33: {  	s26 =	sadd.s32 $0x2B00, s21  }
0x34: {  	[tilespmem:s11], [sflag:$0x2] =	stream.indirect.gather [hbm4b:s2+s12], $0x10, s26, s12, $0xb8;
	[tilespmem:$0x15000] =	vst v63  }
0x35: {  	s21 =	sadd.s32 $0x2B80, s21  }
0x36: {  	[tilespmem:s13], [sflag:$0x2] =	stream.indirect.gather [hbm4b:s2+s12], $0x10, s21, s12, $0xb8;
	[tilespmem:$0x15000] =	vst v63  }
0x37: {  	_ =	swait.ge [sflag:s14], $0x800  }
0x38: {  	[sflag:s14] =	ssyncset.done $0x0  }
0x39: {  	[sflag:s14] =	ssyncadd.s32 $0xFFFFF800  }
0x3a: {  	_ =	swait.ge [sflag:s14], $0x800  }
0x3b: {  	[sflag:s14] =	ssyncset.done $0x0  }
0x3c: {  	[sflag:s14] =	ssyncadd.s32 $0xFFFFF800  }
0x3d: {  	_ =	swait.ge [sflag:s14], $0x800  }
0x3e: {  	[sflag:s14] =	ssyncset.done $0x0  }
0x3f: {  	[sflag:s14] =	ssyncadd.s32 $0xFFFFF800  }
0x40: {  	_ =	swait.ge [sflag:s14], $0x800  }
0x41: {  	[sflag:s14] =	ssyncset.done $0x0  }
0x42: {  	[sflag:s14] =	ssyncadd.s32 $0xFFFFF800  }
0x43: {  	_ =	swait.ge [sflag:s14], $0x800  }
0x44: {  	[sflag:s14] =	ssyncset.done $0x0  }
0x45: {  	[sflag:s14] =	ssyncadd.s32 $0xFFFFF800  }
0x46: {  	_ =	swait.ge [sflag:s14], $0x800  }
0x47: {  	[sflag:s14] =	ssyncset.done $0x0  }
0x48: {  	[sflag:s14] =	ssyncadd.s32 $0xFFFFF800  }
0x49: {  	_ =	swait.ge [sflag:s14], $0x800  }
0x4a: {  	[sflag:s14] =	ssyncset.done $0x0  }
0x4b: {  	[sflag:s14] =	ssyncadd.s32 $0xFFFFF800  }
0x4c: {  	_ =	swait.ge [sflag:s14], $0x800  }
0x4d: {  	p0 =	seq.s32 s22, $0x0;
	[sflag:s14] =	ssyncset.done $0x0  }
0x4e: {  	s21 =	simm.s32 @!p0 $0x3;
	[sflag:s14] =	ssyncadd.s32 $0xFFFFF800  }
0x4f: {  	_ =	swait.ge @!p0 [sflag:s21], $0x4000  }
0x50: {  	[sflag:s21] =	ssyncset.done @!p0 $0x0  }
0x51: {  	[sflag:s21] =	ssyncadd.s32 @!p0 $0xFFFFC000;
	s21 =	simm.s32 $0x0  }
0x52: {  	v3 =	vld [tilespmem:s21+$0x5070]  }
0x53: {  	v4 =	vld [tilespmem:s21+$0x5000]  }
0x54: {  	v5 =	vld [tilespmem:s21+$0x5010]  }
0x55: {  	v2 =	vld [tilespmem:s21+$0x5020]  }
0x56: {  	v0 =	vld [tilespmem:s21+$0x5030]  }
0x57: {  	v1 =	vld [tilespmem:s21+$0x5040];
	[tilespmem:s21+$0xD070] =	vst v3  }
0x58: {  	[tilespmem:s21+$0xD000] =	vst v4;
	v3 =	vld [tilespmem:s21+$0x5050]  }
0x59: {  	s23 =	simm.s32 $0x80;
	s24 =	simm.s32 $0x400;
	[tilespmem:s21+$0xD010] =	vst v5;
	v4 =	vld [tilespmem:s21+$0x5060]  }
.LBB2_3:
0x5a: {  	p1 =	sne.s32 s24, $0xFE00;
	v5 =	vld [tilespmem:s23+$0x5070];
	[tilespmem:s21+$0xD020] =	vst v2  }
0x5b: {  	v6 =	vld [tilespmem:s23+$0x5000];
	[tilespmem:s21+$0xD030] =	vst v0  }
0x5c: {  	v7 =	vld [tilespmem:s23+$0x5010];
	[tilespmem:s21+$0xD040] =	vst v1  }
.Ltmp0:
0x5d: {  	v2 =	vld [tilespmem:s23+$0x5020];
	[tilespmem:s21+$0xD050] =	vst v3;
	(pc) =	sbr.rel @p1 .LBB2_3-.Ltmp0, $4  }
0x5e: {  	v0 =	vld [tilespmem:s23+$0x5030];
	[tilespmem:s21+$0xD060] =	vst v4;
	s21 =	smov.u32 s23  }
0x5f: {  	v1 =	vld [tilespmem:s21+$0x5040];
	[tilespmem:s21+$0xD070] =	vst v5  }
0x60: {  	[tilespmem:s21+$0xD000] =	vst v6;
	v3 =	vld [tilespmem:s21+$0x5050]  }
0x61: {  	s23 =	sshra.s32 s24, $0x2;
	s24 =	sadd.s32 $0x200, s24;
	[tilespmem:s21+$0xD010] =	vst v7;
	v4 =	vld [tilespmem:s21+$0x5060]  }
0x62: {  	v5 =	vld [tilespmem:s23+$0x5070];
	[tilespmem:s21+$0xD020] =	vst v2  }
0x63: {  	v2 =	vld [tilespmem:s23+$0x5000];
	[tilespmem:s21+$0xD030] =	vst v0  }
0x64: {  	v0 =	vld [tilespmem:s23+$0x5010];
	[tilespmem:s21+$0xD040] =	vst v1  }
0x65: {  	v1 =	vld [tilespmem:s23+$0x5020];
	[tilespmem:s21+$0xD050] =	vst v3  }
0x66: {  	v3 =	vld [tilespmem:s23+$0x5030];
	[tilespmem:s21+$0xD060] =	vst v4  }
0x67: {  	v4 =	vld [tilespmem:s23+$0x5040];
	[tilespmem:s23+$0xD070] =	vst v5  }
0x68: {  	[tilespmem:s23+$0xD000] =	vst v2;
	v2 =	vld [tilespmem:s23+$0x5050]  }
0x69: {  	[tilespmem:s23+$0xD010] =	vst v0;
	v0 =	vld [tilespmem:s23+$0x5060]  }
0x6a: {  	[tilespmem:s23+$0xD020] =	vst v1  }
0x6b: {  	s25 =	sshll.u32 s22, $0xE;
	[tilespmem:s23+$0xD030] =	vst v3  }
0x6c: {  	s21 =	sadd.s32 s8, s25;
	[tilespmem:s23+$0xD040] =	vst v4  }
0x6d: {  	s21 =	sshrl.u32 s21, $0x3;
	[tilespmem:s23+$0xD050] =	vst v2  }
0x6e: {  	p1 =	seq.s32 s22, $0x9;
	s26 =	sadd.s32 s4, s21;
	[tilespmem:s23+$0xD060] =	vst v0;
	s23 =	sadd.s32 $0x1, s22  }
0x6f: {  	[hbm4b:s26+s3] =	stream.linear.scatter [tilespmem:s15], [sflag:$0x3], $0x4000, $0x38;
	[tilespmem:$0x15000] =	vst v63  }
0x70: {  	s22 =	sshll.u32 @!p1 s23, $0xA  }
0x71: {  	s24 =	simm.s32 @!p1 $0x80;
	s25 =	simm.s32 @!p1 $0x5000;
	s22 =	sand.u32 @!p1 $0x3FFFFC00, s22  }
0x72: {  	[tilespmem:s25], [sflag:$0x1] =	stream.indirect.gather @!p1 [hbm4b:s2+s24], $0x10, s22, s24, $0xb8;
	[tilespmem:$0x15000] =	vst v63  }
0x73: {  	s26 =	simm.s32 @!p1 $0x5800;
	s25 =	sor.u32 @!p1 $0x80, s22  }
0x74: {  	[tilespmem:s26], [sflag:$0x1] =	stream.indirect.gather @!p1 [hbm4b:s2+s24], $0x10, s25, s24, $0xb8;
	[tilespmem:$0x15000] =	vst v63  }
0x75: {  	s25 =	sor.u32 @!p1 $0x100, s22;
	s26 =	simm.s32 @!p1 $0x6000  }
0x76: {  	[tilespmem:s26], [sflag:$0x1] =	stream.indirect.gather @!p1 [hbm4b:s2+s24], $0x10, s25, s24, $0xb8;
	[tilespmem:$0x15000] =	vst v63  }
0x77: {  	s25 =	sor.u32 @!p1 $0x180, s22;
	s26 =	simm.s32 @!p1 $0x6800  }
0x78: {  	[tilespmem:s26], [sflag:$0x1] =	stream.indirect.gather @!p1 [hbm4b:s2+s24], $0x10, s25, s24, $0xb8;
	[tilespmem:$0x15000] =	vst v63  }
0x79: {  	s25 =	sor.u32 @!p1 $0x200, s22;
	s26 =	simm.s32 @!p1 $0x7000  }
0x7a: {  	[tilespmem:s26], [sflag:$0x1] =	stream.indirect.gather @!p1 [hbm4b:s2+s24], $0x10, s25, s24, $0xb8;
	[tilespmem:$0x15000] =	vst v63  }
0x7b: {  	s25 =	sor.u32 @!p1 $0x280, s22;
	s26 =	simm.s32 @!p1 $0x7800  }
0x7c: {  	[tilespmem:s26], [sflag:$0x1] =	stream.indirect.gather @!p1 [hbm4b:s2+s24], $0x10, s25, s24, $0xb8;
	[tilespmem:$0x15000] =	vst v63  }
0x7d: {  	s25 =	sor.u32 @!p1 $0x300, s22;
	s26 =	simm.s32 @!p1 $0x8000  }
0x7e: {  	[tilespmem:s26], [sflag:$0x1] =	stream.indirect.gather @!p1 [hbm4b:s2+s24], $0x10, s25, s24, $0xb8;
	[tilespmem:$0x15000] =	vst v63  }
0x7f: {  	s22 =	sor.u32 @!p1 $0x380, s22;
	s25 =	simm.s32 @!p1 $0x8800  }
0x80: {  	[tilespmem:s25], [sflag:$0x1] =	stream.indirect.gather @!p1 [hbm4b:s2+s24], $0x10, s22, s24, $0xb8;
	[tilespmem:$0x15000] =	vst v63  }
0x81: {  	_ =	swait.ge [sflag:s16], $0x800  }
0x82: {  	[sflag:s16] =	ssyncset.done $0x0  }
0x83: {  	[sflag:s16] =	ssyncadd.s32 $0xFFFFF800  }
0x84: {  	_ =	swait.ge [sflag:s16], $0x800  }
0x85: {  	[sflag:s16] =	ssyncset.done $0x0  }
0x86: {  	[sflag:s16] =	ssyncadd.s32 $0xFFFFF800  }
0x87: {  	_ =	swait.ge [sflag:s16], $0x800  }
0x88: {  	[sflag:s16] =	ssyncset.done $0x0  }
0x89: {  	[sflag:s16] =	ssyncadd.s32 $0xFFFFF800  }
0x8a: {  	_ =	swait.ge [sflag:s16], $0x800  }
0x8b: {  	[sflag:s16] =	ssyncset.done $0x0  }
0x8c: {  	[sflag:s16] =	ssyncadd.s32 $0xFFFFF800  }
0x8d: {  	_ =	swait.ge [sflag:s16], $0x800  }
0x8e: {  	[sflag:s16] =	ssyncset.done $0x0  }
0x8f: {  	[sflag:s16] =	ssyncadd.s32 $0xFFFFF800  }
0x90: {  	_ =	swait.ge [sflag:s16], $0x800  }
0x91: {  	[sflag:s16] =	ssyncset.done $0x0  }
0x92: {  	[sflag:s16] =	ssyncadd.s32 $0xFFFFF800  }
0x93: {  	_ =	swait.ge [sflag:s16], $0x800  }
0x94: {  	[sflag:s16] =	ssyncset.done $0x0  }
0x95: {  	[sflag:s16] =	ssyncadd.s32 $0xFFFFF800  }
0x96: {  	_ =	swait.ge [sflag:s16], $0x800  }
0x97: {  	[sflag:s16] =	ssyncset.done $0x0  }
0x98: {  	s22 =	simm.s32 @!p0 $0x4;
	[sflag:s16] =	ssyncadd.s32 $0xFFFFF800  }
0x99: {  	_ =	swait.ge @!p0 [sflag:s22], $0x4000  }
0x9a: {  	[sflag:s22] =	ssyncset.done @!p0 $0x0  }
0x9b: {  	[sflag:s22] =	ssyncadd.s32 @!p0 $0xFFFFC000;
	s22 =	simm.s32 $0x0  }
0x9c: {  	v3 =	vld [tilespmem:s22+$0x9070]  }
0x9d: {  	v4 =	vld [tilespmem:s22+$0x9000]  }
0x9e: {  	v5 =	vld [tilespmem:s22+$0x9010]  }
0x9f: {  	v2 =	vld [tilespmem:s22+$0x9020]  }
0xa0: {  	v0 =	vld [tilespmem:s22+$0x9030]  }
0xa1: {  	v1 =	vld [tilespmem:s22+$0x9040];
	[tilespmem:s22+$0x11070] =	vst v3  }
0xa2: {  	[tilespmem:s22+$0x11000] =	vst v4;
	v3 =	vld [tilespmem:s22+$0x9050]  }
0xa3: {  	s24 =	simm.s32 $0x80;
	s25 =	simm.s32 $0x400;
	[tilespmem:s22+$0x11010] =	vst v5;
	v4 =	vld [tilespmem:s22+$0x9060]  }
.LBB2_5:
0xa4: {  	p0 =	sne.s32 s25, $0xFE00;
	v5 =	vld [tilespmem:s24+$0x9070];
	[tilespmem:s22+$0x11020] =	vst v2  }
0xa5: {  	v6 =	vld [tilespmem:s24+$0x9000];
	[tilespmem:s22+$0x11030] =	vst v0  }
0xa6: {  	v7 =	vld [tilespmem:s24+$0x9010];
	[tilespmem:s22+$0x11040] =	vst v1  }
.Ltmp1:
0xa7: {  	v2 =	vld [tilespmem:s24+$0x9020];
	[tilespmem:s22+$0x11050] =	vst v3;
	(pc) =	sbr.rel @p0 .LBB2_5-.Ltmp1, $4  }
0xa8: {  	v0 =	vld [tilespmem:s24+$0x9030];
	[tilespmem:s22+$0x11060] =	vst v4;
	s22 =	smov.u32 s24  }
0xa9: {  	v1 =	vld [tilespmem:s22+$0x9040];
	[tilespmem:s22+$0x11070] =	vst v5  }
0xaa: {  	[tilespmem:s22+$0x11000] =	vst v6;
	v3 =	vld [tilespmem:s22+$0x9050]  }
0xab: {  	s24 =	sshra.s32 s25, $0x2;
	s25 =	sadd.s32 $0x200, s25;
	[tilespmem:s22+$0x11010] =	vst v7;
	v4 =	vld [tilespmem:s22+$0x9060]  }
0xac: {  	v5 =	vld [tilespmem:s24+$0x9070];
	[tilespmem:s22+$0x11020] =	vst v2  }
0xad: {  	v2 =	vld [tilespmem:s24+$0x9000];
	[tilespmem:s22+$0x11030] =	vst v0  }
0xae: {  	v0 =	vld [tilespmem:s24+$0x9010];
	[tilespmem:s22+$0x11040] =	vst v1  }
0xaf: {  	v1 =	vld [tilespmem:s24+$0x9020];
	[tilespmem:s22+$0x11050] =	vst v3  }
0xb0: {  	v3 =	vld [tilespmem:s24+$0x9030];
	[tilespmem:s22+$0x11060] =	vst v4  }
0xb1: {  	v4 =	vld [tilespmem:s24+$0x9040];
	[tilespmem:s24+$0x11070] =	vst v5  }
0xb2: {  	v62 =	vld [tilespmem:s24+$0x9050];
	[tilespmem:s24+$0x11000] =	vst v2  }
0xb3: {  	v63 =	vld [tilespmem:s24+$0x9060];
	[tilespmem:s24+$0x11010] =	vst v0  }
0xb4: {  	p0 =	sne.s32 s23, $0xA;
	[tilespmem:s24+$0x11020] =	vst v1  }
.Ltmp2:
0xb5: {  	[tilespmem:s24+$0x11030] =	vst v3;
	(pc) =	sbr.rel @p0 .LBB2_2-.Ltmp2, $4  }
0xb6: {  	[tilespmem:s24+$0x11040] =	vst v4  }
0xb7: {  	[tilespmem:s24+$0x11050] =	vst v62  }
0xb8: {  	s21 =	sadd.s32 s5, s21;
	s22 =	smov.u32 s23;
	[tilespmem:s24+$0x11060] =	vst v63  }
0xb9: {  	[hbm4b:s21+s3] =	stream.linear.scatter [tilespmem:s17], [sflag:$0x4], $0x4000, $0x38;
	[tilespmem:$0x15000] =	vst v63  }
0xba: {  	s20 =	sadd.s32 $0x1, s20  }
0xbb: {  	_ =	swait.ge [sflag:s18], $0x4000;
	p0 =	sne.s32 s20, s9  }
.Ltmp3:
0xbc: {  	[sflag:s18] =	ssyncset.done $0x0;
	(pc) =	sbr.rel @p0 .LBB2_1-.Ltmp3, $4  }
0xbd: {  	[sflag:s18] =	ssyncadd.s32 $0xFFFFC000  }
0xbe: {  	_ =	swait.ge [sflag:s19], $0x4000  }
0xbf: {  	[sflag:s19] =	ssyncset.done $0x0  }
0xc0: {  	[sflag:s19] =	ssyncadd.s32 $0xFFFFC000  }
0xc1: {  	_ =	sfence.sel $0x180000  }
0xc2: {  	[bflag:$0x0] =	sbarrier.arrive $0xFFFF  }
0xc3: {  	_ =	strace $0x90000050  }
0xc4: {  	s0 =	stileid.u32;
	[bflag:$0x2] =	sbarrier.arrive $0xFFFF  }
0xc5: {  	p0 =	sne.s32 s0, $0x0;
	s0 =	rddreg [dreg:$0x2]  }
0xc6: {  	s0 =	sadd.s32 @!p0 $0x100000, s0  }
0xc7: {  	[sflag:s0] =	ssyncadd.tile.s32 @!p0 $0x1;
	_ =	shalt  }
.Lfunc_end2:
_tile_overlayer_lowered:
.L_overlay_start_2:
0xc8: {  	(tag) =	ssettag $0x2  }
0xc9: {  	s0 =	rddreg [dreg:$0x0];
	s2 =	stileid.u32  }
0xca: {  	s1 =	rddreg [dreg:$0x1];
	p0 =	sne.s32 s2, $0x0  }
0xcb: {  	s3 =	rddreg [dreg:$0x2];
	[bflag:$0x3] =	sbarrier.arrive $0xFFFF;
	s2 =	simm.s32 @!p0 $0x1C05  }
0xcc: {  	[timem:s3], [sflag:s2] =	dma.local @!p0 [hbm:s0], s1  }
0xcd: {  	s0 =	simm.s32 @!p0 $0x5  }
0xce: {  	_ =	swait.ge @!p0 [sflag:s0], s1  }
0xcf: {  	s1 =	ssub.s32 @!p0 $0x0, s1;
	[sflag:s0] =	ssyncset.done @!p0 $0x0  }
0xd0: {  	[sflag:s0] =	ssyncadd.s32 @!p0 s1  }
0xd1: {  	[bflag:$0x3] =	sbarrier.arrive $0xFFFF  }
0xd2: {  	_ =	shalt  }

</sc_bundles>
